<compile_context>
chip_gen: v7x
topology: tpu7x:2x2x1
jax: 0.10.2.dev20260603
libtpu: 0.0.44.dev20260713+nightly
codegen_flags: <defaults>
</compile_context>

<pallas_src>
import jax
import jax.numpy as jnp
from jax import lax
from jax.experimental import pallas as pl
from jax.experimental.pallas import tpu as pltpu
from jax.experimental.pallas import tpu_sc as plsc

B, N, C, K, H, W = 16, 18525, 81, 32, 136, 136
TOPN, MAX_OBJ = 200, 100
MIN_SCORE, NMS_THR = 0.05, 0.5


CH = 1664
NBLK = 12
NP = CH * NBLK


def _stage1a_body(cls_ref, box_ref, anc_ref, p_out, boxes_out):
    j = pl.program_id(1)
    row0 = j * CH
    x = cls_ref[0]
    xm = jnp.max(x, axis=1, keepdims=True)
    e = jnp.exp(x - xm)
    s = jnp.sum(e, axis=1, keepdims=True)
    p = e / s
    li = jax.lax.broadcasted_iota(jnp.int32, (CH, C), 1)
    pm = jnp.where(li >= 1, p, 0.0)
    valid = jnp.max(pm, axis=1, keepdims=True) > MIN_SCORE
    ri = row0 + jax.lax.broadcasted_iota(jnp.int32, (CH, C), 0)
    pmm = jnp.where(ri < N, pm * valid.astype(pm.dtype), 0.0)
    p_out[0] = jnp.transpose(pmm)

    bp = box_ref[0]
    anc = anc_ref[...]
    xy = anc[:, :2] + bp[:, :2] * 0.1 * anc[:, 2:4]
    wh = anc[:, 2:4] * jnp.exp(bp[:, 2:4] * 0.2)
    x1y1 = xy - wh / 2.0
    bx = jnp.clip(jnp.concatenate([x1y1, x1y1 + wh], axis=1), 0.0, 1.0)
    ri4 = row0 + jax.lax.broadcasted_iota(jnp.int32, (CH, 4), 0)
    boxes_out[0] = jnp.where(ri4 < N, bx, 0.0)


def _stage1b_body(p_hbm, meta_out, scratch, sem, *, topn=TOPN):
    b = pl.program_id(0)
    cp = pltpu.make_async_copy(p_hbm.at[b], scratch, sem)
    cp.start()
    cp.wait()

    def count_gt(tf):
        def blk(k, acc):
            ch = scratch[:, pl.ds(k * CH, CH)]
            return acc + jnp.sum((ch > tf).astype(jnp.int32), axis=1,
                                 keepdims=True)
        return jax.lax.fori_loop(0, NBLK, blk, jnp.zeros((C, 1), jnp.int32))

    one_bits = jnp.int32(0x3F800000)
    lo0 = jnp.zeros((C, 1), jnp.int32)
    hi0 = jnp.full((C, 1), one_bits, jnp.int32)

    def count_gt2(t1f, t2f):
        def blk(k, acc):
            a1, a2 = acc
            ch = scratch[:, pl.ds(k * CH, CH)]
            return (a1 + jnp.sum((ch > t1f).astype(jnp.int32), axis=1,
                                 keepdims=True),
                    a2 + jnp.sum((ch > t2f).astype(jnp.int32), axis=1,
                                 keepdims=True))
        z = jnp.zeros((C, 1), jnp.int32)
        return jax.lax.fori_loop(0, NBLK, blk, (z, z))

    def bs_body(_, lohi):
        lo, hi = lohi
        d = hi - lo
        t1 = lo + jnp.maximum(d // 3, 1)
        t2 = lo + jnp.maximum((2 * d) // 3, 1)
        c1, c2 = count_gt2(jax.lax.bitcast_convert_type(t1, jnp.float32),
                           jax.lax.bitcast_convert_type(t2, jnp.float32))
        p2 = c2 >= topn
        p1 = c1 >= topn
        lo = jnp.where(p2, t2, jnp.where(p1, t1, lo))
        hi = jnp.where(p2, hi, jnp.where(p1, t2, t1))
        return lo, hi

    lo, hi = jax.lax.fori_loop(0, 20, bs_body, (lo0, hi0))
    cnt0 = count_gt(jnp.zeros((C, 1), jnp.float32))
    v200b = jnp.where(cnt0 >= topn, hi, 0)
    v200f = jax.lax.bitcast_convert_type(v200b, jnp.float32)
    m = count_gt(v200f)
    r = topn - m

    zero = jnp.zeros((C, 1), jnp.int32)
    meta_out[0] = jnp.concatenate(
        [v200b, r, m, zero, zero, zero, zero, zero], axis=1)


NCLS = C - 1
NWORK = 32
TASKS = B * NCLS
TPW = TASKS // NWORK
NVR = NP // 16


CPW = NCLS // 2


def _k2_body(cls_t_hbm, thr_hbm, r_hbm, boxes_hbm,
             oi_hbm, ov_hbm, ob_hbm,
             row_v, boxes_v, oi_v, ov_v, ob0_v, ob1_v, ob2_v, ob3_v,
             thr_v, r_v):
    ob_v = (ob0_v, ob1_v, ob2_v, ob3_v)
    """SparseCore compaction: per (image,class) extract the exact top-200
    candidate set (anchor ids ascending) given the 200th-value threshold and
    the equals quota r, then gather the decoded boxes from TileSpmem."""
    wid = lax.axis_index("s") * 2 + lax.axis_index("c")
    b = wid // 2
    c0 = (wid % 2) * CPW
    pltpu.sync_copy(thr_hbm, thr_v)
    pltpu.sync_copy(r_hbm, r_v)
    pltpu.sync_copy(boxes_hbm.at[b], boxes_v)
    lanes = lax.iota(jnp.int32, 16)

    def task_body(t, _):
        c = c0 + t + 1
        pltpu.sync_copy(cls_t_hbm.at[b, c], row_v)
        code = jnp.full((16,), b * C + c, jnp.int32)
        thrv = plsc.load_gather(thr_v, [code])
        rv = plsc.load_gather(r_v, [code])

        def vloop(k2, carry):
            ptr, eqseen = carry
            v = row_v[pl.ds(k2 * 16, 16)]
            idxv = lanes + k2 * 16
            gt = v > thrv
            eq = v == thrv
            eqc = jax.lax.cumsum(eq.astype(jnp.int32))
            take = gt | (eq & ((eqc + (eqseen - 1)) < rv))
            nsel = jnp.sum(take.astype(jnp.int32))
            neq = jnp.sum(eq.astype(jnp.int32))
            plsc.store_compressed(oi_v.at[pl.ds(ptr, 16)], idxv, mask=take)
            plsc.store_compressed(ov_v.at[pl.ds(ptr, 16)], v, mask=take)
            return ptr + nsel, eqseen + neq

        lax.fori_loop(0, NVR, vloop, (jnp.int32(0), jnp.int32(0)))

        def gloop(k2, _):
            idx = oi_v[pl.ds(k2 * 16, 16)]
            base = jnp.minimum(jnp.maximum(idx, 0), NP - 1) * 4
            for comp in range(4):
                g = plsc.load_gather(boxes_v, [base + comp])
                ob_v[comp][pl.ds(k2 * 16, 16)] = g
            return 0

        lax.fori_loop(0, (TOPN + 15) // 16, gloop, 0)
        pltpu.sync_copy(oi_v, oi_hbm.at[b, c - 1])
        pltpu.sync_copy(ov_v, ov_hbm.at[b, c - 1])
        for comp in range(4):
            pltpu.sync_copy(ob_v[comp], ob_hbm.at[b, c - 1, comp])
        return 0

    lax.fori_loop(0, CPW, task_body, 0)


def _k2_call(cls_t, thr_flat, r_flat, boxes_flat):
    return pl.kernel(
        _k2_body,
        out_type=[
            jax.ShapeDtypeStruct((B, NCLS, 256), jnp.int32),
            jax.ShapeDtypeStruct((B, NCLS, 256), jnp.float32),
            jax.ShapeDtypeStruct((B, NCLS, 4, 256), jnp.float32),
        ],
        mesh=plsc.VectorSubcoreMesh(core_axis_name="c", subcore_axis_name="s"),
        scratch_types=[
            pltpu.VMEM((NP,), jnp.float32),
            pltpu.VMEM((NP * 4,), jnp.float32),
            pltpu.VMEM((256,), jnp.int32),
            pltpu.VMEM((256,), jnp.float32),
            pltpu.VMEM((256,), jnp.float32),
            pltpu.VMEM((256,), jnp.float32),
            pltpu.VMEM((256,), jnp.float32),
            pltpu.VMEM((256,), jnp.float32),
            pltpu.VMEM((B * C,), jnp.float32),
            pltpu.VMEM((B * C,), jnp.int32),
        ],
        compiler_params=pltpu.CompilerParams(needs_layout_passes=False),
    )(cls_t, thr_flat, r_flat, boxes_flat)


CC = 4
SLOTP = 256
FLAT = NCLS * SLOTP


KCC = 8


def _k3_body(ovj_ref, oij_ref, obj_ref, ovt_ref, oit_ref, obt_ref,
             sf_out, fmeta_out, sfs):
    c = pl.program_id(1)
    sloti = jax.lax.broadcasted_iota(jnp.int32, (SLOTP, SLOTP), 0)
    sl = jax.lax.broadcasted_iota(jnp.int32, (1, SLOTP), 1)
    for kcl in range(KCC):
        vj = ovj_ref[0, kcl]
        ij = oij_ref[0, kcl]
        vi = ovt_ref[0, kcl]
        ii = oit_ref[0, kcl]
        x1j = obj_ref[0, kcl, 0:1, :]
        y1j = obj_ref[0, kcl, 1:2, :]
        x2j = obj_ref[0, kcl, 2:3, :]
        y2j = obj_ref[0, kcl, 3:4, :]
        bt = obt_ref[0, kcl]
        x1i = bt[:, 0:1]
        y1i = bt[:, 1:2]
        x2i = bt[:, 2:3]
        y2i = bt[:, 3:4]
        ix1 = jnp.maximum(x1i, x1j)
        iy1 = jnp.maximum(y1i, y1j)
        ix2 = jnp.minimum(x2i, x2j)
        iy2 = jnp.minimum(y2i, y2j)
        inter = jnp.clip(ix2 - ix1, 0.0) * jnp.clip(iy2 - iy1, 0.0)
        areaj = (x2j - x1j) * (y2j - y1j)
        areai = (x2i - x1i) * (y2i - y1i)
        union = areai + areaj - inter
        iou = inter / jnp.maximum(union, 1e-9)
        prec = (vi > vj) | ((vi == vj) & (ii < ij))
        hit = prec & (iou > NMS_THR) & (sloti < TOPN)
        keep = ~jnp.any(hit, axis=0, keepdims=True)
        sf_row = vj * keep.astype(vj.dtype) * (vj > MIN_SCORE).astype(vj.dtype)
        sf_row = jnp.where(sl < TOPN, sf_row, 0.0)
        sf_out[0, kcl] = sf_row
        sfs[0:1, pl.ds(c * (KCC * SLOTP) + kcl * SLOTP, SLOTP)] = sf_row

    @pl.when(c == NCLS // KCC - 1)
    def _():
        def count_gt(tf):
            return jnp.sum((sfs[...] > tf).astype(jnp.int32))

        def bs_body(_, lohi):
            lo, hi = lohi
            mid = (lo + hi) >> 1
            midf = jax.lax.bitcast_convert_type(mid, jnp.float32)
            pred = count_gt(midf) >= MAX_OBJ
            return jnp.where(pred, mid, lo), jnp.where(pred, hi, mid)

        lo, hi = jax.lax.fori_loop(
            0, 31, bs_body, (jnp.int32(0), jnp.int32(0x3F800000)))
        cnt0 = count_gt(jnp.float32(0.0))
        fthr = jnp.where(cnt0 >= MAX_OBJ, hi, 0)
        fthrf = jax.lax.bitcast_convert_type(fthr, jnp.float32)
        rq = MAX_OBJ - count_gt(fthrf)
        ai = jax.lax.broadcasted_iota(jnp.int32, (1, FLAT), 1)

        def bsI_body(_, lohi):
            lo, hi = lohi
            mid = (lo + hi) >> 1
            cnt = jnp.sum(((sfs[...] == fthrf) & (ai <= mid)).astype(jnp.int32))
            pred = cnt >= rq
            return jnp.where(pred, lo, mid), jnp.where(pred, mid, hi)

        loI, hiI = jax.lax.fori_loop(
            0, 16, bsI_body, (jnp.int32(-1), jnp.int32(FLAT - 1)))
        fI = jnp.where(rq > 0, hiI, -1)
        row = jnp.concatenate(
            [jnp.full((1, 64), fthr, jnp.int32),
             jnp.full((1, 64), fI, jnp.int32)], axis=1)
        fmeta_out[0] = jnp.broadcast_to(row, (8, 128))


def _k4_body(sf_hbm, oi_hbm, boxes_hbm, fthr_hbm, fI_hbm,
             fs_hbm, fl_hbm, fa_hbm, fb_hbm,
             sf_v, oi_v, boxes_v, sel_v, sel_i, fs_v, fl_v, fa_v,
             fb0_v, fb1_v, fb2_v, fb3_v, thr_v, fI_v):
    wid = lax.axis_index("s") * 2 + lax.axis_index("c")
    fb_v = (fb0_v, fb1_v, fb2_v, fb3_v)
    lanes = lax.iota(jnp.int32, 16)

    @pl.when(wid < B)
    def _():
        b = wid
        pltpu.sync_copy(sf_hbm.at[b], sf_v)
        pltpu.sync_copy(oi_hbm.at[b], oi_v)
        pltpu.sync_copy(boxes_hbm.at[b], boxes_v)
        pltpu.sync_copy(fthr_hbm, thr_v)
        pltpu.sync_copy(fI_hbm, fI_v)
        code = jnp.full((16,), b, jnp.int32)
        fthrv = plsc.load_gather(thr_v, [code])
        fIv = plsc.load_gather(fI_v, [code])

        pad_v = jnp.full((16,), -1.0, jnp.float32)
        pad_i = jnp.full((16,), FLAT, jnp.int32)
        for kk in range(8):
            sel_v[pl.ds(kk * 16, 16)] = pad_v
            sel_i[pl.ds(kk * 16, 16)] = pad_i

        def vloop(k2, ptr):
            v = sf_v[pl.ds(k2 * 16, 16)]
            flat = lanes + k2 * 16
            take = (v > fthrv) | ((v == fthrv) & (flat <= fIv))
            plsc.store_compressed(sel_i.at[pl.ds(ptr, 16)], flat, mask=take)
            plsc.store_compressed(sel_v.at[pl.ds(ptr, 16)], v, mask=take)
            return ptr + jnp.sum(take.astype(jnp.int32))

        lax.fori_loop(0, FLAT // 16, vloop, jnp.int32(0))

        def rank_e(ev, _):
            e_v = sel_v[pl.ds(ev * 16, 16)]
            e_i = sel_i[pl.ds(ev * 16, 16)]

            def rank_f(fv, acc):
                f_v = sel_v[pl.ds(fv * 16, 16)]
                f_i = sel_i[pl.ds(fv * 16, 16)]

                def rot(rho, acc2):
                    perm = (lanes + rho) & 15
                    fvr = plsc.load_gather(sel_v, [fv * 16 + perm])
                    fir = plsc.load_gather(sel_i, [fv * 16 + perm])
                    prec = (fvr > e_v) | ((fvr == e_v) & (fir < e_i))
                    return acc2 + prec.astype(jnp.int32)

                return lax.fori_loop(0, 16, rot, acc)

            rank = lax.fori_loop(0, 7, rank_f, jnp.zeros((16,), jnp.int32))
            valid = (lanes + ev * 16) < MAX_OBJ
            cls = e_i // SLOTP
            slot = e_i % SLOTP
            anchor = plsc.load_gather(oi_v, [jnp.minimum(e_i, FLAT - 1)])
            plsc.store_scatter(fs_v, [rank], e_v, mask=valid)
            plsc.store_scatter(fl_v, [rank], cls, mask=valid)
            plsc.store_scatter(fa_v, [rank], anchor, mask=valid)
            base = jnp.minimum(jnp.maximum(anchor, 0), NP - 1) * 4
            for comp in range(4):
                g = plsc.load_gather(boxes_v, [base + comp])
                plsc.store_scatter(fb_v[comp], [rank], g, mask=valid)
            return 0

        lax.fori_loop(0, 7, rank_e, 0)
        pltpu.sync_copy(fs_v, fs_hbm.at[b])
        pltpu.sync_copy(fl_v, fl_hbm.at[b])
        pltpu.sync_copy(fa_v, fa_hbm.at[b])
        for comp in range(4):
            pltpu.sync_copy(fb_v[comp], fb_hbm.at[b, comp])


def _k4_call(sf_flat, oi_flat, boxes_flat, fthr_f, fI):
    return pl.kernel(
        _k4_body,
        out_type=[
            jax.ShapeDtypeStruct((B, 128), jnp.float32),
            jax.ShapeDtypeStruct((B, 128), jnp.int32),
            jax.ShapeDtypeStruct((B, 128), jnp.int32),
            jax.ShapeDtypeStruct((B, 4, 128), jnp.float32),
        ],
        mesh=plsc.VectorSubcoreMesh(core_axis_name="c", subcore_axis_name="s"),
        scratch_types=[
            pltpu.VMEM((FLAT,), jnp.float32),
            pltpu.VMEM((FLAT,), jnp.int32),
            pltpu.VMEM((NP * 4,), jnp.float32),
            pltpu.VMEM((128,), jnp.float32),
            pltpu.VMEM((128,), jnp.int32),
            pltpu.VMEM((128,), jnp.float32),
            pltpu.VMEM((128,), jnp.int32),
            pltpu.VMEM((128,), jnp.int32),
            pltpu.VMEM((128,), jnp.float32),
            pltpu.VMEM((128,), jnp.float32),
            pltpu.VMEM((128,), jnp.float32),
            pltpu.VMEM((128,), jnp.float32),
            pltpu.VMEM((16,), jnp.float32),
            pltpu.VMEM((16,), jnp.int32),
        ],
        compiler_params=pltpu.CompilerParams(needs_layout_passes=False),
    )(sf_flat, oi_flat, boxes_flat, fthr_f, fI)




HCH = 8
NHBLK = H // HCH


def _stage5_body(proto_ref, fc_ref, fbt_ref, out_ref):
    j = pl.program_id(1)
    fc = fc_ref[0]
    x1 = fbt_ref[0, 0:1, :] * W
    y1 = fbt_ref[0, 1:2, :] * H
    x2 = fbt_ref[0, 2:3, :] * W
    y2 = fbt_ref[0, 3:4, :] * H
    px = jax.lax.broadcasted_iota(jnp.int32, (1, W), 1).astype(jnp.float32)
    inx = (px >= x1.T) & (px < x2.T)
    for r in range(HCH):
        pr = proto_ref[0, r]
        logit = jax.lax.dot_general(
            fc, pr, (((1,), (1,)), ((), ())))
        py = (j * HCH + r) * 1.0
        iny = (py >= y1.T) & (py < y2.T)
        out_ref[0, :, r, :] = ((logit > 0.0) & inx & iny).astype(jnp.float32)


def kernel(class_preds, box_preds, coef_preds, proto_outs, anchors):
    p_pad, boxes_pad = pl.pallas_call(
        _stage1a_body,
        grid=(B, NBLK),
        in_specs=[
            pl.BlockSpec((1, CH, C), lambda i, j: (i, j, 0)),
            pl.BlockSpec((1, CH, 4), lambda i, j: (i, j, 0)),
            pl.BlockSpec((CH, 4), lambda i, j: (j, 0)),
        ],
        out_specs=[
            pl.BlockSpec((1, C, CH), lambda i, j: (i, 0, j)),
            pl.BlockSpec((1, CH, 4), lambda i, j: (i, j, 0)),
        ],
        out_shape=[
            jax.ShapeDtypeStruct((B, C, NP), jnp.float32),
            jax.ShapeDtypeStruct((B, NP, 4), jnp.float32),
        ],
    )(class_preds, box_preds, anchors)

    meta = pl.pallas_call(
        _stage1b_body,
        grid=(B,),
        in_specs=[pl.BlockSpec(memory_space=pltpu.MemorySpace.HBM)],
        out_specs=pl.BlockSpec((1, C, 8), lambda i: (i, 0, 0)),
        out_shape=jax.ShapeDtypeStruct((B, C, 8), jnp.int32),
        scratch_shapes=[
            pltpu.VMEM((C, NP), jnp.float32),
            pltpu.SemaphoreType.DMA,
        ],
    )(p_pad)

    cls_t = p_pad
    thr_flat = jax.lax.bitcast_convert_type(meta[:, :, 0], jnp.float32).reshape(-1)
    r_flat = meta[:, :, 1].reshape(-1)
    boxes_flat = boxes_pad.reshape(B, NP * 4)
    oi, ov, ob = _k2_call(cls_t, thr_flat, r_flat, boxes_flat)

    ov4 = ov.reshape(B, NCLS, 1, SLOTP)
    oi4 = oi.reshape(B, NCLS, 1, SLOTP)
    ovt = ov.reshape(B, NCLS, SLOTP, 1)
    oit = oi.reshape(B, NCLS, SLOTP, 1)
    obt = ob.transpose(0, 1, 3, 2)
    sf, fmeta = pl.pallas_call(
        _k3_body,
        grid=(B, NCLS // KCC),
        in_specs=[
            pl.BlockSpec((1, KCC, 1, SLOTP), lambda i, c: (i, c, 0, 0)),
            pl.BlockSpec((1, KCC, 1, SLOTP), lambda i, c: (i, c, 0, 0)),
            pl.BlockSpec((1, KCC, 4, SLOTP), lambda i, c: (i, c, 0, 0)),
            pl.BlockSpec((1, KCC, SLOTP, 1), lambda i, c: (i, c, 0, 0)),
            pl.BlockSpec((1, KCC, SLOTP, 1), lambda i, c: (i, c, 0, 0)),
            pl.BlockSpec((1, KCC, SLOTP, 4), lambda i, c: (i, c, 0, 0)),
        ],
        out_specs=[
            pl.BlockSpec((1, KCC, 1, SLOTP), lambda i, c: (i, c, 0, 0)),
            pl.BlockSpec((1, 8, 128), lambda i, c: (i, 0, 0)),
        ],
        out_shape=[
            jax.ShapeDtypeStruct((B, NCLS, 1, SLOTP), jnp.float32),
            jax.ShapeDtypeStruct((B, 8, 128), jnp.int32),
        ],
        scratch_shapes=[pltpu.VMEM((1, FLAT), jnp.float32)],
    )(ov4, oi4, ob, ovt, oit, obt)

    fthr_f = jax.lax.bitcast_convert_type(fmeta[:, 0, 0], jnp.float32)
    fI = fmeta[:, 0, 64]
    fs_p, fl_p, fa_p, fb_p = _k4_call(
        sf.reshape(B, FLAT), oi.reshape(B, FLAT), boxes_flat, fthr_f, fI)
    fs = fs_p[:, :MAX_OBJ]
    fl = fl_p[:, :MAX_OBJ]
    fb = fb_p[:, :, :MAX_OBJ].transpose(0, 2, 1)
    fa = jnp.clip(fa_p[:, :MAX_OBJ], 0, N - 1)
    fc = jnp.take_along_axis(coef_preds, fa[:, :, None], axis=1)

    fbt = fb_p[:, :, :MAX_OBJ]
    masks = pl.pallas_call(
        _stage5_body,
        grid=(B, NHBLK),
        in_specs=[
            pl.BlockSpec((1, HCH, W, K), lambda i, j: (i, j, 0, 0)),
            pl.BlockSpec((1, MAX_OBJ, K), lambda i, j: (i, 0, 0)),
            pl.BlockSpec((1, 4, MAX_OBJ), lambda i, j: (i, 0, 0)),
        ],
        out_specs=pl.BlockSpec((1, MAX_OBJ, HCH, W), lambda i, j: (i, 0, j, 0)),
        out_shape=jax.ShapeDtypeStruct((B, MAX_OBJ, H, W), jnp.float32),
    )(proto_outs, fc, fbt)
    return masks, fl, fs

# --- scband reference (transcript-rebuilt; emitter-appended) ---
"""Pipeline reference for scband-yolactdecoder-1176821040073 (READ-ONLY COPY).

The authoritative reference and input builder live on the scoring server;
editing this copy changes nothing except your own understanding.
"""

import jax, jax.numpy as jnp
import numpy as np

B, N, C, K, H, W = 16, 18525, 81, 32, 136, 136
TOPN, MAX_OBJ = 200, 100
MIN_SCORE, NMS_THR = 0.05, 0.5

def setup_inputs(seed: int = 0):
    key = jax.random.key(seed)
    k1, k2, k3, k4, k5 = jax.random.split(key, 5)
    class_preds = jax.random.normal(k1, (B, N, C), dtype=jnp.float32)
    box_preds = jax.random.normal(k2, (B, N, 4), dtype=jnp.float32)
    coef_preds = jax.random.normal(k3, (B, N, K), dtype=jnp.float32)
    proto_outs = jax.random.normal(k4, (B, H, W, K), dtype=jnp.float32)
    a = jax.random.uniform(k5, (N, 4), dtype=jnp.float32)
    anchors = jnp.concatenate([a[:, :2], 0.02 + 0.3 * a[:, 2:4]], axis=1)
    return {'class_preds': class_preds, 'box_preds': box_preds, 'coef_preds': coef_preds, 'proto_outs': proto_outs, 'anchors': anchors}

def _pairwise_iou(b):
    x1 = jnp.maximum(b[:, :, None, 0], b[:, None, :, 0])
    y1 = jnp.maximum(b[:, :, None, 1], b[:, None, :, 1])
    x2 = jnp.minimum(b[:, :, None, 2], b[:, None, :, 2])
    y2 = jnp.minimum(b[:, :, None, 3], b[:, None, :, 3])
    inter = jnp.clip(x2 - x1, 0.0) * jnp.clip(y2 - y1, 0.0)
    area = (b[..., 2] - b[..., 0]) * (b[..., 3] - b[..., 1])
    union = area[:, :, None] + area[:, None, :] - inter
    return inter / jnp.maximum(union, 1e-9)

def _decode_one(cls_logits, box_p, coef_p, proto, anchors):
    p = jax.nn.softmax(cls_logits, axis=-1)
    cls = p[:, 1:].T
    valid = jnp.max(cls, axis=0) > MIN_SCORE
    cls = cls * valid[None, :].astype(cls.dtype)
    xy = anchors[:, :2] + box_p[:, :2] * 0.1 * anchors[:, 2:4]
    wh = anchors[:, 2:4] * jnp.exp(box_p[:, 2:4] * 0.2)
    x1y1 = xy - wh / 2.0
    boxes = jnp.clip(jnp.concatenate([x1y1, x1y1 + wh], axis=1), 0.0, 1.0)
    topv, topi = jax.lax.top_k(cls, TOPN)
    b = jnp.take(boxes, topi, axis=0)
    co = jnp.take(coef_p, topi, axis=0)
    iou = jnp.triu(_pairwise_iou(b), k=1)
    keep = jnp.max(iou, axis=1) <= NMS_THR
    class_ids = jnp.broadcast_to(jnp.arange(cls.shape[0])[:, None], keep.shape)
    scores_f = (topv * keep.astype(topv.dtype) * (topv > MIN_SCORE).astype(topv.dtype)).reshape(-1)
    fs, fi = jax.lax.top_k(scores_f, MAX_OBJ)
    fb = b.reshape(-1, 4)[fi]
    fc = co.reshape(-1, co.shape[-1])[fi]
    fl = class_ids.reshape(-1)[fi]
    hh, ww = proto.shape[0], proto.shape[1]
    masks = jax.nn.sigmoid(proto.reshape(-1, proto.shape[-1]) @ fc.T).reshape(hh, ww, MAX_OBJ)
    cols = jnp.arange(ww)[None, :, None].astype(jnp.float32)
    rows = jnp.arange(hh)[:, None, None].astype(jnp.float32)
    inside = (cols >= fb[:, 0] * ww) & (cols < fb[:, 2] * ww) & (rows >= fb[:, 1] * hh) & (rows < fb[:, 3] * hh)
    masks = masks * inside.astype(masks.dtype)
    masks = jnp.transpose(masks, (2, 0, 1))
    return (masks > 0.5).astype(jnp.float32), fl.astype(jnp.int32), fs

def reference(class_preds, box_preds, coef_preds, proto_outs, anchors):
    return jax.vmap(_decode_one, in_axes=(0, 0, 0, 0, None))(class_preds, box_preds, coef_preds, proto_outs, anchors)

if __name__ == "__main__":
    import jax
    _d = setup_inputs()
    print(jax.jit(kernel)(*tuple(_d.values())))

</pallas_src>

<mosaic_0001>
#map = affine_map<(d0, d1) -> (0, 0)>
#map1 = affine_map<(d0, d1) -> (0)>
#map2 = affine_map<(d0, d1) -> (0, 0, 0)>
module attributes {stable_mosaic.version = 14 : i64} {
  func.func @_k4_body(%arg0: i32, %arg1: i32, %arg2: memref<16x20480xf32, #tpu.memory_space<hbm>>, %arg3: memref<16x20480xi32, #tpu.memory_space<hbm>>, %arg4: memref<16x79872xf32, #tpu.memory_space<hbm>>, %arg5: memref<16xf32, #tpu.memory_space<hbm>>, %arg6: memref<16xi32, #tpu.memory_space<hbm>>, %arg7: memref<16x128xf32, #tpu.memory_space<hbm>>, %arg8: memref<16x128xi32, #tpu.memory_space<hbm>>, %arg9: memref<16x128xi32, #tpu.memory_space<hbm>>, %arg10: memref<16x4x128xf32, #tpu.memory_space<hbm>>, %arg11: memref<20480xf32, #tpu.memory_space<vmem>>, %arg12: memref<20480xi32, #tpu.memory_space<vmem>>, %arg13: memref<79872xf32, #tpu.memory_space<vmem>>, %arg14: memref<128xf32, #tpu.memory_space<vmem>>, %arg15: memref<128xi32, #tpu.memory_space<vmem>>, %arg16: memref<128xf32, #tpu.memory_space<vmem>>, %arg17: memref<128xi32, #tpu.memory_space<vmem>>, %arg18: memref<128xi32, #tpu.memory_space<vmem>>, %arg19: memref<128xf32, #tpu.memory_space<vmem>>, %arg20: memref<128xf32, #tpu.memory_space<vmem>>, %arg21: memref<128xf32, #tpu.memory_space<vmem>>, %arg22: memref<128xf32, #tpu.memory_space<vmem>>, %arg23: memref<16xf32, #tpu.memory_space<vmem>>, %arg24: memref<16xi32, #tpu.memory_space<vmem>>) attributes {dimension_semantics = [#tpu.dimension_semantics<core_parallel>, #tpu.dimension_semantics<subcore_parallel>], iteration_bounds = array<i64: 2, 16>, scalar_prefetch = 0 : i64, scratch_operands = 14 : i64, tpu.core_type = #tpu.core_type<sc_vector_subcore>, window_params = [{transform_indices = #map}, {transform_indices = #map}, {transform_indices = #map}, {transform_indices = #map1}, {transform_indices = #map1}, {transform_indices = #map}, {transform_indices = #map}, {transform_indices = #map}, {transform_indices = #map2}]} {
    %mul3A = arith.constant 2 : i32
    %mul3A_0 = arith.muli %arg1, %mul3A : i32
    %add3A = arith.addi %mul3A_0, %arg0 : i32
    %iota3A = tpu.iota {dimensions = array<i32: 0>} : vector<16xi32>
    %lt3A = arith.constant 16 : i32
    %lt3A_1 = arith.cmpi slt, %add3A, %lt3A : i32
    %convert_element_type3A = arith.extui %lt3A_1 : i1 to i32
    %cond3A = arith.constant 0 : i32
    %cond3A_2 = arith.cmpi ne, %convert_element_type3A, %cond3A : i32
    scf.if %cond3A_2 {
      "tpu.region"() ({
        %run_scoped3A_55 = tpu.sem_alloc : memref<!tpu.dma_semaphore, #tpu.memory_space<semaphore_mem>>
        %dma_start3A = arith.constant 0 : i32
        %dma_start3A_56 = tpu.memref_slice %arg2[%add3A, %dma_start3A] : memref<16x20480xf32, #tpu.memory_space<hbm>> -> memref<1x20480xf32, #tpu.memory_space<hbm>>
        %dma_start3A_57 = tpu.memref_squeeze %dma_start3A_56 : memref<1x20480xf32, #tpu.memory_space<hbm>> -> memref<20480xf32, #tpu.memory_space<hbm>>
        %dma_start3A_58 = arith.constant 0 : i32
        %dma_start3A_59 = tpu.memref_slice %arg2[%add3A, %dma_start3A_58] : memref<16x20480xf32, #tpu.memory_space<hbm>> -> memref<1x20480xf32, #tpu.memory_space<hbm>>
        %dma_start3A_60 = tpu.memref_squeeze %dma_start3A_59 : memref<1x20480xf32, #tpu.memory_space<hbm>> -> memref<20480xf32, #tpu.memory_space<hbm>>
        tpu.enqueue_dma source(%dma_start3A_60 : memref<20480xf32, #tpu.memory_space<hbm>>) target(%arg11 : memref<20480xf32, #tpu.memory_space<vmem>>) target_semaphore(%run_scoped3A_55 : memref<!tpu.dma_semaphore, #tpu.memory_space<semaphore_mem>>)
        %dma_wait3A = arith.constant 0 : i32
        %dma_wait3A_61 = tpu.memref_slice %arg2[%add3A, %dma_wait3A] : memref<16x20480xf32, #tpu.memory_space<hbm>> -> memref<1x20480xf32, #tpu.memory_space<hbm>>
        %dma_wait3A_62 = tpu.memref_squeeze %dma_wait3A_61 : memref<1x20480xf32, #tpu.memory_space<hbm>> -> memref<20480xf32, #tpu.memory_space<hbm>>
        %dma_wait3A_63 = arith.constant 0 : i32
        %dma_wait3A_64 = tpu.memref_slice %arg2[%add3A, %dma_wait3A_63] : memref<16x20480xf32, #tpu.memory_space<hbm>> -> memref<1x20480xf32, #tpu.memory_space<hbm>>
        %dma_wait3A_65 = tpu.memref_squeeze %dma_wait3A_64 : memref<1x20480xf32, #tpu.memory_space<hbm>> -> memref<20480xf32, #tpu.memory_space<hbm>>
        tpu.wait_dma2 semaphore(%run_scoped3A_55 : memref<!tpu.dma_semaphore, #tpu.memory_space<semaphore_mem>>) src(%dma_wait3A_65 : memref<20480xf32, #tpu.memory_space<hbm>>) dst(%arg11 : memref<20480xf32, #tpu.memory_space<vmem>>)
        tpu.yield
      }) : () -> ()
      "tpu.region"() ({
        %run_scoped3A_55 = tpu.sem_alloc : memref<!tpu.dma_semaphore, #tpu.memory_space<semaphore_mem>>
        %dma_start3A = arith.constant 0 : i32
        %dma_start3A_56 = tpu.memref_slice %arg3[%add3A, %dma_start3A] : memref<16x20480xi32, #tpu.memory_space<hbm>> -> memref<1x20480xi32, #tpu.memory_space<hbm>>
        %dma_start3A_57 = tpu.memref_squeeze %dma_start3A_56 : memref<1x20480xi32, #tpu.memory_space<hbm>> -> memref<20480xi32, #tpu.memory_space<hbm>>
        %dma_start3A_58 = arith.constant 0 : i32
        %dma_start3A_59 = tpu.memref_slice %arg3[%add3A, %dma_start3A_58] : memref<16x20480xi32, #tpu.memory_space<hbm>> -> memref<1x20480xi32, #tpu.memory_space<hbm>>
        %dma_start3A_60 = tpu.memref_squeeze %dma_start3A_59 : memref<1x20480xi32, #tpu.memory_space<hbm>> -> memref<20480xi32, #tpu.memory_space<hbm>>
        tpu.enqueue_dma source(%dma_start3A_60 : memref<20480xi32, #tpu.memory_space<hbm>>) target(%arg12 : memref<20480xi32, #tpu.memory_space<vmem>>) target_semaphore(%run_scoped3A_55 : memref<!tpu.dma_semaphore, #tpu.memory_space<semaphore_mem>>)
        %dma_wait3A = arith.constant 0 : i32
        %dma_wait3A_61 = tpu.memref_slice %arg3[%add3A, %dma_wait3A] : memref<16x20480xi32, #tpu.memory_space<hbm>> -> memref<1x20480xi32, #tpu.memory_space<hbm>>
        %dma_wait3A_62 = tpu.memref_squeeze %dma_wait3A_61 : memref<1x20480xi32, #tpu.memory_space<hbm>> -> memref<20480xi32, #tpu.memory_space<hbm>>
        %dma_wait3A_63 = arith.constant 0 : i32
        %dma_wait3A_64 = tpu.memref_slice %arg3[%add3A, %dma_wait3A_63] : memref<16x20480xi32, #tpu.memory_space<hbm>> -> memref<1x20480xi32, #tpu.memory_space<hbm>>
        %dma_wait3A_65 = tpu.memref_squeeze %dma_wait3A_64 : memref<1x20480xi32, #tpu.memory_space<hbm>> -> memref<20480xi32, #tpu.memory_space<hbm>>
        tpu.wait_dma2 semaphore(%run_scoped3A_55 : memref<!tpu.dma_semaphore, #tpu.memory_space<semaphore_mem>>) src(%dma_wait3A_65 : memref<20480xi32, #tpu.memory_space<hbm>>) dst(%arg12 : memref<20480xi32, #tpu.memory_space<vmem>>)
        tpu.yield
      }) : () -> ()
      "tpu.region"() ({
        %run_scoped3A_55 = tpu.sem_alloc : memref<!tpu.dma_semaphore, #tpu.memory_space<semaphore_mem>>
        %dma_start3A = arith.constant 0 : i32
        %dma_start3A_56 = tpu.memref_slice %arg4[%add3A, %dma_start3A] : memref<16x79872xf32, #tpu.memory_space<hbm>> -> memref<1x79872xf32, #tpu.memory_space<hbm>>
        %dma_start3A_57 = tpu.memref_squeeze %dma_start3A_56 : memref<1x79872xf32, #tpu.memory_space<hbm>> -> memref<79872xf32, #tpu.memory_space<hbm>>
        %dma_start3A_58 = arith.constant 0 : i32
        %dma_start3A_59 = tpu.memref_slice %arg4[%add3A, %dma_start3A_58] : memref<16x79872xf32, #tpu.memory_space<hbm>> -> memref<1x79872xf32, #tpu.memory_space<hbm>>
        %dma_start3A_60 = tpu.memref_squeeze %dma_start3A_59 : memref<1x79872xf32, #tpu.memory_space<hbm>> -> memref<79872xf32, #tpu.memory_space<hbm>>
        tpu.enqueue_dma source(%dma_start3A_60 : memref<79872xf32, #tpu.memory_space<hbm>>) target(%arg13 : memref<79872xf32, #tpu.memory_space<vmem>>) target_semaphore(%run_scoped3A_55 : memref<!tpu.dma_semaphore, #tpu.memory_space<semaphore_mem>>)
        %dma_wait3A = arith.constant 0 : i32
        %dma_wait3A_61 = tpu.memref_slice %arg4[%add3A, %dma_wait3A] : memref<16x79872xf32, #tpu.memory_space<hbm>> -> memref<1x79872xf32, #tpu.memory_space<hbm>>
        %dma_wait3A_62 = tpu.memref_squeeze %dma_wait3A_61 : memref<1x79872xf32, #tpu.memory_space<hbm>> -> memref<79872xf32, #tpu.memory_space<hbm>>
        %dma_wait3A_63 = arith.constant 0 : i32
        %dma_wait3A_64 = tpu.memref_slice %arg4[%add3A, %dma_wait3A_63] : memref<16x79872xf32, #tpu.memory_space<hbm>> -> memref<1x79872xf32, #tpu.memory_space<hbm>>
        %dma_wait3A_65 = tpu.memref_squeeze %dma_wait3A_64 : memref<1x79872xf32, #tpu.memory_space<hbm>> -> memref<79872xf32, #tpu.memory_space<hbm>>
        tpu.wait_dma2 semaphore(%run_scoped3A_55 : memref<!tpu.dma_semaphore, #tpu.memory_space<semaphore_mem>>) src(%dma_wait3A_65 : memref<79872xf32, #tpu.memory_space<hbm>>) dst(%arg13 : memref<79872xf32, #tpu.memory_space<vmem>>)
        tpu.yield
      }) : () -> ()
      "tpu.region"() ({
        %run_scoped3A_55 = tpu.sem_alloc : memref<!tpu.dma_semaphore, #tpu.memory_space<semaphore_mem>>
        tpu.enqueue_dma source(%arg5 : memref<16xf32, #tpu.memory_space<hbm>>) target(%arg23 : memref<16xf32, #tpu.memory_space<vmem>>) target_semaphore(%run_scoped3A_55 : memref<!tpu.dma_semaphore, #tpu.memory_space<semaphore_mem>>)
        tpu.wait_dma2 semaphore(%run_scoped3A_55 : memref<!tpu.dma_semaphore, #tpu.memory_space<semaphore_mem>>) src(%arg5 : memref<16xf32, #tpu.memory_space<hbm>>) dst(%arg23 : memref<16xf32, #tpu.memory_space<vmem>>)
        tpu.yield
      }) : () -> ()
      "tpu.region"() ({
        %run_scoped3A_55 = tpu.sem_alloc : memref<!tpu.dma_semaphore, #tpu.memory_space<semaphore_mem>>
        tpu.enqueue_dma source(%arg6 : memref<16xi32, #tpu.memory_space<hbm>>) target(%arg24 : memref<16xi32, #tpu.memory_space<vmem>>) target_semaphore(%run_scoped3A_55 : memref<!tpu.dma_semaphore, #tpu.memory_space<semaphore_mem>>)
        tpu.wait_dma2 semaphore(%run_scoped3A_55 : memref<!tpu.dma_semaphore, #tpu.memory_space<semaphore_mem>>) src(%arg6 : memref<16xi32, #tpu.memory_space<hbm>>) dst(%arg24 : memref<16xi32, #tpu.memory_space<vmem>>)
        tpu.yield
      }) : () -> ()
      %broadcast_in_dim3A = vector.broadcast %add3A : i32 to vector<16xi32>
      %gather3A = tpu.vector_load_idx %arg23[%broadcast_in_dim3A] : memref<16xf32, #tpu.memory_space<vmem>>[vector<16xi32>], vector<16xf32>,
      %gather3A_3 = tpu.vector_load_idx %arg24[%broadcast_in_dim3A] : memref<16xi32, #tpu.memory_space<vmem>>[vector<16xi32>], vector<16xi32>,
      %broadcast_in_dim3A_4 = arith.constant -1.000000e+00 : f32
      %broadcast_in_dim3A_5 = vector.broadcast %broadcast_in_dim3A_4 : f32 to vector<16xf32>
      %broadcast_in_dim3A_6 = arith.constant 20480 : i32
      %broadcast_in_dim3A_7 = vector.broadcast %broadcast_in_dim3A_6 : i32 to vector<16xi32>
      %swap3A = arith.constant 0 : index
      %swap3A_8 = tpu.vector_load %arg14[%swap3A] {strides = array<i32>} : memref<128xf32, #tpu.memory_space<vmem>>, vector<16xf32>,
      tpu.vector_store %arg14[%swap3A], %broadcast_in_dim3A_5 {strides = array<i32>} : memref<128xf32, #tpu.memory_space<vmem>>, vector<16xf32>,
      %swap3A_9 = arith.constant 0 : index
      %swap3A_10 = tpu.vector_load %arg15[%swap3A_9] {strides = array<i32>} : memref<128xi32, #tpu.memory_space<vmem>>, vector<16xi32>,
      tpu.vector_store %arg15[%swap3A_9], %broadcast_in_dim3A_7 {strides = array<i32>} : memref<128xi32, #tpu.memory_space<vmem>>, vector<16xi32>,
      %swap3A_11 = arith.constant 16 : index
      %swap3A_12 = tpu.vector_load %arg14[%swap3A_11] {strides = array<i32>} : memref<128xf32, #tpu.memory_space<vmem>>, vector<16xf32>,
      tpu.vector_store %arg14[%swap3A_11], %broadcast_in_dim3A_5 {strides = array<i32>} : memref<128xf32, #tpu.memory_space<vmem>>, vector<16xf32>,
      %swap3A_13 = arith.constant 16 : index
      %swap3A_14 = tpu.vector_load %arg15[%swap3A_13] {strides = array<i32>} : memref<128xi32, #tpu.memory_space<vmem>>, vector<16xi32>,
      tpu.vector_store %arg15[%swap3A_13], %broadcast_in_dim3A_7 {strides = array<i32>} : memref<128xi32, #tpu.memory_space<vmem>>, vector<16xi32>,
      %swap3A_15 = arith.constant 32 : index
      %swap3A_16 = tpu.vector_load %arg14[%swap3A_15] {strides = array<i32>} : memref<128xf32, #tpu.memory_space<vmem>>, vector<16xf32>,
      tpu.vector_store %arg14[%swap3A_15], %broadcast_in_dim3A_5 {strides = array<i32>} : memref<128xf32, #tpu.memory_space<vmem>>, vector<16xf32>,
      %swap3A_17 = arith.constant 32 : index
      %swap3A_18 = tpu.vector_load %arg15[%swap3A_17] {strides = array<i32>} : memref<128xi32, #tpu.memory_space<vmem>>, vector<16xi32>,
      tpu.vector_store %arg15[%swap3A_17], %broadcast_in_dim3A_7 {strides = array<i32>} : memref<128xi32, #tpu.memory_space<vmem>>, vector<16xi32>,
      %swap3A_19 = arith.constant 48 : index
      %swap3A_20 = tpu.vector_load %arg14[%swap3A_19] {strides = array<i32>} : memref<128xf32, #tpu.memory_space<vmem>>, vector<16xf32>,
      tpu.vector_store %arg14[%swap3A_19], %broadcast_in_dim3A_5 {strides = array<i32>} : memref<128xf32, #tpu.memory_space<vmem>>, vector<16xf32>,
      %swap3A_21 = arith.constant 48 : index
      %swap3A_22 = tpu.vector_load %arg15[%swap3A_21] {strides = array<i32>} : memref<128xi32, #tpu.memory_space<vmem>>, vector<16xi32>,
      tpu.vector_store %arg15[%swap3A_21], %broadcast_in_dim3A_7 {strides = array<i32>} : memref<128xi32, #tpu.memory_space<vmem>>, vector<16xi32>,
      %swap3A_23 = arith.constant 64 : index
      %swap3A_24 = tpu.vector_load %arg14[%swap3A_23] {strides = array<i32>} : memref<128xf32, #tpu.memory_space<vmem>>, vector<16xf32>,
      tpu.vector_store %arg14[%swap3A_23], %broadcast_in_dim3A_5 {strides = array<i32>} : memref<128xf32, #tpu.memory_space<vmem>>, vector<16xf32>,
      %swap3A_25 = arith.constant 64 : index
      %swap3A_26 = tpu.vector_load %arg15[%swap3A_25] {strides = array<i32>} : memref<128xi32, #tpu.memory_space<vmem>>, vector<16xi32>,
      tpu.vector_store %arg15[%swap3A_25], %broadcast_in_dim3A_7 {strides = array<i32>} : memref<128xi32, #tpu.memory_space<vmem>>, vector<16xi32>,
      %swap3A_27 = arith.constant 80 : index
      %swap3A_28 = tpu.vector_load %arg14[%swap3A_27] {strides = array<i32>} : memref<128xf32, #tpu.memory_space<vmem>>, vector<16xf32>,
      tpu.vector_store %arg14[%swap3A_27], %broadcast_in_dim3A_5 {strides = array<i32>} : memref<128xf32, #tpu.memory_space<vmem>>, vector<16xf32>,
      %swap3A_29 = arith.constant 80 : index
      %swap3A_30 = tpu.vector_load %arg15[%swap3A_29] {strides = array<i32>} : memref<128xi32, #tpu.memory_space<vmem>>, vector<16xi32>,
      tpu.vector_store %arg15[%swap3A_29], %broadcast_in_dim3A_7 {strides = array<i32>} : memref<128xi32, #tpu.memory_space<vmem>>, vector<16xi32>,
      %swap3A_31 = arith.constant 96 : index
      %swap3A_32 = tpu.vector_load %arg14[%swap3A_31] {strides = array<i32>} : memref<128xf32, #tpu.memory_space<vmem>>, vector<16xf32>,
      tpu.vector_store %arg14[%swap3A_31], %broadcast_in_dim3A_5 {strides = array<i32>} : memref<128xf32, #tpu.memory_space<vmem>>, vector<16xf32>,
      %swap3A_33 = arith.constant 96 : index
      %swap3A_34 = tpu.vector_load %arg15[%swap3A_33] {strides = array<i32>} : memref<128xi32, #tpu.memory_space<vmem>>, vector<16xi32>,
      tpu.vector_store %arg15[%swap3A_33], %broadcast_in_dim3A_7 {strides = array<i32>} : memref<128xi32, #tpu.memory_space<vmem>>, vector<16xi32>,
      %swap3A_35 = arith.constant 112 : index
      %swap3A_36 = tpu.vector_load %arg14[%swap3A_35] {strides = array<i32>} : memref<128xf32, #tpu.memory_space<vmem>>, vector<16xf32>,
      tpu.vector_store %arg14[%swap3A_35], %broadcast_in_dim3A_5 {strides = array<i32>} : memref<128xf32, #tpu.memory_space<vmem>>, vector<16xf32>,
      %swap3A_37 = arith.constant 112 : index
      %swap3A_38 = tpu.vector_load %arg15[%swap3A_37] {strides = array<i32>} : memref<128xi32, #tpu.memory_space<vmem>>, vector<16xi32>,
      tpu.vector_store %arg15[%swap3A_37], %broadcast_in_dim3A_7 {strides = array<i32>} : memref<128xi32, #tpu.memory_space<vmem>>, vector<16xi32>,
      %scan3A = arith.constant 0 : i32
      %scan3A_39 = arith.constant 0 : i32
      %scan3A_40 = arith.constant 1280 : i32
      %scan3A_41 = arith.addi %scan3A_39, %scan3A_40 : i32
      %scan3A_42 = arith.constant 1 : i32
      %scan3A_43 = scf.for %scan3A_55 = %scan3A_39 to %scan3A_41 step %scan3A_42 iter_args(%scan3A_56 = %scan3A) -> (i32)  : i32 {
        %mul3A_57 = arith.constant 16 : i32
        %mul3A_58 = arith.muli %scan3A_55, %mul3A_57 : i32
        %get3A = arith.index_cast %mul3A_58 : i32 to index
        %get3A_59 = tpu.vector_load %arg11[%get3A] {strides = array<i32>} : memref<20480xf32, #tpu.memory_space<vmem>>, vector<16xf32>,
        %mul3A_60 = arith.constant 16 : i32
        %mul3A_61 = arith.muli %scan3A_55, %mul3A_60 : i32
        %add3A_62 = vector.broadcast %mul3A_61 : i32 to vector<16xi32>
        %add3A_63 = arith.addi %iota3A, %add3A_62 : vector<16xi32>
        %gt3A = arith.cmpf ogt, %get3A_59, %gather3A : vector<16xf32>
        %eq3A = arith.cmpf oeq, %get3A_59, %gather3A : vector<16xf32>
        %le3A = arith.cmpi sle, %add3A_63, %gather3A_3 : vector<16xi32>
        %and3A = arith.andi %eq3A, %le3A : vector<16xi1>
        %or3A = arith.ori %gt3A, %and3A : vector<16xi1>
        %swap3A_64 = arith.index_cast %scan3A_56 : i32 to index
        %swap3A_65 = tpu.vector_load %arg15[%swap3A_64] masked %or3A {strides = array<i32>} : memref<128xi32, #tpu.memory_space<vmem>>, vector<16xi32>, vector<16xi1>
        tpu.vector_store %arg15[%swap3A_64], %add3A_63 masked %or3A {strides = array<i32>} : memref<128xi32, #tpu.memory_space<vmem>>, vector<16xi32>, vector<16xi1>
        %swap3A_66 = arith.index_cast %scan3A_56 : i32 to index
        %swap3A_67 = tpu.vector_load %arg14[%swap3A_66] masked %or3A {strides = array<i32>} : memref<128xf32, #tpu.memory_space<vmem>>, vector<16xf32>, vector<16xi1>
        tpu.vector_store %arg14[%swap3A_66], %get3A_59 masked %or3A {strides = array<i32>} : memref<128xf32, #tpu.memory_space<vmem>>, vector<16xf32>, vector<16xi1>
        %convert_element_type3A_68 = arith.extui %or3A : vector<16xi1> to vector<16xi32>
        %reduce_sum3A = arith.constant true
        %reduce_sum3A_69 = vector.broadcast %reduce_sum3A : i1 to vector<16xi1>
        %reduce_sum3A_70 = tpu.scan <sum>, %convert_element_type3A_68 masked %reduce_sum3A_69 : vector<16xi32>, vector<16xi1> -> vector<16xi32>
        %reduce_sum3A_71 = vector.extract %reduce_sum3A_70[15] : i32 from vector<16xi32>
        %add3A_72 = arith.addi %scan3A_56, %reduce_sum3A_71 : i32
        scf.yield %add3A_72 : i32
      }
      %scan3A_44 = arith.constant 1280 : i32
      %scan3A_45 = arith.constant 0 : i32
      %scan3A_46 = arith.constant 0 : i32
      %scan3A_47 = arith.constant 7 : i32
      %scan3A_48 = arith.addi %scan3A_46, %scan3A_47 : i32
      %scan3A_49 = arith.constant 1 : i32
      %scan3A_50 = scf.for %scan3A_55 = %scan3A_46 to %scan3A_48 step %scan3A_49 iter_args(%scan3A_56 = %scan3A_45) -> (i32)  : i32 {
        %mul3A_57 = arith.constant 16 : i32
        %mul3A_58 = arith.muli %scan3A_55, %mul3A_57 : i32
        %get3A = arith.index_cast %mul3A_58 : i32 to index
        %get3A_59 = tpu.vector_load %arg14[%get3A] {strides = array<i32>} : memref<128xf32, #tpu.memory_space<vmem>>, vector<16xf32>,
        %mul3A_60 = arith.constant 16 : i32
        %mul3A_61 = arith.muli %scan3A_55, %mul3A_60 : i32
        %get3A_62 = arith.index_cast %mul3A_61 : i32 to index
        %get3A_63 = tpu.vector_load %arg15[%get3A_62] {strides = array<i32>} : memref<128xi32, #tpu.memory_space<vmem>>, vector<16xi32>,
        %broadcast_in_dim3A_64 = arith.constant 0 : i32
        %broadcast_in_dim3A_65 = vector.broadcast %broadcast_in_dim3A_64 : i32 to vector<16xi32>
        %scan3A_66 = arith.constant 0 : i32
        %scan3A_67 = arith.constant 7 : i32
        %scan3A_68 = arith.addi %scan3A_66, %scan3A_67 : i32
        %scan3A_69 = arith.constant 1 : i32
        %scan3A_70 = scf.for %scan3A_151 = %scan3A_66 to %scan3A_68 step %scan3A_69 iter_args(%scan3A_152 = %broadcast_in_dim3A_65) -> (vector<16xi32>)  : i32 {
          %mul3A_153 = arith.constant 16 : i32
          %mul3A_154 = arith.muli %scan3A_151, %mul3A_153 : i32
          %get3A_155 = arith.index_cast %mul3A_154 : i32 to index
          %get3A_156 = tpu.vector_load %arg14[%get3A_155] {strides = array<i32>} : memref<128xf32, #tpu.memory_space<vmem>>, vector<16xf32>,
          %mul3A_157 = arith.constant 16 : i32
          %mul3A_158 = arith.muli %scan3A_151, %mul3A_157 : i32
          %get3A_159 = arith.index_cast %mul3A_158 : i32 to index
          %get3A_160 = tpu.vector_load %arg15[%get3A_159] {strides = array<i32>} : memref<128xi32, #tpu.memory_space<vmem>>, vector<16xi32>,
          %scan3A_161 = arith.constant 0 : i32
          %scan3A_162 = arith.constant 16 : i32
          %scan3A_163 = arith.addi %scan3A_161, %scan3A_162 : i32
          %scan3A_164 = arith.constant 1 : i32
          %scan3A_165 = scf.for %scan3A_167 = %scan3A_161 to %scan3A_163 step %scan3A_164 iter_args(%scan3A_168 = %scan3A_152) -> (vector<16xi32>)  : i32 {
            %add3A_169 = vector.broadcast %scan3A_167 : i32 to vector<16xi32>
            %add3A_170 = arith.addi %iota3A, %add3A_169 : vector<16xi32>
            %and3A_171 = arith.constant 15 : i32
            %and3A_172 = vector.broadcast %and3A_171 : i32 to vector<16xi32>
            %and3A_173 = arith.andi %add3A_170, %and3A_172 : vector<16xi32>
            %mul3A_174 = arith.constant 16 : i32
            %mul3A_175 = arith.muli %scan3A_151, %mul3A_174 : i32
            %add3A_176 = vector.broadcast %mul3A_175 : i32 to vector<16xi32>
            %add3A_177 = arith.addi %add3A_176, %and3A_173 : vector<16xi32>
            %gather3A_178 = tpu.vector_load_idx %arg14[%add3A_177] : memref<128xf32, #tpu.memory_space<vmem>>[vector<16xi32>], vector<16xf32>,
            %mul3A_179 = arith.constant 16 : i32
            %mul3A_180 = arith.muli %scan3A_151, %mul3A_179 : i32
            %add3A_181 = vector.broadcast %mul3A_180 : i32 to vector<16xi32>
            %add3A_182 = arith.addi %add3A_181, %and3A_173 : vector<16xi32>
            %gather3A_183 = tpu.vector_load_idx %arg15[%add3A_182] : memref<128xi32, #tpu.memory_space<vmem>>[vector<16xi32>], vector<16xi32>,
            %gt3A = arith.cmpf ogt, %gather3A_178, %get3A_59 : vector<16xf32>
            %eq3A_184 = arith.cmpf oeq, %gather3A_178, %get3A_59 : vector<16xf32>
            %lt3A_185 = arith.cmpi slt, %gather3A_183, %get3A_63 : vector<16xi32>
            %and3A_186 = arith.andi %eq3A_184, %lt3A_185 : vector<16xi1>
            %or3A = arith.ori %gt3A, %and3A_186 : vector<16xi1>
            %convert_element_type3A_187 = arith.extui %or3A : vector<16xi1> to vector<16xi32>
            %add3A_188 = arith.addi %scan3A_168, %convert_element_type3A_187 : vector<16xi32>
            scf.yield %add3A_188 : vector<16xi32>
          }
          %scan3A_166 = arith.constant 16 : i32
          scf.yield %scan3A_165 : vector<16xi32>
        }
        %scan3A_71 = arith.constant 7 : i32
        %mul3A_72 = arith.constant 16 : i32
        %mul3A_73 = arith.muli %scan3A_55, %mul3A_72 : i32
        %add3A_74 = vector.broadcast %mul3A_73 : i32 to vector<16xi32>
        %add3A_75 = arith.addi %iota3A, %add3A_74 : vector<16xi32>
        %lt3A_76 = arith.constant 100 : i32
        %lt3A_77 = vector.broadcast %lt3A_76 : i32 to vector<16xi32>
        %lt3A_78 = arith.cmpi slt, %add3A_75, %lt3A_77 : vector<16xi32>
        %jit3A = arith.constant 256 : i32
        %div3A = vector.broadcast %jit3A : i32 to vector<16xi32>
        %div3A_79 = arith.divsi %get3A_63, %div3A : vector<16xi32>
        %sign3A = arith.constant 0 : i32
        %sign3A_80 = vector.broadcast %sign3A : i32 to vector<16xi32>
        %sign3A_81 = arith.cmpi sgt, %get3A_63, %sign3A_80 : vector<16xi32>
        %sign3A_82 = arith.extui %sign3A_81 : vector<16xi1> to vector<16xi32>
        %sign3A_83 = arith.constant 0 : i32
        %sign3A_84 = vector.broadcast %sign3A_83 : i32 to vector<16xi32>
        %sign3A_85 = arith.cmpi slt, %get3A_63, %sign3A_84 : vector<16xi32>
        %sign3A_86 = arith.extui %sign3A_85 : vector<16xi1> to vector<16xi32>
        %sign3A_87 = arith.subi %sign3A_82, %sign3A_86 : vector<16xi32>
        %sign3A_88 = arith.constant 0 : i32
        %sign3A_89 = arith.cmpi sgt, %jit3A, %sign3A_88 : i32
        %sign3A_90 = arith.extui %sign3A_89 : i1 to i32
        %sign3A_91 = arith.constant 0 : i32
        %sign3A_92 = arith.cmpi slt, %jit3A, %sign3A_91 : i32
        %sign3A_93 = arith.extui %sign3A_92 : i1 to i32
        %sign3A_94 = arith.subi %sign3A_90, %sign3A_93 : i32
        %ne3A = vector.broadcast %sign3A_94 : i32 to vector<16xi32>
        %ne3A_95 = arith.cmpi ne, %sign3A_87, %ne3A : vector<16xi32>
        %rem3A = vector.broadcast %jit3A : i32 to vector<16xi32>
        %rem3A_96 = arith.remsi %get3A_63, %rem3A : vector<16xi32>
        %ne3A_97 = arith.constant 0 : i32
        %ne3A_98 = vector.broadcast %ne3A_97 : i32 to vector<16xi32>
        %ne3A_99 = arith.cmpi ne, %rem3A_96, %ne3A_98 : vector<16xi32>
        %and3A = arith.andi %ne3A_95, %ne3A_99 : vector<16xi1>
        %sub3A = arith.constant 1 : i32
        %sub3A_100 = vector.broadcast %sub3A : i32 to vector<16xi32>
        %sub3A_101 = arith.subi %div3A_79, %sub3A_100 : vector<16xi32>
        %select_n3A = arith.select %and3A, %sub3A_101, %div3A_79 : vector<16xi1>, vector<16xi32>
        %jit3A_102 = arith.constant 256 : i32
        %eq3A = arith.constant 0 : i32
        %eq3A_103 = arith.cmpi eq, %jit3A_102, %eq3A : i32
        %jit3A_104 = arith.constant 1 : i32
        %select_n3A_105 = arith.select %eq3A_103, %jit3A_104, %jit3A_102 : i32
        %rem3A_106 = vector.broadcast %select_n3A_105 : i32 to vector<16xi32>
        %rem3A_107 = arith.remsi %get3A_63, %rem3A_106 : vector<16xi32>
        %ne3A_108 = arith.constant 0 : i32
        %ne3A_109 = vector.broadcast %ne3A_108 : i32 to vector<16xi32>
        %ne3A_110 = arith.cmpi ne, %rem3A_107, %ne3A_109 : vector<16xi32>
        %lt3A_111 = arith.constant 0 : i32
        %lt3A_112 = vector.broadcast %lt3A_111 : i32 to vector<16xi32>
        %lt3A_113 = arith.cmpi slt, %rem3A_107, %lt3A_112 : vector<16xi32>
        %lt3A_114 = arith.constant 0 : i32
        %lt3A_115 = arith.cmpi slt, %select_n3A_105, %lt3A_114 : i32
        %ne3A_116 = vector.broadcast %lt3A_115 : i1 to vector<16xi1>
        %ne3A_117 = vector.broadcast %ne3A_116 : vector<16xi1> to vector<16xi1>
        %ne3A_118 = arith.xori %lt3A_113, %ne3A_117 : vector<16xi1>
        %and3A_119 = arith.andi %ne3A_118, %ne3A_110 : vector<16xi1>
        %add3A_120 = vector.broadcast %select_n3A_105 : i32 to vector<16xi32>
        %add3A_121 = arith.addi %rem3A_107, %add3A_120 : vector<16xi32>
        %select_n3A_122 = arith.select %and3A_119, %add3A_121, %rem3A_107 : vector<16xi1>, vector<16xi32>
        %min3A = arith.constant 20479 : i32
        %min3A_123 = vector.broadcast %min3A : i32 to vector<16xi32>
        %min3A_124 = arith.minsi %get3A_63, %min3A_123 : vector<16xi32>
        %gather3A_125 = tpu.vector_load_idx %arg12[%min3A_124] : memref<20480xi32, #tpu.memory_space<vmem>>[vector<16xi32>], vector<16xi32>,
        tpu.vector_store_idx %arg16[%scan3A_70], %get3A_59 masked %lt3A_78 : memref<128xf32, #tpu.memory_space<vmem>>[vector<16xi32>], vector<16xf32>, vector<16xi1>
        tpu.vector_store_idx %arg17[%scan3A_70], %select_n3A masked %lt3A_78 : memref<128xi32, #tpu.memory_space<vmem>>[vector<16xi32>], vector<16xi32>, vector<16xi1>
        tpu.vector_store_idx %arg18[%scan3A_70], %gather3A_125 masked %lt3A_78 : memref<128xi32, #tpu.memory_space<vmem>>[vector<16xi32>], vector<16xi32>, vector<16xi1>
        %max3A = arith.constant 0 : i32
        %max3A_126 = vector.broadcast %max3A : i32 to vector<16xi32>
        %max3A_127 = arith.maxsi %gather3A_125, %max3A_126 : vector<16xi32>
        %min3A_128 = arith.constant 19967 : i32
        %min3A_129 = vector.broadcast %min3A_128 : i32 to vector<16xi32>
        %min3A_130 = arith.minsi %max3A_127, %min3A_129 : vector<16xi32>
        %mul3A_131 = arith.constant 4 : i32
        %mul3A_132 = vector.broadcast %mul3A_131 : i32 to vector<16xi32>
        %mul3A_133 = arith.muli %min3A_130, %mul3A_132 : vector<16xi32>
        %add3A_134 = arith.constant 0 : i32
        %add3A_135 = vector.broadcast %add3A_134 : i32 to vector<16xi32>
        %add3A_136 = arith.addi %mul3A_133, %add3A_135 : vector<16xi32>
        %gather3A_137 = tpu.vector_load_idx %arg13[%add3A_136] : memref<79872xf32, #tpu.memory_space<vmem>>[vector<16xi32>], vector<16xf32>,
        tpu.vector_store_idx %arg19[%scan3A_70], %gather3A_137 masked %lt3A_78 : memref<128xf32, #tpu.memory_space<vmem>>[vector<16xi32>], vector<16xf32>, vector<16xi1>
        %add3A_138 = arith.constant 1 : i32
        %add3A_139 = vector.broadcast %add3A_138 : i32 to vector<16xi32>
        %add3A_140 = arith.addi %mul3A_133, %add3A_139 : vector<16xi32>
        %gather3A_141 = tpu.vector_load_idx %arg13[%add3A_140] : memref<79872xf32, #tpu.memory_space<vmem>>[vector<16xi32>], vector<16xf32>,
        tpu.vector_store_idx %arg20[%scan3A_70], %gather3A_141 masked %lt3A_78 : memref<128xf32, #tpu.memory_space<vmem>>[vector<16xi32>], vector<16xf32>, vector<16xi1>
        %add3A_142 = arith.constant 2 : i32
        %add3A_143 = vector.broadcast %add3A_142 : i32 to vector<16xi32>
        %add3A_144 = arith.addi %mul3A_133, %add3A_143 : vector<16xi32>
        %gather3A_145 = tpu.vector_load_idx %arg13[%add3A_144] : memref<79872xf32, #tpu.memory_space<vmem>>[vector<16xi32>], vector<16xf32>,
        tpu.vector_store_idx %arg21[%scan3A_70], %gather3A_145 masked %lt3A_78 : memref<128xf32, #tpu.memory_space<vmem>>[vector<16xi32>], vector<16xf32>, vector<16xi1>
        %add3A_146 = arith.constant 3 : i32
        %add3A_147 = vector.broadcast %add3A_146 : i32 to vector<16xi32>
        %add3A_148 = arith.addi %mul3A_133, %add3A_147 : vector<16xi32>
        %gather3A_149 = tpu.vector_load_idx %arg13[%add3A_148] : memref<79872xf32, #tpu.memory_space<vmem>>[vector<16xi32>], vector<16xf32>,
        tpu.vector_store_idx %arg22[%scan3A_70], %gather3A_149 masked %lt3A_78 : memref<128xf32, #tpu.memory_space<vmem>>[vector<16xi32>], vector<16xf32>, vector<16xi1>
        %scan3A_150 = arith.constant 0 : i32
        scf.yield %scan3A_150 : i32
      }
      %scan3A_51 = arith.constant 7 : i32
      "tpu.region"() ({
        %run_scoped3A_55 = tpu.sem_alloc : memref<!tpu.dma_semaphore, #tpu.memory_space<semaphore_mem>>
        %dma_start3A = arith.constant 0 : i32
        %dma_start3A_56 = tpu.memref_slice %arg7[%add3A, %dma_start3A] : memref<16x128xf32, #tpu.memory_space<hbm>> -> memref<1x128xf32, #tpu.memory_space<hbm>>
        %dma_start3A_57 = tpu.memref_squeeze %dma_start3A_56 : memref<1x128xf32, #tpu.memory_space<hbm>> -> memref<128xf32, #tpu.memory_space<hbm>>
        %dma_start3A_58 = arith.constant 0 : i32
        %dma_start3A_59 = tpu.memref_slice %arg7[%add3A, %dma_start3A_58] : memref<16x128xf32, #tpu.memory_space<hbm>> -> memref<1x128xf32, #tpu.memory_space<hbm>>
        %dma_start3A_60 = tpu.memref_squeeze %dma_start3A_59 : memref<1x128xf32, #tpu.memory_space<hbm>> -> memref<128xf32, #tpu.memory_space<hbm>>
        tpu.enqueue_dma source(%arg16 : memref<128xf32, #tpu.memory_space<vmem>>) target(%dma_start3A_60 : memref<128xf32, #tpu.memory_space<hbm>>) target_semaphore(%run_scoped3A_55 : memref<!tpu.dma_semaphore, #tpu.memory_space<semaphore_mem>>)
        %dma_wait3A = arith.constant 0 : i32
        %dma_wait3A_61 = tpu.memref_slice %arg7[%add3A, %dma_wait3A] : memref<16x128xf32, #tpu.memory_space<hbm>> -> memref<1x128xf32, #tpu.memory_space<hbm>>
        %dma_wait3A_62 = tpu.memref_squeeze %dma_wait3A_61 : memref<1x128xf32, #tpu.memory_space<hbm>> -> memref<128xf32, #tpu.memory_space<hbm>>
        %dma_wait3A_63 = arith.constant 0 : i32
        %dma_wait3A_64 = tpu.memref_slice %arg7[%add3A, %dma_wait3A_63] : memref<16x128xf32, #tpu.memory_space<hbm>> -> memref<1x128xf32, #tpu.memory_space<hbm>>
        %dma_wait3A_65 = tpu.memref_squeeze %dma_wait3A_64 : memref<1x128xf32, #tpu.memory_space<hbm>> -> memref<128xf32, #tpu.memory_space<hbm>>
        tpu.wait_dma2 semaphore(%run_scoped3A_55 : memref<!tpu.dma_semaphore, #tpu.memory_space<semaphore_mem>>) src(%arg16 : memref<128xf32, #tpu.memory_space<vmem>>) dst(%dma_wait3A_65 : memref<128xf32, #tpu.memory_space<hbm>>)
        tpu.yield
      }) : () -> ()
      "tpu.region"() ({
        %run_scoped3A_55 = tpu.sem_alloc : memref<!tpu.dma_semaphore, #tpu.memory_space<semaphore_mem>>
        %dma_start3A = arith.constant 0 : i32
        %dma_start3A_56 = tpu.memref_slice %arg8[%add3A, %dma_start3A] : memref<16x128xi32, #tpu.memory_space<hbm>> -> memref<1x128xi32, #tpu.memory_space<hbm>>
        %dma_start3A_57 = tpu.memref_squeeze %dma_start3A_56 : memref<1x128xi32, #tpu.memory_space<hbm>> -> memref<128xi32, #tpu.memory_space<hbm>>
        %dma_start3A_58 = arith.constant 0 : i32
        %dma_start3A_59 = tpu.memref_slice %arg8[%add3A, %dma_start3A_58] : memref<16x128xi32, #tpu.memory_space<hbm>> -> memref<1x128xi32, #tpu.memory_space<hbm>>
        %dma_start3A_60 = tpu.memref_squeeze %dma_start3A_59 : memref<1x128xi32, #tpu.memory_space<hbm>> -> memref<128xi32, #tpu.memory_space<hbm>>
        tpu.enqueue_dma source(%arg17 : memref<128xi32, #tpu.memory_space<vmem>>) target(%dma_start3A_60 : memref<128xi32, #tpu.memory_space<hbm>>) target_semaphore(%run_scoped3A_55 : memref<!tpu.dma_semaphore, #tpu.memory_space<semaphore_mem>>)
        %dma_wait3A = arith.constant 0 : i32
        %dma_wait3A_61 = tpu.memref_slice %arg8[%add3A, %dma_wait3A] : memref<16x128xi32, #tpu.memory_space<hbm>> -> memref<1x128xi32, #tpu.memory_space<hbm>>
        %dma_wait3A_62 = tpu.memref_squeeze %dma_wait3A_61 : memref<1x128xi32, #tpu.memory_space<hbm>> -> memref<128xi32, #tpu.memory_space<hbm>>
        %dma_wait3A_63 = arith.constant 0 : i32
        %dma_wait3A_64 = tpu.memref_slice %arg8[%add3A, %dma_wait3A_63] : memref<16x128xi32, #tpu.memory_space<hbm>> -> memref<1x128xi32, #tpu.memory_space<hbm>>
        %dma_wait3A_65 = tpu.memref_squeeze %dma_wait3A_64 : memref<1x128xi32, #tpu.memory_space<hbm>> -> memref<128xi32, #tpu.memory_space<hbm>>
        tpu.wait_dma2 semaphore(%run_scoped3A_55 : memref<!tpu.dma_semaphore, #tpu.memory_space<semaphore_mem>>) src(%arg17 : memref<128xi32, #tpu.memory_space<vmem>>) dst(%dma_wait3A_65 : memref<128xi32, #tpu.memory_space<hbm>>)
        tpu.yield
      }) : () -> ()
      "tpu.region"() ({
        %run_scoped3A_55 = tpu.sem_alloc : memref<!tpu.dma_semaphore, #tpu.memory_space<semaphore_mem>>
        %dma_start3A = arith.constant 0 : i32
        %dma_start3A_56 = tpu.memref_slice %arg9[%add3A, %dma_start3A] : memref<16x128xi32, #tpu.memory_space<hbm>> -> memref<1x128xi32, #tpu.memory_space<hbm>>
        %dma_start3A_57 = tpu.memref_squeeze %dma_start3A_56 : memref<1x128xi32, #tpu.memory_space<hbm>> -> memref<128xi32, #tpu.memory_space<hbm>>
        %dma_start3A_58 = arith.constant 0 : i32
        %dma_start3A_59 = tpu.memref_slice %arg9[%add3A, %dma_start3A_58] : memref<16x128xi32, #tpu.memory_space<hbm>> -> memref<1x128xi32, #tpu.memory_space<hbm>>
        %dma_start3A_60 = tpu.memref_squeeze %dma_start3A_59 : memref<1x128xi32, #tpu.memory_space<hbm>> -> memref<128xi32, #tpu.memory_space<hbm>>
        tpu.enqueue_dma source(%arg18 : memref<128xi32, #tpu.memory_space<vmem>>) target(%dma_start3A_60 : memref<128xi32, #tpu.memory_space<hbm>>) target_semaphore(%run_scoped3A_55 : memref<!tpu.dma_semaphore, #tpu.memory_space<semaphore_mem>>)
        %dma_wait3A = arith.constant 0 : i32
        %dma_wait3A_61 = tpu.memref_slice %arg9[%add3A, %dma_wait3A] : memref<16x128xi32, #tpu.memory_space<hbm>> -> memref<1x128xi32, #tpu.memory_space<hbm>>
        %dma_wait3A_62 = tpu.memref_squeeze %dma_wait3A_61 : memref<1x128xi32, #tpu.memory_space<hbm>> -> memref<128xi32, #tpu.memory_space<hbm>>
        %dma_wait3A_63 = arith.constant 0 : i32
        %dma_wait3A_64 = tpu.memref_slice %arg9[%add3A, %dma_wait3A_63] : memref<16x128xi32, #tpu.memory_space<hbm>> -> memref<1x128xi32, #tpu.memory_space<hbm>>
        %dma_wait3A_65 = tpu.memref_squeeze %dma_wait3A_64 : memref<1x128xi32, #tpu.memory_space<hbm>> -> memref<128xi32, #tpu.memory_space<hbm>>
        tpu.wait_dma2 semaphore(%run_scoped3A_55 : memref<!tpu.dma_semaphore, #tpu.memory_space<semaphore_mem>>) src(%arg18 : memref<128xi32, #tpu.memory_space<vmem>>) dst(%dma_wait3A_65 : memref<128xi32, #tpu.memory_space<hbm>>)
        tpu.yield
      }) : () -> ()
      %run_scoped3A = arith.constant 0 : i32
      "tpu.region"() ({
        %run_scoped3A_55 = tpu.sem_alloc : memref<!tpu.dma_semaphore, #tpu.memory_space<semaphore_mem>>
        %dma_start3A = arith.constant 0 : i32
        %dma_start3A_56 = tpu.memref_slice %arg10[%add3A, %run_scoped3A, %dma_start3A] : memref<16x4x128xf32, #tpu.memory_space<hbm>> -> memref<1x1x128xf32, #tpu.memory_space<hbm>>
        %dma_start3A_57 = tpu.memref_squeeze %dma_start3A_56 : memref<1x1x128xf32, #tpu.memory_space<hbm>> -> memref<128xf32, #tpu.memory_space<hbm>>
        %dma_start3A_58 = arith.constant 0 : i32
        %dma_start3A_59 = tpu.memref_slice %arg10[%add3A, %run_scoped3A, %dma_start3A_58] : memref<16x4x128xf32, #tpu.memory_space<hbm>> -> memref<1x1x128xf32, #tpu.memory_space<hbm>>
        %dma_start3A_60 = tpu.memref_squeeze %dma_start3A_59 : memref<1x1x128xf32, #tpu.memory_space<hbm>> -> memref<128xf32, #tpu.memory_space<hbm>>
        tpu.enqueue_dma source(%arg19 : memref<128xf32, #tpu.memory_space<vmem>>) target(%dma_start3A_60 : memref<128xf32, #tpu.memory_space<hbm>>) target_semaphore(%run_scoped3A_55 : memref<!tpu.dma_semaphore, #tpu.memory_space<semaphore_mem>>)
        %dma_wait3A = arith.constant 0 : i32
        %dma_wait3A_61 = tpu.memref_slice %arg10[%add3A, %run_scoped3A, %dma_wait3A] : memref<16x4x128xf32, #tpu.memory_space<hbm>> -> memref<1x1x128xf32, #tpu.memory_space<hbm>>
        %dma_wait3A_62 = tpu.memref_squeeze %dma_wait3A_61 : memref<1x1x128xf32, #tpu.memory_space<hbm>> -> memref<128xf32, #tpu.memory_space<hbm>>
        %dma_wait3A_63 = arith.constant 0 : i32
        %dma_wait3A_64 = tpu.memref_slice %arg10[%add3A, %run_scoped3A, %dma_wait3A_63] : memref<16x4x128xf32, #tpu.memory_space<hbm>> -> memref<1x1x128xf32, #tpu.memory_space<hbm>>
        %dma_wait3A_65 = tpu.memref_squeeze %dma_wait3A_64 : memref<1x1x128xf32, #tpu.memory_space<hbm>> -> memref<128xf32, #tpu.memory_space<hbm>>
        tpu.wait_dma2 semaphore(%run_scoped3A_55 : memref<!tpu.dma_semaphore, #tpu.memory_space<semaphore_mem>>) src(%arg19 : memref<128xf32, #tpu.memory_space<vmem>>) dst(%dma_wait3A_65 : memref<128xf32, #tpu.memory_space<hbm>>)
        tpu.yield
      }) : () -> ()
      %run_scoped3A_52 = arith.constant 1 : i32
      "tpu.region"() ({
        %run_scoped3A_55 = tpu.sem_alloc : memref<!tpu.dma_semaphore, #tpu.memory_space<semaphore_mem>>
        %dma_start3A = arith.constant 0 : i32
        %dma_start3A_56 = tpu.memref_slice %arg10[%add3A, %run_scoped3A_52, %dma_start3A] : memref<16x4x128xf32, #tpu.memory_space<hbm>> -> memref<1x1x128xf32, #tpu.memory_space<hbm>>
        %dma_start3A_57 = tpu.memref_squeeze %dma_start3A_56 : memref<1x1x128xf32, #tpu.memory_space<hbm>> -> memref<128xf32, #tpu.memory_space<hbm>>
        %dma_start3A_58 = arith.constant 0 : i32
        %dma_start3A_59 = tpu.memref_slice %arg10[%add3A, %run_scoped3A_52, %dma_start3A_58] : memref<16x4x128xf32, #tpu.memory_space<hbm>> -> memref<1x1x128xf32, #tpu.memory_space<hbm>>
        %dma_start3A_60 = tpu.memref_squeeze %dma_start3A_59 : memref<1x1x128xf32, #tpu.memory_space<hbm>> -> memref<128xf32, #tpu.memory_space<hbm>>
        tpu.enqueue_dma source(%arg20 : memref<128xf32, #tpu.memory_space<vmem>>) target(%dma_start3A_60 : memref<128xf32, #tpu.memory_space<hbm>>) target_semaphore(%run_scoped3A_55 : memref<!tpu.dma_semaphore, #tpu.memory_space<semaphore_mem>>)
        %dma_wait3A = arith.constant 0 : i32
        %dma_wait3A_61 = tpu.memref_slice %arg10[%add3A, %run_scoped3A_52, %dma_wait3A] : memref<16x4x128xf32, #tpu.memory_space<hbm>> -> memref<1x1x128xf32, #tpu.memory_space<hbm>>
        %dma_wait3A_62 = tpu.memref_squeeze %dma_wait3A_61 : memref<1x1x128xf32, #tpu.memory_space<hbm>> -> memref<128xf32, #tpu.memory_space<hbm>>
        %dma_wait3A_63 = arith.constant 0 : i32
        %dma_wait3A_64 = tpu.memref_slice %arg10[%add3A, %run_scoped3A_52, %dma_wait3A_63] : memref<16x4x128xf32, #tpu.memory_space<hbm>> -> memref<1x1x128xf32, #tpu.memory_space<hbm>>
        %dma_wait3A_65 = tpu.memref_squeeze %dma_wait3A_64 : memref<1x1x128xf32, #tpu.memory_space<hbm>> -> memref<128xf32, #tpu.memory_space<hbm>>
        tpu.wait_dma2 semaphore(%run_scoped3A_55 : memref<!tpu.dma_semaphore, #tpu.memory_space<semaphore_mem>>) src(%arg20 : memref<128xf32, #tpu.memory_space<vmem>>) dst(%dma_wait3A_65 : memref<128xf32, #tpu.memory_space<hbm>>)
        tpu.yield
      }) : () -> ()
      %run_scoped3A_53 = arith.constant 2 : i32
      "tpu.region"() ({
        %run_scoped3A_55 = tpu.sem_alloc : memref<!tpu.dma_semaphore, #tpu.memory_space<semaphore_mem>>
        %dma_start3A = arith.constant 0 : i32
        %dma_start3A_56 = tpu.memref_slice %arg10[%add3A, %run_scoped3A_53, %dma_start3A] : memref<16x4x128xf32, #tpu.memory_space<hbm>> -> memref<1x1x128xf32, #tpu.memory_space<hbm>>
        %dma_start3A_57 = tpu.memref_squeeze %dma_start3A_56 : memref<1x1x128xf32, #tpu.memory_space<hbm>> -> memref<128xf32, #tpu.memory_space<hbm>>
        %dma_start3A_58 = arith.constant 0 : i32
        %dma_start3A_59 = tpu.memref_slice %arg10[%add3A, %run_scoped3A_53, %dma_start3A_58] : memref<16x4x128xf32, #tpu.memory_space<hbm>> -> memref<1x1x128xf32, #tpu.memory_space<hbm>>
        %dma_start3A_60 = tpu.memref_squeeze %dma_start3A_59 : memref<1x1x128xf32, #tpu.memory_space<hbm>> -> memref<128xf32, #tpu.memory_space<hbm>>
        tpu.enqueue_dma source(%arg21 : memref<128xf32, #tpu.memory_space<vmem>>) target(%dma_start3A_60 : memref<128xf32, #tpu.memory_space<hbm>>) target_semaphore(%run_scoped3A_55 : memref<!tpu.dma_semaphore, #tpu.memory_space<semaphore_mem>>)
        %dma_wait3A = arith.constant 0 : i32
        %dma_wait3A_61 = tpu.memref_slice %arg10[%add3A, %run_scoped3A_53, %dma_wait3A] : memref<16x4x128xf32, #tpu.memory_space<hbm>> -> memref<1x1x128xf32, #tpu.memory_space<hbm>>
        %dma_wait3A_62 = tpu.memref_squeeze %dma_wait3A_61 : memref<1x1x128xf32, #tpu.memory_space<hbm>> -> memref<128xf32, #tpu.memory_space<hbm>>
        %dma_wait3A_63 = arith.constant 0 : i32
        %dma_wait3A_64 = tpu.memref_slice %arg10[%add3A, %run_scoped3A_53, %dma_wait3A_63] : memref<16x4x128xf32, #tpu.memory_space<hbm>> -> memref<1x1x128xf32, #tpu.memory_space<hbm>>
        %dma_wait3A_65 = tpu.memref_squeeze %dma_wait3A_64 : memref<1x1x128xf32, #tpu.memory_space<hbm>> -> memref<128xf32, #tpu.memory_space<hbm>>
        tpu.wait_dma2 semaphore(%run_scoped3A_55 : memref<!tpu.dma_semaphore, #tpu.memory_space<semaphore_mem>>) src(%arg21 : memref<128xf32, #tpu.memory_space<vmem>>) dst(%dma_wait3A_65 : memref<128xf32, #tpu.memory_space<hbm>>)
        tpu.yield
      }) : () -> ()
      %run_scoped3A_54 = arith.constant 3 : i32
      "tpu.region"() ({
        %run_scoped3A_55 = tpu.sem_alloc : memref<!tpu.dma_semaphore, #tpu.memory_space<semaphore_mem>>
        %dma_start3A = arith.constant 0 : i32
        %dma_start3A_56 = tpu.memref_slice %arg10[%add3A, %run_scoped3A_54, %dma_start3A] : memref<16x4x128xf32, #tpu.memory_space<hbm>> -> memref<1x1x128xf32, #tpu.memory_space<hbm>>
        %dma_start3A_57 = tpu.memref_squeeze %dma_start3A_56 : memref<1x1x128xf32, #tpu.memory_space<hbm>> -> memref<128xf32, #tpu.memory_space<hbm>>
        %dma_start3A_58 = arith.constant 0 : i32
        %dma_start3A_59 = tpu.memref_slice %arg10[%add3A, %run_scoped3A_54, %dma_start3A_58] : memref<16x4x128xf32, #tpu.memory_space<hbm>> -> memref<1x1x128xf32, #tpu.memory_space<hbm>>
        %dma_start3A_60 = tpu.memref_squeeze %dma_start3A_59 : memref<1x1x128xf32, #tpu.memory_space<hbm>> -> memref<128xf32, #tpu.memory_space<hbm>>
        tpu.enqueue_dma source(%arg22 : memref<128xf32, #tpu.memory_space<vmem>>) target(%dma_start3A_60 : memref<128xf32, #tpu.memory_space<hbm>>) target_semaphore(%run_scoped3A_55 : memref<!tpu.dma_semaphore, #tpu.memory_space<semaphore_mem>>)
        %dma_wait3A = arith.constant 0 : i32
        %dma_wait3A_61 = tpu.memref_slice %arg10[%add3A, %run_scoped3A_54, %dma_wait3A] : memref<16x4x128xf32, #tpu.memory_space<hbm>> -> memref<1x1x128xf32, #tpu.memory_space<hbm>>
        %dma_wait3A_62 = tpu.memref_squeeze %dma_wait3A_61 : memref<1x1x128xf32, #tpu.memory_space<hbm>> -> memref<128xf32, #tpu.memory_space<hbm>>
        %dma_wait3A_63 = arith.constant 0 : i32
        %dma_wait3A_64 = tpu.memref_slice %arg10[%add3A, %run_scoped3A_54, %dma_wait3A_63] : memref<16x4x128xf32, #tpu.memory_space<hbm>> -> memref<1x1x128xf32, #tpu.memory_space<hbm>>
        %dma_wait3A_65 = tpu.memref_squeeze %dma_wait3A_64 : memref<1x1x128xf32, #tpu.memory_space<hbm>> -> memref<128xf32, #tpu.memory_space<hbm>>
        tpu.wait_dma2 semaphore(%run_scoped3A_55 : memref<!tpu.dma_semaphore, #tpu.memory_space<semaphore_mem>>) src(%arg22 : memref<128xf32, #tpu.memory_space<vmem>>) dst(%dma_wait3A_65 : memref<128xf32, #tpu.memory_space<hbm>>)
        tpu.yield
      }) : () -> ()
    } else {
    }
    return
  }
}

#map = affine_map<(d0, d1) -> (0, 0, 0)>
#map1 = affine_map<(d0, d1) -> (0)>
#map2 = affine_map<(d0, d1) -> (0, 0)>
#map3 = affine_map<(d0, d1) -> (0, 0, 0, 0)>
module attributes {stable_mosaic.version = 14 : i64} {
  func.func @_k2_body(%arg0: i32, %arg1: i32, %arg2: memref<16x81x19968xf32, #tpu.memory_space<hbm>>, %arg3: memref<1296xf32, #tpu.memory_space<hbm>>, %arg4: memref<1296xi32, #tpu.memory_space<hbm>>, %arg5: memref<16x79872xf32, #tpu.memory_space<hbm>>, %arg6: memref<16x80x256xi32, #tpu.memory_space<hbm>>, %arg7: memref<16x80x256xf32, #tpu.memory_space<hbm>>, %arg8: memref<16x80x4x256xf32, #tpu.memory_space<hbm>>, %arg9: memref<19968xf32, #tpu.memory_space<vmem>>, %arg10: memref<79872xf32, #tpu.memory_space<vmem>>, %arg11: memref<256xi32, #tpu.memory_space<vmem>>, %arg12: memref<256xf32, #tpu.memory_space<vmem>>, %arg13: memref<256xf32, #tpu.memory_space<vmem>>, %arg14: memref<256xf32, #tpu.memory_space<vmem>>, %arg15: memref<256xf32, #tpu.memory_space<vmem>>, %arg16: memref<256xf32, #tpu.memory_space<vmem>>, %arg17: memref<1296xf32, #tpu.memory_space<vmem>>, %arg18: memref<1296xi32, #tpu.memory_space<vmem>>) attributes {dimension_semantics = [#tpu.dimension_semantics<core_parallel>, #tpu.dimension_semantics<subcore_parallel>], iteration_bounds = array<i64: 2, 16>, scalar_prefetch = 0 : i64, scratch_operands = 10 : i64, tpu.core_type = #tpu.core_type<sc_vector_subcore>, window_params = [{transform_indices = #map}, {transform_indices = #map1}, {transform_indices = #map1}, {transform_indices = #map2}, {transform_indices = #map}, {transform_indices = #map}, {transform_indices = #map3}]} {
    %mul3A = arith.constant 2 : i32
    %mul3A_0 = arith.muli %arg1, %mul3A : i32
    %add3A = arith.addi %mul3A_0, %arg0 : i32
    %jit3A = arith.constant 2 : i32
    %div3A = arith.divsi %add3A, %jit3A : i32
    %sign3A = arith.constant 0 : i32
    %sign3A_1 = arith.cmpi sgt, %add3A, %sign3A : i32
    %sign3A_2 = arith.extui %sign3A_1 : i1 to i32
    %sign3A_3 = arith.constant 0 : i32
    %sign3A_4 = arith.cmpi slt, %add3A, %sign3A_3 : i32
    %sign3A_5 = arith.extui %sign3A_4 : i1 to i32
    %sign3A_6 = arith.subi %sign3A_2, %sign3A_5 : i32
    %sign3A_7 = arith.constant 0 : i32
    %sign3A_8 = arith.cmpi sgt, %jit3A, %sign3A_7 : i32
    %sign3A_9 = arith.extui %sign3A_8 : i1 to i32
    %sign3A_10 = arith.constant 0 : i32
    %sign3A_11 = arith.cmpi slt, %jit3A, %sign3A_10 : i32
    %sign3A_12 = arith.extui %sign3A_11 : i1 to i32
    %sign3A_13 = arith.subi %sign3A_9, %sign3A_12 : i32
    %ne3A = arith.cmpi ne, %sign3A_6, %sign3A_13 : i32
    %rem3A = arith.remsi %add3A, %jit3A : i32
    %ne3A_14 = arith.constant 0 : i32
    %ne3A_15 = arith.cmpi ne, %rem3A, %ne3A_14 : i32
    %and3A = arith.andi %ne3A, %ne3A_15 : i1
    %sub3A = arith.constant 1 : i32
    %sub3A_16 = arith.subi %div3A, %sub3A : i32
    %select_n3A = arith.select %and3A, %sub3A_16, %div3A : i32
    %jit3A_17 = arith.constant 2 : i32
    %eq3A = arith.constant 0 : i32
    %eq3A_18 = arith.cmpi eq, %jit3A_17, %eq3A : i32
    %jit3A_19 = arith.constant 1 : i32
    %select_n3A_20 = arith.select %eq3A_18, %jit3A_19, %jit3A_17 : i32
    %rem3A_21 = arith.remsi %add3A, %select_n3A_20 : i32
    %ne3A_22 = arith.constant 0 : i32
    %ne3A_23 = arith.cmpi ne, %rem3A_21, %ne3A_22 : i32
    %lt3A = arith.constant 0 : i32
    %lt3A_24 = arith.cmpi slt, %rem3A_21, %lt3A : i32
    %lt3A_25 = arith.constant 0 : i32
    %lt3A_26 = arith.cmpi slt, %select_n3A_20, %lt3A_25 : i32
    %ne3A_27 = arith.xori %lt3A_24, %lt3A_26 : i1
    %and3A_28 = arith.andi %ne3A_27, %ne3A_23 : i1
    %add3A_29 = arith.addi %rem3A_21, %select_n3A_20 : i32
    %select_n3A_30 = arith.select %and3A_28, %add3A_29, %rem3A_21 : i32
    %mul3A_31 = arith.constant 40 : i32
    %mul3A_32 = arith.muli %select_n3A_30, %mul3A_31 : i32
    "tpu.region"() ({
      %run_scoped3A = tpu.sem_alloc : memref<!tpu.dma_semaphore, #tpu.memory_space<semaphore_mem>>
      tpu.enqueue_dma source(%arg3 : memref<1296xf32, #tpu.memory_space<hbm>>) target(%arg17 : memref<1296xf32, #tpu.memory_space<vmem>>) target_semaphore(%run_scoped3A : memref<!tpu.dma_semaphore, #tpu.memory_space<semaphore_mem>>)
      tpu.wait_dma2 semaphore(%run_scoped3A : memref<!tpu.dma_semaphore, #tpu.memory_space<semaphore_mem>>) src(%arg3 : memref<1296xf32, #tpu.memory_space<hbm>>) dst(%arg17 : memref<1296xf32, #tpu.memory_space<vmem>>)
      tpu.yield
    }) : () -> ()
    "tpu.region"() ({
      %run_scoped3A = tpu.sem_alloc : memref<!tpu.dma_semaphore, #tpu.memory_space<semaphore_mem>>
      tpu.enqueue_dma source(%arg4 : memref<1296xi32, #tpu.memory_space<hbm>>) target(%arg18 : memref<1296xi32, #tpu.memory_space<vmem>>) target_semaphore(%run_scoped3A : memref<!tpu.dma_semaphore, #tpu.memory_space<semaphore_mem>>)
      tpu.wait_dma2 semaphore(%run_scoped3A : memref<!tpu.dma_semaphore, #tpu.memory_space<semaphore_mem>>) src(%arg4 : memref<1296xi32, #tpu.memory_space<hbm>>) dst(%arg18 : memref<1296xi32, #tpu.memory_space<vmem>>)
      tpu.yield
    }) : () -> ()
    "tpu.region"() ({
      %run_scoped3A = tpu.sem_alloc : memref<!tpu.dma_semaphore, #tpu.memory_space<semaphore_mem>>
      %dma_start3A = arith.constant 0 : i32
      %dma_start3A_39 = tpu.memref_slice %arg5[%select_n3A, %dma_start3A] : memref<16x79872xf32, #tpu.memory_space<hbm>> -> memref<1x79872xf32, #tpu.memory_space<hbm>>
      %dma_start3A_40 = tpu.memref_squeeze %dma_start3A_39 : memref<1x79872xf32, #tpu.memory_space<hbm>> -> memref<79872xf32, #tpu.memory_space<hbm>>
      %dma_start3A_41 = arith.constant 0 : i32
      %dma_start3A_42 = tpu.memref_slice %arg5[%select_n3A, %dma_start3A_41] : memref<16x79872xf32, #tpu.memory_space<hbm>> -> memref<1x79872xf32, #tpu.memory_space<hbm>>
      %dma_start3A_43 = tpu.memref_squeeze %dma_start3A_42 : memref<1x79872xf32, #tpu.memory_space<hbm>> -> memref<79872xf32, #tpu.memory_space<hbm>>
      tpu.enqueue_dma source(%dma_start3A_43 : memref<79872xf32, #tpu.memory_space<hbm>>) target(%arg10 : memref<79872xf32, #tpu.memory_space<vmem>>) target_semaphore(%run_scoped3A : memref<!tpu.dma_semaphore, #tpu.memory_space<semaphore_mem>>)
      %dma_wait3A = arith.constant 0 : i32
      %dma_wait3A_44 = tpu.memref_slice %arg5[%select_n3A, %dma_wait3A] : memref<16x79872xf32, #tpu.memory_space<hbm>> -> memref<1x79872xf32, #tpu.memory_space<hbm>>
      %dma_wait3A_45 = tpu.memref_squeeze %dma_wait3A_44 : memref<1x79872xf32, #tpu.memory_space<hbm>> -> memref<79872xf32, #tpu.memory_space<hbm>>
      %dma_wait3A_46 = arith.constant 0 : i32
      %dma_wait3A_47 = tpu.memref_slice %arg5[%select_n3A, %dma_wait3A_46] : memref<16x79872xf32, #tpu.memory_space<hbm>> -> memref<1x79872xf32, #tpu.memory_space<hbm>>
      %dma_wait3A_48 = tpu.memref_squeeze %dma_wait3A_47 : memref<1x79872xf32, #tpu.memory_space<hbm>> -> memref<79872xf32, #tpu.memory_space<hbm>>
      tpu.wait_dma2 semaphore(%run_scoped3A : memref<!tpu.dma_semaphore, #tpu.memory_space<semaphore_mem>>) src(%dma_wait3A_48 : memref<79872xf32, #tpu.memory_space<hbm>>) dst(%arg10 : memref<79872xf32, #tpu.memory_space<vmem>>)
      tpu.yield
    }) : () -> ()
    %iota3A = tpu.iota {dimensions = array<i32: 0>} : vector<16xi32>
    %scan3A = arith.constant 0 : i32
    %scan3A_33 = arith.constant 0 : i32
    %scan3A_34 = arith.constant 40 : i32
    %scan3A_35 = arith.addi %scan3A_33, %scan3A_34 : i32
    %scan3A_36 = arith.constant 1 : i32
    %scan3A_37 = scf.for %scan3A_39 = %scan3A_33 to %scan3A_35 step %scan3A_36 iter_args(%scan3A_40 = %scan3A) -> (i32)  : i32 {
      %add3A_41 = arith.addi %mul3A_32, %scan3A_39 : i32
      %add3A_42 = arith.constant 1 : i32
      %add3A_43 = arith.addi %add3A_41, %add3A_42 : i32
      "tpu.region"() ({
        %run_scoped3A_79 = tpu.sem_alloc : memref<!tpu.dma_semaphore, #tpu.memory_space<semaphore_mem>>
        %dma_start3A = arith.constant 0 : i32
        %dma_start3A_80 = tpu.memref_slice %arg2[%select_n3A, %add3A_43, %dma_start3A] : memref<16x81x19968xf32, #tpu.memory_space<hbm>> -> memref<1x1x19968xf32, #tpu.memory_space<hbm>>
        %dma_start3A_81 = tpu.memref_squeeze %dma_start3A_80 : memref<1x1x19968xf32, #tpu.memory_space<hbm>> -> memref<19968xf32, #tpu.memory_space<hbm>>
        %dma_start3A_82 = arith.constant 0 : i32
        %dma_start3A_83 = tpu.memref_slice %arg2[%select_n3A, %add3A_43, %dma_start3A_82] : memref<16x81x19968xf32, #tpu.memory_space<hbm>> -> memref<1x1x19968xf32, #tpu.memory_space<hbm>>
        %dma_start3A_84 = tpu.memref_squeeze %dma_start3A_83 : memref<1x1x19968xf32, #tpu.memory_space<hbm>> -> memref<19968xf32, #tpu.memory_space<hbm>>
        tpu.enqueue_dma source(%dma_start3A_84 : memref<19968xf32, #tpu.memory_space<hbm>>) target(%arg9 : memref<19968xf32, #tpu.memory_space<vmem>>) target_semaphore(%run_scoped3A_79 : memref<!tpu.dma_semaphore, #tpu.memory_space<semaphore_mem>>)
        %dma_wait3A = arith.constant 0 : i32
        %dma_wait3A_85 = tpu.memref_slice %arg2[%select_n3A, %add3A_43, %dma_wait3A] : memref<16x81x19968xf32, #tpu.memory_space<hbm>> -> memref<1x1x19968xf32, #tpu.memory_space<hbm>>
        %dma_wait3A_86 = tpu.memref_squeeze %dma_wait3A_85 : memref<1x1x19968xf32, #tpu.memory_space<hbm>> -> memref<19968xf32, #tpu.memory_space<hbm>>
        %dma_wait3A_87 = arith.constant 0 : i32
        %dma_wait3A_88 = tpu.memref_slice %arg2[%select_n3A, %add3A_43, %dma_wait3A_87] : memref<16x81x19968xf32, #tpu.memory_space<hbm>> -> memref<1x1x19968xf32, #tpu.memory_space<hbm>>
        %dma_wait3A_89 = tpu.memref_squeeze %dma_wait3A_88 : memref<1x1x19968xf32, #tpu.memory_space<hbm>> -> memref<19968xf32, #tpu.memory_space<hbm>>
        tpu.wait_dma2 semaphore(%run_scoped3A_79 : memref<!tpu.dma_semaphore, #tpu.memory_space<semaphore_mem>>) src(%dma_wait3A_89 : memref<19968xf32, #tpu.memory_space<hbm>>) dst(%arg9 : memref<19968xf32, #tpu.memory_space<vmem>>)
        tpu.yield
      }) : () -> ()
      %mul3A_44 = arith.constant 81 : i32
      %mul3A_45 = arith.muli %select_n3A, %mul3A_44 : i32
      %add3A_46 = arith.addi %mul3A_45, %add3A_43 : i32
      %broadcast_in_dim3A = vector.broadcast %add3A_46 : i32 to vector<16xi32>
      %gather3A = tpu.vector_load_idx %arg17[%broadcast_in_dim3A] : memref<1296xf32, #tpu.memory_space<vmem>>[vector<16xi32>], vector<16xf32>,
      %gather3A_47 = tpu.vector_load_idx %arg18[%broadcast_in_dim3A] : memref<1296xi32, #tpu.memory_space<vmem>>[vector<16xi32>], vector<16xi32>,
      %scan3A_48 = arith.constant 0 : i32
      %scan3A_49 = arith.constant 0 : i32
      %scan3A_50 = arith.constant 0 : i32
      %scan3A_51 = arith.constant 1248 : i32
      %scan3A_52 = arith.addi %scan3A_50, %scan3A_51 : i32
      %scan3A_53 = arith.constant 1 : i32
      %scan3A_54:2 = scf.for %scan3A_79 = %scan3A_50 to %scan3A_52 step %scan3A_53 iter_args(%scan3A_80 = %scan3A_48, %scan3A_81 = %scan3A_49) -> (i32, i32)  : i32 {
        %mul3A_82 = arith.constant 16 : i32
        %mul3A_83 = arith.muli %scan3A_79, %mul3A_82 : i32
        %get3A = arith.index_cast %mul3A_83 : i32 to index
        %get3A_84 = tpu.vector_load %arg9[%get3A] {strides = array<i32>} : memref<19968xf32, #tpu.memory_space<vmem>>, vector<16xf32>,
        %mul3A_85 = arith.constant 16 : i32
        %mul3A_86 = arith.muli %scan3A_79, %mul3A_85 : i32
        %add3A_87 = vector.broadcast %mul3A_86 : i32 to vector<16xi32>
        %add3A_88 = arith.addi %iota3A, %add3A_87 : vector<16xi32>
        %gt3A = arith.cmpf ogt, %get3A_84, %gather3A : vector<16xf32>
        %eq3A_89 = arith.cmpf oeq, %get3A_84, %gather3A : vector<16xf32>
        %convert_element_type3A = arith.extui %eq3A_89 : vector<16xi1> to vector<16xi32>
        %cumsum3A = arith.constant true
        %cumsum3A_90 = vector.broadcast %cumsum3A : i1 to vector<16xi1>
        %cumsum3A_91 = tpu.scan <sum>, %convert_element_type3A masked %cumsum3A_90 : vector<16xi32>, vector<16xi1> -> vector<16xi32>
        %sub3A_92 = arith.constant 1 : i32
        %sub3A_93 = arith.subi %scan3A_81, %sub3A_92 : i32
        %add3A_94 = vector.broadcast %sub3A_93 : i32 to vector<16xi32>
        %add3A_95 = arith.addi %cumsum3A_91, %add3A_94 : vector<16xi32>
        %lt3A_96 = arith.cmpi slt, %add3A_95, %gather3A_47 : vector<16xi32>
        %and3A_97 = arith.andi %eq3A_89, %lt3A_96 : vector<16xi1>
        %or3A = arith.ori %gt3A, %and3A_97 : vector<16xi1>
        %convert_element_type3A_98 = arith.extui %or3A : vector<16xi1> to vector<16xi32>
        %reduce_sum3A = arith.constant true
        %reduce_sum3A_99 = vector.broadcast %reduce_sum3A : i1 to vector<16xi1>
        %reduce_sum3A_100 = tpu.scan <sum>, %convert_element_type3A_98 masked %reduce_sum3A_99 : vector<16xi32>, vector<16xi1> -> vector<16xi32>
        %reduce_sum3A_101 = vector.extract %reduce_sum3A_100[15] : i32 from vector<16xi32>
        %convert_element_type3A_102 = arith.extui %eq3A_89 : vector<16xi1> to vector<16xi32>
        %reduce_sum3A_103 = arith.constant true
        %reduce_sum3A_104 = vector.broadcast %reduce_sum3A_103 : i1 to vector<16xi1>
        %reduce_sum3A_105 = tpu.scan <sum>, %convert_element_type3A_102 masked %reduce_sum3A_104 : vector<16xi32>, vector<16xi1> -> vector<16xi32>
        %reduce_sum3A_106 = vector.extract %reduce_sum3A_105[15] : i32 from vector<16xi32>
        %swap3A = arith.index_cast %scan3A_80 : i32 to index
        %swap3A_107 = tpu.vector_load %arg11[%swap3A] masked %or3A {strides = array<i32>} : memref<256xi32, #tpu.memory_space<vmem>>, vector<16xi32>, vector<16xi1>
        tpu.vector_store %arg11[%swap3A], %add3A_88 masked %or3A {strides = array<i32>} : memref<256xi32, #tpu.memory_space<vmem>>, vector<16xi32>, vector<16xi1>
        %swap3A_108 = arith.index_cast %scan3A_80 : i32 to index
        %swap3A_109 = tpu.vector_load %arg12[%swap3A_108] masked %or3A {strides = array<i32>} : memref<256xf32, #tpu.memory_space<vmem>>, vector<16xf32>, vector<16xi1>
        tpu.vector_store %arg12[%swap3A_108], %get3A_84 masked %or3A {strides = array<i32>} : memref<256xf32, #tpu.memory_space<vmem>>, vector<16xf32>, vector<16xi1>
        %add3A_110 = arith.addi %scan3A_80, %reduce_sum3A_101 : i32
        %add3A_111 = arith.addi %scan3A_81, %reduce_sum3A_106 : i32
        scf.yield %add3A_110, %add3A_111 : i32, i32
      }
      %scan3A_55 = arith.constant 1248 : i32
      %scan3A_56 = arith.constant 0 : i32
      %scan3A_57 = arith.constant 0 : i32
      %scan3A_58 = arith.constant 13 : i32
      %scan3A_59 = arith.addi %scan3A_57, %scan3A_58 : i32
      %scan3A_60 = arith.constant 1 : i32
      %scan3A_61 = scf.for %scan3A_79 = %scan3A_57 to %scan3A_59 step %scan3A_60 iter_args(%scan3A_80 = %scan3A_56) -> (i32)  : i32 {
        %mul3A_81 = arith.constant 16 : i32
        %mul3A_82 = arith.muli %scan3A_79, %mul3A_81 : i32
        %get3A = arith.index_cast %mul3A_82 : i32 to index
        %get3A_83 = tpu.vector_load %arg11[%get3A] {strides = array<i32>} : memref<256xi32, #tpu.memory_space<vmem>>, vector<16xi32>,
        %max3A = arith.constant 0 : i32
        %max3A_84 = vector.broadcast %max3A : i32 to vector<16xi32>
        %max3A_85 = arith.maxsi %get3A_83, %max3A_84 : vector<16xi32>
        %min3A = arith.constant 19967 : i32
        %min3A_86 = vector.broadcast %min3A : i32 to vector<16xi32>
        %min3A_87 = arith.minsi %max3A_85, %min3A_86 : vector<16xi32>
        %mul3A_88 = arith.constant 4 : i32
        %mul3A_89 = vector.broadcast %mul3A_88 : i32 to vector<16xi32>
        %mul3A_90 = arith.muli %min3A_87, %mul3A_89 : vector<16xi32>
        %add3A_91 = arith.constant 0 : i32
        %add3A_92 = vector.broadcast %add3A_91 : i32 to vector<16xi32>
        %add3A_93 = arith.addi %mul3A_90, %add3A_92 : vector<16xi32>
        %gather3A_94 = tpu.vector_load_idx %arg10[%add3A_93] : memref<79872xf32, #tpu.memory_space<vmem>>[vector<16xi32>], vector<16xf32>,
        %mul3A_95 = arith.constant 16 : i32
        %mul3A_96 = arith.muli %scan3A_79, %mul3A_95 : i32
        %swap3A = arith.index_cast %mul3A_96 : i32 to index
        %swap3A_97 = tpu.vector_load %arg13[%swap3A] {strides = array<i32>} : memref<256xf32, #tpu.memory_space<vmem>>, vector<16xf32>,
        tpu.vector_store %arg13[%swap3A], %gather3A_94 {strides = array<i32>} : memref<256xf32, #tpu.memory_space<vmem>>, vector<16xf32>,
        %add3A_98 = arith.constant 1 : i32
        %add3A_99 = vector.broadcast %add3A_98 : i32 to vector<16xi32>
        %add3A_100 = arith.addi %mul3A_90, %add3A_99 : vector<16xi32>
        %gather3A_101 = tpu.vector_load_idx %arg10[%add3A_100] : memref<79872xf32, #tpu.memory_space<vmem>>[vector<16xi32>], vector<16xf32>,
        %mul3A_102 = arith.constant 16 : i32
        %mul3A_103 = arith.muli %scan3A_79, %mul3A_102 : i32
        %swap3A_104 = arith.index_cast %mul3A_103 : i32 to index
        %swap3A_105 = tpu.vector_load %arg14[%swap3A_104] {strides = array<i32>} : memref<256xf32, #tpu.memory_space<vmem>>, vector<16xf32>,
        tpu.vector_store %arg14[%swap3A_104], %gather3A_101 {strides = array<i32>} : memref<256xf32, #tpu.memory_space<vmem>>, vector<16xf32>,
        %add3A_106 = arith.constant 2 : i32
        %add3A_107 = vector.broadcast %add3A_106 : i32 to vector<16xi32>
        %add3A_108 = arith.addi %mul3A_90, %add3A_107 : vector<16xi32>
        %gather3A_109 = tpu.vector_load_idx %arg10[%add3A_108] : memref<79872xf32, #tpu.memory_space<vmem>>[vector<16xi32>], vector<16xf32>,
        %mul3A_110 = arith.constant 16 : i32
        %mul3A_111 = arith.muli %scan3A_79, %mul3A_110 : i32
        %swap3A_112 = arith.index_cast %mul3A_111 : i32 to index
        %swap3A_113 = tpu.vector_load %arg15[%swap3A_112] {strides = array<i32>} : memref<256xf32, #tpu.memory_space<vmem>>, vector<16xf32>,
        tpu.vector_store %arg15[%swap3A_112], %gather3A_109 {strides = array<i32>} : memref<256xf32, #tpu.memory_space<vmem>>, vector<16xf32>,
        %add3A_114 = arith.constant 3 : i32
        %add3A_115 = vector.broadcast %add3A_114 : i32 to vector<16xi32>
        %add3A_116 = arith.addi %mul3A_90, %add3A_115 : vector<16xi32>
        %gather3A_117 = tpu.vector_load_idx %arg10[%add3A_116] : memref<79872xf32, #tpu.memory_space<vmem>>[vector<16xi32>], vector<16xf32>,
        %mul3A_118 = arith.constant 16 : i32
        %mul3A_119 = arith.muli %scan3A_79, %mul3A_118 : i32
        %swap3A_120 = arith.index_cast %mul3A_119 : i32 to index
        %swap3A_121 = tpu.vector_load %arg16[%swap3A_120] {strides = array<i32>} : memref<256xf32, #tpu.memory_space<vmem>>, vector<16xf32>,
        tpu.vector_store %arg16[%swap3A_120], %gather3A_117 {strides = array<i32>} : memref<256xf32, #tpu.memory_space<vmem>>, vector<16xf32>,
        %scan3A_122 = arith.constant 0 : i32
        scf.yield %scan3A_122 : i32
      }
      %scan3A_62 = arith.constant 13 : i32
      %sub3A_63 = arith.constant 1 : i32
      %sub3A_64 = arith.subi %add3A_43, %sub3A_63 : i32
      "tpu.region"() ({
        %run_scoped3A_79 = tpu.sem_alloc : memref<!tpu.dma_semaphore, #tpu.memory_space<semaphore_mem>>
        %dma_start3A = arith.constant 0 : i32
        %dma_start3A_80 = tpu.memref_slice %arg6[%select_n3A, %sub3A_64, %dma_start3A] : memref<16x80x256xi32, #tpu.memory_space<hbm>> -> memref<1x1x256xi32, #tpu.memory_space<hbm>>
        %dma_start3A_81 = tpu.memref_squeeze %dma_start3A_80 : memref<1x1x256xi32, #tpu.memory_space<hbm>> -> memref<256xi32, #tpu.memory_space<hbm>>
        %dma_start3A_82 = arith.constant 0 : i32
        %dma_start3A_83 = tpu.memref_slice %arg6[%select_n3A, %sub3A_64, %dma_start3A_82] : memref<16x80x256xi32, #tpu.memory_space<hbm>> -> memref<1x1x256xi32, #tpu.memory_space<hbm>>
        %dma_start3A_84 = tpu.memref_squeeze %dma_start3A_83 : memref<1x1x256xi32, #tpu.memory_space<hbm>> -> memref<256xi32, #tpu.memory_space<hbm>>
        tpu.enqueue_dma source(%arg11 : memref<256xi32, #tpu.memory_space<vmem>>) target(%dma_start3A_84 : memref<256xi32, #tpu.memory_space<hbm>>) target_semaphore(%run_scoped3A_79 : memref<!tpu.dma_semaphore, #tpu.memory_space<semaphore_mem>>)
        %dma_wait3A = arith.constant 0 : i32
        %dma_wait3A_85 = tpu.memref_slice %arg6[%select_n3A, %sub3A_64, %dma_wait3A] : memref<16x80x256xi32, #tpu.memory_space<hbm>> -> memref<1x1x256xi32, #tpu.memory_space<hbm>>
        %dma_wait3A_86 = tpu.memref_squeeze %dma_wait3A_85 : memref<1x1x256xi32, #tpu.memory_space<hbm>> -> memref<256xi32, #tpu.memory_space<hbm>>
        %dma_wait3A_87 = arith.constant 0 : i32
        %dma_wait3A_88 = tpu.memref_slice %arg6[%select_n3A, %sub3A_64, %dma_wait3A_87] : memref<16x80x256xi32, #tpu.memory_space<hbm>> -> memref<1x1x256xi32, #tpu.memory_space<hbm>>
        %dma_wait3A_89 = tpu.memref_squeeze %dma_wait3A_88 : memref<1x1x256xi32, #tpu.memory_space<hbm>> -> memref<256xi32, #tpu.memory_space<hbm>>
        tpu.wait_dma2 semaphore(%run_scoped3A_79 : memref<!tpu.dma_semaphore, #tpu.memory_space<semaphore_mem>>) src(%arg11 : memref<256xi32, #tpu.memory_space<vmem>>) dst(%dma_wait3A_89 : memref<256xi32, #tpu.memory_space<hbm>>)
        tpu.yield
      }) : () -> ()
      %sub3A_65 = arith.constant 1 : i32
      %sub3A_66 = arith.subi %add3A_43, %sub3A_65 : i32
      "tpu.region"() ({
        %run_scoped3A_79 = tpu.sem_alloc : memref<!tpu.dma_semaphore, #tpu.memory_space<semaphore_mem>>
        %dma_start3A = arith.constant 0 : i32
        %dma_start3A_80 = tpu.memref_slice %arg7[%select_n3A, %sub3A_66, %dma_start3A] : memref<16x80x256xf32, #tpu.memory_space<hbm>> -> memref<1x1x256xf32, #tpu.memory_space<hbm>>
        %dma_start3A_81 = tpu.memref_squeeze %dma_start3A_80 : memref<1x1x256xf32, #tpu.memory_space<hbm>> -> memref<256xf32, #tpu.memory_space<hbm>>
        %dma_start3A_82 = arith.constant 0 : i32
        %dma_start3A_83 = tpu.memref_slice %arg7[%select_n3A, %sub3A_66, %dma_start3A_82] : memref<16x80x256xf32, #tpu.memory_space<hbm>> -> memref<1x1x256xf32, #tpu.memory_space<hbm>>
        %dma_start3A_84 = tpu.memref_squeeze %dma_start3A_83 : memref<1x1x256xf32, #tpu.memory_space<hbm>> -> memref<256xf32, #tpu.memory_space<hbm>>
        tpu.enqueue_dma source(%arg12 : memref<256xf32, #tpu.memory_space<vmem>>) target(%dma_start3A_84 : memref<256xf32, #tpu.memory_space<hbm>>) target_semaphore(%run_scoped3A_79 : memref<!tpu.dma_semaphore, #tpu.memory_space<semaphore_mem>>)
        %dma_wait3A = arith.constant 0 : i32
        %dma_wait3A_85 = tpu.memref_slice %arg7[%select_n3A, %sub3A_66, %dma_wait3A] : memref<16x80x256xf32, #tpu.memory_space<hbm>> -> memref<1x1x256xf32, #tpu.memory_space<hbm>>
        %dma_wait3A_86 = tpu.memref_squeeze %dma_wait3A_85 : memref<1x1x256xf32, #tpu.memory_space<hbm>> -> memref<256xf32, #tpu.memory_space<hbm>>
        %dma_wait3A_87 = arith.constant 0 : i32
        %dma_wait3A_88 = tpu.memref_slice %arg7[%select_n3A, %sub3A_66, %dma_wait3A_87] : memref<16x80x256xf32, #tpu.memory_space<hbm>> -> memref<1x1x256xf32, #tpu.memory_space<hbm>>
        %dma_wait3A_89 = tpu.memref_squeeze %dma_wait3A_88 : memref<1x1x256xf32, #tpu.memory_space<hbm>> -> memref<256xf32, #tpu.memory_space<hbm>>
        tpu.wait_dma2 semaphore(%run_scoped3A_79 : memref<!tpu.dma_semaphore, #tpu.memory_space<semaphore_mem>>) src(%arg12 : memref<256xf32, #tpu.memory_space<vmem>>) dst(%dma_wait3A_89 : memref<256xf32, #tpu.memory_space<hbm>>)
        tpu.yield
      }) : () -> ()
      %sub3A_67 = arith.constant 1 : i32
      %sub3A_68 = arith.subi %add3A_43, %sub3A_67 : i32
      %run_scoped3A = arith.constant 0 : i32
      "tpu.region"() ({
        %run_scoped3A_79 = tpu.sem_alloc : memref<!tpu.dma_semaphore, #tpu.memory_space<semaphore_mem>>
        %dma_start3A = arith.constant 0 : i32
        %dma_start3A_80 = tpu.memref_slice %arg8[%select_n3A, %sub3A_68, %run_scoped3A, %dma_start3A] : memref<16x80x4x256xf32, #tpu.memory_space<hbm>> -> memref<1x1x1x256xf32, #tpu.memory_space<hbm>>
        %dma_start3A_81 = tpu.memref_squeeze %dma_start3A_80 : memref<1x1x1x256xf32, #tpu.memory_space<hbm>> -> memref<256xf32, #tpu.memory_space<hbm>>
        %dma_start3A_82 = arith.constant 0 : i32
        %dma_start3A_83 = tpu.memref_slice %arg8[%select_n3A, %sub3A_68, %run_scoped3A, %dma_start3A_82] : memref<16x80x4x256xf32, #tpu.memory_space<hbm>> -> memref<1x1x1x256xf32, #tpu.memory_space<hbm>>
        %dma_start3A_84 = tpu.memref_squeeze %dma_start3A_83 : memref<1x1x1x256xf32, #tpu.memory_space<hbm>> -> memref<256xf32, #tpu.memory_space<hbm>>
        tpu.enqueue_dma source(%arg13 : memref<256xf32, #tpu.memory_space<vmem>>) target(%dma_start3A_84 : memref<256xf32, #tpu.memory_space<hbm>>) target_semaphore(%run_scoped3A_79 : memref<!tpu.dma_semaphore, #tpu.memory_space<semaphore_mem>>)
        %dma_wait3A = arith.constant 0 : i32
        %dma_wait3A_85 = tpu.memref_slice %arg8[%select_n3A, %sub3A_68, %run_scoped3A, %dma_wait3A] : memref<16x80x4x256xf32, #tpu.memory_space<hbm>> -> memref<1x1x1x256xf32, #tpu.memory_space<hbm>>
        %dma_wait3A_86 = tpu.memref_squeeze %dma_wait3A_85 : memref<1x1x1x256xf32, #tpu.memory_space<hbm>> -> memref<256xf32, #tpu.memory_space<hbm>>
        %dma_wait3A_87 = arith.constant 0 : i32
        %dma_wait3A_88 = tpu.memref_slice %arg8[%select_n3A, %sub3A_68, %run_scoped3A, %dma_wait3A_87] : memref<16x80x4x256xf32, #tpu.memory_space<hbm>> -> memref<1x1x1x256xf32, #tpu.memory_space<hbm>>
        %dma_wait3A_89 = tpu.memref_squeeze %dma_wait3A_88 : memref<1x1x1x256xf32, #tpu.memory_space<hbm>> -> memref<256xf32, #tpu.memory_space<hbm>>
        tpu.wait_dma2 semaphore(%run_scoped3A_79 : memref<!tpu.dma_semaphore, #tpu.memory_space<semaphore_mem>>) src(%arg13 : memref<256xf32, #tpu.memory_space<vmem>>) dst(%dma_wait3A_89 : memref<256xf32, #tpu.memory_space<hbm>>)
        tpu.yield
      }) : () -> ()
      %sub3A_69 = arith.constant 1 : i32
      %sub3A_70 = arith.subi %add3A_43, %sub3A_69 : i32
      %run_scoped3A_71 = arith.constant 1 : i32
      "tpu.region"() ({
        %run_scoped3A_79 = tpu.sem_alloc : memref<!tpu.dma_semaphore, #tpu.memory_space<semaphore_mem>>
        %dma_start3A = arith.constant 0 : i32
        %dma_start3A_80 = tpu.memref_slice %arg8[%select_n3A, %sub3A_70, %run_scoped3A_71, %dma_start3A] : memref<16x80x4x256xf32, #tpu.memory_space<hbm>> -> memref<1x1x1x256xf32, #tpu.memory_space<hbm>>
        %dma_start3A_81 = tpu.memref_squeeze %dma_start3A_80 : memref<1x1x1x256xf32, #tpu.memory_space<hbm>> -> memref<256xf32, #tpu.memory_space<hbm>>
        %dma_start3A_82 = arith.constant 0 : i32
        %dma_start3A_83 = tpu.memref_slice %arg8[%select_n3A, %sub3A_70, %run_scoped3A_71, %dma_start3A_82] : memref<16x80x4x256xf32, #tpu.memory_space<hbm>> -> memref<1x1x1x256xf32, #tpu.memory_space<hbm>>
        %dma_start3A_84 = tpu.memref_squeeze %dma_start3A_83 : memref<1x1x1x256xf32, #tpu.memory_space<hbm>> -> memref<256xf32, #tpu.memory_space<hbm>>
        tpu.enqueue_dma source(%arg14 : memref<256xf32, #tpu.memory_space<vmem>>) target(%dma_start3A_84 : memref<256xf32, #tpu.memory_space<hbm>>) target_semaphore(%run_scoped3A_79 : memref<!tpu.dma_semaphore, #tpu.memory_space<semaphore_mem>>)
        %dma_wait3A = arith.constant 0 : i32
        %dma_wait3A_85 = tpu.memref_slice %arg8[%select_n3A, %sub3A_70, %run_scoped3A_71, %dma_wait3A] : memref<16x80x4x256xf32, #tpu.memory_space<hbm>> -> memref<1x1x1x256xf32, #tpu.memory_space<hbm>>
        %dma_wait3A_86 = tpu.memref_squeeze %dma_wait3A_85 : memref<1x1x1x256xf32, #tpu.memory_space<hbm>> -> memref<256xf32, #tpu.memory_space<hbm>>
        %dma_wait3A_87 = arith.constant 0 : i32
        %dma_wait3A_88 = tpu.memref_slice %arg8[%select_n3A, %sub3A_70, %run_scoped3A_71, %dma_wait3A_87] : memref<16x80x4x256xf32, #tpu.memory_space<hbm>> -> memref<1x1x1x256xf32, #tpu.memory_space<hbm>>
        %dma_wait3A_89 = tpu.memref_squeeze %dma_wait3A_88 : memref<1x1x1x256xf32, #tpu.memory_space<hbm>> -> memref<256xf32, #tpu.memory_space<hbm>>
        tpu.wait_dma2 semaphore(%run_scoped3A_79 : memref<!tpu.dma_semaphore, #tpu.memory_space<semaphore_mem>>) src(%arg14 : memref<256xf32, #tpu.memory_space<vmem>>) dst(%dma_wait3A_89 : memref<256xf32, #tpu.memory_space<hbm>>)
        tpu.yield
      }) : () -> ()
      %sub3A_72 = arith.constant 1 : i32
      %sub3A_73 = arith.subi %add3A_43, %sub3A_72 : i32
      %run_scoped3A_74 = arith.constant 2 : i32
      "tpu.region"() ({
        %run_scoped3A_79 = tpu.sem_alloc : memref<!tpu.dma_semaphore, #tpu.memory_space<semaphore_mem>>
        %dma_start3A = arith.constant 0 : i32
        %dma_start3A_80 = tpu.memref_slice %arg8[%select_n3A, %sub3A_73, %run_scoped3A_74, %dma_start3A] : memref<16x80x4x256xf32, #tpu.memory_space<hbm>> -> memref<1x1x1x256xf32, #tpu.memory_space<hbm>>
        %dma_start3A_81 = tpu.memref_squeeze %dma_start3A_80 : memref<1x1x1x256xf32, #tpu.memory_space<hbm>> -> memref<256xf32, #tpu.memory_space<hbm>>
        %dma_start3A_82 = arith.constant 0 : i32
        %dma_start3A_83 = tpu.memref_slice %arg8[%select_n3A, %sub3A_73, %run_scoped3A_74, %dma_start3A_82] : memref<16x80x4x256xf32, #tpu.memory_space<hbm>> -> memref<1x1x1x256xf32, #tpu.memory_space<hbm>>
        %dma_start3A_84 = tpu.memref_squeeze %dma_start3A_83 : memref<1x1x1x256xf32, #tpu.memory_space<hbm>> -> memref<256xf32, #tpu.memory_space<hbm>>
        tpu.enqueue_dma source(%arg15 : memref<256xf32, #tpu.memory_space<vmem>>) target(%dma_start3A_84 : memref<256xf32, #tpu.memory_space<hbm>>) target_semaphore(%run_scoped3A_79 : memref<!tpu.dma_semaphore, #tpu.memory_space<semaphore_mem>>)
        %dma_wait3A = arith.constant 0 : i32
        %dma_wait3A_85 = tpu.memref_slice %arg8[%select_n3A, %sub3A_73, %run_scoped3A_74, %dma_wait3A] : memref<16x80x4x256xf32, #tpu.memory_space<hbm>> -> memref<1x1x1x256xf32, #tpu.memory_space<hbm>>
        %dma_wait3A_86 = tpu.memref_squeeze %dma_wait3A_85 : memref<1x1x1x256xf32, #tpu.memory_space<hbm>> -> memref<256xf32, #tpu.memory_space<hbm>>
        %dma_wait3A_87 = arith.constant 0 : i32
        %dma_wait3A_88 = tpu.memref_slice %arg8[%select_n3A, %sub3A_73, %run_scoped3A_74, %dma_wait3A_87] : memref<16x80x4x256xf32, #tpu.memory_space<hbm>> -> memref<1x1x1x256xf32, #tpu.memory_space<hbm>>
        %dma_wait3A_89 = tpu.memref_squeeze %dma_wait3A_88 : memref<1x1x1x256xf32, #tpu.memory_space<hbm>> -> memref<256xf32, #tpu.memory_space<hbm>>
        tpu.wait_dma2 semaphore(%run_scoped3A_79 : memref<!tpu.dma_semaphore, #tpu.memory_space<semaphore_mem>>) src(%arg15 : memref<256xf32, #tpu.memory_space<vmem>>) dst(%dma_wait3A_89 : memref<256xf32, #tpu.memory_space<hbm>>)
        tpu.yield
      }) : () -> ()
      %sub3A_75 = arith.constant 1 : i32
      %sub3A_76 = arith.subi %add3A_43, %sub3A_75 : i32
      %run_scoped3A_77 = arith.constant 3 : i32
      "tpu.region"() ({
        %run_scoped3A_79 = tpu.sem_alloc : memref<!tpu.dma_semaphore, #tpu.memory_space<semaphore_mem>>
        %dma_start3A = arith.constant 0 : i32
        %dma_start3A_80 = tpu.memref_slice %arg8[%select_n3A, %sub3A_76, %run_scoped3A_77, %dma_start3A] : memref<16x80x4x256xf32, #tpu.memory_space<hbm>> -> memref<1x1x1x256xf32, #tpu.memory_space<hbm>>
        %dma_start3A_81 = tpu.memref_squeeze %dma_start3A_80 : memref<1x1x1x256xf32, #tpu.memory_space<hbm>> -> memref<256xf32, #tpu.memory_space<hbm>>
        %dma_start3A_82 = arith.constant 0 : i32
        %dma_start3A_83 = tpu.memref_slice %arg8[%select_n3A, %sub3A_76, %run_scoped3A_77, %dma_start3A_82] : memref<16x80x4x256xf32, #tpu.memory_space<hbm>> -> memref<1x1x1x256xf32, #tpu.memory_space<hbm>>
        %dma_start3A_84 = tpu.memref_squeeze %dma_start3A_83 : memref<1x1x1x256xf32, #tpu.memory_space<hbm>> -> memref<256xf32, #tpu.memory_space<hbm>>
        tpu.enqueue_dma source(%arg16 : memref<256xf32, #tpu.memory_space<vmem>>) target(%dma_start3A_84 : memref<256xf32, #tpu.memory_space<hbm>>) target_semaphore(%run_scoped3A_79 : memref<!tpu.dma_semaphore, #tpu.memory_space<semaphore_mem>>)
        %dma_wait3A = arith.constant 0 : i32
        %dma_wait3A_85 = tpu.memref_slice %arg8[%select_n3A, %sub3A_76, %run_scoped3A_77, %dma_wait3A] : memref<16x80x4x256xf32, #tpu.memory_space<hbm>> -> memref<1x1x1x256xf32, #tpu.memory_space<hbm>>
        %dma_wait3A_86 = tpu.memref_squeeze %dma_wait3A_85 : memref<1x1x1x256xf32, #tpu.memory_space<hbm>> -> memref<256xf32, #tpu.memory_space<hbm>>
        %dma_wait3A_87 = arith.constant 0 : i32
        %dma_wait3A_88 = tpu.memref_slice %arg8[%select_n3A, %sub3A_76, %run_scoped3A_77, %dma_wait3A_87] : memref<16x80x4x256xf32, #tpu.memory_space<hbm>> -> memref<1x1x1x256xf32, #tpu.memory_space<hbm>>
        %dma_wait3A_89 = tpu.memref_squeeze %dma_wait3A_88 : memref<1x1x1x256xf32, #tpu.memory_space<hbm>> -> memref<256xf32, #tpu.memory_space<hbm>>
        tpu.wait_dma2 semaphore(%run_scoped3A_79 : memref<!tpu.dma_semaphore, #tpu.memory_space<semaphore_mem>>) src(%arg16 : memref<256xf32, #tpu.memory_space<vmem>>) dst(%dma_wait3A_89 : memref<256xf32, #tpu.memory_space<hbm>>)
        tpu.yield
      }) : () -> ()
      %scan3A_78 = arith.constant 0 : i32
      scf.yield %scan3A_78 : i32
    }
    %scan3A_38 = arith.constant 40 : i32
    return
  }
}

module attributes {stable_mosaic.version = 14 : i64} {
  func.func @_stage1a_body(%arg0: i32, %arg1: i32, %arg2: memref<1x1664x81xf32, #tpu.memory_space<vmem>>, %arg3: memref<1x1664x4xf32, #tpu.memory_space<vmem>>, %arg4: memref<1664x4xf32, #tpu.memory_space<vmem>>, %arg5: memref<1x81x1664xf32, #tpu.memory_space<vmem>>, %arg6: memref<1x1664x4xf32, #tpu.memory_space<vmem>>) attributes {dimension_semantics = [#tpu.dimension_semantics<arbitrary>, #tpu.dimension_semantics<arbitrary>], iteration_bounds = array<i64: 16, 12>, scalar_prefetch = 0 : i64, scratch_operands = 0 : i64, tpu.core_type = #tpu.core_type<tc>, window_params = [{transform_indices = @transform_0, window_bounds = array<i64: 1, 1664, 81>}, {transform_indices = @transform_1, window_bounds = array<i64: 1, 1664, 4>}, {transform_indices = @transform_2, window_bounds = array<i64: 1664, 4>}, {transform_indices = @transform_3, window_bounds = array<i64: 1, 81, 1664>}, {transform_indices = @transform_4, window_bounds = array<i64: 1, 1664, 4>}]} {
    %mul3A = arith.constant 1664 : i32
    %mul3A_0 = arith.muli %arg1, %mul3A : i32
    %get3A = arith.constant 0 : index
    %get3A_1 = arith.constant 0 : index
    %get3A_2 = arith.constant 0 : index
    %get3A_3 = vector.load %arg2[%get3A, %get3A_1, %get3A_2] : memref<1x1664x81xf32, #tpu.memory_space<vmem>>, vector<1x1664x81xf32>
    %get3A_4 = vector.shape_cast %get3A_3 : vector<1x1664x81xf32> to vector<1664x81xf32>
    %reduce_max3A = arith.constant dense<0xFF800000> : vector<1664xf32>
    %reduce_max3A_5 = vector.multi_reduction <maximumf>, %get3A_4, %reduce_max3A [1] : vector<1664x81xf32> to vector<1664xf32>
    %broadcast_in_dim3A = vector.shape_cast %reduce_max3A_5 : vector<1664xf32> to vector<1664x1xf32>
    %sub3A = vector.broadcast %broadcast_in_dim3A : vector<1664x1xf32> to vector<1664x81xf32>
    %sub3A_6 = arith.subf %get3A_4, %sub3A : vector<1664x81xf32>
    %exp3A = math.exp %sub3A_6 : vector<1664x81xf32>
    %reduce_sum3A = arith.constant dense<0.000000e+00> : vector<1664xf32>
    %reduce_sum3A_7 = vector.multi_reduction <add>, %exp3A, %reduce_sum3A [1] : vector<1664x81xf32> to vector<1664xf32>
    %broadcast_in_dim3A_8 = vector.shape_cast %reduce_sum3A_7 : vector<1664xf32> to vector<1664x1xf32>
    %div3A = vector.broadcast %broadcast_in_dim3A_8 : vector<1664x1xf32> to vector<1664x81xf32>
    %div3A_9 = arith.divf %exp3A, %div3A : vector<1664x81xf32>
    %iota3A = tpu.iota {dimensions = array<i32: 1>} : vector<1664x81xi32>
    %ge3A = arith.constant 1 : i32
    %ge3A_10 = vector.broadcast %ge3A : i32 to vector<1664x81xi32>
    %ge3A_11 = arith.cmpi sge, %iota3A, %ge3A_10 : vector<1664x81xi32>
    %jit3A = arith.constant 0.000000e+00 : f32
    %broadcast_in_dim3A_12 = vector.broadcast %jit3A : f32 to vector<1664x81xf32>
    %select_n3A = arith.select %ge3A_11, %div3A_9, %broadcast_in_dim3A_12 : vector<1664x81xi1>, vector<1664x81xf32>
    %reduce_max3A_13 = arith.constant dense<0xFF800000> : vector<1664xf32>
    %reduce_max3A_14 = vector.multi_reduction <maximumf>, %select_n3A, %reduce_max3A_13 [1] : vector<1664x81xf32> to vector<1664xf32>
    %broadcast_in_dim3A_15 = vector.shape_cast %reduce_max3A_14 : vector<1664xf32> to vector<1664x1xf32>
    %gt3A = arith.constant 5.000000e-02 : f32
    %gt3A_16 = vector.broadcast %gt3A : f32 to vector<1664x1xf32>
    %gt3A_17 = arith.cmpf ogt, %broadcast_in_dim3A_15, %gt3A_16 : vector<1664x1xf32>
    %iota3A_18 = tpu.iota {dimensions = array<i32: 0>} : vector<1664x81xi32>
    %add3A = vector.broadcast %mul3A_0 : i32 to vector<1664x81xi32>
    %add3A_19 = arith.addi %add3A, %iota3A_18 : vector<1664x81xi32>
    %lt3A = arith.constant 18525 : i32
    %lt3A_20 = vector.broadcast %lt3A : i32 to vector<1664x81xi32>
    %lt3A_21 = arith.cmpi slt, %add3A_19, %lt3A_20 : vector<1664x81xi32>
    %convert_element_type3A = arith.extui %gt3A_17 : vector<1664x1xi1> to vector<1664x1xi32>
    %convert_element_type3A_22 = arith.sitofp %convert_element_type3A : vector<1664x1xi32> to vector<1664x1xf32>
    %mul3A_23 = vector.broadcast %convert_element_type3A_22 : vector<1664x1xf32> to vector<1664x81xf32>
    %mul3A_24 = arith.mulf %select_n3A, %mul3A_23 : vector<1664x81xf32>
    %jit3A_25 = arith.constant 0.000000e+00 : f32
    %broadcast_in_dim3A_26 = vector.broadcast %jit3A_25 : f32 to vector<1664x81xf32>
    %select_n3A_27 = arith.select %lt3A_21, %mul3A_24, %broadcast_in_dim3A_26 : vector<1664x81xi1>, vector<1664x81xf32>
    %transpose3A = tpu.transpose %select_n3A_27, [1, 0] : vector<1664x81xf32> -> vector<81x1664xf32>
    %swap3A = arith.constant 0 : index
    %swap3A_28 = arith.constant 0 : index
    %swap3A_29 = arith.constant 0 : index
    %swap3A_30 = vector.load %arg5[%swap3A, %swap3A_28, %swap3A_29] : memref<1x81x1664xf32, #tpu.memory_space<vmem>>, vector<1x81x1664xf32>
    %swap3A_31 = vector.shape_cast %swap3A_30 : vector<1x81x1664xf32> to vector<81x1664xf32>
    %swap3A_32 = vector.shape_cast %transpose3A : vector<81x1664xf32> to vector<1x81x1664xf32>
    tpu.vector_store %arg5[%swap3A, %swap3A_28, %swap3A_29], %swap3A_32 {strides = array<i32>} : memref<1x81x1664xf32, #tpu.memory_space<vmem>>, vector<1x81x1664xf32>,
    %get3A_33 = arith.constant 0 : index
    %get3A_34 = arith.constant 0 : index
    %get3A_35 = arith.constant 0 : index
    %get3A_36 = vector.load %arg3[%get3A_33, %get3A_34, %get3A_35] : memref<1x1664x4xf32, #tpu.memory_space<vmem>>, vector<1x1664x4xf32>
    %get3A_37 = vector.shape_cast %get3A_36 : vector<1x1664x4xf32> to vector<1664x4xf32>
    %get3A_38 = arith.constant 0 : index
    %get3A_39 = arith.constant 0 : index
    %get3A_40 = vector.load %arg4[%get3A_38, %get3A_39] : memref<1664x4xf32, #tpu.memory_space<vmem>>, vector<1664x4xf32>
    %slice3A = vector.extract_strided_slice %get3A_40 {offsets = [0, 0], sizes = [1664, 2], strides = [1, 1]} : vector<1664x4xf32> to vector<1664x2xf32>
    %slice3A_41 = vector.extract_strided_slice %get3A_37 {offsets = [0, 0], sizes = [1664, 2], strides = [1, 1]} : vector<1664x4xf32> to vector<1664x2xf32>
    %mul3A_42 = arith.constant 1.000000e-01 : f32
    %mul3A_43 = vector.broadcast %mul3A_42 : f32 to vector<1664x2xf32>
    %mul3A_44 = arith.mulf %slice3A_41, %mul3A_43 : vector<1664x2xf32>
    %slice3A_45 = vector.extract_strided_slice %get3A_40 {offsets = [0, 2], sizes = [1664, 2], strides = [1, 1]} : vector<1664x4xf32> to vector<1664x2xf32>
    %mul3A_46 = arith.mulf %mul3A_44, %slice3A_45 : vector<1664x2xf32>
    %add3A_47 = arith.addf %slice3A, %mul3A_46 : vector<1664x2xf32>
    %slice3A_48 = vector.extract_strided_slice %get3A_40 {offsets = [0, 2], sizes = [1664, 2], strides = [1, 1]} : vector<1664x4xf32> to vector<1664x2xf32>
    %slice3A_49 = vector.extract_strided_slice %get3A_37 {offsets = [0, 2], sizes = [1664, 2], strides = [1, 1]} : vector<1664x4xf32> to vector<1664x2xf32>
    %mul3A_50 = arith.constant 2.000000e-01 : f32
    %mul3A_51 = vector.broadcast %mul3A_50 : f32 to vector<1664x2xf32>
    %mul3A_52 = arith.mulf %slice3A_49, %mul3A_51 : vector<1664x2xf32>
    %exp3A_53 = math.exp %mul3A_52 : vector<1664x2xf32>
    %mul3A_54 = arith.mulf %slice3A_48, %exp3A_53 : vector<1664x2xf32>
    %div3A_55 = arith.constant 2.000000e+00 : f32
    %div3A_56 = vector.broadcast %div3A_55 : f32 to vector<1664x2xf32>
    %div3A_57 = arith.divf %mul3A_54, %div3A_56 : vector<1664x2xf32>
    %sub3A_58 = arith.subf %add3A_47, %div3A_57 : vector<1664x2xf32>
    %add3A_59 = arith.addf %sub3A_58, %mul3A_54 : vector<1664x2xf32>
    %concatenate3A = tpu.concatenate %sub3A_58, %add3A_59 in 1 : vector<1664x2xf32>, vector<1664x2xf32> -> vector<1664x4xf32>
    %jit3A_60 = arith.constant 0.000000e+00 : f32
    %jit3A_61 = arith.constant 1.000000e+00 : f32
    %max3A = vector.broadcast %jit3A_60 : f32 to vector<1664x4xf32>
    %max3A_62 = arith.maximumf %max3A, %concatenate3A : vector<1664x4xf32>
    %min3A = vector.broadcast %jit3A_61 : f32 to vector<1664x4xf32>
    %min3A_63 = arith.minimumf %min3A, %max3A_62 : vector<1664x4xf32>
    %iota3A_64 = tpu.iota {dimensions = array<i32: 0>} : vector<1664x4xi32>
    %add3A_65 = vector.broadcast %mul3A_0 : i32 to vector<1664x4xi32>
    %add3A_66 = arith.addi %add3A_65, %iota3A_64 : vector<1664x4xi32>
    %lt3A_67 = arith.constant 18525 : i32
    %lt3A_68 = vector.broadcast %lt3A_67 : i32 to vector<1664x4xi32>
    %lt3A_69 = arith.cmpi slt, %add3A_66, %lt3A_68 : vector<1664x4xi32>
    %jit3A_70 = arith.constant 0.000000e+00 : f32
    %broadcast_in_dim3A_71 = vector.broadcast %jit3A_70 : f32 to vector<1664x4xf32>
    %select_n3A_72 = arith.select %lt3A_69, %min3A_63, %broadcast_in_dim3A_71 : vector<1664x4xi1>, vector<1664x4xf32>
    %swap3A_73 = arith.constant 0 : index
    %swap3A_74 = arith.constant 0 : index
    %swap3A_75 = arith.constant 0 : index
    %swap3A_76 = vector.load %arg6[%swap3A_73, %swap3A_74, %swap3A_75] : memref<1x1664x4xf32, #tpu.memory_space<vmem>>, vector<1x1664x4xf32>
    %swap3A_77 = vector.shape_cast %swap3A_76 : vector<1x1664x4xf32> to vector<1664x4xf32>
    %swap3A_78 = vector.shape_cast %select_n3A_72 : vector<1664x4xf32> to vector<1x1664x4xf32>
    tpu.vector_store %arg6[%swap3A_73, %swap3A_74, %swap3A_75], %swap3A_78 {strides = array<i32>} : memref<1x1664x4xf32, #tpu.memory_space<vmem>>, vector<1x1664x4xf32>,
    return
  }
  func.func @transform_0(%arg0: i32, %arg1: i32) -> (i32, i32, i32) {
    %c0_i32 = arith.constant 0 : i32
    %c0_i32_0 = arith.constant 0 : i32
    return %arg0, %arg1, %c0_i32 : i32, i32, i32
  }
  func.func @transform_1(%arg0: i32, %arg1: i32) -> (i32, i32, i32) {
    %c0_i32 = arith.constant 0 : i32
    %c0_i32_0 = arith.constant 0 : i32
    return %arg0, %arg1, %c0_i32 : i32, i32, i32
  }
  func.func @transform_2(%arg0: i32, %arg1: i32) -> (i32, i32) {
    %c0_i32 = arith.constant 0 : i32
    %c0_i32_0 = arith.constant 0 : i32
    return %arg1, %c0_i32 : i32, i32
  }
  func.func @transform_3(%arg0: i32, %arg1: i32) -> (i32, i32, i32) {
    %c0_i32 = arith.constant 0 : i32
    %c0_i32_0 = arith.constant 0 : i32
    return %arg0, %c0_i32, %arg1 : i32, i32, i32
  }
  func.func @transform_4(%arg0: i32, %arg1: i32) -> (i32, i32, i32) {
    %c0_i32 = arith.constant 0 : i32
    %c0_i32_0 = arith.constant 0 : i32
    return %arg0, %arg1, %c0_i32 : i32, i32, i32
  }
}

module attributes {stable_mosaic.version = 14 : i64} {
  func.func @_stage1b_body(%arg0: i32, %arg1: memref<16x81x19968xf32, #tpu.memory_space<hbm>>, %arg2: memref<1x81x8xi32, #tpu.memory_space<vmem>>, %arg3: memref<81x19968xf32, #tpu.memory_space<vmem>>, %arg4: memref<!tpu.dma_semaphore, #tpu.memory_space<semaphore_mem>>) attributes {dimension_semantics = [#tpu.dimension_semantics<arbitrary>], iteration_bounds = array<i64: 16>, scalar_prefetch = 0 : i64, scratch_operands = 2 : i64, tpu.core_type = #tpu.core_type<tc>, window_params = [{}, {transform_indices = @transform_1, window_bounds = array<i64: 1, 81, 8>}]} {
    %dma_start3A = arith.constant 0 : i32
    %dma_start3A_0 = arith.constant 0 : i32
    %dma_start3A_1 = tpu.memref_slice %arg1[%arg0, %dma_start3A, %dma_start3A_0] : memref<16x81x19968xf32, #tpu.memory_space<hbm>> -> memref<1x81x19968xf32, #tpu.memory_space<hbm>>
    %dma_start3A_2 = tpu.memref_squeeze %dma_start3A_1 : memref<1x81x19968xf32, #tpu.memory_space<hbm>> -> memref<81x19968xf32, #tpu.memory_space<hbm>>
    tpu.enqueue_dma source(%dma_start3A_2 : memref<81x19968xf32, #tpu.memory_space<hbm>>) target(%arg3 : memref<81x19968xf32, #tpu.memory_space<vmem>>) target_semaphore(%arg4 : memref<!tpu.dma_semaphore, #tpu.memory_space<semaphore_mem>>)
    %dma_wait3A = arith.constant 0 : i32
    %dma_wait3A_3 = arith.constant 0 : i32
    %dma_wait3A_4 = tpu.memref_slice %arg1[%arg0, %dma_wait3A, %dma_wait3A_3] : memref<16x81x19968xf32, #tpu.memory_space<hbm>> -> memref<1x81x19968xf32, #tpu.memory_space<hbm>>
    %dma_wait3A_5 = tpu.memref_squeeze %dma_wait3A_4 : memref<1x81x19968xf32, #tpu.memory_space<hbm>> -> memref<81x19968xf32, #tpu.memory_space<hbm>>
    tpu.wait_dma2 semaphore(%arg4 : memref<!tpu.dma_semaphore, #tpu.memory_space<semaphore_mem>>) src(%dma_wait3A_5 : memref<81x19968xf32, #tpu.memory_space<hbm>>) dst(%arg3 : memref<81x19968xf32, #tpu.memory_space<vmem>>)
    %broadcast_in_dim3A = arith.constant 0 : i32
    %broadcast_in_dim3A_6 = vector.broadcast %broadcast_in_dim3A : i32 to vector<81x1xi32>
    %broadcast_in_dim3A_7 = arith.constant 1065353216 : i32
    %broadcast_in_dim3A_8 = vector.broadcast %broadcast_in_dim3A_7 : i32 to vector<81x1xi32>
    %scan3A = arith.constant 0 : i32
    %scan3A_9 = arith.constant 20 : i32
    %scan3A_10 = arith.addi %scan3A, %scan3A_9 : i32
    %scan3A_11 = arith.constant 1 : i32
    %scan3A_12:2 = scf.for %scan3A_43 = %scan3A to %scan3A_10 step %scan3A_11 iter_args(%scan3A_44 = %broadcast_in_dim3A_6, %scan3A_45 = %broadcast_in_dim3A_8) -> (vector<81x1xi32>, vector<81x1xi32>)  : i32 {
      %sub3A_46 = arith.subi %scan3A_45, %scan3A_44 : vector<81x1xi32>
      %jit3A_47 = arith.constant 3 : i32
      %div3A = vector.broadcast %jit3A_47 : i32 to vector<81x1xi32>
      %div3A_48 = arith.divsi %sub3A_46, %div3A : vector<81x1xi32>
      %sign3A = arith.constant 0 : i32
      %sign3A_49 = vector.broadcast %sign3A : i32 to vector<81x1xi32>
      %sign3A_50 = arith.cmpi sgt, %sub3A_46, %sign3A_49 : vector<81x1xi32>
      %sign3A_51 = arith.extui %sign3A_50 : vector<81x1xi1> to vector<81x1xi32>
      %sign3A_52 = arith.constant 0 : i32
      %sign3A_53 = vector.broadcast %sign3A_52 : i32 to vector<81x1xi32>
      %sign3A_54 = arith.cmpi slt, %sub3A_46, %sign3A_53 : vector<81x1xi32>
      %sign3A_55 = arith.extui %sign3A_54 : vector<81x1xi1> to vector<81x1xi32>
      %sign3A_56 = arith.subi %sign3A_51, %sign3A_55 : vector<81x1xi32>
      %sign3A_57 = arith.constant 0 : i32
      %sign3A_58 = arith.cmpi sgt, %jit3A_47, %sign3A_57 : i32
      %sign3A_59 = arith.extui %sign3A_58 : i1 to i32
      %sign3A_60 = arith.constant 0 : i32
      %sign3A_61 = arith.cmpi slt, %jit3A_47, %sign3A_60 : i32
      %sign3A_62 = arith.extui %sign3A_61 : i1 to i32
      %sign3A_63 = arith.subi %sign3A_59, %sign3A_62 : i32
      %ne3A = vector.broadcast %sign3A_63 : i32 to vector<81x1xi32>
      %ne3A_64 = arith.cmpi ne, %sign3A_56, %ne3A : vector<81x1xi32>
      %rem3A = vector.broadcast %jit3A_47 : i32 to vector<81x1xi32>
      %rem3A_65 = arith.remsi %sub3A_46, %rem3A : vector<81x1xi32>
      %ne3A_66 = arith.constant 0 : i32
      %ne3A_67 = vector.broadcast %ne3A_66 : i32 to vector<81x1xi32>
      %ne3A_68 = arith.cmpi ne, %rem3A_65, %ne3A_67 : vector<81x1xi32>
      %and3A = arith.andi %ne3A_64, %ne3A_68 : vector<81x1xi1>
      %sub3A_69 = arith.constant 1 : i32
      %sub3A_70 = vector.broadcast %sub3A_69 : i32 to vector<81x1xi32>
      %sub3A_71 = arith.subi %div3A_48, %sub3A_70 : vector<81x1xi32>
      %select_n3A_72 = arith.select %and3A, %sub3A_71, %div3A_48 : vector<81x1xi1>, vector<81x1xi32>
      %max3A = arith.constant 1 : i32
      %max3A_73 = vector.broadcast %max3A : i32 to vector<81x1xi32>
      %max3A_74 = arith.maxsi %select_n3A_72, %max3A_73 : vector<81x1xi32>
      %add3A = arith.addi %scan3A_44, %max3A_74 : vector<81x1xi32>
      %mul3A = arith.constant 2 : i32
      %mul3A_75 = vector.broadcast %mul3A : i32 to vector<81x1xi32>
      %mul3A_76 = arith.muli %mul3A_75, %sub3A_46 : vector<81x1xi32>
      %jit3A_77 = arith.constant 3 : i32
      %div3A_78 = vector.broadcast %jit3A_77 : i32 to vector<81x1xi32>
      %div3A_79 = arith.divsi %mul3A_76, %div3A_78 : vector<81x1xi32>
      %sign3A_80 = arith.constant 0 : i32
      %sign3A_81 = vector.broadcast %sign3A_80 : i32 to vector<81x1xi32>
      %sign3A_82 = arith.cmpi sgt, %mul3A_76, %sign3A_81 : vector<81x1xi32>
      %sign3A_83 = arith.extui %sign3A_82 : vector<81x1xi1> to vector<81x1xi32>
      %sign3A_84 = arith.constant 0 : i32
      %sign3A_85 = vector.broadcast %sign3A_84 : i32 to vector<81x1xi32>
      %sign3A_86 = arith.cmpi slt, %mul3A_76, %sign3A_85 : vector<81x1xi32>
      %sign3A_87 = arith.extui %sign3A_86 : vector<81x1xi1> to vector<81x1xi32>
      %sign3A_88 = arith.subi %sign3A_83, %sign3A_87 : vector<81x1xi32>
      %sign3A_89 = arith.constant 0 : i32
      %sign3A_90 = arith.cmpi sgt, %jit3A_77, %sign3A_89 : i32
      %sign3A_91 = arith.extui %sign3A_90 : i1 to i32
      %sign3A_92 = arith.constant 0 : i32
      %sign3A_93 = arith.cmpi slt, %jit3A_77, %sign3A_92 : i32
      %sign3A_94 = arith.extui %sign3A_93 : i1 to i32
      %sign3A_95 = arith.subi %sign3A_91, %sign3A_94 : i32
      %ne3A_96 = vector.broadcast %sign3A_95 : i32 to vector<81x1xi32>
      %ne3A_97 = arith.cmpi ne, %sign3A_88, %ne3A_96 : vector<81x1xi32>
      %rem3A_98 = vector.broadcast %jit3A_77 : i32 to vector<81x1xi32>
      %rem3A_99 = arith.remsi %mul3A_76, %rem3A_98 : vector<81x1xi32>
      %ne3A_100 = arith.constant 0 : i32
      %ne3A_101 = vector.broadcast %ne3A_100 : i32 to vector<81x1xi32>
      %ne3A_102 = arith.cmpi ne, %rem3A_99, %ne3A_101 : vector<81x1xi32>
      %and3A_103 = arith.andi %ne3A_97, %ne3A_102 : vector<81x1xi1>
      %sub3A_104 = arith.constant 1 : i32
      %sub3A_105 = vector.broadcast %sub3A_104 : i32 to vector<81x1xi32>
      %sub3A_106 = arith.subi %div3A_79, %sub3A_105 : vector<81x1xi32>
      %select_n3A_107 = arith.select %and3A_103, %sub3A_106, %div3A_79 : vector<81x1xi1>, vector<81x1xi32>
      %max3A_108 = arith.constant 1 : i32
      %max3A_109 = vector.broadcast %max3A_108 : i32 to vector<81x1xi32>
      %max3A_110 = arith.maxsi %select_n3A_107, %max3A_109 : vector<81x1xi32>
      %add3A_111 = arith.addi %scan3A_44, %max3A_110 : vector<81x1xi32>
      %bitcast_convert_type3A_112 = tpu.bitcast %add3A : vector<81x1xi32> -> vector<81x1xf32>
      %bitcast_convert_type3A_113 = tpu.bitcast %add3A_111 : vector<81x1xi32> -> vector<81x1xf32>
      %broadcast_in_dim3A_114 = arith.constant 0 : i32
      %broadcast_in_dim3A_115 = vector.broadcast %broadcast_in_dim3A_114 : i32 to vector<81x1xi32>
      %scan3A_116 = arith.constant 0 : i32
      %scan3A_117 = arith.constant 12 : i32
      %scan3A_118 = arith.addi %scan3A_116, %scan3A_117 : i32
      %scan3A_119 = arith.constant 1 : i32
      %scan3A_120:2 = scf.for %scan3A_132 = %scan3A_116 to %scan3A_118 step %scan3A_119 iter_args(%scan3A_133 = %broadcast_in_dim3A_115, %scan3A_134 = %broadcast_in_dim3A_115) -> (vector<81x1xi32>, vector<81x1xi32>)  : i32 {
        %mul3A_135 = arith.constant 1664 : i32
        %mul3A_136 = arith.muli %scan3A_132, %mul3A_135 : i32
        %get3A = arith.constant 0 : index
        %get3A_137 = arith.index_cast %mul3A_136 : i32 to index
        %get3A_138 = vector.load %arg3[%get3A, %get3A_137] : memref<81x19968xf32, #tpu.memory_space<vmem>>, vector<81x1664xf32>
        %gt3A = vector.broadcast %bitcast_convert_type3A_112 : vector<81x1xf32> to vector<81x1664xf32>
        %gt3A_139 = arith.cmpf ogt, %get3A_138, %gt3A : vector<81x1664xf32>
        %convert_element_type3A = arith.extui %gt3A_139 : vector<81x1664xi1> to vector<81x1664xi32>
        %reduce_sum3A = arith.constant dense<0> : vector<81xi32>
        %reduce_sum3A_140 = vector.multi_reduction <add>, %convert_element_type3A, %reduce_sum3A [1] : vector<81x1664xi32> to vector<81xi32>
        %broadcast_in_dim3A_141 = vector.shape_cast %reduce_sum3A_140 : vector<81xi32> to vector<81x1xi32>
        %add3A_142 = arith.addi %scan3A_133, %broadcast_in_dim3A_141 : vector<81x1xi32>
        %gt3A_143 = vector.broadcast %bitcast_convert_type3A_113 : vector<81x1xf32> to vector<81x1664xf32>
        %gt3A_144 = arith.cmpf ogt, %get3A_138, %gt3A_143 : vector<81x1664xf32>
        %convert_element_type3A_145 = arith.extui %gt3A_144 : vector<81x1664xi1> to vector<81x1664xi32>
        %reduce_sum3A_146 = arith.constant dense<0> : vector<81xi32>
        %reduce_sum3A_147 = vector.multi_reduction <add>, %convert_element_type3A_145, %reduce_sum3A_146 [1] : vector<81x1664xi32> to vector<81xi32>
        %broadcast_in_dim3A_148 = vector.shape_cast %reduce_sum3A_147 : vector<81xi32> to vector<81x1xi32>
        %add3A_149 = arith.addi %scan3A_134, %broadcast_in_dim3A_148 : vector<81x1xi32>
        scf.yield %add3A_142, %add3A_149 : vector<81x1xi32>, vector<81x1xi32>
      }
      %scan3A_121 = arith.constant 12 : i32
      %ge3A_122 = arith.constant 200 : i32
      %ge3A_123 = vector.broadcast %ge3A_122 : i32 to vector<81x1xi32>
      %ge3A_124 = arith.cmpi sge, %scan3A_120#1, %ge3A_123 : vector<81x1xi32>
      %ge3A_125 = arith.constant 200 : i32
      %ge3A_126 = vector.broadcast %ge3A_125 : i32 to vector<81x1xi32>
      %ge3A_127 = arith.cmpi sge, %scan3A_120#0, %ge3A_126 : vector<81x1xi32>
      %select_n3A_128 = arith.select %ge3A_127, %add3A, %scan3A_44 : vector<81x1xi1>, vector<81x1xi32>
      %select_n3A_129 = arith.select %ge3A_124, %add3A_111, %select_n3A_128 : vector<81x1xi1>, vector<81x1xi32>
      %select_n3A_130 = arith.select %ge3A_127, %add3A_111, %add3A : vector<81x1xi1>, vector<81x1xi32>
      %select_n3A_131 = arith.select %ge3A_124, %scan3A_45, %select_n3A_130 : vector<81x1xi1>, vector<81x1xi32>
      scf.yield %select_n3A_129, %select_n3A_131 : vector<81x1xi32>, vector<81x1xi32>
    }
    %broadcast_in_dim3A_13 = arith.constant 0.000000e+00 : f32
    %broadcast_in_dim3A_14 = vector.broadcast %broadcast_in_dim3A_13 : f32 to vector<81x1xf32>
    %broadcast_in_dim3A_15 = arith.constant 0 : i32
    %broadcast_in_dim3A_16 = vector.broadcast %broadcast_in_dim3A_15 : i32 to vector<81x1xi32>
    %scan3A_17 = arith.constant 0 : i32
    %scan3A_18 = arith.constant 12 : i32
    %scan3A_19 = arith.addi %scan3A_17, %scan3A_18 : i32
    %scan3A_20 = arith.constant 1 : i32
    %scan3A_21 = scf.for %scan3A_43 = %scan3A_17 to %scan3A_19 step %scan3A_20 iter_args(%scan3A_44 = %broadcast_in_dim3A_16) -> (vector<81x1xi32>)  : i32 {
      %mul3A = arith.constant 1664 : i32
      %mul3A_45 = arith.muli %scan3A_43, %mul3A : i32
      %get3A = arith.constant 0 : index
      %get3A_46 = arith.index_cast %mul3A_45 : i32 to index
      %get3A_47 = vector.load %arg3[%get3A, %get3A_46] : memref<81x19968xf32, #tpu.memory_space<vmem>>, vector<81x1664xf32>
      %gt3A = vector.broadcast %broadcast_in_dim3A_14 : vector<81x1xf32> to vector<81x1664xf32>
      %gt3A_48 = arith.cmpf ogt, %get3A_47, %gt3A : vector<81x1664xf32>
      %convert_element_type3A = arith.extui %gt3A_48 : vector<81x1664xi1> to vector<81x1664xi32>
      %reduce_sum3A = arith.constant dense<0> : vector<81xi32>
      %reduce_sum3A_49 = vector.multi_reduction <add>, %convert_element_type3A, %reduce_sum3A [1] : vector<81x1664xi32> to vector<81xi32>
      %broadcast_in_dim3A_50 = vector.shape_cast %reduce_sum3A_49 : vector<81xi32> to vector<81x1xi32>
      %add3A = arith.addi %scan3A_44, %broadcast_in_dim3A_50 : vector<81x1xi32>
      scf.yield %add3A : vector<81x1xi32>
    }
    %scan3A_22 = arith.constant 12 : i32
    %ge3A = arith.constant 200 : i32
    %ge3A_23 = vector.broadcast %ge3A : i32 to vector<81x1xi32>
    %ge3A_24 = arith.cmpi sge, %scan3A_21, %ge3A_23 : vector<81x1xi32>
    %jit3A = arith.constant 0 : i32
    %broadcast_in_dim3A_25 = vector.broadcast %jit3A : i32 to vector<81x1xi32>
    %select_n3A = arith.select %ge3A_24, %scan3A_12#1, %broadcast_in_dim3A_25 : vector<81x1xi1>, vector<81x1xi32>
    %bitcast_convert_type3A = tpu.bitcast %select_n3A : vector<81x1xi32> -> vector<81x1xf32>
    %broadcast_in_dim3A_26 = arith.constant 0 : i32
    %broadcast_in_dim3A_27 = vector.broadcast %broadcast_in_dim3A_26 : i32 to vector<81x1xi32>
    %scan3A_28 = arith.constant 0 : i32
    %scan3A_29 = arith.constant 12 : i32
    %scan3A_30 = arith.addi %scan3A_28, %scan3A_29 : i32
    %scan3A_31 = arith.constant 1 : i32
    %scan3A_32 = scf.for %scan3A_43 = %scan3A_28 to %scan3A_30 step %scan3A_31 iter_args(%scan3A_44 = %broadcast_in_dim3A_27) -> (vector<81x1xi32>)  : i32 {
      %mul3A = arith.constant 1664 : i32
      %mul3A_45 = arith.muli %scan3A_43, %mul3A : i32
      %get3A = arith.constant 0 : index
      %get3A_46 = arith.index_cast %mul3A_45 : i32 to index
      %get3A_47 = vector.load %arg3[%get3A, %get3A_46] : memref<81x19968xf32, #tpu.memory_space<vmem>>, vector<81x1664xf32>
      %gt3A = vector.broadcast %bitcast_convert_type3A : vector<81x1xf32> to vector<81x1664xf32>
      %gt3A_48 = arith.cmpf ogt, %get3A_47, %gt3A : vector<81x1664xf32>
      %convert_element_type3A = arith.extui %gt3A_48 : vector<81x1664xi1> to vector<81x1664xi32>
      %reduce_sum3A = arith.constant dense<0> : vector<81xi32>
      %reduce_sum3A_49 = vector.multi_reduction <add>, %convert_element_type3A, %reduce_sum3A [1] : vector<81x1664xi32> to vector<81xi32>
      %broadcast_in_dim3A_50 = vector.shape_cast %reduce_sum3A_49 : vector<81xi32> to vector<81x1xi32>
      %add3A = arith.addi %scan3A_44, %broadcast_in_dim3A_50 : vector<81x1xi32>
      scf.yield %add3A : vector<81x1xi32>
    }
    %scan3A_33 = arith.constant 12 : i32
    %sub3A = arith.constant 200 : i32
    %sub3A_34 = vector.broadcast %sub3A : i32 to vector<81x1xi32>
    %sub3A_35 = arith.subi %sub3A_34, %scan3A_32 : vector<81x1xi32>
    %broadcast_in_dim3A_36 = arith.constant 0 : i32
    %broadcast_in_dim3A_37 = vector.broadcast %broadcast_in_dim3A_36 : i32 to vector<81x1xi32>
    %concatenate3A = tpu.concatenate %select_n3A, %sub3A_35, %scan3A_32, %broadcast_in_dim3A_37, %broadcast_in_dim3A_37, %broadcast_in_dim3A_37, %broadcast_in_dim3A_37, %broadcast_in_dim3A_37 in 1 : vector<81x1xi32>, vector<81x1xi32>, vector<81x1xi32>, vector<81x1xi32>, vector<81x1xi32>, vector<81x1xi32>, vector<81x1xi32>, vector<81x1xi32> -> vector<81x8xi32>
    %swap3A = arith.constant 0 : index
    %swap3A_38 = arith.constant 0 : index
    %swap3A_39 = arith.constant 0 : index
    %swap3A_40 = vector.load %arg2[%swap3A, %swap3A_38, %swap3A_39] : memref<1x81x8xi32, #tpu.memory_space<vmem>>, vector<1x81x8xi32>
    %swap3A_41 = vector.shape_cast %swap3A_40 : vector<1x81x8xi32> to vector<81x8xi32>
    %swap3A_42 = vector.shape_cast %concatenate3A : vector<81x8xi32> to vector<1x81x8xi32>
    tpu.vector_store %arg2[%swap3A, %swap3A_38, %swap3A_39], %swap3A_42 {strides = array<i32>} : memref<1x81x8xi32, #tpu.memory_space<vmem>>, vector<1x81x8xi32>,
    return
  }
  func.func @transform_1(%arg0: i32) -> (i32, i32, i32) {
    %c0_i32 = arith.constant 0 : i32
    %c0_i32_0 = arith.constant 0 : i32
    %c0_i32_1 = arith.constant 0 : i32
    return %arg0, %c0_i32, %c0_i32_0 : i32, i32, i32
  }
}

module attributes {stable_mosaic.version = 14 : i64} {
  func.func @_k3_body(%arg0: i32, %arg1: i32, %arg2: memref<1x8x1x256xf32, #tpu.memory_space<vmem>>, %arg3: memref<1x8x1x256xi32, #tpu.memory_space<vmem>>, %arg4: memref<1x8x4x256xf32, #tpu.memory_space<vmem>>, %arg5: memref<1x8x256x1xf32, #tpu.memory_space<vmem>>, %arg6: memref<1x8x256x1xi32, #tpu.memory_space<vmem>>, %arg7: memref<1x8x256x4xf32, #tpu.memory_space<vmem>>, %arg8: memref<1x8x1x256xf32, #tpu.memory_space<vmem>>, %arg9: memref<1x8x128xi32, #tpu.memory_space<vmem>>, %arg10: memref<1x20480xf32, #tpu.memory_space<vmem>>) attributes {dimension_semantics = [#tpu.dimension_semantics<arbitrary>, #tpu.dimension_semantics<arbitrary>], iteration_bounds = array<i64: 16, 10>, scalar_prefetch = 0 : i64, scratch_operands = 1 : i64, tpu.core_type = #tpu.core_type<tc>, window_params = [{transform_indices = @transform_0, window_bounds = array<i64: 1, 8, 1, 256>}, {transform_indices = @transform_1, window_bounds = array<i64: 1, 8, 1, 256>}, {transform_indices = @transform_2, window_bounds = array<i64: 1, 8, 4, 256>}, {transform_indices = @transform_3, window_bounds = array<i64: 1, 8, 256, 1>}, {transform_indices = @transform_4, window_bounds = array<i64: 1, 8, 256, 1>}, {transform_indices = @transform_5, window_bounds = array<i64: 1, 8, 256, 4>}, {transform_indices = @transform_6, window_bounds = array<i64: 1, 8, 1, 256>}, {transform_indices = @transform_7, window_bounds = array<i64: 1, 8, 128>}]} {
    %iota3A = tpu.iota {dimensions = array<i32: 0>} : vector<256x256xi32>
    %iota3A_0 = tpu.iota {dimensions = array<i32: 1>} : vector<1x256xi32>
    %get3A = arith.constant 0 : index
    %get3A_1 = arith.constant 0 : index
    %get3A_2 = arith.constant 0 : index
    %get3A_3 = arith.constant 0 : index
    %get3A_4 = vector.load %arg2[%get3A, %get3A_1, %get3A_2, %get3A_3] : memref<1x8x1x256xf32, #tpu.memory_space<vmem>>, vector<1x1x1x256xf32>
    %get3A_5 = vector.shape_cast %get3A_4 : vector<1x1x1x256xf32> to vector<1x256xf32>
    %get3A_6 = arith.constant 0 : index
    %get3A_7 = arith.constant 0 : index
    %get3A_8 = arith.constant 0 : index
    %get3A_9 = arith.constant 0 : index
    %get3A_10 = vector.load %arg3[%get3A_6, %get3A_7, %get3A_8, %get3A_9] : memref<1x8x1x256xi32, #tpu.memory_space<vmem>>, vector<1x1x1x256xi32>
    %get3A_11 = vector.shape_cast %get3A_10 : vector<1x1x1x256xi32> to vector<1x256xi32>
    %get3A_12 = arith.constant 0 : index
    %get3A_13 = arith.constant 0 : index
    %get3A_14 = arith.constant 0 : index
    %get3A_15 = arith.constant 0 : index
    %get3A_16 = vector.load %arg5[%get3A_12, %get3A_13, %get3A_14, %get3A_15] : memref<1x8x256x1xf32, #tpu.memory_space<vmem>>, vector<1x1x256x1xf32>
    %get3A_17 = vector.shape_cast %get3A_16 : vector<1x1x256x1xf32> to vector<256x1xf32>
    %get3A_18 = arith.constant 0 : index
    %get3A_19 = arith.constant 0 : index
    %get3A_20 = arith.constant 0 : index
    %get3A_21 = arith.constant 0 : index
    %get3A_22 = vector.load %arg6[%get3A_18, %get3A_19, %get3A_20, %get3A_21] : memref<1x8x256x1xi32, #tpu.memory_space<vmem>>, vector<1x1x256x1xi32>
    %get3A_23 = vector.shape_cast %get3A_22 : vector<1x1x256x1xi32> to vector<256x1xi32>
    %get3A_24 = arith.constant 0 : index
    %get3A_25 = arith.constant 0 : index
    %get3A_26 = arith.constant 0 : index
    %get3A_27 = arith.constant 0 : index
    %get3A_28 = vector.load %arg4[%get3A_24, %get3A_25, %get3A_26, %get3A_27] : memref<1x8x4x256xf32, #tpu.memory_space<vmem>>, vector<1x1x1x256xf32>
    %get3A_29 = vector.shape_cast %get3A_28 : vector<1x1x1x256xf32> to vector<1x256xf32>
    %get3A_30 = arith.constant 0 : index
    %get3A_31 = arith.constant 0 : index
    %get3A_32 = arith.constant 1 : index
    %get3A_33 = arith.constant 0 : index
    %get3A_34 = vector.load %arg4[%get3A_30, %get3A_31, %get3A_32, %get3A_33] : memref<1x8x4x256xf32, #tpu.memory_space<vmem>>, vector<1x1x1x256xf32>
    %get3A_35 = vector.shape_cast %get3A_34 : vector<1x1x1x256xf32> to vector<1x256xf32>
    %get3A_36 = arith.constant 0 : index
    %get3A_37 = arith.constant 0 : index
    %get3A_38 = arith.constant 2 : index
    %get3A_39 = arith.constant 0 : index
    %get3A_40 = vector.load %arg4[%get3A_36, %get3A_37, %get3A_38, %get3A_39] : memref<1x8x4x256xf32, #tpu.memory_space<vmem>>, vector<1x1x1x256xf32>
    %get3A_41 = vector.shape_cast %get3A_40 : vector<1x1x1x256xf32> to vector<1x256xf32>
    %get3A_42 = arith.constant 0 : index
    %get3A_43 = arith.constant 0 : index
    %get3A_44 = arith.constant 3 : index
    %get3A_45 = arith.constant 0 : index
    %get3A_46 = vector.load %arg4[%get3A_42, %get3A_43, %get3A_44, %get3A_45] : memref<1x8x4x256xf32, #tpu.memory_space<vmem>>, vector<1x1x1x256xf32>
    %get3A_47 = vector.shape_cast %get3A_46 : vector<1x1x1x256xf32> to vector<1x256xf32>
    %get3A_48 = arith.constant 0 : index
    %get3A_49 = arith.constant 0 : index
    %get3A_50 = arith.constant 0 : index
    %get3A_51 = arith.constant 0 : index
    %get3A_52 = vector.load %arg7[%get3A_48, %get3A_49, %get3A_50, %get3A_51] : memref<1x8x256x4xf32, #tpu.memory_space<vmem>>, vector<1x1x256x4xf32>
    %get3A_53 = vector.shape_cast %get3A_52 : vector<1x1x256x4xf32> to vector<256x4xf32>
    %slice3A = vector.extract_strided_slice %get3A_53 {offsets = [0, 0], sizes = [256, 1], strides = [1, 1]} : vector<256x4xf32> to vector<256x1xf32>
    %slice3A_54 = vector.extract_strided_slice %get3A_53 {offsets = [0, 1], sizes = [256, 1], strides = [1, 1]} : vector<256x4xf32> to vector<256x1xf32>
    %slice3A_55 = vector.extract_strided_slice %get3A_53 {offsets = [0, 2], sizes = [256, 1], strides = [1, 1]} : vector<256x4xf32> to vector<256x1xf32>
    %slice3A_56 = vector.extract_strided_slice %get3A_53 {offsets = [0, 3], sizes = [256, 1], strides = [1, 1]} : vector<256x4xf32> to vector<256x1xf32>
    %max3A = vector.broadcast %slice3A : vector<256x1xf32> to vector<256x256xf32>
    %max3A_57 = vector.broadcast %get3A_29 : vector<1x256xf32> to vector<256x256xf32>
    %max3A_58 = arith.maximumf %max3A, %max3A_57 : vector<256x256xf32>
    %max3A_59 = vector.broadcast %slice3A_54 : vector<256x1xf32> to vector<256x256xf32>
    %max3A_60 = vector.broadcast %get3A_35 : vector<1x256xf32> to vector<256x256xf32>
    %max3A_61 = arith.maximumf %max3A_59, %max3A_60 : vector<256x256xf32>
    %min3A = vector.broadcast %slice3A_55 : vector<256x1xf32> to vector<256x256xf32>
    %min3A_62 = vector.broadcast %get3A_41 : vector<1x256xf32> to vector<256x256xf32>
    %min3A_63 = arith.minimumf %min3A, %min3A_62 : vector<256x256xf32>
    %min3A_64 = vector.broadcast %slice3A_56 : vector<256x1xf32> to vector<256x256xf32>
    %min3A_65 = vector.broadcast %get3A_47 : vector<1x256xf32> to vector<256x256xf32>
    %min3A_66 = arith.minimumf %min3A_64, %min3A_65 : vector<256x256xf32>
    %sub3A = arith.subf %min3A_63, %max3A_58 : vector<256x256xf32>
    %jit3A = arith.constant 0.000000e+00 : f32
    %max3A_67 = vector.broadcast %jit3A : f32 to vector<256x256xf32>
    %max3A_68 = arith.maximumf %max3A_67, %sub3A : vector<256x256xf32>
    %sub3A_69 = arith.subf %min3A_66, %max3A_61 : vector<256x256xf32>
    %jit3A_70 = arith.constant 0.000000e+00 : f32
    %max3A_71 = vector.broadcast %jit3A_70 : f32 to vector<256x256xf32>
    %max3A_72 = arith.maximumf %max3A_71, %sub3A_69 : vector<256x256xf32>
    %mul3A = arith.mulf %max3A_68, %max3A_72 : vector<256x256xf32>
    %sub3A_73 = arith.subf %get3A_41, %get3A_29 : vector<1x256xf32>
    %sub3A_74 = arith.subf %get3A_47, %get3A_35 : vector<1x256xf32>
    %mul3A_75 = arith.mulf %sub3A_73, %sub3A_74 : vector<1x256xf32>
    %sub3A_76 = arith.subf %slice3A_55, %slice3A : vector<256x1xf32>
    %sub3A_77 = arith.subf %slice3A_56, %slice3A_54 : vector<256x1xf32>
    %mul3A_78 = arith.mulf %sub3A_76, %sub3A_77 : vector<256x1xf32>
    %add3A = vector.broadcast %mul3A_78 : vector<256x1xf32> to vector<256x256xf32>
    %add3A_79 = vector.broadcast %mul3A_75 : vector<1x256xf32> to vector<256x256xf32>
    %add3A_80 = arith.addf %add3A, %add3A_79 : vector<256x256xf32>
    %sub3A_81 = arith.subf %add3A_80, %mul3A : vector<256x256xf32>
    %max3A_82 = arith.constant 9.99999971E-10 : f32
    %max3A_83 = vector.broadcast %max3A_82 : f32 to vector<256x256xf32>
    %max3A_84 = arith.maximumf %sub3A_81, %max3A_83 : vector<256x256xf32>
    %div3A = arith.divf %mul3A, %max3A_84 : vector<256x256xf32>
    %gt3A = vector.broadcast %get3A_17 : vector<256x1xf32> to vector<256x256xf32>
    %gt3A_85 = vector.broadcast %get3A_5 : vector<1x256xf32> to vector<256x256xf32>
    %gt3A_86 = arith.cmpf ogt, %gt3A, %gt3A_85 : vector<256x256xf32>
    %eq3A = vector.broadcast %get3A_17 : vector<256x1xf32> to vector<256x256xf32>
    %eq3A_87 = vector.broadcast %get3A_5 : vector<1x256xf32> to vector<256x256xf32>
    %eq3A_88 = arith.cmpf oeq, %eq3A, %eq3A_87 : vector<256x256xf32>
    %lt3A = vector.broadcast %get3A_23 : vector<256x1xi32> to vector<256x256xi32>
    %lt3A_89 = vector.broadcast %get3A_11 : vector<1x256xi32> to vector<256x256xi32>
    %lt3A_90 = arith.cmpi slt, %lt3A, %lt3A_89 : vector<256x256xi32>
    %and3A = arith.andi %eq3A_88, %lt3A_90 : vector<256x256xi1>
    %or3A = arith.ori %gt3A_86, %and3A : vector<256x256xi1>
    %gt3A_91 = arith.constant 5.000000e-01 : f32
    %gt3A_92 = vector.broadcast %gt3A_91 : f32 to vector<256x256xf32>
    %gt3A_93 = arith.cmpf ogt, %div3A, %gt3A_92 : vector<256x256xf32>
    %and3A_94 = arith.andi %or3A, %gt3A_93 : vector<256x256xi1>
    %lt3A_95 = arith.constant 200 : i32
    %lt3A_96 = vector.broadcast %lt3A_95 : i32 to vector<256x256xi32>
    %lt3A_97 = arith.cmpi slt, %iota3A, %lt3A_96 : vector<256x256xi32>
    %and3A_98 = arith.andi %and3A_94, %lt3A_97 : vector<256x256xi1>
    %reduce_or3A = arith.constant 1.000000e+00 : f32
    %reduce_or3A_99 = arith.constant 0.000000e+00 : f32
    %reduce_or3A_100 = vector.broadcast %reduce_or3A : f32 to vector<256x256xf32>
    %reduce_or3A_101 = vector.broadcast %reduce_or3A_99 : f32 to vector<256x256xf32>
    %reduce_or3A_102 = arith.select %and3A_98, %reduce_or3A_100, %reduce_or3A_101 : vector<256x256xi1>, vector<256x256xf32>
    %reduce_or3A_103 = arith.constant dense<0xFF800000> : vector<256xf32>
    %reduce_or3A_104 = vector.multi_reduction <maximumf>, %reduce_or3A_102, %reduce_or3A_103 [0] : vector<256x256xf32> to vector<256xf32>
    %reduce_or3A_105 = arith.constant 0.000000e+00 : f32
    %reduce_or3A_106 = vector.broadcast %reduce_or3A_105 : f32 to vector<256xf32>
    %reduce_or3A_107 = arith.cmpf ogt, %reduce_or3A_104, %reduce_or3A_106 : vector<256xf32>
    %broadcast_in_dim3A = vector.shape_cast %reduce_or3A_107 : vector<256xi1> to vector<1x256xi1>
    %not3A = arith.constant dense<true> : vector<1x256xi1>
    %not3A_108 = arith.xori %broadcast_in_dim3A, %not3A : vector<1x256xi1>
    %convert_element_type3A = arith.extui %not3A_108 : vector<1x256xi1> to vector<1x256xi32>
    %convert_element_type3A_109 = arith.sitofp %convert_element_type3A : vector<1x256xi32> to vector<1x256xf32>
    %mul3A_110 = arith.mulf %get3A_5, %convert_element_type3A_109 : vector<1x256xf32>
    %gt3A_111 = arith.constant 5.000000e-02 : f32
    %gt3A_112 = vector.broadcast %gt3A_111 : f32 to vector<1x256xf32>
    %gt3A_113 = arith.cmpf ogt, %get3A_5, %gt3A_112 : vector<1x256xf32>
    %convert_element_type3A_114 = arith.extui %gt3A_113 : vector<1x256xi1> to vector<1x256xi32>
    %convert_element_type3A_115 = arith.sitofp %convert_element_type3A_114 : vector<1x256xi32> to vector<1x256xf32>
    %mul3A_116 = arith.mulf %mul3A_110, %convert_element_type3A_115 : vector<1x256xf32>
    %lt3A_117 = arith.constant 200 : i32
    %lt3A_118 = vector.broadcast %lt3A_117 : i32 to vector<1x256xi32>
    %lt3A_119 = arith.cmpi slt, %iota3A_0, %lt3A_118 : vector<1x256xi32>
    %jit3A_120 = arith.constant 0.000000e+00 : f32
    %broadcast_in_dim3A_121 = vector.broadcast %jit3A_120 : f32 to vector<1x256xf32>
    %select_n3A = arith.select %lt3A_119, %mul3A_116, %broadcast_in_dim3A_121 : vector<1x256xi1>, vector<1x256xf32>
    %swap3A = arith.constant 0 : index
    %swap3A_122 = arith.constant 0 : index
    %swap3A_123 = arith.constant 0 : index
    %swap3A_124 = arith.constant 0 : index
    %swap3A_125 = vector.load %arg8[%swap3A, %swap3A_122, %swap3A_123, %swap3A_124] : memref<1x8x1x256xf32, #tpu.memory_space<vmem>>, vector<1x1x1x256xf32>
    %swap3A_126 = vector.shape_cast %swap3A_125 : vector<1x1x1x256xf32> to vector<1x256xf32>
    %swap3A_127 = vector.shape_cast %select_n3A : vector<1x256xf32> to vector<1x1x1x256xf32>
    tpu.vector_store %arg8[%swap3A, %swap3A_122, %swap3A_123, %swap3A_124], %swap3A_127 {strides = array<i32>} : memref<1x8x1x256xf32, #tpu.memory_space<vmem>>, vector<1x1x1x256xf32>,
    %mul3A_128 = arith.constant 2048 : i32
    %mul3A_129 = arith.muli %arg1, %mul3A_128 : i32
    %add3A_130 = arith.constant 0 : i32
    %add3A_131 = arith.addi %mul3A_129, %add3A_130 : i32
    %swap3A_132 = arith.constant 0 : index
    %swap3A_133 = arith.index_cast %add3A_131 : i32 to index
    %swap3A_134 = vector.load %arg10[%swap3A_132, %swap3A_133] : memref<1x20480xf32, #tpu.memory_space<vmem>>, vector<1x256xf32>
    tpu.vector_store %arg10[%swap3A_132, %swap3A_133], %select_n3A {strides = array<i32>} : memref<1x20480xf32, #tpu.memory_space<vmem>>, vector<1x256xf32>,
    %get3A_135 = arith.constant 0 : index
    %get3A_136 = arith.constant 1 : index
    %get3A_137 = arith.constant 0 : index
    %get3A_138 = arith.constant 0 : index
    %get3A_139 = vector.load %arg2[%get3A_135, %get3A_136, %get3A_137, %get3A_138] : memref<1x8x1x256xf32, #tpu.memory_space<vmem>>, vector<1x1x1x256xf32>
    %get3A_140 = vector.shape_cast %get3A_139 : vector<1x1x1x256xf32> to vector<1x256xf32>
    %get3A_141 = arith.constant 0 : index
    %get3A_142 = arith.constant 1 : index
    %get3A_143 = arith.constant 0 : index
    %get3A_144 = arith.constant 0 : index
    %get3A_145 = vector.load %arg3[%get3A_141, %get3A_142, %get3A_143, %get3A_144] : memref<1x8x1x256xi32, #tpu.memory_space<vmem>>, vector<1x1x1x256xi32>
    %get3A_146 = vector.shape_cast %get3A_145 : vector<1x1x1x256xi32> to vector<1x256xi32>
    %get3A_147 = arith.constant 0 : index
    %get3A_148 = arith.constant 1 : index
    %get3A_149 = arith.constant 0 : index
    %get3A_150 = arith.constant 0 : index
    %get3A_151 = vector.load %arg5[%get3A_147, %get3A_148, %get3A_149, %get3A_150] : memref<1x8x256x1xf32, #tpu.memory_space<vmem>>, vector<1x1x256x1xf32>
    %get3A_152 = vector.shape_cast %get3A_151 : vector<1x1x256x1xf32> to vector<256x1xf32>
    %get3A_153 = arith.constant 0 : index
    %get3A_154 = arith.constant 1 : index
    %get3A_155 = arith.constant 0 : index
    %get3A_156 = arith.constant 0 : index
    %get3A_157 = vector.load %arg6[%get3A_153, %get3A_154, %get3A_155, %get3A_156] : memref<1x8x256x1xi32, #tpu.memory_space<vmem>>, vector<1x1x256x1xi32>
    %get3A_158 = vector.shape_cast %get3A_157 : vector<1x1x256x1xi32> to vector<256x1xi32>
    %get3A_159 = arith.constant 0 : index
    %get3A_160 = arith.constant 1 : index
    %get3A_161 = arith.constant 0 : index
    %get3A_162 = arith.constant 0 : index
    %get3A_163 = vector.load %arg4[%get3A_159, %get3A_160, %get3A_161, %get3A_162] : memref<1x8x4x256xf32, #tpu.memory_space<vmem>>, vector<1x1x1x256xf32>
    %get3A_164 = vector.shape_cast %get3A_163 : vector<1x1x1x256xf32> to vector<1x256xf32>
    %get3A_165 = arith.constant 0 : index
    %get3A_166 = arith.constant 1 : index
    %get3A_167 = arith.constant 1 : index
    %get3A_168 = arith.constant 0 : index
    %get3A_169 = vector.load %arg4[%get3A_165, %get3A_166, %get3A_167, %get3A_168] : memref<1x8x4x256xf32, #tpu.memory_space<vmem>>, vector<1x1x1x256xf32>
    %get3A_170 = vector.shape_cast %get3A_169 : vector<1x1x1x256xf32> to vector<1x256xf32>
    %get3A_171 = arith.constant 0 : index
    %get3A_172 = arith.constant 1 : index
    %get3A_173 = arith.constant 2 : index
    %get3A_174 = arith.constant 0 : index
    %get3A_175 = vector.load %arg4[%get3A_171, %get3A_172, %get3A_173, %get3A_174] : memref<1x8x4x256xf32, #tpu.memory_space<vmem>>, vector<1x1x1x256xf32>
    %get3A_176 = vector.shape_cast %get3A_175 : vector<1x1x1x256xf32> to vector<1x256xf32>
    %get3A_177 = arith.constant 0 : index
    %get3A_178 = arith.constant 1 : index
    %get3A_179 = arith.constant 3 : index
    %get3A_180 = arith.constant 0 : index
    %get3A_181 = vector.load %arg4[%get3A_177, %get3A_178, %get3A_179, %get3A_180] : memref<1x8x4x256xf32, #tpu.memory_space<vmem>>, vector<1x1x1x256xf32>
    %get3A_182 = vector.shape_cast %get3A_181 : vector<1x1x1x256xf32> to vector<1x256xf32>
    %get3A_183 = arith.constant 0 : index
    %get3A_184 = arith.constant 1 : index
    %get3A_185 = arith.constant 0 : index
    %get3A_186 = arith.constant 0 : index
    %get3A_187 = vector.load %arg7[%get3A_183, %get3A_184, %get3A_185, %get3A_186] : memref<1x8x256x4xf32, #tpu.memory_space<vmem>>, vector<1x1x256x4xf32>
    %get3A_188 = vector.shape_cast %get3A_187 : vector<1x1x256x4xf32> to vector<256x4xf32>
    %slice3A_189 = vector.extract_strided_slice %get3A_188 {offsets = [0, 0], sizes = [256, 1], strides = [1, 1]} : vector<256x4xf32> to vector<256x1xf32>
    %slice3A_190 = vector.extract_strided_slice %get3A_188 {offsets = [0, 1], sizes = [256, 1], strides = [1, 1]} : vector<256x4xf32> to vector<256x1xf32>
    %slice3A_191 = vector.extract_strided_slice %get3A_188 {offsets = [0, 2], sizes = [256, 1], strides = [1, 1]} : vector<256x4xf32> to vector<256x1xf32>
    %slice3A_192 = vector.extract_strided_slice %get3A_188 {offsets = [0, 3], sizes = [256, 1], strides = [1, 1]} : vector<256x4xf32> to vector<256x1xf32>
    %max3A_193 = vector.broadcast %slice3A_189 : vector<256x1xf32> to vector<256x256xf32>
    %max3A_194 = vector.broadcast %get3A_164 : vector<1x256xf32> to vector<256x256xf32>
    %max3A_195 = arith.maximumf %max3A_193, %max3A_194 : vector<256x256xf32>
    %max3A_196 = vector.broadcast %slice3A_190 : vector<256x1xf32> to vector<256x256xf32>
    %max3A_197 = vector.broadcast %get3A_170 : vector<1x256xf32> to vector<256x256xf32>
    %max3A_198 = arith.maximumf %max3A_196, %max3A_197 : vector<256x256xf32>
    %min3A_199 = vector.broadcast %slice3A_191 : vector<256x1xf32> to vector<256x256xf32>
    %min3A_200 = vector.broadcast %get3A_176 : vector<1x256xf32> to vector<256x256xf32>
    %min3A_201 = arith.minimumf %min3A_199, %min3A_200 : vector<256x256xf32>
    %min3A_202 = vector.broadcast %slice3A_192 : vector<256x1xf32> to vector<256x256xf32>
    %min3A_203 = vector.broadcast %get3A_182 : vector<1x256xf32> to vector<256x256xf32>
    %min3A_204 = arith.minimumf %min3A_202, %min3A_203 : vector<256x256xf32>
    %sub3A_205 = arith.subf %min3A_201, %max3A_195 : vector<256x256xf32>
    %jit3A_206 = arith.constant 0.000000e+00 : f32
    %max3A_207 = vector.broadcast %jit3A_206 : f32 to vector<256x256xf32>
    %max3A_208 = arith.maximumf %max3A_207, %sub3A_205 : vector<256x256xf32>
    %sub3A_209 = arith.subf %min3A_204, %max3A_198 : vector<256x256xf32>
    %jit3A_210 = arith.constant 0.000000e+00 : f32
    %max3A_211 = vector.broadcast %jit3A_210 : f32 to vector<256x256xf32>
    %max3A_212 = arith.maximumf %max3A_211, %sub3A_209 : vector<256x256xf32>
    %mul3A_213 = arith.mulf %max3A_208, %max3A_212 : vector<256x256xf32>
    %sub3A_214 = arith.subf %get3A_176, %get3A_164 : vector<1x256xf32>
    %sub3A_215 = arith.subf %get3A_182, %get3A_170 : vector<1x256xf32>
    %mul3A_216 = arith.mulf %sub3A_214, %sub3A_215 : vector<1x256xf32>
    %sub3A_217 = arith.subf %slice3A_191, %slice3A_189 : vector<256x1xf32>
    %sub3A_218 = arith.subf %slice3A_192, %slice3A_190 : vector<256x1xf32>
    %mul3A_219 = arith.mulf %sub3A_217, %sub3A_218 : vector<256x1xf32>
    %add3A_220 = vector.broadcast %mul3A_219 : vector<256x1xf32> to vector<256x256xf32>
    %add3A_221 = vector.broadcast %mul3A_216 : vector<1x256xf32> to vector<256x256xf32>
    %add3A_222 = arith.addf %add3A_220, %add3A_221 : vector<256x256xf32>
    %sub3A_223 = arith.subf %add3A_222, %mul3A_213 : vector<256x256xf32>
    %max3A_224 = arith.constant 9.99999971E-10 : f32
    %max3A_225 = vector.broadcast %max3A_224 : f32 to vector<256x256xf32>
    %max3A_226 = arith.maximumf %sub3A_223, %max3A_225 : vector<256x256xf32>
    %div3A_227 = arith.divf %mul3A_213, %max3A_226 : vector<256x256xf32>
    %gt3A_228 = vector.broadcast %get3A_152 : vector<256x1xf32> to vector<256x256xf32>
    %gt3A_229 = vector.broadcast %get3A_140 : vector<1x256xf32> to vector<256x256xf32>
    %gt3A_230 = arith.cmpf ogt, %gt3A_228, %gt3A_229 : vector<256x256xf32>
    %eq3A_231 = vector.broadcast %get3A_152 : vector<256x1xf32> to vector<256x256xf32>
    %eq3A_232 = vector.broadcast %get3A_140 : vector<1x256xf32> to vector<256x256xf32>
    %eq3A_233 = arith.cmpf oeq, %eq3A_231, %eq3A_232 : vector<256x256xf32>
    %lt3A_234 = vector.broadcast %get3A_158 : vector<256x1xi32> to vector<256x256xi32>
    %lt3A_235 = vector.broadcast %get3A_146 : vector<1x256xi32> to vector<256x256xi32>
    %lt3A_236 = arith.cmpi slt, %lt3A_234, %lt3A_235 : vector<256x256xi32>
    %and3A_237 = arith.andi %eq3A_233, %lt3A_236 : vector<256x256xi1>
    %or3A_238 = arith.ori %gt3A_230, %and3A_237 : vector<256x256xi1>
    %gt3A_239 = arith.constant 5.000000e-01 : f32
    %gt3A_240 = vector.broadcast %gt3A_239 : f32 to vector<256x256xf32>
    %gt3A_241 = arith.cmpf ogt, %div3A_227, %gt3A_240 : vector<256x256xf32>
    %and3A_242 = arith.andi %or3A_238, %gt3A_241 : vector<256x256xi1>
    %lt3A_243 = arith.constant 200 : i32
    %lt3A_244 = vector.broadcast %lt3A_243 : i32 to vector<256x256xi32>
    %lt3A_245 = arith.cmpi slt, %iota3A, %lt3A_244 : vector<256x256xi32>
    %and3A_246 = arith.andi %and3A_242, %lt3A_245 : vector<256x256xi1>
    %reduce_or3A_247 = arith.constant 1.000000e+00 : f32
    %reduce_or3A_248 = arith.constant 0.000000e+00 : f32
    %reduce_or3A_249 = vector.broadcast %reduce_or3A_247 : f32 to vector<256x256xf32>
    %reduce_or3A_250 = vector.broadcast %reduce_or3A_248 : f32 to vector<256x256xf32>
    %reduce_or3A_251 = arith.select %and3A_246, %reduce_or3A_249, %reduce_or3A_250 : vector<256x256xi1>, vector<256x256xf32>
    %reduce_or3A_252 = arith.constant dense<0xFF800000> : vector<256xf32>
    %reduce_or3A_253 = vector.multi_reduction <maximumf>, %reduce_or3A_251, %reduce_or3A_252 [0] : vector<256x256xf32> to vector<256xf32>
    %reduce_or3A_254 = arith.constant 0.000000e+00 : f32
    %reduce_or3A_255 = vector.broadcast %reduce_or3A_254 : f32 to vector<256xf32>
    %reduce_or3A_256 = arith.cmpf ogt, %reduce_or3A_253, %reduce_or3A_255 : vector<256xf32>
    %broadcast_in_dim3A_257 = vector.shape_cast %reduce_or3A_256 : vector<256xi1> to vector<1x256xi1>
    %not3A_258 = arith.constant dense<true> : vector<1x256xi1>
    %not3A_259 = arith.xori %broadcast_in_dim3A_257, %not3A_258 : vector<1x256xi1>
    %convert_element_type3A_260 = arith.extui %not3A_259 : vector<1x256xi1> to vector<1x256xi32>
    %convert_element_type3A_261 = arith.sitofp %convert_element_type3A_260 : vector<1x256xi32> to vector<1x256xf32>
    %mul3A_262 = arith.mulf %get3A_140, %convert_element_type3A_261 : vector<1x256xf32>
    %gt3A_263 = arith.constant 5.000000e-02 : f32
    %gt3A_264 = vector.broadcast %gt3A_263 : f32 to vector<1x256xf32>
    %gt3A_265 = arith.cmpf ogt, %get3A_140, %gt3A_264 : vector<1x256xf32>
    %convert_element_type3A_266 = arith.extui %gt3A_265 : vector<1x256xi1> to vector<1x256xi32>
    %convert_element_type3A_267 = arith.sitofp %convert_element_type3A_266 : vector<1x256xi32> to vector<1x256xf32>
    %mul3A_268 = arith.mulf %mul3A_262, %convert_element_type3A_267 : vector<1x256xf32>
    %lt3A_269 = arith.constant 200 : i32
    %lt3A_270 = vector.broadcast %lt3A_269 : i32 to vector<1x256xi32>
    %lt3A_271 = arith.cmpi slt, %iota3A_0, %lt3A_270 : vector<1x256xi32>
    %jit3A_272 = arith.constant 0.000000e+00 : f32
    %broadcast_in_dim3A_273 = vector.broadcast %jit3A_272 : f32 to vector<1x256xf32>
    %select_n3A_274 = arith.select %lt3A_271, %mul3A_268, %broadcast_in_dim3A_273 : vector<1x256xi1>, vector<1x256xf32>
    %swap3A_275 = arith.constant 0 : index
    %swap3A_276 = arith.constant 1 : index
    %swap3A_277 = arith.constant 0 : index
    %swap3A_278 = arith.constant 0 : index
    %swap3A_279 = vector.load %arg8[%swap3A_275, %swap3A_276, %swap3A_277, %swap3A_278] : memref<1x8x1x256xf32, #tpu.memory_space<vmem>>, vector<1x1x1x256xf32>
    %swap3A_280 = vector.shape_cast %swap3A_279 : vector<1x1x1x256xf32> to vector<1x256xf32>
    %swap3A_281 = vector.shape_cast %select_n3A_274 : vector<1x256xf32> to vector<1x1x1x256xf32>
    tpu.vector_store %arg8[%swap3A_275, %swap3A_276, %swap3A_277, %swap3A_278], %swap3A_281 {strides = array<i32>} : memref<1x8x1x256xf32, #tpu.memory_space<vmem>>, vector<1x1x1x256xf32>,
    %mul3A_282 = arith.constant 2048 : i32
    %mul3A_283 = arith.muli %arg1, %mul3A_282 : i32
    %add3A_284 = arith.constant 256 : i32
    %add3A_285 = arith.addi %mul3A_283, %add3A_284 : i32
    %swap3A_286 = arith.constant 0 : index
    %swap3A_287 = arith.index_cast %add3A_285 : i32 to index
    %swap3A_288 = vector.load %arg10[%swap3A_286, %swap3A_287] : memref<1x20480xf32, #tpu.memory_space<vmem>>, vector<1x256xf32>
    tpu.vector_store %arg10[%swap3A_286, %swap3A_287], %select_n3A_274 {strides = array<i32>} : memref<1x20480xf32, #tpu.memory_space<vmem>>, vector<1x256xf32>,
    %get3A_289 = arith.constant 0 : index
    %get3A_290 = arith.constant 2 : index
    %get3A_291 = arith.constant 0 : index
    %get3A_292 = arith.constant 0 : index
    %get3A_293 = vector.load %arg2[%get3A_289, %get3A_290, %get3A_291, %get3A_292] : memref<1x8x1x256xf32, #tpu.memory_space<vmem>>, vector<1x1x1x256xf32>
    %get3A_294 = vector.shape_cast %get3A_293 : vector<1x1x1x256xf32> to vector<1x256xf32>
    %get3A_295 = arith.constant 0 : index
    %get3A_296 = arith.constant 2 : index
    %get3A_297 = arith.constant 0 : index
    %get3A_298 = arith.constant 0 : index
    %get3A_299 = vector.load %arg3[%get3A_295, %get3A_296, %get3A_297, %get3A_298] : memref<1x8x1x256xi32, #tpu.memory_space<vmem>>, vector<1x1x1x256xi32>
    %get3A_300 = vector.shape_cast %get3A_299 : vector<1x1x1x256xi32> to vector<1x256xi32>
    %get3A_301 = arith.constant 0 : index
    %get3A_302 = arith.constant 2 : index
    %get3A_303 = arith.constant 0 : index
    %get3A_304 = arith.constant 0 : index
    %get3A_305 = vector.load %arg5[%get3A_301, %get3A_302, %get3A_303, %get3A_304] : memref<1x8x256x1xf32, #tpu.memory_space<vmem>>, vector<1x1x256x1xf32>
    %get3A_306 = vector.shape_cast %get3A_305 : vector<1x1x256x1xf32> to vector<256x1xf32>
    %get3A_307 = arith.constant 0 : index
    %get3A_308 = arith.constant 2 : index
    %get3A_309 = arith.constant 0 : index
    %get3A_310 = arith.constant 0 : index
    %get3A_311 = vector.load %arg6[%get3A_307, %get3A_308, %get3A_309, %get3A_310] : memref<1x8x256x1xi32, #tpu.memory_space<vmem>>, vector<1x1x256x1xi32>
    %get3A_312 = vector.shape_cast %get3A_311 : vector<1x1x256x1xi32> to vector<256x1xi32>
    %get3A_313 = arith.constant 0 : index
    %get3A_314 = arith.constant 2 : index
    %get3A_315 = arith.constant 0 : index
    %get3A_316 = arith.constant 0 : index
    %get3A_317 = vector.load %arg4[%get3A_313, %get3A_314, %get3A_315, %get3A_316] : memref<1x8x4x256xf32, #tpu.memory_space<vmem>>, vector<1x1x1x256xf32>
    %get3A_318 = vector.shape_cast %get3A_317 : vector<1x1x1x256xf32> to vector<1x256xf32>
    %get3A_319 = arith.constant 0 : index
    %get3A_320 = arith.constant 2 : index
    %get3A_321 = arith.constant 1 : index
    %get3A_322 = arith.constant 0 : index
    %get3A_323 = vector.load %arg4[%get3A_319, %get3A_320, %get3A_321, %get3A_322] : memref<1x8x4x256xf32, #tpu.memory_space<vmem>>, vector<1x1x1x256xf32>
    %get3A_324 = vector.shape_cast %get3A_323 : vector<1x1x1x256xf32> to vector<1x256xf32>
    %get3A_325 = arith.constant 0 : index
    %get3A_326 = arith.constant 2 : index
    %get3A_327 = arith.constant 2 : index
    %get3A_328 = arith.constant 0 : index
    %get3A_329 = vector.load %arg4[%get3A_325, %get3A_326, %get3A_327, %get3A_328] : memref<1x8x4x256xf32, #tpu.memory_space<vmem>>, vector<1x1x1x256xf32>
    %get3A_330 = vector.shape_cast %get3A_329 : vector<1x1x1x256xf32> to vector<1x256xf32>
    %get3A_331 = arith.constant 0 : index
    %get3A_332 = arith.constant 2 : index
    %get3A_333 = arith.constant 3 : index
    %get3A_334 = arith.constant 0 : index
    %get3A_335 = vector.load %arg4[%get3A_331, %get3A_332, %get3A_333, %get3A_334] : memref<1x8x4x256xf32, #tpu.memory_space<vmem>>, vector<1x1x1x256xf32>
    %get3A_336 = vector.shape_cast %get3A_335 : vector<1x1x1x256xf32> to vector<1x256xf32>
    %get3A_337 = arith.constant 0 : index
    %get3A_338 = arith.constant 2 : index
    %get3A_339 = arith.constant 0 : index
    %get3A_340 = arith.constant 0 : index
    %get3A_341 = vector.load %arg7[%get3A_337, %get3A_338, %get3A_339, %get3A_340] : memref<1x8x256x4xf32, #tpu.memory_space<vmem>>, vector<1x1x256x4xf32>
    %get3A_342 = vector.shape_cast %get3A_341 : vector<1x1x256x4xf32> to vector<256x4xf32>
    %slice3A_343 = vector.extract_strided_slice %get3A_342 {offsets = [0, 0], sizes = [256, 1], strides = [1, 1]} : vector<256x4xf32> to vector<256x1xf32>
    %slice3A_344 = vector.extract_strided_slice %get3A_342 {offsets = [0, 1], sizes = [256, 1], strides = [1, 1]} : vector<256x4xf32> to vector<256x1xf32>
    %slice3A_345 = vector.extract_strided_slice %get3A_342 {offsets = [0, 2], sizes = [256, 1], strides = [1, 1]} : vector<256x4xf32> to vector<256x1xf32>
    %slice3A_346 = vector.extract_strided_slice %get3A_342 {offsets = [0, 3], sizes = [256, 1], strides = [1, 1]} : vector<256x4xf32> to vector<256x1xf32>
    %max3A_347 = vector.broadcast %slice3A_343 : vector<256x1xf32> to vector<256x256xf32>
    %max3A_348 = vector.broadcast %get3A_318 : vector<1x256xf32> to vector<256x256xf32>
    %max3A_349 = arith.maximumf %max3A_347, %max3A_348 : vector<256x256xf32>
    %max3A_350 = vector.broadcast %slice3A_344 : vector<256x1xf32> to vector<256x256xf32>
    %max3A_351 = vector.broadcast %get3A_324 : vector<1x256xf32> to vector<256x256xf32>
    %max3A_352 = arith.maximumf %max3A_350, %max3A_351 : vector<256x256xf32>
    %min3A_353 = vector.broadcast %slice3A_345 : vector<256x1xf32> to vector<256x256xf32>
    %min3A_354 = vector.broadcast %get3A_330 : vector<1x256xf32> to vector<256x256xf32>
    %min3A_355 = arith.minimumf %min3A_353, %min3A_354 : vector<256x256xf32>
    %min3A_356 = vector.broadcast %slice3A_346 : vector<256x1xf32> to vector<256x256xf32>
    %min3A_357 = vector.broadcast %get3A_336 : vector<1x256xf32> to vector<256x256xf32>
    %min3A_358 = arith.minimumf %min3A_356, %min3A_357 : vector<256x256xf32>
    %sub3A_359 = arith.subf %min3A_355, %max3A_349 : vector<256x256xf32>
    %jit3A_360 = arith.constant 0.000000e+00 : f32
    %max3A_361 = vector.broadcast %jit3A_360 : f32 to vector<256x256xf32>
    %max3A_362 = arith.maximumf %max3A_361, %sub3A_359 : vector<256x256xf32>
    %sub3A_363 = arith.subf %min3A_358, %max3A_352 : vector<256x256xf32>
    %jit3A_364 = arith.constant 0.000000e+00 : f32
    %max3A_365 = vector.broadcast %jit3A_364 : f32 to vector<256x256xf32>
    %max3A_366 = arith.maximumf %max3A_365, %sub3A_363 : vector<256x256xf32>
    %mul3A_367 = arith.mulf %max3A_362, %max3A_366 : vector<256x256xf32>
    %sub3A_368 = arith.subf %get3A_330, %get3A_318 : vector<1x256xf32>
    %sub3A_369 = arith.subf %get3A_336, %get3A_324 : vector<1x256xf32>
    %mul3A_370 = arith.mulf %sub3A_368, %sub3A_369 : vector<1x256xf32>
    %sub3A_371 = arith.subf %slice3A_345, %slice3A_343 : vector<256x1xf32>
    %sub3A_372 = arith.subf %slice3A_346, %slice3A_344 : vector<256x1xf32>
    %mul3A_373 = arith.mulf %sub3A_371, %sub3A_372 : vector<256x1xf32>
    %add3A_374 = vector.broadcast %mul3A_373 : vector<256x1xf32> to vector<256x256xf32>
    %add3A_375 = vector.broadcast %mul3A_370 : vector<1x256xf32> to vector<256x256xf32>
    %add3A_376 = arith.addf %add3A_374, %add3A_375 : vector<256x256xf32>
    %sub3A_377 = arith.subf %add3A_376, %mul3A_367 : vector<256x256xf32>
    %max3A_378 = arith.constant 9.99999971E-10 : f32
    %max3A_379 = vector.broadcast %max3A_378 : f32 to vector<256x256xf32>
    %max3A_380 = arith.maximumf %sub3A_377, %max3A_379 : vector<256x256xf32>
    %div3A_381 = arith.divf %mul3A_367, %max3A_380 : vector<256x256xf32>
    %gt3A_382 = vector.broadcast %get3A_306 : vector<256x1xf32> to vector<256x256xf32>
    %gt3A_383 = vector.broadcast %get3A_294 : vector<1x256xf32> to vector<256x256xf32>
    %gt3A_384 = arith.cmpf ogt, %gt3A_382, %gt3A_383 : vector<256x256xf32>
    %eq3A_385 = vector.broadcast %get3A_306 : vector<256x1xf32> to vector<256x256xf32>
    %eq3A_386 = vector.broadcast %get3A_294 : vector<1x256xf32> to vector<256x256xf32>
    %eq3A_387 = arith.cmpf oeq, %eq3A_385, %eq3A_386 : vector<256x256xf32>
    %lt3A_388 = vector.broadcast %get3A_312 : vector<256x1xi32> to vector<256x256xi32>
    %lt3A_389 = vector.broadcast %get3A_300 : vector<1x256xi32> to vector<256x256xi32>
    %lt3A_390 = arith.cmpi slt, %lt3A_388, %lt3A_389 : vector<256x256xi32>
    %and3A_391 = arith.andi %eq3A_387, %lt3A_390 : vector<256x256xi1>
    %or3A_392 = arith.ori %gt3A_384, %and3A_391 : vector<256x256xi1>
    %gt3A_393 = arith.constant 5.000000e-01 : f32
    %gt3A_394 = vector.broadcast %gt3A_393 : f32 to vector<256x256xf32>
    %gt3A_395 = arith.cmpf ogt, %div3A_381, %gt3A_394 : vector<256x256xf32>
    %and3A_396 = arith.andi %or3A_392, %gt3A_395 : vector<256x256xi1>
    %lt3A_397 = arith.constant 200 : i32
    %lt3A_398 = vector.broadcast %lt3A_397 : i32 to vector<256x256xi32>
    %lt3A_399 = arith.cmpi slt, %iota3A, %lt3A_398 : vector<256x256xi32>
    %and3A_400 = arith.andi %and3A_396, %lt3A_399 : vector<256x256xi1>
    %reduce_or3A_401 = arith.constant 1.000000e+00 : f32
    %reduce_or3A_402 = arith.constant 0.000000e+00 : f32
    %reduce_or3A_403 = vector.broadcast %reduce_or3A_401 : f32 to vector<256x256xf32>
    %reduce_or3A_404 = vector.broadcast %reduce_or3A_402 : f32 to vector<256x256xf32>
    %reduce_or3A_405 = arith.select %and3A_400, %reduce_or3A_403, %reduce_or3A_404 : vector<256x256xi1>, vector<256x256xf32>
    %reduce_or3A_406 = arith.constant dense<0xFF800000> : vector<256xf32>
    %reduce_or3A_407 = vector.multi_reduction <maximumf>, %reduce_or3A_405, %reduce_or3A_406 [0] : vector<256x256xf32> to vector<256xf32>
    %reduce_or3A_408 = arith.constant 0.000000e+00 : f32
    %reduce_or3A_409 = vector.broadcast %reduce_or3A_408 : f32 to vector<256xf32>
    %reduce_or3A_410 = arith.cmpf ogt, %reduce_or3A_407, %reduce_or3A_409 : vector<256xf32>
    %broadcast_in_dim3A_411 = vector.shape_cast %reduce_or3A_410 : vector<256xi1> to vector<1x256xi1>
    %not3A_412 = arith.constant dense<true> : vector<1x256xi1>
    %not3A_413 = arith.xori %broadcast_in_dim3A_411, %not3A_412 : vector<1x256xi1>
    %convert_element_type3A_414 = arith.extui %not3A_413 : vector<1x256xi1> to vector<1x256xi32>
    %convert_element_type3A_415 = arith.sitofp %convert_element_type3A_414 : vector<1x256xi32> to vector<1x256xf32>
    %mul3A_416 = arith.mulf %get3A_294, %convert_element_type3A_415 : vector<1x256xf32>
    %gt3A_417 = arith.constant 5.000000e-02 : f32
    %gt3A_418 = vector.broadcast %gt3A_417 : f32 to vector<1x256xf32>
    %gt3A_419 = arith.cmpf ogt, %get3A_294, %gt3A_418 : vector<1x256xf32>
    %convert_element_type3A_420 = arith.extui %gt3A_419 : vector<1x256xi1> to vector<1x256xi32>
    %convert_element_type3A_421 = arith.sitofp %convert_element_type3A_420 : vector<1x256xi32> to vector<1x256xf32>
    %mul3A_422 = arith.mulf %mul3A_416, %convert_element_type3A_421 : vector<1x256xf32>
    %lt3A_423 = arith.constant 200 : i32
    %lt3A_424 = vector.broadcast %lt3A_423 : i32 to vector<1x256xi32>
    %lt3A_425 = arith.cmpi slt, %iota3A_0, %lt3A_424 : vector<1x256xi32>
    %jit3A_426 = arith.constant 0.000000e+00 : f32
    %broadcast_in_dim3A_427 = vector.broadcast %jit3A_426 : f32 to vector<1x256xf32>
    %select_n3A_428 = arith.select %lt3A_425, %mul3A_422, %broadcast_in_dim3A_427 : vector<1x256xi1>, vector<1x256xf32>
    %swap3A_429 = arith.constant 0 : index
    %swap3A_430 = arith.constant 2 : index
    %swap3A_431 = arith.constant 0 : index
    %swap3A_432 = arith.constant 0 : index
    %swap3A_433 = vector.load %arg8[%swap3A_429, %swap3A_430, %swap3A_431, %swap3A_432] : memref<1x8x1x256xf32, #tpu.memory_space<vmem>>, vector<1x1x1x256xf32>
    %swap3A_434 = vector.shape_cast %swap3A_433 : vector<1x1x1x256xf32> to vector<1x256xf32>
    %swap3A_435 = vector.shape_cast %select_n3A_428 : vector<1x256xf32> to vector<1x1x1x256xf32>
    tpu.vector_store %arg8[%swap3A_429, %swap3A_430, %swap3A_431, %swap3A_432], %swap3A_435 {strides = array<i32>} : memref<1x8x1x256xf32, #tpu.memory_space<vmem>>, vector<1x1x1x256xf32>,
    %mul3A_436 = arith.constant 2048 : i32
    %mul3A_437 = arith.muli %arg1, %mul3A_436 : i32
    %add3A_438 = arith.constant 512 : i32
    %add3A_439 = arith.addi %mul3A_437, %add3A_438 : i32
    %swap3A_440 = arith.constant 0 : index
    %swap3A_441 = arith.index_cast %add3A_439 : i32 to index
    %swap3A_442 = vector.load %arg10[%swap3A_440, %swap3A_441] : memref<1x20480xf32, #tpu.memory_space<vmem>>, vector<1x256xf32>
    tpu.vector_store %arg10[%swap3A_440, %swap3A_441], %select_n3A_428 {strides = array<i32>} : memref<1x20480xf32, #tpu.memory_space<vmem>>, vector<1x256xf32>,
    %get3A_443 = arith.constant 0 : index
    %get3A_444 = arith.constant 3 : index
    %get3A_445 = arith.constant 0 : index
    %get3A_446 = arith.constant 0 : index
    %get3A_447 = vector.load %arg2[%get3A_443, %get3A_444, %get3A_445, %get3A_446] : memref<1x8x1x256xf32, #tpu.memory_space<vmem>>, vector<1x1x1x256xf32>
    %get3A_448 = vector.shape_cast %get3A_447 : vector<1x1x1x256xf32> to vector<1x256xf32>
    %get3A_449 = arith.constant 0 : index
    %get3A_450 = arith.constant 3 : index
    %get3A_451 = arith.constant 0 : index
    %get3A_452 = arith.constant 0 : index
    %get3A_453 = vector.load %arg3[%get3A_449, %get3A_450, %get3A_451, %get3A_452] : memref<1x8x1x256xi32, #tpu.memory_space<vmem>>, vector<1x1x1x256xi32>
    %get3A_454 = vector.shape_cast %get3A_453 : vector<1x1x1x256xi32> to vector<1x256xi32>
    %get3A_455 = arith.constant 0 : index
    %get3A_456 = arith.constant 3 : index
    %get3A_457 = arith.constant 0 : index
    %get3A_458 = arith.constant 0 : index
    %get3A_459 = vector.load %arg5[%get3A_455, %get3A_456, %get3A_457, %get3A_458] : memref<1x8x256x1xf32, #tpu.memory_space<vmem>>, vector<1x1x256x1xf32>
    %get3A_460 = vector.shape_cast %get3A_459 : vector<1x1x256x1xf32> to vector<256x1xf32>
    %get3A_461 = arith.constant 0 : index
    %get3A_462 = arith.constant 3 : index
    %get3A_463 = arith.constant 0 : index
    %get3A_464 = arith.constant 0 : index
    %get3A_465 = vector.load %arg6[%get3A_461, %get3A_462, %get3A_463, %get3A_464] : memref<1x8x256x1xi32, #tpu.memory_space<vmem>>, vector<1x1x256x1xi32>
    %get3A_466 = vector.shape_cast %get3A_465 : vector<1x1x256x1xi32> to vector<256x1xi32>
    %get3A_467 = arith.constant 0 : index
    %get3A_468 = arith.constant 3 : index
    %get3A_469 = arith.constant 0 : index
    %get3A_470 = arith.constant 0 : index
    %get3A_471 = vector.load %arg4[%get3A_467, %get3A_468, %get3A_469, %get3A_470] : memref<1x8x4x256xf32, #tpu.memory_space<vmem>>, vector<1x1x1x256xf32>
    %get3A_472 = vector.shape_cast %get3A_471 : vector<1x1x1x256xf32> to vector<1x256xf32>
    %get3A_473 = arith.constant 0 : index
    %get3A_474 = arith.constant 3 : index
    %get3A_475 = arith.constant 1 : index
    %get3A_476 = arith.constant 0 : index
    %get3A_477 = vector.load %arg4[%get3A_473, %get3A_474, %get3A_475, %get3A_476] : memref<1x8x4x256xf32, #tpu.memory_space<vmem>>, vector<1x1x1x256xf32>
    %get3A_478 = vector.shape_cast %get3A_477 : vector<1x1x1x256xf32> to vector<1x256xf32>
    %get3A_479 = arith.constant 0 : index
    %get3A_480 = arith.constant 3 : index
    %get3A_481 = arith.constant 2 : index
    %get3A_482 = arith.constant 0 : index
    %get3A_483 = vector.load %arg4[%get3A_479, %get3A_480, %get3A_481, %get3A_482] : memref<1x8x4x256xf32, #tpu.memory_space<vmem>>, vector<1x1x1x256xf32>
    %get3A_484 = vector.shape_cast %get3A_483 : vector<1x1x1x256xf32> to vector<1x256xf32>
    %get3A_485 = arith.constant 0 : index
    %get3A_486 = arith.constant 3 : index
    %get3A_487 = arith.constant 3 : index
    %get3A_488 = arith.constant 0 : index
    %get3A_489 = vector.load %arg4[%get3A_485, %get3A_486, %get3A_487, %get3A_488] : memref<1x8x4x256xf32, #tpu.memory_space<vmem>>, vector<1x1x1x256xf32>
    %get3A_490 = vector.shape_cast %get3A_489 : vector<1x1x1x256xf32> to vector<1x256xf32>
    %get3A_491 = arith.constant 0 : index
    %get3A_492 = arith.constant 3 : index
    %get3A_493 = arith.constant 0 : index
    %get3A_494 = arith.constant 0 : index
    %get3A_495 = vector.load %arg7[%get3A_491, %get3A_492, %get3A_493, %get3A_494] : memref<1x8x256x4xf32, #tpu.memory_space<vmem>>, vector<1x1x256x4xf32>
    %get3A_496 = vector.shape_cast %get3A_495 : vector<1x1x256x4xf32> to vector<256x4xf32>
    %slice3A_497 = vector.extract_strided_slice %get3A_496 {offsets = [0, 0], sizes = [256, 1], strides = [1, 1]} : vector<256x4xf32> to vector<256x1xf32>
    %slice3A_498 = vector.extract_strided_slice %get3A_496 {offsets = [0, 1], sizes = [256, 1], strides = [1, 1]} : vector<256x4xf32> to vector<256x1xf32>
    %slice3A_499 = vector.extract_strided_slice %get3A_496 {offsets = [0, 2], sizes = [256, 1], strides = [1, 1]} : vector<256x4xf32> to vector<256x1xf32>
    %slice3A_500 = vector.extract_strided_slice %get3A_496 {offsets = [0, 3], sizes = [256, 1], strides = [1, 1]} : vector<256x4xf32> to vector<256x1xf32>
    %max3A_501 = vector.broadcast %slice3A_497 : vector<256x1xf32> to vector<256x256xf32>
    %max3A_502 = vector.broadcast %get3A_472 : vector<1x256xf32> to vector<256x256xf32>
    %max3A_503 = arith.maximumf %max3A_501, %max3A_502 : vector<256x256xf32>
    %max3A_504 = vector.broadcast %slice3A_498 : vector<256x1xf32> to vector<256x256xf32>
    %max3A_505 = vector.broadcast %get3A_478 : vector<1x256xf32> to vector<256x256xf32>
    %max3A_506 = arith.maximumf %max3A_504, %max3A_505 : vector<256x256xf32>
    %min3A_507 = vector.broadcast %slice3A_499 : vector<256x1xf32> to vector<256x256xf32>
    %min3A_508 = vector.broadcast %get3A_484 : vector<1x256xf32> to vector<256x256xf32>
    %min3A_509 = arith.minimumf %min3A_507, %min3A_508 : vector<256x256xf32>
    %min3A_510 = vector.broadcast %slice3A_500 : vector<256x1xf32> to vector<256x256xf32>
    %min3A_511 = vector.broadcast %get3A_490 : vector<1x256xf32> to vector<256x256xf32>
    %min3A_512 = arith.minimumf %min3A_510, %min3A_511 : vector<256x256xf32>
    %sub3A_513 = arith.subf %min3A_509, %max3A_503 : vector<256x256xf32>
    %jit3A_514 = arith.constant 0.000000e+00 : f32
    %max3A_515 = vector.broadcast %jit3A_514 : f32 to vector<256x256xf32>
    %max3A_516 = arith.maximumf %max3A_515, %sub3A_513 : vector<256x256xf32>
    %sub3A_517 = arith.subf %min3A_512, %max3A_506 : vector<256x256xf32>
    %jit3A_518 = arith.constant 0.000000e+00 : f32
    %max3A_519 = vector.broadcast %jit3A_518 : f32 to vector<256x256xf32>
    %max3A_520 = arith.maximumf %max3A_519, %sub3A_517 : vector<256x256xf32>
    %mul3A_521 = arith.mulf %max3A_516, %max3A_520 : vector<256x256xf32>
    %sub3A_522 = arith.subf %get3A_484, %get3A_472 : vector<1x256xf32>
    %sub3A_523 = arith.subf %get3A_490, %get3A_478 : vector<1x256xf32>
    %mul3A_524 = arith.mulf %sub3A_522, %sub3A_523 : vector<1x256xf32>
    %sub3A_525 = arith.subf %slice3A_499, %slice3A_497 : vector<256x1xf32>
    %sub3A_526 = arith.subf %slice3A_500, %slice3A_498 : vector<256x1xf32>
    %mul3A_527 = arith.mulf %sub3A_525, %sub3A_526 : vector<256x1xf32>
    %add3A_528 = vector.broadcast %mul3A_527 : vector<256x1xf32> to vector<256x256xf32>
    %add3A_529 = vector.broadcast %mul3A_524 : vector<1x256xf32> to vector<256x256xf32>
    %add3A_530 = arith.addf %add3A_528, %add3A_529 : vector<256x256xf32>
    %sub3A_531 = arith.subf %add3A_530, %mul3A_521 : vector<256x256xf32>
    %max3A_532 = arith.constant 9.99999971E-10 : f32
    %max3A_533 = vector.broadcast %max3A_532 : f32 to vector<256x256xf32>
    %max3A_534 = arith.maximumf %sub3A_531, %max3A_533 : vector<256x256xf32>
    %div3A_535 = arith.divf %mul3A_521, %max3A_534 : vector<256x256xf32>
    %gt3A_536 = vector.broadcast %get3A_460 : vector<256x1xf32> to vector<256x256xf32>
    %gt3A_537 = vector.broadcast %get3A_448 : vector<1x256xf32> to vector<256x256xf32>
    %gt3A_538 = arith.cmpf ogt, %gt3A_536, %gt3A_537 : vector<256x256xf32>
    %eq3A_539 = vector.broadcast %get3A_460 : vector<256x1xf32> to vector<256x256xf32>
    %eq3A_540 = vector.broadcast %get3A_448 : vector<1x256xf32> to vector<256x256xf32>
    %eq3A_541 = arith.cmpf oeq, %eq3A_539, %eq3A_540 : vector<256x256xf32>
    %lt3A_542 = vector.broadcast %get3A_466 : vector<256x1xi32> to vector<256x256xi32>
    %lt3A_543 = vector.broadcast %get3A_454 : vector<1x256xi32> to vector<256x256xi32>
    %lt3A_544 = arith.cmpi slt, %lt3A_542, %lt3A_543 : vector<256x256xi32>
    %and3A_545 = arith.andi %eq3A_541, %lt3A_544 : vector<256x256xi1>
    %or3A_546 = arith.ori %gt3A_538, %and3A_545 : vector<256x256xi1>
    %gt3A_547 = arith.constant 5.000000e-01 : f32
    %gt3A_548 = vector.broadcast %gt3A_547 : f32 to vector<256x256xf32>
    %gt3A_549 = arith.cmpf ogt, %div3A_535, %gt3A_548 : vector<256x256xf32>
    %and3A_550 = arith.andi %or3A_546, %gt3A_549 : vector<256x256xi1>
    %lt3A_551 = arith.constant 200 : i32
    %lt3A_552 = vector.broadcast %lt3A_551 : i32 to vector<256x256xi32>
    %lt3A_553 = arith.cmpi slt, %iota3A, %lt3A_552 : vector<256x256xi32>
    %and3A_554 = arith.andi %and3A_550, %lt3A_553 : vector<256x256xi1>
    %reduce_or3A_555 = arith.constant 1.000000e+00 : f32
    %reduce_or3A_556 = arith.constant 0.000000e+00 : f32
    %reduce_or3A_557 = vector.broadcast %reduce_or3A_555 : f32 to vector<256x256xf32>
    %reduce_or3A_558 = vector.broadcast %reduce_or3A_556 : f32 to vector<256x256xf32>
    %reduce_or3A_559 = arith.select %and3A_554, %reduce_or3A_557, %reduce_or3A_558 : vector<256x256xi1>, vector<256x256xf32>
    %reduce_or3A_560 = arith.constant dense<0xFF800000> : vector<256xf32>
    %reduce_or3A_561 = vector.multi_reduction <maximumf>, %reduce_or3A_559, %reduce_or3A_560 [0] : vector<256x256xf32> to vector<256xf32>
    %reduce_or3A_562 = arith.constant 0.000000e+00 : f32
    %reduce_or3A_563 = vector.broadcast %reduce_or3A_562 : f32 to vector<256xf32>
    %reduce_or3A_564 = arith.cmpf ogt, %reduce_or3A_561, %reduce_or3A_563 : vector<256xf32>
    %broadcast_in_dim3A_565 = vector.shape_cast %reduce_or3A_564 : vector<256xi1> to vector<1x256xi1>
    %not3A_566 = arith.constant dense<true> : vector<1x256xi1>
    %not3A_567 = arith.xori %broadcast_in_dim3A_565, %not3A_566 : vector<1x256xi1>
    %convert_element_type3A_568 = arith.extui %not3A_567 : vector<1x256xi1> to vector<1x256xi32>
    %convert_element_type3A_569 = arith.sitofp %convert_element_type3A_568 : vector<1x256xi32> to vector<1x256xf32>
    %mul3A_570 = arith.mulf %get3A_448, %convert_element_type3A_569 : vector<1x256xf32>
    %gt3A_571 = arith.constant 5.000000e-02 : f32
    %gt3A_572 = vector.broadcast %gt3A_571 : f32 to vector<1x256xf32>
    %gt3A_573 = arith.cmpf ogt, %get3A_448, %gt3A_572 : vector<1x256xf32>
    %convert_element_type3A_574 = arith.extui %gt3A_573 : vector<1x256xi1> to vector<1x256xi32>
    %convert_element_type3A_575 = arith.sitofp %convert_element_type3A_574 : vector<1x256xi32> to vector<1x256xf32>
    %mul3A_576 = arith.mulf %mul3A_570, %convert_element_type3A_575 : vector<1x256xf32>
    %lt3A_577 = arith.constant 200 : i32
    %lt3A_578 = vector.broadcast %lt3A_577 : i32 to vector<1x256xi32>
    %lt3A_579 = arith.cmpi slt, %iota3A_0, %lt3A_578 : vector<1x256xi32>
    %jit3A_580 = arith.constant 0.000000e+00 : f32
    %broadcast_in_dim3A_581 = vector.broadcast %jit3A_580 : f32 to vector<1x256xf32>
    %select_n3A_582 = arith.select %lt3A_579, %mul3A_576, %broadcast_in_dim3A_581 : vector<1x256xi1>, vector<1x256xf32>
    %swap3A_583 = arith.constant 0 : index
    %swap3A_584 = arith.constant 3 : index
    %swap3A_585 = arith.constant 0 : index
    %swap3A_586 = arith.constant 0 : index
    %swap3A_587 = vector.load %arg8[%swap3A_583, %swap3A_584, %swap3A_585, %swap3A_586] : memref<1x8x1x256xf32, #tpu.memory_space<vmem>>, vector<1x1x1x256xf32>
    %swap3A_588 = vector.shape_cast %swap3A_587 : vector<1x1x1x256xf32> to vector<1x256xf32>
    %swap3A_589 = vector.shape_cast %select_n3A_582 : vector<1x256xf32> to vector<1x1x1x256xf32>
    tpu.vector_store %arg8[%swap3A_583, %swap3A_584, %swap3A_585, %swap3A_586], %swap3A_589 {strides = array<i32>} : memref<1x8x1x256xf32, #tpu.memory_space<vmem>>, vector<1x1x1x256xf32>,
    %mul3A_590 = arith.constant 2048 : i32
    %mul3A_591 = arith.muli %arg1, %mul3A_590 : i32
    %add3A_592 = arith.constant 768 : i32
    %add3A_593 = arith.addi %mul3A_591, %add3A_592 : i32
    %swap3A_594 = arith.constant 0 : index
    %swap3A_595 = arith.index_cast %add3A_593 : i32 to index
    %swap3A_596 = vector.load %arg10[%swap3A_594, %swap3A_595] : memref<1x20480xf32, #tpu.memory_space<vmem>>, vector<1x256xf32>
    tpu.vector_store %arg10[%swap3A_594, %swap3A_595], %select_n3A_582 {strides = array<i32>} : memref<1x20480xf32, #tpu.memory_space<vmem>>, vector<1x256xf32>,
    %get3A_597 = arith.constant 0 : index
    %get3A_598 = arith.constant 4 : index
    %get3A_599 = arith.constant 0 : index
    %get3A_600 = arith.constant 0 : index
    %get3A_601 = vector.load %arg2[%get3A_597, %get3A_598, %get3A_599, %get3A_600] : memref<1x8x1x256xf32, #tpu.memory_space<vmem>>, vector<1x1x1x256xf32>
    %get3A_602 = vector.shape_cast %get3A_601 : vector<1x1x1x256xf32> to vector<1x256xf32>
    %get3A_603 = arith.constant 0 : index
    %get3A_604 = arith.constant 4 : index
    %get3A_605 = arith.constant 0 : index
    %get3A_606 = arith.constant 0 : index
    %get3A_607 = vector.load %arg3[%get3A_603, %get3A_604, %get3A_605, %get3A_606] : memref<1x8x1x256xi32, #tpu.memory_space<vmem>>, vector<1x1x1x256xi32>
    %get3A_608 = vector.shape_cast %get3A_607 : vector<1x1x1x256xi32> to vector<1x256xi32>
    %get3A_609 = arith.constant 0 : index
    %get3A_610 = arith.constant 4 : index
    %get3A_611 = arith.constant 0 : index
    %get3A_612 = arith.constant 0 : index
    %get3A_613 = vector.load %arg5[%get3A_609, %get3A_610, %get3A_611, %get3A_612] : memref<1x8x256x1xf32, #tpu.memory_space<vmem>>, vector<1x1x256x1xf32>
    %get3A_614 = vector.shape_cast %get3A_613 : vector<1x1x256x1xf32> to vector<256x1xf32>
    %get3A_615 = arith.constant 0 : index
    %get3A_616 = arith.constant 4 : index
    %get3A_617 = arith.constant 0 : index
    %get3A_618 = arith.constant 0 : index
    %get3A_619 = vector.load %arg6[%get3A_615, %get3A_616, %get3A_617, %get3A_618] : memref<1x8x256x1xi32, #tpu.memory_space<vmem>>, vector<1x1x256x1xi32>
    %get3A_620 = vector.shape_cast %get3A_619 : vector<1x1x256x1xi32> to vector<256x1xi32>
    %get3A_621 = arith.constant 0 : index
    %get3A_622 = arith.constant 4 : index
    %get3A_623 = arith.constant 0 : index
    %get3A_624 = arith.constant 0 : index
    %get3A_625 = vector.load %arg4[%get3A_621, %get3A_622, %get3A_623, %get3A_624] : memref<1x8x4x256xf32, #tpu.memory_space<vmem>>, vector<1x1x1x256xf32>
    %get3A_626 = vector.shape_cast %get3A_625 : vector<1x1x1x256xf32> to vector<1x256xf32>
    %get3A_627 = arith.constant 0 : index
    %get3A_628 = arith.constant 4 : index
    %get3A_629 = arith.constant 1 : index
    %get3A_630 = arith.constant 0 : index
    %get3A_631 = vector.load %arg4[%get3A_627, %get3A_628, %get3A_629, %get3A_630] : memref<1x8x4x256xf32, #tpu.memory_space<vmem>>, vector<1x1x1x256xf32>
    %get3A_632 = vector.shape_cast %get3A_631 : vector<1x1x1x256xf32> to vector<1x256xf32>
    %get3A_633 = arith.constant 0 : index
    %get3A_634 = arith.constant 4 : index
    %get3A_635 = arith.constant 2 : index
    %get3A_636 = arith.constant 0 : index
    %get3A_637 = vector.load %arg4[%get3A_633, %get3A_634, %get3A_635, %get3A_636] : memref<1x8x4x256xf32, #tpu.memory_space<vmem>>, vector<1x1x1x256xf32>
    %get3A_638 = vector.shape_cast %get3A_637 : vector<1x1x1x256xf32> to vector<1x256xf32>
    %get3A_639 = arith.constant 0 : index
    %get3A_640 = arith.constant 4 : index
    %get3A_641 = arith.constant 3 : index
    %get3A_642 = arith.constant 0 : index
    %get3A_643 = vector.load %arg4[%get3A_639, %get3A_640, %get3A_641, %get3A_642] : memref<1x8x4x256xf32, #tpu.memory_space<vmem>>, vector<1x1x1x256xf32>
    %get3A_644 = vector.shape_cast %get3A_643 : vector<1x1x1x256xf32> to vector<1x256xf32>
    %get3A_645 = arith.constant 0 : index
    %get3A_646 = arith.constant 4 : index
    %get3A_647 = arith.constant 0 : index
    %get3A_648 = arith.constant 0 : index
    %get3A_649 = vector.load %arg7[%get3A_645, %get3A_646, %get3A_647, %get3A_648] : memref<1x8x256x4xf32, #tpu.memory_space<vmem>>, vector<1x1x256x4xf32>
    %get3A_650 = vector.shape_cast %get3A_649 : vector<1x1x256x4xf32> to vector<256x4xf32>
    %slice3A_651 = vector.extract_strided_slice %get3A_650 {offsets = [0, 0], sizes = [256, 1], strides = [1, 1]} : vector<256x4xf32> to vector<256x1xf32>
    %slice3A_652 = vector.extract_strided_slice %get3A_650 {offsets = [0, 1], sizes = [256, 1], strides = [1, 1]} : vector<256x4xf32> to vector<256x1xf32>
    %slice3A_653 = vector.extract_strided_slice %get3A_650 {offsets = [0, 2], sizes = [256, 1], strides = [1, 1]} : vector<256x4xf32> to vector<256x1xf32>
    %slice3A_654 = vector.extract_strided_slice %get3A_650 {offsets = [0, 3], sizes = [256, 1], strides = [1, 1]} : vector<256x4xf32> to vector<256x1xf32>
    %max3A_655 = vector.broadcast %slice3A_651 : vector<256x1xf32> to vector<256x256xf32>
    %max3A_656 = vector.broadcast %get3A_626 : vector<1x256xf32> to vector<256x256xf32>
    %max3A_657 = arith.maximumf %max3A_655, %max3A_656 : vector<256x256xf32>
    %max3A_658 = vector.broadcast %slice3A_652 : vector<256x1xf32> to vector<256x256xf32>
    %max3A_659 = vector.broadcast %get3A_632 : vector<1x256xf32> to vector<256x256xf32>
    %max3A_660 = arith.maximumf %max3A_658, %max3A_659 : vector<256x256xf32>
    %min3A_661 = vector.broadcast %slice3A_653 : vector<256x1xf32> to vector<256x256xf32>
    %min3A_662 = vector.broadcast %get3A_638 : vector<1x256xf32> to vector<256x256xf32>
    %min3A_663 = arith.minimumf %min3A_661, %min3A_662 : vector<256x256xf32>
    %min3A_664 = vector.broadcast %slice3A_654 : vector<256x1xf32> to vector<256x256xf32>
    %min3A_665 = vector.broadcast %get3A_644 : vector<1x256xf32> to vector<256x256xf32>
    %min3A_666 = arith.minimumf %min3A_664, %min3A_665 : vector<256x256xf32>
    %sub3A_667 = arith.subf %min3A_663, %max3A_657 : vector<256x256xf32>
    %jit3A_668 = arith.constant 0.000000e+00 : f32
    %max3A_669 = vector.broadcast %jit3A_668 : f32 to vector<256x256xf32>
    %max3A_670 = arith.maximumf %max3A_669, %sub3A_667 : vector<256x256xf32>
    %sub3A_671 = arith.subf %min3A_666, %max3A_660 : vector<256x256xf32>
    %jit3A_672 = arith.constant 0.000000e+00 : f32
    %max3A_673 = vector.broadcast %jit3A_672 : f32 to vector<256x256xf32>
    %max3A_674 = arith.maximumf %max3A_673, %sub3A_671 : vector<256x256xf32>
    %mul3A_675 = arith.mulf %max3A_670, %max3A_674 : vector<256x256xf32>
    %sub3A_676 = arith.subf %get3A_638, %get3A_626 : vector<1x256xf32>
    %sub3A_677 = arith.subf %get3A_644, %get3A_632 : vector<1x256xf32>
    %mul3A_678 = arith.mulf %sub3A_676, %sub3A_677 : vector<1x256xf32>
    %sub3A_679 = arith.subf %slice3A_653, %slice3A_651 : vector<256x1xf32>
    %sub3A_680 = arith.subf %slice3A_654, %slice3A_652 : vector<256x1xf32>
    %mul3A_681 = arith.mulf %sub3A_679, %sub3A_680 : vector<256x1xf32>
    %add3A_682 = vector.broadcast %mul3A_681 : vector<256x1xf32> to vector<256x256xf32>
    %add3A_683 = vector.broadcast %mul3A_678 : vector<1x256xf32> to vector<256x256xf32>
    %add3A_684 = arith.addf %add3A_682, %add3A_683 : vector<256x256xf32>
    %sub3A_685 = arith.subf %add3A_684, %mul3A_675 : vector<256x256xf32>
    %max3A_686 = arith.constant 9.99999971E-10 : f32
    %max3A_687 = vector.broadcast %max3A_686 : f32 to vector<256x256xf32>
    %max3A_688 = arith.maximumf %sub3A_685, %max3A_687 : vector<256x256xf32>
    %div3A_689 = arith.divf %mul3A_675, %max3A_688 : vector<256x256xf32>
    %gt3A_690 = vector.broadcast %get3A_614 : vector<256x1xf32> to vector<256x256xf32>
    %gt3A_691 = vector.broadcast %get3A_602 : vector<1x256xf32> to vector<256x256xf32>
    %gt3A_692 = arith.cmpf ogt, %gt3A_690, %gt3A_691 : vector<256x256xf32>
    %eq3A_693 = vector.broadcast %get3A_614 : vector<256x1xf32> to vector<256x256xf32>
    %eq3A_694 = vector.broadcast %get3A_602 : vector<1x256xf32> to vector<256x256xf32>
    %eq3A_695 = arith.cmpf oeq, %eq3A_693, %eq3A_694 : vector<256x256xf32>
    %lt3A_696 = vector.broadcast %get3A_620 : vector<256x1xi32> to vector<256x256xi32>
    %lt3A_697 = vector.broadcast %get3A_608 : vector<1x256xi32> to vector<256x256xi32>
    %lt3A_698 = arith.cmpi slt, %lt3A_696, %lt3A_697 : vector<256x256xi32>
    %and3A_699 = arith.andi %eq3A_695, %lt3A_698 : vector<256x256xi1>
    %or3A_700 = arith.ori %gt3A_692, %and3A_699 : vector<256x256xi1>
    %gt3A_701 = arith.constant 5.000000e-01 : f32
    %gt3A_702 = vector.broadcast %gt3A_701 : f32 to vector<256x256xf32>
    %gt3A_703 = arith.cmpf ogt, %div3A_689, %gt3A_702 : vector<256x256xf32>
    %and3A_704 = arith.andi %or3A_700, %gt3A_703 : vector<256x256xi1>
    %lt3A_705 = arith.constant 200 : i32
    %lt3A_706 = vector.broadcast %lt3A_705 : i32 to vector<256x256xi32>
    %lt3A_707 = arith.cmpi slt, %iota3A, %lt3A_706 : vector<256x256xi32>
    %and3A_708 = arith.andi %and3A_704, %lt3A_707 : vector<256x256xi1>
    %reduce_or3A_709 = arith.constant 1.000000e+00 : f32
    %reduce_or3A_710 = arith.constant 0.000000e+00 : f32
    %reduce_or3A_711 = vector.broadcast %reduce_or3A_709 : f32 to vector<256x256xf32>
    %reduce_or3A_712 = vector.broadcast %reduce_or3A_710 : f32 to vector<256x256xf32>
    %reduce_or3A_713 = arith.select %and3A_708, %reduce_or3A_711, %reduce_or3A_712 : vector<256x256xi1>, vector<256x256xf32>
    %reduce_or3A_714 = arith.constant dense<0xFF800000> : vector<256xf32>
    %reduce_or3A_715 = vector.multi_reduction <maximumf>, %reduce_or3A_713, %reduce_or3A_714 [0] : vector<256x256xf32> to vector<256xf32>
    %reduce_or3A_716 = arith.constant 0.000000e+00 : f32
    %reduce_or3A_717 = vector.broadcast %reduce_or3A_716 : f32 to vector<256xf32>
    %reduce_or3A_718 = arith.cmpf ogt, %reduce_or3A_715, %reduce_or3A_717 : vector<256xf32>
    %broadcast_in_dim3A_719 = vector.shape_cast %reduce_or3A_718 : vector<256xi1> to vector<1x256xi1>
    %not3A_720 = arith.constant dense<true> : vector<1x256xi1>
    %not3A_721 = arith.xori %broadcast_in_dim3A_719, %not3A_720 : vector<1x256xi1>
    %convert_element_type3A_722 = arith.extui %not3A_721 : vector<1x256xi1> to vector<1x256xi32>
    %convert_element_type3A_723 = arith.sitofp %convert_element_type3A_722 : vector<1x256xi32> to vector<1x256xf32>
    %mul3A_724 = arith.mulf %get3A_602, %convert_element_type3A_723 : vector<1x256xf32>
    %gt3A_725 = arith.constant 5.000000e-02 : f32
    %gt3A_726 = vector.broadcast %gt3A_725 : f32 to vector<1x256xf32>
    %gt3A_727 = arith.cmpf ogt, %get3A_602, %gt3A_726 : vector<1x256xf32>
    %convert_element_type3A_728 = arith.extui %gt3A_727 : vector<1x256xi1> to vector<1x256xi32>
    %convert_element_type3A_729 = arith.sitofp %convert_element_type3A_728 : vector<1x256xi32> to vector<1x256xf32>
    %mul3A_730 = arith.mulf %mul3A_724, %convert_element_type3A_729 : vector<1x256xf32>
    %lt3A_731 = arith.constant 200 : i32
    %lt3A_732 = vector.broadcast %lt3A_731 : i32 to vector<1x256xi32>
    %lt3A_733 = arith.cmpi slt, %iota3A_0, %lt3A_732 : vector<1x256xi32>
    %jit3A_734 = arith.constant 0.000000e+00 : f32
    %broadcast_in_dim3A_735 = vector.broadcast %jit3A_734 : f32 to vector<1x256xf32>
    %select_n3A_736 = arith.select %lt3A_733, %mul3A_730, %broadcast_in_dim3A_735 : vector<1x256xi1>, vector<1x256xf32>
    %swap3A_737 = arith.constant 0 : index
    %swap3A_738 = arith.constant 4 : index
    %swap3A_739 = arith.constant 0 : index
    %swap3A_740 = arith.constant 0 : index
    %swap3A_741 = vector.load %arg8[%swap3A_737, %swap3A_738, %swap3A_739, %swap3A_740] : memref<1x8x1x256xf32, #tpu.memory_space<vmem>>, vector<1x1x1x256xf32>
    %swap3A_742 = vector.shape_cast %swap3A_741 : vector<1x1x1x256xf32> to vector<1x256xf32>
    %swap3A_743 = vector.shape_cast %select_n3A_736 : vector<1x256xf32> to vector<1x1x1x256xf32>
    tpu.vector_store %arg8[%swap3A_737, %swap3A_738, %swap3A_739, %swap3A_740], %swap3A_743 {strides = array<i32>} : memref<1x8x1x256xf32, #tpu.memory_space<vmem>>, vector<1x1x1x256xf32>,
    %mul3A_744 = arith.constant 2048 : i32
    %mul3A_745 = arith.muli %arg1, %mul3A_744 : i32
    %add3A_746 = arith.constant 1024 : i32
    %add3A_747 = arith.addi %mul3A_745, %add3A_746 : i32
    %swap3A_748 = arith.constant 0 : index
    %swap3A_749 = arith.index_cast %add3A_747 : i32 to index
    %swap3A_750 = vector.load %arg10[%swap3A_748, %swap3A_749] : memref<1x20480xf32, #tpu.memory_space<vmem>>, vector<1x256xf32>
    tpu.vector_store %arg10[%swap3A_748, %swap3A_749], %select_n3A_736 {strides = array<i32>} : memref<1x20480xf32, #tpu.memory_space<vmem>>, vector<1x256xf32>,
    %get3A_751 = arith.constant 0 : index
    %get3A_752 = arith.constant 5 : index
    %get3A_753 = arith.constant 0 : index
    %get3A_754 = arith.constant 0 : index
    %get3A_755 = vector.load %arg2[%get3A_751, %get3A_752, %get3A_753, %get3A_754] : memref<1x8x1x256xf32, #tpu.memory_space<vmem>>, vector<1x1x1x256xf32>
    %get3A_756 = vector.shape_cast %get3A_755 : vector<1x1x1x256xf32> to vector<1x256xf32>
    %get3A_757 = arith.constant 0 : index
    %get3A_758 = arith.constant 5 : index
    %get3A_759 = arith.constant 0 : index
    %get3A_760 = arith.constant 0 : index
    %get3A_761 = vector.load %arg3[%get3A_757, %get3A_758, %get3A_759, %get3A_760] : memref<1x8x1x256xi32, #tpu.memory_space<vmem>>, vector<1x1x1x256xi32>
    %get3A_762 = vector.shape_cast %get3A_761 : vector<1x1x1x256xi32> to vector<1x256xi32>
    %get3A_763 = arith.constant 0 : index
    %get3A_764 = arith.constant 5 : index
    %get3A_765 = arith.constant 0 : index
    %get3A_766 = arith.constant 0 : index
    %get3A_767 = vector.load %arg5[%get3A_763, %get3A_764, %get3A_765, %get3A_766] : memref<1x8x256x1xf32, #tpu.memory_space<vmem>>, vector<1x1x256x1xf32>
    %get3A_768 = vector.shape_cast %get3A_767 : vector<1x1x256x1xf32> to vector<256x1xf32>
    %get3A_769 = arith.constant 0 : index
    %get3A_770 = arith.constant 5 : index
    %get3A_771 = arith.constant 0 : index
    %get3A_772 = arith.constant 0 : index
    %get3A_773 = vector.load %arg6[%get3A_769, %get3A_770, %get3A_771, %get3A_772] : memref<1x8x256x1xi32, #tpu.memory_space<vmem>>, vector<1x1x256x1xi32>
    %get3A_774 = vector.shape_cast %get3A_773 : vector<1x1x256x1xi32> to vector<256x1xi32>
    %get3A_775 = arith.constant 0 : index
    %get3A_776 = arith.constant 5 : index
    %get3A_777 = arith.constant 0 : index
    %get3A_778 = arith.constant 0 : index
    %get3A_779 = vector.load %arg4[%get3A_775, %get3A_776, %get3A_777, %get3A_778] : memref<1x8x4x256xf32, #tpu.memory_space<vmem>>, vector<1x1x1x256xf32>
    %get3A_780 = vector.shape_cast %get3A_779 : vector<1x1x1x256xf32> to vector<1x256xf32>
    %get3A_781 = arith.constant 0 : index
    %get3A_782 = arith.constant 5 : index
    %get3A_783 = arith.constant 1 : index
    %get3A_784 = arith.constant 0 : index
    %get3A_785 = vector.load %arg4[%get3A_781, %get3A_782, %get3A_783, %get3A_784] : memref<1x8x4x256xf32, #tpu.memory_space<vmem>>, vector<1x1x1x256xf32>
    %get3A_786 = vector.shape_cast %get3A_785 : vector<1x1x1x256xf32> to vector<1x256xf32>
    %get3A_787 = arith.constant 0 : index
    %get3A_788 = arith.constant 5 : index
    %get3A_789 = arith.constant 2 : index
    %get3A_790 = arith.constant 0 : index
    %get3A_791 = vector.load %arg4[%get3A_787, %get3A_788, %get3A_789, %get3A_790] : memref<1x8x4x256xf32, #tpu.memory_space<vmem>>, vector<1x1x1x256xf32>
    %get3A_792 = vector.shape_cast %get3A_791 : vector<1x1x1x256xf32> to vector<1x256xf32>
    %get3A_793 = arith.constant 0 : index
    %get3A_794 = arith.constant 5 : index
    %get3A_795 = arith.constant 3 : index
    %get3A_796 = arith.constant 0 : index
    %get3A_797 = vector.load %arg4[%get3A_793, %get3A_794, %get3A_795, %get3A_796] : memref<1x8x4x256xf32, #tpu.memory_space<vmem>>, vector<1x1x1x256xf32>
    %get3A_798 = vector.shape_cast %get3A_797 : vector<1x1x1x256xf32> to vector<1x256xf32>
    %get3A_799 = arith.constant 0 : index
    %get3A_800 = arith.constant 5 : index
    %get3A_801 = arith.constant 0 : index
    %get3A_802 = arith.constant 0 : index
    %get3A_803 = vector.load %arg7[%get3A_799, %get3A_800, %get3A_801, %get3A_802] : memref<1x8x256x4xf32, #tpu.memory_space<vmem>>, vector<1x1x256x4xf32>
    %get3A_804 = vector.shape_cast %get3A_803 : vector<1x1x256x4xf32> to vector<256x4xf32>
    %slice3A_805 = vector.extract_strided_slice %get3A_804 {offsets = [0, 0], sizes = [256, 1], strides = [1, 1]} : vector<256x4xf32> to vector<256x1xf32>
    %slice3A_806 = vector.extract_strided_slice %get3A_804 {offsets = [0, 1], sizes = [256, 1], strides = [1, 1]} : vector<256x4xf32> to vector<256x1xf32>
    %slice3A_807 = vector.extract_strided_slice %get3A_804 {offsets = [0, 2], sizes = [256, 1], strides = [1, 1]} : vector<256x4xf32> to vector<256x1xf32>
    %slice3A_808 = vector.extract_strided_slice %get3A_804 {offsets = [0, 3], sizes = [256, 1], strides = [1, 1]} : vector<256x4xf32> to vector<256x1xf32>
    %max3A_809 = vector.broadcast %slice3A_805 : vector<256x1xf32> to vector<256x256xf32>
    %max3A_810 = vector.broadcast %get3A_780 : vector<1x256xf32> to vector<256x256xf32>
    %max3A_811 = arith.maximumf %max3A_809, %max3A_810 : vector<256x256xf32>
    %max3A_812 = vector.broadcast %slice3A_806 : vector<256x1xf32> to vector<256x256xf32>
    %max3A_813 = vector.broadcast %get3A_786 : vector<1x256xf32> to vector<256x256xf32>
    %max3A_814 = arith.maximumf %max3A_812, %max3A_813 : vector<256x256xf32>
    %min3A_815 = vector.broadcast %slice3A_807 : vector<256x1xf32> to vector<256x256xf32>
    %min3A_816 = vector.broadcast %get3A_792 : vector<1x256xf32> to vector<256x256xf32>
    %min3A_817 = arith.minimumf %min3A_815, %min3A_816 : vector<256x256xf32>
    %min3A_818 = vector.broadcast %slice3A_808 : vector<256x1xf32> to vector<256x256xf32>
    %min3A_819 = vector.broadcast %get3A_798 : vector<1x256xf32> to vector<256x256xf32>
    %min3A_820 = arith.minimumf %min3A_818, %min3A_819 : vector<256x256xf32>
    %sub3A_821 = arith.subf %min3A_817, %max3A_811 : vector<256x256xf32>
    %jit3A_822 = arith.constant 0.000000e+00 : f32
    %max3A_823 = vector.broadcast %jit3A_822 : f32 to vector<256x256xf32>
    %max3A_824 = arith.maximumf %max3A_823, %sub3A_821 : vector<256x256xf32>
    %sub3A_825 = arith.subf %min3A_820, %max3A_814 : vector<256x256xf32>
    %jit3A_826 = arith.constant 0.000000e+00 : f32
    %max3A_827 = vector.broadcast %jit3A_826 : f32 to vector<256x256xf32>
    %max3A_828 = arith.maximumf %max3A_827, %sub3A_825 : vector<256x256xf32>
    %mul3A_829 = arith.mulf %max3A_824, %max3A_828 : vector<256x256xf32>
    %sub3A_830 = arith.subf %get3A_792, %get3A_780 : vector<1x256xf32>
    %sub3A_831 = arith.subf %get3A_798, %get3A_786 : vector<1x256xf32>
    %mul3A_832 = arith.mulf %sub3A_830, %sub3A_831 : vector<1x256xf32>
    %sub3A_833 = arith.subf %slice3A_807, %slice3A_805 : vector<256x1xf32>
    %sub3A_834 = arith.subf %slice3A_808, %slice3A_806 : vector<256x1xf32>
    %mul3A_835 = arith.mulf %sub3A_833, %sub3A_834 : vector<256x1xf32>
    %add3A_836 = vector.broadcast %mul3A_835 : vector<256x1xf32> to vector<256x256xf32>
    %add3A_837 = vector.broadcast %mul3A_832 : vector<1x256xf32> to vector<256x256xf32>
    %add3A_838 = arith.addf %add3A_836, %add3A_837 : vector<256x256xf32>
    %sub3A_839 = arith.subf %add3A_838, %mul3A_829 : vector<256x256xf32>
    %max3A_840 = arith.constant 9.99999971E-10 : f32
    %max3A_841 = vector.broadcast %max3A_840 : f32 to vector<256x256xf32>
    %max3A_842 = arith.maximumf %sub3A_839, %max3A_841 : vector<256x256xf32>
    %div3A_843 = arith.divf %mul3A_829, %max3A_842 : vector<256x256xf32>
    %gt3A_844 = vector.broadcast %get3A_768 : vector<256x1xf32> to vector<256x256xf32>
    %gt3A_845 = vector.broadcast %get3A_756 : vector<1x256xf32> to vector<256x256xf32>
    %gt3A_846 = arith.cmpf ogt, %gt3A_844, %gt3A_845 : vector<256x256xf32>
    %eq3A_847 = vector.broadcast %get3A_768 : vector<256x1xf32> to vector<256x256xf32>
    %eq3A_848 = vector.broadcast %get3A_756 : vector<1x256xf32> to vector<256x256xf32>
    %eq3A_849 = arith.cmpf oeq, %eq3A_847, %eq3A_848 : vector<256x256xf32>
    %lt3A_850 = vector.broadcast %get3A_774 : vector<256x1xi32> to vector<256x256xi32>
    %lt3A_851 = vector.broadcast %get3A_762 : vector<1x256xi32> to vector<256x256xi32>
    %lt3A_852 = arith.cmpi slt, %lt3A_850, %lt3A_851 : vector<256x256xi32>
    %and3A_853 = arith.andi %eq3A_849, %lt3A_852 : vector<256x256xi1>
    %or3A_854 = arith.ori %gt3A_846, %and3A_853 : vector<256x256xi1>
    %gt3A_855 = arith.constant 5.000000e-01 : f32
    %gt3A_856 = vector.broadcast %gt3A_855 : f32 to vector<256x256xf32>
    %gt3A_857 = arith.cmpf ogt, %div3A_843, %gt3A_856 : vector<256x256xf32>
    %and3A_858 = arith.andi %or3A_854, %gt3A_857 : vector<256x256xi1>
    %lt3A_859 = arith.constant 200 : i32
    %lt3A_860 = vector.broadcast %lt3A_859 : i32 to vector<256x256xi32>
    %lt3A_861 = arith.cmpi slt, %iota3A, %lt3A_860 : vector<256x256xi32>
    %and3A_862 = arith.andi %and3A_858, %lt3A_861 : vector<256x256xi1>
    %reduce_or3A_863 = arith.constant 1.000000e+00 : f32
    %reduce_or3A_864 = arith.constant 0.000000e+00 : f32
    %reduce_or3A_865 = vector.broadcast %reduce_or3A_863 : f32 to vector<256x256xf32>
    %reduce_or3A_866 = vector.broadcast %reduce_or3A_864 : f32 to vector<256x256xf32>
    %reduce_or3A_867 = arith.select %and3A_862, %reduce_or3A_865, %reduce_or3A_866 : vector<256x256xi1>, vector<256x256xf32>
    %reduce_or3A_868 = arith.constant dense<0xFF800000> : vector<256xf32>
    %reduce_or3A_869 = vector.multi_reduction <maximumf>, %reduce_or3A_867, %reduce_or3A_868 [0] : vector<256x256xf32> to vector<256xf32>
    %reduce_or3A_870 = arith.constant 0.000000e+00 : f32
    %reduce_or3A_871 = vector.broadcast %reduce_or3A_870 : f32 to vector<256xf32>
    %reduce_or3A_872 = arith.cmpf ogt, %reduce_or3A_869, %reduce_or3A_871 : vector<256xf32>
    %broadcast_in_dim3A_873 = vector.shape_cast %reduce_or3A_872 : vector<256xi1> to vector<1x256xi1>
    %not3A_874 = arith.constant dense<true> : vector<1x256xi1>
    %not3A_875 = arith.xori %broadcast_in_dim3A_873, %not3A_874 : vector<1x256xi1>
    %convert_element_type3A_876 = arith.extui %not3A_875 : vector<1x256xi1> to vector<1x256xi32>
    %convert_element_type3A_877 = arith.sitofp %convert_element_type3A_876 : vector<1x256xi32> to vector<1x256xf32>
    %mul3A_878 = arith.mulf %get3A_756, %convert_element_type3A_877 : vector<1x256xf32>
    %gt3A_879 = arith.constant 5.000000e-02 : f32
    %gt3A_880 = vector.broadcast %gt3A_879 : f32 to vector<1x256xf32>
    %gt3A_881 = arith.cmpf ogt, %get3A_756, %gt3A_880 : vector<1x256xf32>
    %convert_element_type3A_882 = arith.extui %gt3A_881 : vector<1x256xi1> to vector<1x256xi32>
    %convert_element_type3A_883 = arith.sitofp %convert_element_type3A_882 : vector<1x256xi32> to vector<1x256xf32>
    %mul3A_884 = arith.mulf %mul3A_878, %convert_element_type3A_883 : vector<1x256xf32>
    %lt3A_885 = arith.constant 200 : i32
    %lt3A_886 = vector.broadcast %lt3A_885 : i32 to vector<1x256xi32>
    %lt3A_887 = arith.cmpi slt, %iota3A_0, %lt3A_886 : vector<1x256xi32>
    %jit3A_888 = arith.constant 0.000000e+00 : f32
    %broadcast_in_dim3A_889 = vector.broadcast %jit3A_888 : f32 to vector<1x256xf32>
    %select_n3A_890 = arith.select %lt3A_887, %mul3A_884, %broadcast_in_dim3A_889 : vector<1x256xi1>, vector<1x256xf32>
    %swap3A_891 = arith.constant 0 : index
    %swap3A_892 = arith.constant 5 : index
    %swap3A_893 = arith.constant 0 : index
    %swap3A_894 = arith.constant 0 : index
    %swap3A_895 = vector.load %arg8[%swap3A_891, %swap3A_892, %swap3A_893, %swap3A_894] : memref<1x8x1x256xf32, #tpu.memory_space<vmem>>, vector<1x1x1x256xf32>
    %swap3A_896 = vector.shape_cast %swap3A_895 : vector<1x1x1x256xf32> to vector<1x256xf32>
    %swap3A_897 = vector.shape_cast %select_n3A_890 : vector<1x256xf32> to vector<1x1x1x256xf32>
    tpu.vector_store %arg8[%swap3A_891, %swap3A_892, %swap3A_893, %swap3A_894], %swap3A_897 {strides = array<i32>} : memref<1x8x1x256xf32, #tpu.memory_space<vmem>>, vector<1x1x1x256xf32>,
    %mul3A_898 = arith.constant 2048 : i32
    %mul3A_899 = arith.muli %arg1, %mul3A_898 : i32
    %add3A_900 = arith.constant 1280 : i32
    %add3A_901 = arith.addi %mul3A_899, %add3A_900 : i32
    %swap3A_902 = arith.constant 0 : index
    %swap3A_903 = arith.index_cast %add3A_901 : i32 to index
    %swap3A_904 = vector.load %arg10[%swap3A_902, %swap3A_903] : memref<1x20480xf32, #tpu.memory_space<vmem>>, vector<1x256xf32>
    tpu.vector_store %arg10[%swap3A_902, %swap3A_903], %select_n3A_890 {strides = array<i32>} : memref<1x20480xf32, #tpu.memory_space<vmem>>, vector<1x256xf32>,
    %get3A_905 = arith.constant 0 : index
    %get3A_906 = arith.constant 6 : index
    %get3A_907 = arith.constant 0 : index
    %get3A_908 = arith.constant 0 : index
    %get3A_909 = vector.load %arg2[%get3A_905, %get3A_906, %get3A_907, %get3A_908] : memref<1x8x1x256xf32, #tpu.memory_space<vmem>>, vector<1x1x1x256xf32>
    %get3A_910 = vector.shape_cast %get3A_909 : vector<1x1x1x256xf32> to vector<1x256xf32>
    %get3A_911 = arith.constant 0 : index
    %get3A_912 = arith.constant 6 : index
    %get3A_913 = arith.constant 0 : index
    %get3A_914 = arith.constant 0 : index
    %get3A_915 = vector.load %arg3[%get3A_911, %get3A_912, %get3A_913, %get3A_914] : memref<1x8x1x256xi32, #tpu.memory_space<vmem>>, vector<1x1x1x256xi32>
    %get3A_916 = vector.shape_cast %get3A_915 : vector<1x1x1x256xi32> to vector<1x256xi32>
    %get3A_917 = arith.constant 0 : index
    %get3A_918 = arith.constant 6 : index
    %get3A_919 = arith.constant 0 : index
    %get3A_920 = arith.constant 0 : index
    %get3A_921 = vector.load %arg5[%get3A_917, %get3A_918, %get3A_919, %get3A_920] : memref<1x8x256x1xf32, #tpu.memory_space<vmem>>, vector<1x1x256x1xf32>
    %get3A_922 = vector.shape_cast %get3A_921 : vector<1x1x256x1xf32> to vector<256x1xf32>
    %get3A_923 = arith.constant 0 : index
    %get3A_924 = arith.constant 6 : index
    %get3A_925 = arith.constant 0 : index
    %get3A_926 = arith.constant 0 : index
    %get3A_927 = vector.load %arg6[%get3A_923, %get3A_924, %get3A_925, %get3A_926] : memref<1x8x256x1xi32, #tpu.memory_space<vmem>>, vector<1x1x256x1xi32>
    %get3A_928 = vector.shape_cast %get3A_927 : vector<1x1x256x1xi32> to vector<256x1xi32>
    %get3A_929 = arith.constant 0 : index
    %get3A_930 = arith.constant 6 : index
    %get3A_931 = arith.constant 0 : index
    %get3A_932 = arith.constant 0 : index
    %get3A_933 = vector.load %arg4[%get3A_929, %get3A_930, %get3A_931, %get3A_932] : memref<1x8x4x256xf32, #tpu.memory_space<vmem>>, vector<1x1x1x256xf32>
    %get3A_934 = vector.shape_cast %get3A_933 : vector<1x1x1x256xf32> to vector<1x256xf32>
    %get3A_935 = arith.constant 0 : index
    %get3A_936 = arith.constant 6 : index
    %get3A_937 = arith.constant 1 : index
    %get3A_938 = arith.constant 0 : index
    %get3A_939 = vector.load %arg4[%get3A_935, %get3A_936, %get3A_937, %get3A_938] : memref<1x8x4x256xf32, #tpu.memory_space<vmem>>, vector<1x1x1x256xf32>
    %get3A_940 = vector.shape_cast %get3A_939 : vector<1x1x1x256xf32> to vector<1x256xf32>
    %get3A_941 = arith.constant 0 : index
    %get3A_942 = arith.constant 6 : index
    %get3A_943 = arith.constant 2 : index
    %get3A_944 = arith.constant 0 : index
    %get3A_945 = vector.load %arg4[%get3A_941, %get3A_942, %get3A_943, %get3A_944] : memref<1x8x4x256xf32, #tpu.memory_space<vmem>>, vector<1x1x1x256xf32>
    %get3A_946 = vector.shape_cast %get3A_945 : vector<1x1x1x256xf32> to vector<1x256xf32>
    %get3A_947 = arith.constant 0 : index
    %get3A_948 = arith.constant 6 : index
    %get3A_949 = arith.constant 3 : index
    %get3A_950 = arith.constant 0 : index
    %get3A_951 = vector.load %arg4[%get3A_947, %get3A_948, %get3A_949, %get3A_950] : memref<1x8x4x256xf32, #tpu.memory_space<vmem>>, vector<1x1x1x256xf32>
    %get3A_952 = vector.shape_cast %get3A_951 : vector<1x1x1x256xf32> to vector<1x256xf32>
    %get3A_953 = arith.constant 0 : index
    %get3A_954 = arith.constant 6 : index
    %get3A_955 = arith.constant 0 : index
    %get3A_956 = arith.constant 0 : index
    %get3A_957 = vector.load %arg7[%get3A_953, %get3A_954, %get3A_955, %get3A_956] : memref<1x8x256x4xf32, #tpu.memory_space<vmem>>, vector<1x1x256x4xf32>
    %get3A_958 = vector.shape_cast %get3A_957 : vector<1x1x256x4xf32> to vector<256x4xf32>
    %slice3A_959 = vector.extract_strided_slice %get3A_958 {offsets = [0, 0], sizes = [256, 1], strides = [1, 1]} : vector<256x4xf32> to vector<256x1xf32>
    %slice3A_960 = vector.extract_strided_slice %get3A_958 {offsets = [0, 1], sizes = [256, 1], strides = [1, 1]} : vector<256x4xf32> to vector<256x1xf32>
    %slice3A_961 = vector.extract_strided_slice %get3A_958 {offsets = [0, 2], sizes = [256, 1], strides = [1, 1]} : vector<256x4xf32> to vector<256x1xf32>
    %slice3A_962 = vector.extract_strided_slice %get3A_958 {offsets = [0, 3], sizes = [256, 1], strides = [1, 1]} : vector<256x4xf32> to vector<256x1xf32>
    %max3A_963 = vector.broadcast %slice3A_959 : vector<256x1xf32> to vector<256x256xf32>
    %max3A_964 = vector.broadcast %get3A_934 : vector<1x256xf32> to vector<256x256xf32>
    %max3A_965 = arith.maximumf %max3A_963, %max3A_964 : vector<256x256xf32>
    %max3A_966 = vector.broadcast %slice3A_960 : vector<256x1xf32> to vector<256x256xf32>
    %max3A_967 = vector.broadcast %get3A_940 : vector<1x256xf32> to vector<256x256xf32>
    %max3A_968 = arith.maximumf %max3A_966, %max3A_967 : vector<256x256xf32>
    %min3A_969 = vector.broadcast %slice3A_961 : vector<256x1xf32> to vector<256x256xf32>
    %min3A_970 = vector.broadcast %get3A_946 : vector<1x256xf32> to vector<256x256xf32>
    %min3A_971 = arith.minimumf %min3A_969, %min3A_970 : vector<256x256xf32>
    %min3A_972 = vector.broadcast %slice3A_962 : vector<256x1xf32> to vector<256x256xf32>
    %min3A_973 = vector.broadcast %get3A_952 : vector<1x256xf32> to vector<256x256xf32>
    %min3A_974 = arith.minimumf %min3A_972, %min3A_973 : vector<256x256xf32>
    %sub3A_975 = arith.subf %min3A_971, %max3A_965 : vector<256x256xf32>
    %jit3A_976 = arith.constant 0.000000e+00 : f32
    %max3A_977 = vector.broadcast %jit3A_976 : f32 to vector<256x256xf32>
    %max3A_978 = arith.maximumf %max3A_977, %sub3A_975 : vector<256x256xf32>
    %sub3A_979 = arith.subf %min3A_974, %max3A_968 : vector<256x256xf32>
    %jit3A_980 = arith.constant 0.000000e+00 : f32
    %max3A_981 = vector.broadcast %jit3A_980 : f32 to vector<256x256xf32>
    %max3A_982 = arith.maximumf %max3A_981, %sub3A_979 : vector<256x256xf32>
    %mul3A_983 = arith.mulf %max3A_978, %max3A_982 : vector<256x256xf32>
    %sub3A_984 = arith.subf %get3A_946, %get3A_934 : vector<1x256xf32>
    %sub3A_985 = arith.subf %get3A_952, %get3A_940 : vector<1x256xf32>
    %mul3A_986 = arith.mulf %sub3A_984, %sub3A_985 : vector<1x256xf32>
    %sub3A_987 = arith.subf %slice3A_961, %slice3A_959 : vector<256x1xf32>
    %sub3A_988 = arith.subf %slice3A_962, %slice3A_960 : vector<256x1xf32>
    %mul3A_989 = arith.mulf %sub3A_987, %sub3A_988 : vector<256x1xf32>
    %add3A_990 = vector.broadcast %mul3A_989 : vector<256x1xf32> to vector<256x256xf32>
    %add3A_991 = vector.broadcast %mul3A_986 : vector<1x256xf32> to vector<256x256xf32>
    %add3A_992 = arith.addf %add3A_990, %add3A_991 : vector<256x256xf32>
    %sub3A_993 = arith.subf %add3A_992, %mul3A_983 : vector<256x256xf32>
    %max3A_994 = arith.constant 9.99999971E-10 : f32
    %max3A_995 = vector.broadcast %max3A_994 : f32 to vector<256x256xf32>
    %max3A_996 = arith.maximumf %sub3A_993, %max3A_995 : vector<256x256xf32>
    %div3A_997 = arith.divf %mul3A_983, %max3A_996 : vector<256x256xf32>
    %gt3A_998 = vector.broadcast %get3A_922 : vector<256x1xf32> to vector<256x256xf32>
    %gt3A_999 = vector.broadcast %get3A_910 : vector<1x256xf32> to vector<256x256xf32>
    %gt3A_1000 = arith.cmpf ogt, %gt3A_998, %gt3A_999 : vector<256x256xf32>
    %eq3A_1001 = vector.broadcast %get3A_922 : vector<256x1xf32> to vector<256x256xf32>
    %eq3A_1002 = vector.broadcast %get3A_910 : vector<1x256xf32> to vector<256x256xf32>
    %eq3A_1003 = arith.cmpf oeq, %eq3A_1001, %eq3A_1002 : vector<256x256xf32>
    %lt3A_1004 = vector.broadcast %get3A_928 : vector<256x1xi32> to vector<256x256xi32>
    %lt3A_1005 = vector.broadcast %get3A_916 : vector<1x256xi32> to vector<256x256xi32>
    %lt3A_1006 = arith.cmpi slt, %lt3A_1004, %lt3A_1005 : vector<256x256xi32>
    %and3A_1007 = arith.andi %eq3A_1003, %lt3A_1006 : vector<256x256xi1>
    %or3A_1008 = arith.ori %gt3A_1000, %and3A_1007 : vector<256x256xi1>
    %gt3A_1009 = arith.constant 5.000000e-01 : f32
    %gt3A_1010 = vector.broadcast %gt3A_1009 : f32 to vector<256x256xf32>
    %gt3A_1011 = arith.cmpf ogt, %div3A_997, %gt3A_1010 : vector<256x256xf32>
    %and3A_1012 = arith.andi %or3A_1008, %gt3A_1011 : vector<256x256xi1>
    %lt3A_1013 = arith.constant 200 : i32
    %lt3A_1014 = vector.broadcast %lt3A_1013 : i32 to vector<256x256xi32>
    %lt3A_1015 = arith.cmpi slt, %iota3A, %lt3A_1014 : vector<256x256xi32>
    %and3A_1016 = arith.andi %and3A_1012, %lt3A_1015 : vector<256x256xi1>
    %reduce_or3A_1017 = arith.constant 1.000000e+00 : f32
    %reduce_or3A_1018 = arith.constant 0.000000e+00 : f32
    %reduce_or3A_1019 = vector.broadcast %reduce_or3A_1017 : f32 to vector<256x256xf32>
    %reduce_or3A_1020 = vector.broadcast %reduce_or3A_1018 : f32 to vector<256x256xf32>
    %reduce_or3A_1021 = arith.select %and3A_1016, %reduce_or3A_1019, %reduce_or3A_1020 : vector<256x256xi1>, vector<256x256xf32>
    %reduce_or3A_1022 = arith.constant dense<0xFF800000> : vector<256xf32>
    %reduce_or3A_1023 = vector.multi_reduction <maximumf>, %reduce_or3A_1021, %reduce_or3A_1022 [0] : vector<256x256xf32> to vector<256xf32>
    %reduce_or3A_1024 = arith.constant 0.000000e+00 : f32
    %reduce_or3A_1025 = vector.broadcast %reduce_or3A_1024 : f32 to vector<256xf32>
    %reduce_or3A_1026 = arith.cmpf ogt, %reduce_or3A_1023, %reduce_or3A_1025 : vector<256xf32>
    %broadcast_in_dim3A_1027 = vector.shape_cast %reduce_or3A_1026 : vector<256xi1> to vector<1x256xi1>
    %not3A_1028 = arith.constant dense<true> : vector<1x256xi1>
    %not3A_1029 = arith.xori %broadcast_in_dim3A_1027, %not3A_1028 : vector<1x256xi1>
    %convert_element_type3A_1030 = arith.extui %not3A_1029 : vector<1x256xi1> to vector<1x256xi32>
    %convert_element_type3A_1031 = arith.sitofp %convert_element_type3A_1030 : vector<1x256xi32> to vector<1x256xf32>
    %mul3A_1032 = arith.mulf %get3A_910, %convert_element_type3A_1031 : vector<1x256xf32>
    %gt3A_1033 = arith.constant 5.000000e-02 : f32
    %gt3A_1034 = vector.broadcast %gt3A_1033 : f32 to vector<1x256xf32>
    %gt3A_1035 = arith.cmpf ogt, %get3A_910, %gt3A_1034 : vector<1x256xf32>
    %convert_element_type3A_1036 = arith.extui %gt3A_1035 : vector<1x256xi1> to vector<1x256xi32>
    %convert_element_type3A_1037 = arith.sitofp %convert_element_type3A_1036 : vector<1x256xi32> to vector<1x256xf32>
    %mul3A_1038 = arith.mulf %mul3A_1032, %convert_element_type3A_1037 : vector<1x256xf32>
    %lt3A_1039 = arith.constant 200 : i32
    %lt3A_1040 = vector.broadcast %lt3A_1039 : i32 to vector<1x256xi32>
    %lt3A_1041 = arith.cmpi slt, %iota3A_0, %lt3A_1040 : vector<1x256xi32>
    %jit3A_1042 = arith.constant 0.000000e+00 : f32
    %broadcast_in_dim3A_1043 = vector.broadcast %jit3A_1042 : f32 to vector<1x256xf32>
    %select_n3A_1044 = arith.select %lt3A_1041, %mul3A_1038, %broadcast_in_dim3A_1043 : vector<1x256xi1>, vector<1x256xf32>
    %swap3A_1045 = arith.constant 0 : index
    %swap3A_1046 = arith.constant 6 : index
    %swap3A_1047 = arith.constant 0 : index
    %swap3A_1048 = arith.constant 0 : index
    %swap3A_1049 = vector.load %arg8[%swap3A_1045, %swap3A_1046, %swap3A_1047, %swap3A_1048] : memref<1x8x1x256xf32, #tpu.memory_space<vmem>>, vector<1x1x1x256xf32>
    %swap3A_1050 = vector.shape_cast %swap3A_1049 : vector<1x1x1x256xf32> to vector<1x256xf32>
    %swap3A_1051 = vector.shape_cast %select_n3A_1044 : vector<1x256xf32> to vector<1x1x1x256xf32>
    tpu.vector_store %arg8[%swap3A_1045, %swap3A_1046, %swap3A_1047, %swap3A_1048], %swap3A_1051 {strides = array<i32>} : memref<1x8x1x256xf32, #tpu.memory_space<vmem>>, vector<1x1x1x256xf32>,
    %mul3A_1052 = arith.constant 2048 : i32
    %mul3A_1053 = arith.muli %arg1, %mul3A_1052 : i32
    %add3A_1054 = arith.constant 1536 : i32
    %add3A_1055 = arith.addi %mul3A_1053, %add3A_1054 : i32
    %swap3A_1056 = arith.constant 0 : index
    %swap3A_1057 = arith.index_cast %add3A_1055 : i32 to index
    %swap3A_1058 = vector.load %arg10[%swap3A_1056, %swap3A_1057] : memref<1x20480xf32, #tpu.memory_space<vmem>>, vector<1x256xf32>
    tpu.vector_store %arg10[%swap3A_1056, %swap3A_1057], %select_n3A_1044 {strides = array<i32>} : memref<1x20480xf32, #tpu.memory_space<vmem>>, vector<1x256xf32>,
    %get3A_1059 = arith.constant 0 : index
    %get3A_1060 = arith.constant 7 : index
    %get3A_1061 = arith.constant 0 : index
    %get3A_1062 = arith.constant 0 : index
    %get3A_1063 = vector.load %arg2[%get3A_1059, %get3A_1060, %get3A_1061, %get3A_1062] : memref<1x8x1x256xf32, #tpu.memory_space<vmem>>, vector<1x1x1x256xf32>
    %get3A_1064 = vector.shape_cast %get3A_1063 : vector<1x1x1x256xf32> to vector<1x256xf32>
    %get3A_1065 = arith.constant 0 : index
    %get3A_1066 = arith.constant 7 : index
    %get3A_1067 = arith.constant 0 : index
    %get3A_1068 = arith.constant 0 : index
    %get3A_1069 = vector.load %arg3[%get3A_1065, %get3A_1066, %get3A_1067, %get3A_1068] : memref<1x8x1x256xi32, #tpu.memory_space<vmem>>, vector<1x1x1x256xi32>
    %get3A_1070 = vector.shape_cast %get3A_1069 : vector<1x1x1x256xi32> to vector<1x256xi32>
    %get3A_1071 = arith.constant 0 : index
    %get3A_1072 = arith.constant 7 : index
    %get3A_1073 = arith.constant 0 : index
    %get3A_1074 = arith.constant 0 : index
    %get3A_1075 = vector.load %arg5[%get3A_1071, %get3A_1072, %get3A_1073, %get3A_1074] : memref<1x8x256x1xf32, #tpu.memory_space<vmem>>, vector<1x1x256x1xf32>
    %get3A_1076 = vector.shape_cast %get3A_1075 : vector<1x1x256x1xf32> to vector<256x1xf32>
    %get3A_1077 = arith.constant 0 : index
    %get3A_1078 = arith.constant 7 : index
    %get3A_1079 = arith.constant 0 : index
    %get3A_1080 = arith.constant 0 : index
    %get3A_1081 = vector.load %arg6[%get3A_1077, %get3A_1078, %get3A_1079, %get3A_1080] : memref<1x8x256x1xi32, #tpu.memory_space<vmem>>, vector<1x1x256x1xi32>
    %get3A_1082 = vector.shape_cast %get3A_1081 : vector<1x1x256x1xi32> to vector<256x1xi32>
    %get3A_1083 = arith.constant 0 : index
    %get3A_1084 = arith.constant 7 : index
    %get3A_1085 = arith.constant 0 : index
    %get3A_1086 = arith.constant 0 : index
    %get3A_1087 = vector.load %arg4[%get3A_1083, %get3A_1084, %get3A_1085, %get3A_1086] : memref<1x8x4x256xf32, #tpu.memory_space<vmem>>, vector<1x1x1x256xf32>
    %get3A_1088 = vector.shape_cast %get3A_1087 : vector<1x1x1x256xf32> to vector<1x256xf32>
    %get3A_1089 = arith.constant 0 : index
    %get3A_1090 = arith.constant 7 : index
    %get3A_1091 = arith.constant 1 : index
    %get3A_1092 = arith.constant 0 : index
    %get3A_1093 = vector.load %arg4[%get3A_1089, %get3A_1090, %get3A_1091, %get3A_1092] : memref<1x8x4x256xf32, #tpu.memory_space<vmem>>, vector<1x1x1x256xf32>
    %get3A_1094 = vector.shape_cast %get3A_1093 : vector<1x1x1x256xf32> to vector<1x256xf32>
    %get3A_1095 = arith.constant 0 : index
    %get3A_1096 = arith.constant 7 : index
    %get3A_1097 = arith.constant 2 : index
    %get3A_1098 = arith.constant 0 : index
    %get3A_1099 = vector.load %arg4[%get3A_1095, %get3A_1096, %get3A_1097, %get3A_1098] : memref<1x8x4x256xf32, #tpu.memory_space<vmem>>, vector<1x1x1x256xf32>
    %get3A_1100 = vector.shape_cast %get3A_1099 : vector<1x1x1x256xf32> to vector<1x256xf32>
    %get3A_1101 = arith.constant 0 : index
    %get3A_1102 = arith.constant 7 : index
    %get3A_1103 = arith.constant 3 : index
    %get3A_1104 = arith.constant 0 : index
    %get3A_1105 = vector.load %arg4[%get3A_1101, %get3A_1102, %get3A_1103, %get3A_1104] : memref<1x8x4x256xf32, #tpu.memory_space<vmem>>, vector<1x1x1x256xf32>
    %get3A_1106 = vector.shape_cast %get3A_1105 : vector<1x1x1x256xf32> to vector<1x256xf32>
    %get3A_1107 = arith.constant 0 : index
    %get3A_1108 = arith.constant 7 : index
    %get3A_1109 = arith.constant 0 : index
    %get3A_1110 = arith.constant 0 : index
    %get3A_1111 = vector.load %arg7[%get3A_1107, %get3A_1108, %get3A_1109, %get3A_1110] : memref<1x8x256x4xf32, #tpu.memory_space<vmem>>, vector<1x1x256x4xf32>
    %get3A_1112 = vector.shape_cast %get3A_1111 : vector<1x1x256x4xf32> to vector<256x4xf32>
    %slice3A_1113 = vector.extract_strided_slice %get3A_1112 {offsets = [0, 0], sizes = [256, 1], strides = [1, 1]} : vector<256x4xf32> to vector<256x1xf32>
    %slice3A_1114 = vector.extract_strided_slice %get3A_1112 {offsets = [0, 1], sizes = [256, 1], strides = [1, 1]} : vector<256x4xf32> to vector<256x1xf32>
    %slice3A_1115 = vector.extract_strided_slice %get3A_1112 {offsets = [0, 2], sizes = [256, 1], strides = [1, 1]} : vector<256x4xf32> to vector<256x1xf32>
    %slice3A_1116 = vector.extract_strided_slice %get3A_1112 {offsets = [0, 3], sizes = [256, 1], strides = [1, 1]} : vector<256x4xf32> to vector<256x1xf32>
    %max3A_1117 = vector.broadcast %slice3A_1113 : vector<256x1xf32> to vector<256x256xf32>
    %max3A_1118 = vector.broadcast %get3A_1088 : vector<1x256xf32> to vector<256x256xf32>
    %max3A_1119 = arith.maximumf %max3A_1117, %max3A_1118 : vector<256x256xf32>
    %max3A_1120 = vector.broadcast %slice3A_1114 : vector<256x1xf32> to vector<256x256xf32>
    %max3A_1121 = vector.broadcast %get3A_1094 : vector<1x256xf32> to vector<256x256xf32>
    %max3A_1122 = arith.maximumf %max3A_1120, %max3A_1121 : vector<256x256xf32>
    %min3A_1123 = vector.broadcast %slice3A_1115 : vector<256x1xf32> to vector<256x256xf32>
    %min3A_1124 = vector.broadcast %get3A_1100 : vector<1x256xf32> to vector<256x256xf32>
    %min3A_1125 = arith.minimumf %min3A_1123, %min3A_1124 : vector<256x256xf32>
    %min3A_1126 = vector.broadcast %slice3A_1116 : vector<256x1xf32> to vector<256x256xf32>
    %min3A_1127 = vector.broadcast %get3A_1106 : vector<1x256xf32> to vector<256x256xf32>
    %min3A_1128 = arith.minimumf %min3A_1126, %min3A_1127 : vector<256x256xf32>
    %sub3A_1129 = arith.subf %min3A_1125, %max3A_1119 : vector<256x256xf32>
    %jit3A_1130 = arith.constant 0.000000e+00 : f32
    %max3A_1131 = vector.broadcast %jit3A_1130 : f32 to vector<256x256xf32>
    %max3A_1132 = arith.maximumf %max3A_1131, %sub3A_1129 : vector<256x256xf32>
    %sub3A_1133 = arith.subf %min3A_1128, %max3A_1122 : vector<256x256xf32>
    %jit3A_1134 = arith.constant 0.000000e+00 : f32
    %max3A_1135 = vector.broadcast %jit3A_1134 : f32 to vector<256x256xf32>
    %max3A_1136 = arith.maximumf %max3A_1135, %sub3A_1133 : vector<256x256xf32>
    %mul3A_1137 = arith.mulf %max3A_1132, %max3A_1136 : vector<256x256xf32>
    %sub3A_1138 = arith.subf %get3A_1100, %get3A_1088 : vector<1x256xf32>
    %sub3A_1139 = arith.subf %get3A_1106, %get3A_1094 : vector<1x256xf32>
    %mul3A_1140 = arith.mulf %sub3A_1138, %sub3A_1139 : vector<1x256xf32>
    %sub3A_1141 = arith.subf %slice3A_1115, %slice3A_1113 : vector<256x1xf32>
    %sub3A_1142 = arith.subf %slice3A_1116, %slice3A_1114 : vector<256x1xf32>
    %mul3A_1143 = arith.mulf %sub3A_1141, %sub3A_1142 : vector<256x1xf32>
    %add3A_1144 = vector.broadcast %mul3A_1143 : vector<256x1xf32> to vector<256x256xf32>
    %add3A_1145 = vector.broadcast %mul3A_1140 : vector<1x256xf32> to vector<256x256xf32>
    %add3A_1146 = arith.addf %add3A_1144, %add3A_1145 : vector<256x256xf32>
    %sub3A_1147 = arith.subf %add3A_1146, %mul3A_1137 : vector<256x256xf32>
    %max3A_1148 = arith.constant 9.99999971E-10 : f32
    %max3A_1149 = vector.broadcast %max3A_1148 : f32 to vector<256x256xf32>
    %max3A_1150 = arith.maximumf %sub3A_1147, %max3A_1149 : vector<256x256xf32>
    %div3A_1151 = arith.divf %mul3A_1137, %max3A_1150 : vector<256x256xf32>
    %gt3A_1152 = vector.broadcast %get3A_1076 : vector<256x1xf32> to vector<256x256xf32>
    %gt3A_1153 = vector.broadcast %get3A_1064 : vector<1x256xf32> to vector<256x256xf32>
    %gt3A_1154 = arith.cmpf ogt, %gt3A_1152, %gt3A_1153 : vector<256x256xf32>
    %eq3A_1155 = vector.broadcast %get3A_1076 : vector<256x1xf32> to vector<256x256xf32>
    %eq3A_1156 = vector.broadcast %get3A_1064 : vector<1x256xf32> to vector<256x256xf32>
    %eq3A_1157 = arith.cmpf oeq, %eq3A_1155, %eq3A_1156 : vector<256x256xf32>
    %lt3A_1158 = vector.broadcast %get3A_1082 : vector<256x1xi32> to vector<256x256xi32>
    %lt3A_1159 = vector.broadcast %get3A_1070 : vector<1x256xi32> to vector<256x256xi32>
    %lt3A_1160 = arith.cmpi slt, %lt3A_1158, %lt3A_1159 : vector<256x256xi32>
    %and3A_1161 = arith.andi %eq3A_1157, %lt3A_1160 : vector<256x256xi1>
    %or3A_1162 = arith.ori %gt3A_1154, %and3A_1161 : vector<256x256xi1>
    %gt3A_1163 = arith.constant 5.000000e-01 : f32
    %gt3A_1164 = vector.broadcast %gt3A_1163 : f32 to vector<256x256xf32>
    %gt3A_1165 = arith.cmpf ogt, %div3A_1151, %gt3A_1164 : vector<256x256xf32>
    %and3A_1166 = arith.andi %or3A_1162, %gt3A_1165 : vector<256x256xi1>
    %lt3A_1167 = arith.constant 200 : i32
    %lt3A_1168 = vector.broadcast %lt3A_1167 : i32 to vector<256x256xi32>
    %lt3A_1169 = arith.cmpi slt, %iota3A, %lt3A_1168 : vector<256x256xi32>
    %and3A_1170 = arith.andi %and3A_1166, %lt3A_1169 : vector<256x256xi1>
    %reduce_or3A_1171 = arith.constant 1.000000e+00 : f32
    %reduce_or3A_1172 = arith.constant 0.000000e+00 : f32
    %reduce_or3A_1173 = vector.broadcast %reduce_or3A_1171 : f32 to vector<256x256xf32>
    %reduce_or3A_1174 = vector.broadcast %reduce_or3A_1172 : f32 to vector<256x256xf32>
    %reduce_or3A_1175 = arith.select %and3A_1170, %reduce_or3A_1173, %reduce_or3A_1174 : vector<256x256xi1>, vector<256x256xf32>
    %reduce_or3A_1176 = arith.constant dense<0xFF800000> : vector<256xf32>
    %reduce_or3A_1177 = vector.multi_reduction <maximumf>, %reduce_or3A_1175, %reduce_or3A_1176 [0] : vector<256x256xf32> to vector<256xf32>
    %reduce_or3A_1178 = arith.constant 0.000000e+00 : f32
    %reduce_or3A_1179 = vector.broadcast %reduce_or3A_1178 : f32 to vector<256xf32>
    %reduce_or3A_1180 = arith.cmpf ogt, %reduce_or3A_1177, %reduce_or3A_1179 : vector<256xf32>
    %broadcast_in_dim3A_1181 = vector.shape_cast %reduce_or3A_1180 : vector<256xi1> to vector<1x256xi1>
    %not3A_1182 = arith.constant dense<true> : vector<1x256xi1>
    %not3A_1183 = arith.xori %broadcast_in_dim3A_1181, %not3A_1182 : vector<1x256xi1>
    %convert_element_type3A_1184 = arith.extui %not3A_1183 : vector<1x256xi1> to vector<1x256xi32>
    %convert_element_type3A_1185 = arith.sitofp %convert_element_type3A_1184 : vector<1x256xi32> to vector<1x256xf32>
    %mul3A_1186 = arith.mulf %get3A_1064, %convert_element_type3A_1185 : vector<1x256xf32>
    %gt3A_1187 = arith.constant 5.000000e-02 : f32
    %gt3A_1188 = vector.broadcast %gt3A_1187 : f32 to vector<1x256xf32>
    %gt3A_1189 = arith.cmpf ogt, %get3A_1064, %gt3A_1188 : vector<1x256xf32>
    %convert_element_type3A_1190 = arith.extui %gt3A_1189 : vector<1x256xi1> to vector<1x256xi32>
    %convert_element_type3A_1191 = arith.sitofp %convert_element_type3A_1190 : vector<1x256xi32> to vector<1x256xf32>
    %mul3A_1192 = arith.mulf %mul3A_1186, %convert_element_type3A_1191 : vector<1x256xf32>
    %lt3A_1193 = arith.constant 200 : i32
    %lt3A_1194 = vector.broadcast %lt3A_1193 : i32 to vector<1x256xi32>
    %lt3A_1195 = arith.cmpi slt, %iota3A_0, %lt3A_1194 : vector<1x256xi32>
    %jit3A_1196 = arith.constant 0.000000e+00 : f32
    %broadcast_in_dim3A_1197 = vector.broadcast %jit3A_1196 : f32 to vector<1x256xf32>
    %select_n3A_1198 = arith.select %lt3A_1195, %mul3A_1192, %broadcast_in_dim3A_1197 : vector<1x256xi1>, vector<1x256xf32>
    %swap3A_1199 = arith.constant 0 : index
    %swap3A_1200 = arith.constant 7 : index
    %swap3A_1201 = arith.constant 0 : index
    %swap3A_1202 = arith.constant 0 : index
    %swap3A_1203 = vector.load %arg8[%swap3A_1199, %swap3A_1200, %swap3A_1201, %swap3A_1202] : memref<1x8x1x256xf32, #tpu.memory_space<vmem>>, vector<1x1x1x256xf32>
    %swap3A_1204 = vector.shape_cast %swap3A_1203 : vector<1x1x1x256xf32> to vector<1x256xf32>
    %swap3A_1205 = vector.shape_cast %select_n3A_1198 : vector<1x256xf32> to vector<1x1x1x256xf32>
    tpu.vector_store %arg8[%swap3A_1199, %swap3A_1200, %swap3A_1201, %swap3A_1202], %swap3A_1205 {strides = array<i32>} : memref<1x8x1x256xf32, #tpu.memory_space<vmem>>, vector<1x1x1x256xf32>,
    %mul3A_1206 = arith.constant 2048 : i32
    %mul3A_1207 = arith.muli %arg1, %mul3A_1206 : i32
    %add3A_1208 = arith.constant 1792 : i32
    %add3A_1209 = arith.addi %mul3A_1207, %add3A_1208 : i32
    %swap3A_1210 = arith.constant 0 : index
    %swap3A_1211 = arith.index_cast %add3A_1209 : i32 to index
    %swap3A_1212 = vector.load %arg10[%swap3A_1210, %swap3A_1211] : memref<1x20480xf32, #tpu.memory_space<vmem>>, vector<1x256xf32>
    tpu.vector_store %arg10[%swap3A_1210, %swap3A_1211], %select_n3A_1198 {strides = array<i32>} : memref<1x20480xf32, #tpu.memory_space<vmem>>, vector<1x256xf32>,
    %eq3A_1213 = arith.constant 9 : i32
    %eq3A_1214 = arith.cmpi eq, %arg1, %eq3A_1213 : i32
    %convert_element_type3A_1215 = arith.extui %eq3A_1214 : i1 to i32
    %cond3A = arith.constant 0 : i32
    %cond3A_1216 = arith.cmpi ne, %convert_element_type3A_1215, %cond3A : i32
    scf.if %cond3A_1216 {
      %scan3A = arith.constant 0 : i32
      %scan3A_1217 = arith.constant 1065353216 : i32
      %scan3A_1218 = arith.constant 0 : i32
      %scan3A_1219 = arith.constant 31 : i32
      %scan3A_1220 = arith.addi %scan3A_1218, %scan3A_1219 : i32
      %scan3A_1221 = arith.constant 1 : i32
      %scan3A_1222:2 = scf.for %scan3A_1272 = %scan3A_1218 to %scan3A_1220 step %scan3A_1221 iter_args(%scan3A_1273 = %scan3A, %scan3A_1274 = %scan3A_1217) -> (i32, i32)  : i32 {
        %add3A_1275 = arith.addi %scan3A_1273, %scan3A_1274 : i32
        %shift_right_arithmetic3A = arith.constant 1 : i32
        %shift_right_arithmetic3A_1276 = arith.shrsi %add3A_1275, %shift_right_arithmetic3A : i32
        %bitcast_convert_type3A_1277 = arith.bitcast %shift_right_arithmetic3A_1276 : i32 to f32
        %get3A_1278 = arith.constant 0 : index
        %get3A_1279 = arith.constant 0 : index
        %get3A_1280 = vector.load %arg10[%get3A_1278, %get3A_1279] : memref<1x20480xf32, #tpu.memory_space<vmem>>, vector<1x20480xf32>
        %gt3A_1281 = vector.broadcast %bitcast_convert_type3A_1277 : f32 to vector<1x20480xf32>
        %gt3A_1282 = arith.cmpf ogt, %get3A_1280, %gt3A_1281 : vector<1x20480xf32>
        %convert_element_type3A_1283 = arith.extui %gt3A_1282 : vector<1x20480xi1> to vector<1x20480xi32>
        %reduce_sum3A_1284 = vector.shape_cast %convert_element_type3A_1283 : vector<1x20480xi32> to vector<1x1x20480xi32>
        %reduce_sum3A_1285 = arith.constant dense<0> : vector<1xi32>
        %reduce_sum3A_1286 = vector.multi_reduction <add>, %reduce_sum3A_1284, %reduce_sum3A_1285 [1, 2] : vector<1x1x20480xi32> to vector<1xi32>
        %reduce_sum3A_1287 = vector.shape_cast %reduce_sum3A_1286 : vector<1xi32> to vector<1x1x1xi32>
        %reduce_sum3A_1288 = vector.extract %reduce_sum3A_1287[0, 0, 0] : i32 from vector<1x1x1xi32>
        %ge3A_1289 = arith.constant 100 : i32
        %ge3A_1290 = arith.cmpi sge, %reduce_sum3A_1288, %ge3A_1289 : i32
        %select_n3A_1291 = arith.select %ge3A_1290, %shift_right_arithmetic3A_1276, %scan3A_1273 : i32
        %select_n3A_1292 = arith.select %ge3A_1290, %scan3A_1274, %shift_right_arithmetic3A_1276 : i32
        scf.yield %select_n3A_1291, %select_n3A_1292 : i32, i32
      }
      %get3A_1223 = arith.constant 0 : index
      %get3A_1224 = arith.constant 0 : index
      %get3A_1225 = vector.load %arg10[%get3A_1223, %get3A_1224] : memref<1x20480xf32, #tpu.memory_space<vmem>>, vector<1x20480xf32>
      %gt3A_1226 = arith.constant 0.000000e+00 : f32
      %gt3A_1227 = vector.broadcast %gt3A_1226 : f32 to vector<1x20480xf32>
      %gt3A_1228 = arith.cmpf ogt, %get3A_1225, %gt3A_1227 : vector<1x20480xf32>
      %convert_element_type3A_1229 = arith.extui %gt3A_1228 : vector<1x20480xi1> to vector<1x20480xi32>
      %reduce_sum3A = vector.shape_cast %convert_element_type3A_1229 : vector<1x20480xi32> to vector<1x1x20480xi32>
      %reduce_sum3A_1230 = arith.constant dense<0> : vector<1xi32>
      %reduce_sum3A_1231 = vector.multi_reduction <add>, %reduce_sum3A, %reduce_sum3A_1230 [1, 2] : vector<1x1x20480xi32> to vector<1xi32>
      %reduce_sum3A_1232 = vector.shape_cast %reduce_sum3A_1231 : vector<1xi32> to vector<1x1x1xi32>
      %reduce_sum3A_1233 = vector.extract %reduce_sum3A_1232[0, 0, 0] : i32 from vector<1x1x1xi32>
      %ge3A = arith.constant 100 : i32
      %ge3A_1234 = arith.cmpi sge, %reduce_sum3A_1233, %ge3A : i32
      %jit3A_1235 = arith.constant 0 : i32
      %select_n3A_1236 = arith.select %ge3A_1234, %scan3A_1222#1, %jit3A_1235 : i32
      %bitcast_convert_type3A = arith.bitcast %select_n3A_1236 : i32 to f32
      %get3A_1237 = arith.constant 0 : index
      %get3A_1238 = arith.constant 0 : index
      %get3A_1239 = vector.load %arg10[%get3A_1237, %get3A_1238] : memref<1x20480xf32, #tpu.memory_space<vmem>>, vector<1x20480xf32>
      %gt3A_1240 = vector.broadcast %bitcast_convert_type3A : f32 to vector<1x20480xf32>
      %gt3A_1241 = arith.cmpf ogt, %get3A_1239, %gt3A_1240 : vector<1x20480xf32>
      %convert_element_type3A_1242 = arith.extui %gt3A_1241 : vector<1x20480xi1> to vector<1x20480xi32>
      %reduce_sum3A_1243 = vector.shape_cast %convert_element_type3A_1242 : vector<1x20480xi32> to vector<1x1x20480xi32>
      %reduce_sum3A_1244 = arith.constant dense<0> : vector<1xi32>
      %reduce_sum3A_1245 = vector.multi_reduction <add>, %reduce_sum3A_1243, %reduce_sum3A_1244 [1, 2] : vector<1x1x20480xi32> to vector<1xi32>
      %reduce_sum3A_1246 = vector.shape_cast %reduce_sum3A_1245 : vector<1xi32> to vector<1x1x1xi32>
      %reduce_sum3A_1247 = vector.extract %reduce_sum3A_1246[0, 0, 0] : i32 from vector<1x1x1xi32>
      %sub3A_1248 = arith.constant 100 : i32
      %sub3A_1249 = arith.subi %sub3A_1248, %reduce_sum3A_1247 : i32
      %iota3A_1250 = tpu.iota {dimensions = array<i32: 1>} : vector<1x20480xi32>
      %scan3A_1251 = arith.constant -1 : i32
      %scan3A_1252 = arith.constant 20479 : i32
      %scan3A_1253 = arith.constant 0 : i32
      %scan3A_1254 = arith.constant 16 : i32
      %scan3A_1255 = arith.addi %scan3A_1253, %scan3A_1254 : i32
      %scan3A_1256 = arith.constant 1 : i32
      %scan3A_1257:2 = scf.for %scan3A_1272 = %scan3A_1253 to %scan3A_1255 step %scan3A_1256 iter_args(%scan3A_1273 = %scan3A_1251, %scan3A_1274 = %scan3A_1252) -> (i32, i32)  : i32 {
        %add3A_1275 = arith.addi %scan3A_1273, %scan3A_1274 : i32
        %shift_right_arithmetic3A = arith.constant 1 : i32
        %shift_right_arithmetic3A_1276 = arith.shrsi %add3A_1275, %shift_right_arithmetic3A : i32
        %get3A_1277 = arith.constant 0 : index
        %get3A_1278 = arith.constant 0 : index
        %get3A_1279 = vector.load %arg10[%get3A_1277, %get3A_1278] : memref<1x20480xf32, #tpu.memory_space<vmem>>, vector<1x20480xf32>
        %eq3A_1280 = vector.broadcast %bitcast_convert_type3A : f32 to vector<1x20480xf32>
        %eq3A_1281 = arith.cmpf oeq, %get3A_1279, %eq3A_1280 : vector<1x20480xf32>
        %le3A = vector.broadcast %shift_right_arithmetic3A_1276 : i32 to vector<1x20480xi32>
        %le3A_1282 = arith.cmpi sle, %iota3A_1250, %le3A : vector<1x20480xi32>
        %and3A_1283 = arith.andi %eq3A_1281, %le3A_1282 : vector<1x20480xi1>
        %convert_element_type3A_1284 = arith.extui %and3A_1283 : vector<1x20480xi1> to vector<1x20480xi32>
        %reduce_sum3A_1285 = vector.shape_cast %convert_element_type3A_1284 : vector<1x20480xi32> to vector<1x1x20480xi32>
        %reduce_sum3A_1286 = arith.constant dense<0> : vector<1xi32>
        %reduce_sum3A_1287 = vector.multi_reduction <add>, %reduce_sum3A_1285, %reduce_sum3A_1286 [1, 2] : vector<1x1x20480xi32> to vector<1xi32>
        %reduce_sum3A_1288 = vector.shape_cast %reduce_sum3A_1287 : vector<1xi32> to vector<1x1x1xi32>
        %reduce_sum3A_1289 = vector.extract %reduce_sum3A_1288[0, 0, 0] : i32 from vector<1x1x1xi32>
        %ge3A_1290 = arith.cmpi sge, %reduce_sum3A_1289, %sub3A_1249 : i32
        %select_n3A_1291 = arith.select %ge3A_1290, %scan3A_1273, %shift_right_arithmetic3A_1276 : i32
        %select_n3A_1292 = arith.select %ge3A_1290, %shift_right_arithmetic3A_1276, %scan3A_1274 : i32
        scf.yield %select_n3A_1291, %select_n3A_1292 : i32, i32
      }
      %gt3A_1258 = arith.constant 0 : i32
      %gt3A_1259 = arith.cmpi sgt, %sub3A_1249, %gt3A_1258 : i32
      %jit3A_1260 = arith.constant -1 : i32
      %select_n3A_1261 = arith.select %gt3A_1259, %scan3A_1257#1, %jit3A_1260 : i32
      %broadcast_in_dim3A_1262 = vector.broadcast %select_n3A_1236 : i32 to vector<1x64xi32>
      %broadcast_in_dim3A_1263 = vector.broadcast %select_n3A_1261 : i32 to vector<1x64xi32>
      %concatenate3A = tpu.concatenate %broadcast_in_dim3A_1262, %broadcast_in_dim3A_1263 in 1 : vector<1x64xi32>, vector<1x64xi32> -> vector<1x128xi32>
      %broadcast_in_dim3A_1264 = vector.shape_cast %concatenate3A : vector<1x128xi32> to vector<1x128xi32>
      %broadcast_in_dim3A_1265 = vector.broadcast %broadcast_in_dim3A_1264 : vector<1x128xi32> to vector<8x128xi32>
      %swap3A_1266 = arith.constant 0 : index
      %swap3A_1267 = arith.constant 0 : index
      %swap3A_1268 = arith.constant 0 : index
      %swap3A_1269 = vector.load %arg9[%swap3A_1266, %swap3A_1267, %swap3A_1268] : memref<1x8x128xi32, #tpu.memory_space<vmem>>, vector<1x8x128xi32>
      %swap3A_1270 = vector.shape_cast %swap3A_1269 : vector<1x8x128xi32> to vector<8x128xi32>
      %swap3A_1271 = vector.shape_cast %broadcast_in_dim3A_1265 : vector<8x128xi32> to vector<1x8x128xi32>
      tpu.vector_store %arg9[%swap3A_1266, %swap3A_1267, %swap3A_1268], %swap3A_1271 {strides = array<i32>} : memref<1x8x128xi32, #tpu.memory_space<vmem>>, vector<1x8x128xi32>,
    } else {
    }
    return
  }
  func.func @transform_0(%arg0: i32, %arg1: i32) -> (i32, i32, i32, i32) {
    %c0_i32 = arith.constant 0 : i32
    %c0_i32_0 = arith.constant 0 : i32
    %c0_i32_1 = arith.constant 0 : i32
    return %arg0, %arg1, %c0_i32, %c0_i32_0 : i32, i32, i32, i32
  }
  func.func @transform_1(%arg0: i32, %arg1: i32) -> (i32, i32, i32, i32) {
    %c0_i32 = arith.constant 0 : i32
    %c0_i32_0 = arith.constant 0 : i32
    %c0_i32_1 = arith.constant 0 : i32
    return %arg0, %arg1, %c0_i32, %c0_i32_0 : i32, i32, i32, i32
  }
  func.func @transform_2(%arg0: i32, %arg1: i32) -> (i32, i32, i32, i32) {
    %c0_i32 = arith.constant 0 : i32
    %c0_i32_0 = arith.constant 0 : i32
    %c0_i32_1 = arith.constant 0 : i32
    return %arg0, %arg1, %c0_i32, %c0_i32_0 : i32, i32, i32, i32
  }
  func.func @transform_3(%arg0: i32, %arg1: i32) -> (i32, i32, i32, i32) {
    %c0_i32 = arith.constant 0 : i32
    %c0_i32_0 = arith.constant 0 : i32
    %c0_i32_1 = arith.constant 0 : i32
    return %arg0, %arg1, %c0_i32, %c0_i32_0 : i32, i32, i32, i32
  }
  func.func @transform_4(%arg0: i32, %arg1: i32) -> (i32, i32, i32, i32) {
    %c0_i32 = arith.constant 0 : i32
    %c0_i32_0 = arith.constant 0 : i32
    %c0_i32_1 = arith.constant 0 : i32
    return %arg0, %arg1, %c0_i32, %c0_i32_0 : i32, i32, i32, i32
  }
  func.func @transform_5(%arg0: i32, %arg1: i32) -> (i32, i32, i32, i32) {
    %c0_i32 = arith.constant 0 : i32
    %c0_i32_0 = arith.constant 0 : i32
    %c0_i32_1 = arith.constant 0 : i32
    return %arg0, %arg1, %c0_i32, %c0_i32_0 : i32, i32, i32, i32
  }
  func.func @transform_6(%arg0: i32, %arg1: i32) -> (i32, i32, i32, i32) {
    %c0_i32 = arith.constant 0 : i32
    %c0_i32_0 = arith.constant 0 : i32
    %c0_i32_1 = arith.constant 0 : i32
    return %arg0, %arg1, %c0_i32, %c0_i32_0 : i32, i32, i32, i32
  }
  func.func @transform_7(%arg0: i32, %arg1: i32) -> (i32, i32, i32) {
    %c0_i32 = arith.constant 0 : i32
    %c0_i32_0 = arith.constant 0 : i32
    %c0_i32_1 = arith.constant 0 : i32
    return %arg0, %c0_i32, %c0_i32_0 : i32, i32, i32
  }
}

module attributes {stable_mosaic.version = 14 : i64} {
  func.func @_stage5_body(%arg0: i32, %arg1: i32, %arg2: memref<1x8x136x32xf32, #tpu.memory_space<vmem>>, %arg3: memref<1x100x32xf32, #tpu.memory_space<vmem>>, %arg4: memref<1x4x100xf32, #tpu.memory_space<vmem>>, %arg5: memref<1x100x8x136xf32, #tpu.memory_space<vmem>>) attributes {dimension_semantics = [#tpu.dimension_semantics<arbitrary>, #tpu.dimension_semantics<arbitrary>], iteration_bounds = array<i64: 16, 17>, scalar_prefetch = 0 : i64, scratch_operands = 0 : i64, tpu.core_type = #tpu.core_type<tc>, window_params = [{transform_indices = @transform_0, window_bounds = array<i64: 1, 8, 136, 32>}, {transform_indices = @transform_1, window_bounds = array<i64: 1, 100, 32>}, {transform_indices = @transform_2, window_bounds = array<i64: 1, 4, 100>}, {transform_indices = @transform_3, window_bounds = array<i64: 1, 100, 8, 136>}]} {
    %get3A = arith.constant 0 : index
    %get3A_0 = arith.constant 0 : index
    %get3A_1 = arith.constant 0 : index
    %get3A_2 = vector.load %arg3[%get3A, %get3A_0, %get3A_1] : memref<1x100x32xf32, #tpu.memory_space<vmem>>, vector<1x100x32xf32>
    %get3A_3 = vector.shape_cast %get3A_2 : vector<1x100x32xf32> to vector<100x32xf32>
    %get3A_4 = arith.constant 0 : index
    %get3A_5 = arith.constant 0 : index
    %get3A_6 = arith.constant 0 : index
    %get3A_7 = vector.load %arg4[%get3A_4, %get3A_5, %get3A_6] : memref<1x4x100xf32, #tpu.memory_space<vmem>>, vector<1x1x100xf32>
    %get3A_8 = vector.shape_cast %get3A_7 : vector<1x1x100xf32> to vector<1x100xf32>
    %mul3A = arith.constant 1.360000e+02 : f32
    %mul3A_9 = vector.broadcast %mul3A : f32 to vector<1x100xf32>
    %mul3A_10 = arith.mulf %get3A_8, %mul3A_9 : vector<1x100xf32>
    %get3A_11 = arith.constant 0 : index
    %get3A_12 = arith.constant 1 : index
    %get3A_13 = arith.constant 0 : index
    %get3A_14 = vector.load %arg4[%get3A_11, %get3A_12, %get3A_13] : memref<1x4x100xf32, #tpu.memory_space<vmem>>, vector<1x1x100xf32>
    %get3A_15 = vector.shape_cast %get3A_14 : vector<1x1x100xf32> to vector<1x100xf32>
    %mul3A_16 = arith.constant 1.360000e+02 : f32
    %mul3A_17 = vector.broadcast %mul3A_16 : f32 to vector<1x100xf32>
    %mul3A_18 = arith.mulf %get3A_15, %mul3A_17 : vector<1x100xf32>
    %get3A_19 = arith.constant 0 : index
    %get3A_20 = arith.constant 2 : index
    %get3A_21 = arith.constant 0 : index
    %get3A_22 = vector.load %arg4[%get3A_19, %get3A_20, %get3A_21] : memref<1x4x100xf32, #tpu.memory_space<vmem>>, vector<1x1x100xf32>
    %get3A_23 = vector.shape_cast %get3A_22 : vector<1x1x100xf32> to vector<1x100xf32>
    %mul3A_24 = arith.constant 1.360000e+02 : f32
    %mul3A_25 = vector.broadcast %mul3A_24 : f32 to vector<1x100xf32>
    %mul3A_26 = arith.mulf %get3A_23, %mul3A_25 : vector<1x100xf32>
    %get3A_27 = arith.constant 0 : index
    %get3A_28 = arith.constant 3 : index
    %get3A_29 = arith.constant 0 : index
    %get3A_30 = vector.load %arg4[%get3A_27, %get3A_28, %get3A_29] : memref<1x4x100xf32, #tpu.memory_space<vmem>>, vector<1x1x100xf32>
    %get3A_31 = vector.shape_cast %get3A_30 : vector<1x1x100xf32> to vector<1x100xf32>
    %mul3A_32 = arith.constant 1.360000e+02 : f32
    %mul3A_33 = vector.broadcast %mul3A_32 : f32 to vector<1x100xf32>
    %mul3A_34 = arith.mulf %get3A_31, %mul3A_33 : vector<1x100xf32>
    %iota3A = tpu.iota {dimensions = array<i32: 1>} : vector<1x136xi32>
    %convert_element_type3A = arith.sitofp %iota3A : vector<1x136xi32> to vector<1x136xf32>
    %transpose3A = tpu.transpose %mul3A_10, [1, 0] : vector<1x100xf32> -> vector<100x1xf32>
    %ge3A = vector.broadcast %convert_element_type3A : vector<1x136xf32> to vector<100x136xf32>
    %ge3A_35 = vector.broadcast %transpose3A : vector<100x1xf32> to vector<100x136xf32>
    %ge3A_36 = arith.cmpf oge, %ge3A, %ge3A_35 : vector<100x136xf32>
    %transpose3A_37 = tpu.transpose %mul3A_26, [1, 0] : vector<1x100xf32> -> vector<100x1xf32>
    %lt3A = vector.broadcast %convert_element_type3A : vector<1x136xf32> to vector<100x136xf32>
    %lt3A_38 = vector.broadcast %transpose3A_37 : vector<100x1xf32> to vector<100x136xf32>
    %lt3A_39 = arith.cmpf olt, %lt3A, %lt3A_38 : vector<100x136xf32>
    %and3A = arith.andi %ge3A_36, %lt3A_39 : vector<100x136xi1>
    %get3A_40 = arith.constant 0 : index
    %get3A_41 = arith.constant 0 : index
    %get3A_42 = arith.constant 0 : index
    %get3A_43 = arith.constant 0 : index
    %get3A_44 = vector.load %arg2[%get3A_40, %get3A_41, %get3A_42, %get3A_43] : memref<1x8x136x32xf32, #tpu.memory_space<vmem>>, vector<1x1x136x32xf32>
    %get3A_45 = vector.shape_cast %get3A_44 : vector<1x1x136x32xf32> to vector<136x32xf32>
    %dot_general3A = arith.constant dense<0.000000e+00> : vector<100x136xf32>
    %dot_general3A_46 = tpu.matmul %get3A_3, %get3A_45, %dot_general3A {dimension_numbers = #tpu.dot_dimension_numbers<[1], [1], [0], [0], [0, 0, 1, 0], [], []>, transpose_lhs_hint = false} : vector<100x32xf32>, vector<136x32xf32>, vector<100x136xf32> -> vector<100x136xf32>
    %mul3A_47 = arith.constant 8 : i32
    %mul3A_48 = arith.muli %arg1, %mul3A_47 : i32
    %add3A = arith.constant 0 : i32
    %add3A_49 = arith.addi %mul3A_48, %add3A : i32
    %convert_element_type3A_50 = arith.sitofp %add3A_49 : i32 to f32
    %mul3A_51 = arith.constant 1.000000e+00 : f32
    %mul3A_52 = arith.mulf %convert_element_type3A_50, %mul3A_51 : f32
    %transpose3A_53 = tpu.transpose %mul3A_18, [1, 0] : vector<1x100xf32> -> vector<100x1xf32>
    %ge3A_54 = vector.broadcast %mul3A_52 : f32 to vector<100x1xf32>
    %ge3A_55 = arith.cmpf oge, %ge3A_54, %transpose3A_53 : vector<100x1xf32>
    %transpose3A_56 = tpu.transpose %mul3A_34, [1, 0] : vector<1x100xf32> -> vector<100x1xf32>
    %lt3A_57 = vector.broadcast %mul3A_52 : f32 to vector<100x1xf32>
    %lt3A_58 = arith.cmpf olt, %lt3A_57, %transpose3A_56 : vector<100x1xf32>
    %and3A_59 = arith.andi %ge3A_55, %lt3A_58 : vector<100x1xi1>
    %gt3A = arith.constant 0.000000e+00 : f32
    %gt3A_60 = vector.broadcast %gt3A : f32 to vector<100x136xf32>
    %gt3A_61 = arith.cmpf ogt, %dot_general3A_46, %gt3A_60 : vector<100x136xf32>
    %and3A_62 = arith.andi %gt3A_61, %and3A : vector<100x136xi1>
    %and3A_63 = vector.broadcast %and3A_59 : vector<100x1xi1> to vector<100x136xi1>
    %and3A_64 = arith.andi %and3A_62, %and3A_63 : vector<100x136xi1>
    %convert_element_type3A_65 = arith.extui %and3A_64 : vector<100x136xi1> to vector<100x136xi32>
    %convert_element_type3A_66 = arith.sitofp %convert_element_type3A_65 : vector<100x136xi32> to vector<100x136xf32>
    %swap3A = arith.constant 0 : index
    %swap3A_67 = arith.constant 0 : index
    %swap3A_68 = arith.constant 0 : index
    %swap3A_69 = arith.constant 0 : index
    %swap3A_70 = vector.load %arg5[%swap3A, %swap3A_67, %swap3A_68, %swap3A_69] : memref<1x100x8x136xf32, #tpu.memory_space<vmem>>, vector<1x100x1x136xf32>
    %swap3A_71 = vector.shape_cast %swap3A_70 : vector<1x100x1x136xf32> to vector<100x136xf32>
    %swap3A_72 = vector.shape_cast %convert_element_type3A_66 : vector<100x136xf32> to vector<1x100x1x136xf32>
    tpu.vector_store %arg5[%swap3A, %swap3A_67, %swap3A_68, %swap3A_69], %swap3A_72 {strides = array<i32>} : memref<1x100x8x136xf32, #tpu.memory_space<vmem>>, vector<1x100x1x136xf32>,
    %get3A_73 = arith.constant 0 : index
    %get3A_74 = arith.constant 1 : index
    %get3A_75 = arith.constant 0 : index
    %get3A_76 = arith.constant 0 : index
    %get3A_77 = vector.load %arg2[%get3A_73, %get3A_74, %get3A_75, %get3A_76] : memref<1x8x136x32xf32, #tpu.memory_space<vmem>>, vector<1x1x136x32xf32>
    %get3A_78 = vector.shape_cast %get3A_77 : vector<1x1x136x32xf32> to vector<136x32xf32>
    %dot_general3A_79 = arith.constant dense<0.000000e+00> : vector<100x136xf32>
    %dot_general3A_80 = tpu.matmul %get3A_3, %get3A_78, %dot_general3A_79 {dimension_numbers = #tpu.dot_dimension_numbers<[1], [1], [0], [0], [0, 0, 1, 0], [], []>, transpose_lhs_hint = false} : vector<100x32xf32>, vector<136x32xf32>, vector<100x136xf32> -> vector<100x136xf32>
    %mul3A_81 = arith.constant 8 : i32
    %mul3A_82 = arith.muli %arg1, %mul3A_81 : i32
    %add3A_83 = arith.constant 1 : i32
    %add3A_84 = arith.addi %mul3A_82, %add3A_83 : i32
    %convert_element_type3A_85 = arith.sitofp %add3A_84 : i32 to f32
    %mul3A_86 = arith.constant 1.000000e+00 : f32
    %mul3A_87 = arith.mulf %convert_element_type3A_85, %mul3A_86 : f32
    %transpose3A_88 = tpu.transpose %mul3A_18, [1, 0] : vector<1x100xf32> -> vector<100x1xf32>
    %ge3A_89 = vector.broadcast %mul3A_87 : f32 to vector<100x1xf32>
    %ge3A_90 = arith.cmpf oge, %ge3A_89, %transpose3A_88 : vector<100x1xf32>
    %transpose3A_91 = tpu.transpose %mul3A_34, [1, 0] : vector<1x100xf32> -> vector<100x1xf32>
    %lt3A_92 = vector.broadcast %mul3A_87 : f32 to vector<100x1xf32>
    %lt3A_93 = arith.cmpf olt, %lt3A_92, %transpose3A_91 : vector<100x1xf32>
    %and3A_94 = arith.andi %ge3A_90, %lt3A_93 : vector<100x1xi1>
    %gt3A_95 = arith.constant 0.000000e+00 : f32
    %gt3A_96 = vector.broadcast %gt3A_95 : f32 to vector<100x136xf32>
    %gt3A_97 = arith.cmpf ogt, %dot_general3A_80, %gt3A_96 : vector<100x136xf32>
    %and3A_98 = arith.andi %gt3A_97, %and3A : vector<100x136xi1>
    %and3A_99 = vector.broadcast %and3A_94 : vector<100x1xi1> to vector<100x136xi1>
    %and3A_100 = arith.andi %and3A_98, %and3A_99 : vector<100x136xi1>
    %convert_element_type3A_101 = arith.extui %and3A_100 : vector<100x136xi1> to vector<100x136xi32>
    %convert_element_type3A_102 = arith.sitofp %convert_element_type3A_101 : vector<100x136xi32> to vector<100x136xf32>
    %swap3A_103 = arith.constant 0 : index
    %swap3A_104 = arith.constant 0 : index
    %swap3A_105 = arith.constant 1 : index
    %swap3A_106 = arith.constant 0 : index
    %swap3A_107 = vector.load %arg5[%swap3A_103, %swap3A_104, %swap3A_105, %swap3A_106] : memref<1x100x8x136xf32, #tpu.memory_space<vmem>>, vector<1x100x1x136xf32>
    %swap3A_108 = vector.shape_cast %swap3A_107 : vector<1x100x1x136xf32> to vector<100x136xf32>
    %swap3A_109 = vector.shape_cast %convert_element_type3A_102 : vector<100x136xf32> to vector<1x100x1x136xf32>
    tpu.vector_store %arg5[%swap3A_103, %swap3A_104, %swap3A_105, %swap3A_106], %swap3A_109 {strides = array<i32>} : memref<1x100x8x136xf32, #tpu.memory_space<vmem>>, vector<1x100x1x136xf32>,
    %get3A_110 = arith.constant 0 : index
    %get3A_111 = arith.constant 2 : index
    %get3A_112 = arith.constant 0 : index
    %get3A_113 = arith.constant 0 : index
    %get3A_114 = vector.load %arg2[%get3A_110, %get3A_111, %get3A_112, %get3A_113] : memref<1x8x136x32xf32, #tpu.memory_space<vmem>>, vector<1x1x136x32xf32>
    %get3A_115 = vector.shape_cast %get3A_114 : vector<1x1x136x32xf32> to vector<136x32xf32>
    %dot_general3A_116 = arith.constant dense<0.000000e+00> : vector<100x136xf32>
    %dot_general3A_117 = tpu.matmul %get3A_3, %get3A_115, %dot_general3A_116 {dimension_numbers = #tpu.dot_dimension_numbers<[1], [1], [0], [0], [0, 0, 1, 0], [], []>, transpose_lhs_hint = false} : vector<100x32xf32>, vector<136x32xf32>, vector<100x136xf32> -> vector<100x136xf32>
    %mul3A_118 = arith.constant 8 : i32
    %mul3A_119 = arith.muli %arg1, %mul3A_118 : i32
    %add3A_120 = arith.constant 2 : i32
    %add3A_121 = arith.addi %mul3A_119, %add3A_120 : i32
    %convert_element_type3A_122 = arith.sitofp %add3A_121 : i32 to f32
    %mul3A_123 = arith.constant 1.000000e+00 : f32
    %mul3A_124 = arith.mulf %convert_element_type3A_122, %mul3A_123 : f32
    %transpose3A_125 = tpu.transpose %mul3A_18, [1, 0] : vector<1x100xf32> -> vector<100x1xf32>
    %ge3A_126 = vector.broadcast %mul3A_124 : f32 to vector<100x1xf32>
    %ge3A_127 = arith.cmpf oge, %ge3A_126, %transpose3A_125 : vector<100x1xf32>
    %transpose3A_128 = tpu.transpose %mul3A_34, [1, 0] : vector<1x100xf32> -> vector<100x1xf32>
    %lt3A_129 = vector.broadcast %mul3A_124 : f32 to vector<100x1xf32>
    %lt3A_130 = arith.cmpf olt, %lt3A_129, %transpose3A_128 : vector<100x1xf32>
    %and3A_131 = arith.andi %ge3A_127, %lt3A_130 : vector<100x1xi1>
    %gt3A_132 = arith.constant 0.000000e+00 : f32
    %gt3A_133 = vector.broadcast %gt3A_132 : f32 to vector<100x136xf32>
    %gt3A_134 = arith.cmpf ogt, %dot_general3A_117, %gt3A_133 : vector<100x136xf32>
    %and3A_135 = arith.andi %gt3A_134, %and3A : vector<100x136xi1>
    %and3A_136 = vector.broadcast %and3A_131 : vector<100x1xi1> to vector<100x136xi1>
    %and3A_137 = arith.andi %and3A_135, %and3A_136 : vector<100x136xi1>
    %convert_element_type3A_138 = arith.extui %and3A_137 : vector<100x136xi1> to vector<100x136xi32>
    %convert_element_type3A_139 = arith.sitofp %convert_element_type3A_138 : vector<100x136xi32> to vector<100x136xf32>
    %swap3A_140 = arith.constant 0 : index
    %swap3A_141 = arith.constant 0 : index
    %swap3A_142 = arith.constant 2 : index
    %swap3A_143 = arith.constant 0 : index
    %swap3A_144 = vector.load %arg5[%swap3A_140, %swap3A_141, %swap3A_142, %swap3A_143] : memref<1x100x8x136xf32, #tpu.memory_space<vmem>>, vector<1x100x1x136xf32>
    %swap3A_145 = vector.shape_cast %swap3A_144 : vector<1x100x1x136xf32> to vector<100x136xf32>
    %swap3A_146 = vector.shape_cast %convert_element_type3A_139 : vector<100x136xf32> to vector<1x100x1x136xf32>
    tpu.vector_store %arg5[%swap3A_140, %swap3A_141, %swap3A_142, %swap3A_143], %swap3A_146 {strides = array<i32>} : memref<1x100x8x136xf32, #tpu.memory_space<vmem>>, vector<1x100x1x136xf32>,
    %get3A_147 = arith.constant 0 : index
    %get3A_148 = arith.constant 3 : index
    %get3A_149 = arith.constant 0 : index
    %get3A_150 = arith.constant 0 : index
    %get3A_151 = vector.load %arg2[%get3A_147, %get3A_148, %get3A_149, %get3A_150] : memref<1x8x136x32xf32, #tpu.memory_space<vmem>>, vector<1x1x136x32xf32>
    %get3A_152 = vector.shape_cast %get3A_151 : vector<1x1x136x32xf32> to vector<136x32xf32>
    %dot_general3A_153 = arith.constant dense<0.000000e+00> : vector<100x136xf32>
    %dot_general3A_154 = tpu.matmul %get3A_3, %get3A_152, %dot_general3A_153 {dimension_numbers = #tpu.dot_dimension_numbers<[1], [1], [0], [0], [0, 0, 1, 0], [], []>, transpose_lhs_hint = false} : vector<100x32xf32>, vector<136x32xf32>, vector<100x136xf32> -> vector<100x136xf32>
    %mul3A_155 = arith.constant 8 : i32
    %mul3A_156 = arith.muli %arg1, %mul3A_155 : i32
    %add3A_157 = arith.constant 3 : i32
    %add3A_158 = arith.addi %mul3A_156, %add3A_157 : i32
    %convert_element_type3A_159 = arith.sitofp %add3A_158 : i32 to f32
    %mul3A_160 = arith.constant 1.000000e+00 : f32
    %mul3A_161 = arith.mulf %convert_element_type3A_159, %mul3A_160 : f32
    %transpose3A_162 = tpu.transpose %mul3A_18, [1, 0] : vector<1x100xf32> -> vector<100x1xf32>
    %ge3A_163 = vector.broadcast %mul3A_161 : f32 to vector<100x1xf32>
    %ge3A_164 = arith.cmpf oge, %ge3A_163, %transpose3A_162 : vector<100x1xf32>
    %transpose3A_165 = tpu.transpose %mul3A_34, [1, 0] : vector<1x100xf32> -> vector<100x1xf32>
    %lt3A_166 = vector.broadcast %mul3A_161 : f32 to vector<100x1xf32>
    %lt3A_167 = arith.cmpf olt, %lt3A_166, %transpose3A_165 : vector<100x1xf32>
    %and3A_168 = arith.andi %ge3A_164, %lt3A_167 : vector<100x1xi1>
    %gt3A_169 = arith.constant 0.000000e+00 : f32
    %gt3A_170 = vector.broadcast %gt3A_169 : f32 to vector<100x136xf32>
    %gt3A_171 = arith.cmpf ogt, %dot_general3A_154, %gt3A_170 : vector<100x136xf32>
    %and3A_172 = arith.andi %gt3A_171, %and3A : vector<100x136xi1>
    %and3A_173 = vector.broadcast %and3A_168 : vector<100x1xi1> to vector<100x136xi1>
    %and3A_174 = arith.andi %and3A_172, %and3A_173 : vector<100x136xi1>
    %convert_element_type3A_175 = arith.extui %and3A_174 : vector<100x136xi1> to vector<100x136xi32>
    %convert_element_type3A_176 = arith.sitofp %convert_element_type3A_175 : vector<100x136xi32> to vector<100x136xf32>
    %swap3A_177 = arith.constant 0 : index
    %swap3A_178 = arith.constant 0 : index
    %swap3A_179 = arith.constant 3 : index
    %swap3A_180 = arith.constant 0 : index
    %swap3A_181 = vector.load %arg5[%swap3A_177, %swap3A_178, %swap3A_179, %swap3A_180] : memref<1x100x8x136xf32, #tpu.memory_space<vmem>>, vector<1x100x1x136xf32>
    %swap3A_182 = vector.shape_cast %swap3A_181 : vector<1x100x1x136xf32> to vector<100x136xf32>
    %swap3A_183 = vector.shape_cast %convert_element_type3A_176 : vector<100x136xf32> to vector<1x100x1x136xf32>
    tpu.vector_store %arg5[%swap3A_177, %swap3A_178, %swap3A_179, %swap3A_180], %swap3A_183 {strides = array<i32>} : memref<1x100x8x136xf32, #tpu.memory_space<vmem>>, vector<1x100x1x136xf32>,
    %get3A_184 = arith.constant 0 : index
    %get3A_185 = arith.constant 4 : index
    %get3A_186 = arith.constant 0 : index
    %get3A_187 = arith.constant 0 : index
    %get3A_188 = vector.load %arg2[%get3A_184, %get3A_185, %get3A_186, %get3A_187] : memref<1x8x136x32xf32, #tpu.memory_space<vmem>>, vector<1x1x136x32xf32>
    %get3A_189 = vector.shape_cast %get3A_188 : vector<1x1x136x32xf32> to vector<136x32xf32>
    %dot_general3A_190 = arith.constant dense<0.000000e+00> : vector<100x136xf32>
    %dot_general3A_191 = tpu.matmul %get3A_3, %get3A_189, %dot_general3A_190 {dimension_numbers = #tpu.dot_dimension_numbers<[1], [1], [0], [0], [0, 0, 1, 0], [], []>, transpose_lhs_hint = false} : vector<100x32xf32>, vector<136x32xf32>, vector<100x136xf32> -> vector<100x136xf32>
    %mul3A_192 = arith.constant 8 : i32
    %mul3A_193 = arith.muli %arg1, %mul3A_192 : i32
    %add3A_194 = arith.constant 4 : i32
    %add3A_195 = arith.addi %mul3A_193, %add3A_194 : i32
    %convert_element_type3A_196 = arith.sitofp %add3A_195 : i32 to f32
    %mul3A_197 = arith.constant 1.000000e+00 : f32
    %mul3A_198 = arith.mulf %convert_element_type3A_196, %mul3A_197 : f32
    %transpose3A_199 = tpu.transpose %mul3A_18, [1, 0] : vector<1x100xf32> -> vector<100x1xf32>
    %ge3A_200 = vector.broadcast %mul3A_198 : f32 to vector<100x1xf32>
    %ge3A_201 = arith.cmpf oge, %ge3A_200, %transpose3A_199 : vector<100x1xf32>
    %transpose3A_202 = tpu.transpose %mul3A_34, [1, 0] : vector<1x100xf32> -> vector<100x1xf32>
    %lt3A_203 = vector.broadcast %mul3A_198 : f32 to vector<100x1xf32>
    %lt3A_204 = arith.cmpf olt, %lt3A_203, %transpose3A_202 : vector<100x1xf32>
    %and3A_205 = arith.andi %ge3A_201, %lt3A_204 : vector<100x1xi1>
    %gt3A_206 = arith.constant 0.000000e+00 : f32
    %gt3A_207 = vector.broadcast %gt3A_206 : f32 to vector<100x136xf32>
    %gt3A_208 = arith.cmpf ogt, %dot_general3A_191, %gt3A_207 : vector<100x136xf32>
    %and3A_209 = arith.andi %gt3A_208, %and3A : vector<100x136xi1>
    %and3A_210 = vector.broadcast %and3A_205 : vector<100x1xi1> to vector<100x136xi1>
    %and3A_211 = arith.andi %and3A_209, %and3A_210 : vector<100x136xi1>
    %convert_element_type3A_212 = arith.extui %and3A_211 : vector<100x136xi1> to vector<100x136xi32>
    %convert_element_type3A_213 = arith.sitofp %convert_element_type3A_212 : vector<100x136xi32> to vector<100x136xf32>
    %swap3A_214 = arith.constant 0 : index
    %swap3A_215 = arith.constant 0 : index
    %swap3A_216 = arith.constant 4 : index
    %swap3A_217 = arith.constant 0 : index
    %swap3A_218 = vector.load %arg5[%swap3A_214, %swap3A_215, %swap3A_216, %swap3A_217] : memref<1x100x8x136xf32, #tpu.memory_space<vmem>>, vector<1x100x1x136xf32>
    %swap3A_219 = vector.shape_cast %swap3A_218 : vector<1x100x1x136xf32> to vector<100x136xf32>
    %swap3A_220 = vector.shape_cast %convert_element_type3A_213 : vector<100x136xf32> to vector<1x100x1x136xf32>
    tpu.vector_store %arg5[%swap3A_214, %swap3A_215, %swap3A_216, %swap3A_217], %swap3A_220 {strides = array<i32>} : memref<1x100x8x136xf32, #tpu.memory_space<vmem>>, vector<1x100x1x136xf32>,
    %get3A_221 = arith.constant 0 : index
    %get3A_222 = arith.constant 5 : index
    %get3A_223 = arith.constant 0 : index
    %get3A_224 = arith.constant 0 : index
    %get3A_225 = vector.load %arg2[%get3A_221, %get3A_222, %get3A_223, %get3A_224] : memref<1x8x136x32xf32, #tpu.memory_space<vmem>>, vector<1x1x136x32xf32>
    %get3A_226 = vector.shape_cast %get3A_225 : vector<1x1x136x32xf32> to vector<136x32xf32>
    %dot_general3A_227 = arith.constant dense<0.000000e+00> : vector<100x136xf32>
    %dot_general3A_228 = tpu.matmul %get3A_3, %get3A_226, %dot_general3A_227 {dimension_numbers = #tpu.dot_dimension_numbers<[1], [1], [0], [0], [0, 0, 1, 0], [], []>, transpose_lhs_hint = false} : vector<100x32xf32>, vector<136x32xf32>, vector<100x136xf32> -> vector<100x136xf32>
    %mul3A_229 = arith.constant 8 : i32
    %mul3A_230 = arith.muli %arg1, %mul3A_229 : i32
    %add3A_231 = arith.constant 5 : i32
    %add3A_232 = arith.addi %mul3A_230, %add3A_231 : i32
    %convert_element_type3A_233 = arith.sitofp %add3A_232 : i32 to f32
    %mul3A_234 = arith.constant 1.000000e+00 : f32
    %mul3A_235 = arith.mulf %convert_element_type3A_233, %mul3A_234 : f32
    %transpose3A_236 = tpu.transpose %mul3A_18, [1, 0] : vector<1x100xf32> -> vector<100x1xf32>
    %ge3A_237 = vector.broadcast %mul3A_235 : f32 to vector<100x1xf32>
    %ge3A_238 = arith.cmpf oge, %ge3A_237, %transpose3A_236 : vector<100x1xf32>
    %transpose3A_239 = tpu.transpose %mul3A_34, [1, 0] : vector<1x100xf32> -> vector<100x1xf32>
    %lt3A_240 = vector.broadcast %mul3A_235 : f32 to vector<100x1xf32>
    %lt3A_241 = arith.cmpf olt, %lt3A_240, %transpose3A_239 : vector<100x1xf32>
    %and3A_242 = arith.andi %ge3A_238, %lt3A_241 : vector<100x1xi1>
    %gt3A_243 = arith.constant 0.000000e+00 : f32
    %gt3A_244 = vector.broadcast %gt3A_243 : f32 to vector<100x136xf32>
    %gt3A_245 = arith.cmpf ogt, %dot_general3A_228, %gt3A_244 : vector<100x136xf32>
    %and3A_246 = arith.andi %gt3A_245, %and3A : vector<100x136xi1>
    %and3A_247 = vector.broadcast %and3A_242 : vector<100x1xi1> to vector<100x136xi1>
    %and3A_248 = arith.andi %and3A_246, %and3A_247 : vector<100x136xi1>
    %convert_element_type3A_249 = arith.extui %and3A_248 : vector<100x136xi1> to vector<100x136xi32>
    %convert_element_type3A_250 = arith.sitofp %convert_element_type3A_249 : vector<100x136xi32> to vector<100x136xf32>
    %swap3A_251 = arith.constant 0 : index
    %swap3A_252 = arith.constant 0 : index
    %swap3A_253 = arith.constant 5 : index
    %swap3A_254 = arith.constant 0 : index
    %swap3A_255 = vector.load %arg5[%swap3A_251, %swap3A_252, %swap3A_253, %swap3A_254] : memref<1x100x8x136xf32, #tpu.memory_space<vmem>>, vector<1x100x1x136xf32>
    %swap3A_256 = vector.shape_cast %swap3A_255 : vector<1x100x1x136xf32> to vector<100x136xf32>
    %swap3A_257 = vector.shape_cast %convert_element_type3A_250 : vector<100x136xf32> to vector<1x100x1x136xf32>
    tpu.vector_store %arg5[%swap3A_251, %swap3A_252, %swap3A_253, %swap3A_254], %swap3A_257 {strides = array<i32>} : memref<1x100x8x136xf32, #tpu.memory_space<vmem>>, vector<1x100x1x136xf32>,
    %get3A_258 = arith.constant 0 : index
    %get3A_259 = arith.constant 6 : index
    %get3A_260 = arith.constant 0 : index
    %get3A_261 = arith.constant 0 : index
    %get3A_262 = vector.load %arg2[%get3A_258, %get3A_259, %get3A_260, %get3A_261] : memref<1x8x136x32xf32, #tpu.memory_space<vmem>>, vector<1x1x136x32xf32>
    %get3A_263 = vector.shape_cast %get3A_262 : vector<1x1x136x32xf32> to vector<136x32xf32>
    %dot_general3A_264 = arith.constant dense<0.000000e+00> : vector<100x136xf32>
    %dot_general3A_265 = tpu.matmul %get3A_3, %get3A_263, %dot_general3A_264 {dimension_numbers = #tpu.dot_dimension_numbers<[1], [1], [0], [0], [0, 0, 1, 0], [], []>, transpose_lhs_hint = false} : vector<100x32xf32>, vector<136x32xf32>, vector<100x136xf32> -> vector<100x136xf32>
    %mul3A_266 = arith.constant 8 : i32
    %mul3A_267 = arith.muli %arg1, %mul3A_266 : i32
    %add3A_268 = arith.constant 6 : i32
    %add3A_269 = arith.addi %mul3A_267, %add3A_268 : i32
    %convert_element_type3A_270 = arith.sitofp %add3A_269 : i32 to f32
    %mul3A_271 = arith.constant 1.000000e+00 : f32
    %mul3A_272 = arith.mulf %convert_element_type3A_270, %mul3A_271 : f32
    %transpose3A_273 = tpu.transpose %mul3A_18, [1, 0] : vector<1x100xf32> -> vector<100x1xf32>
    %ge3A_274 = vector.broadcast %mul3A_272 : f32 to vector<100x1xf32>
    %ge3A_275 = arith.cmpf oge, %ge3A_274, %transpose3A_273 : vector<100x1xf32>
    %transpose3A_276 = tpu.transpose %mul3A_34, [1, 0] : vector<1x100xf32> -> vector<100x1xf32>
    %lt3A_277 = vector.broadcast %mul3A_272 : f32 to vector<100x1xf32>
    %lt3A_278 = arith.cmpf olt, %lt3A_277, %transpose3A_276 : vector<100x1xf32>
    %and3A_279 = arith.andi %ge3A_275, %lt3A_278 : vector<100x1xi1>
    %gt3A_280 = arith.constant 0.000000e+00 : f32
    %gt3A_281 = vector.broadcast %gt3A_280 : f32 to vector<100x136xf32>
    %gt3A_282 = arith.cmpf ogt, %dot_general3A_265, %gt3A_281 : vector<100x136xf32>
    %and3A_283 = arith.andi %gt3A_282, %and3A : vector<100x136xi1>
    %and3A_284 = vector.broadcast %and3A_279 : vector<100x1xi1> to vector<100x136xi1>
    %and3A_285 = arith.andi %and3A_283, %and3A_284 : vector<100x136xi1>
    %convert_element_type3A_286 = arith.extui %and3A_285 : vector<100x136xi1> to vector<100x136xi32>
    %convert_element_type3A_287 = arith.sitofp %convert_element_type3A_286 : vector<100x136xi32> to vector<100x136xf32>
    %swap3A_288 = arith.constant 0 : index
    %swap3A_289 = arith.constant 0 : index
    %swap3A_290 = arith.constant 6 : index
    %swap3A_291 = arith.constant 0 : index
    %swap3A_292 = vector.load %arg5[%swap3A_288, %swap3A_289, %swap3A_290, %swap3A_291] : memref<1x100x8x136xf32, #tpu.memory_space<vmem>>, vector<1x100x1x136xf32>
    %swap3A_293 = vector.shape_cast %swap3A_292 : vector<1x100x1x136xf32> to vector<100x136xf32>
    %swap3A_294 = vector.shape_cast %convert_element_type3A_287 : vector<100x136xf32> to vector<1x100x1x136xf32>
    tpu.vector_store %arg5[%swap3A_288, %swap3A_289, %swap3A_290, %swap3A_291], %swap3A_294 {strides = array<i32>} : memref<1x100x8x136xf32, #tpu.memory_space<vmem>>, vector<1x100x1x136xf32>,
    %get3A_295 = arith.constant 0 : index
    %get3A_296 = arith.constant 7 : index
    %get3A_297 = arith.constant 0 : index
    %get3A_298 = arith.constant 0 : index
    %get3A_299 = vector.load %arg2[%get3A_295, %get3A_296, %get3A_297, %get3A_298] : memref<1x8x136x32xf32, #tpu.memory_space<vmem>>, vector<1x1x136x32xf32>
    %get3A_300 = vector.shape_cast %get3A_299 : vector<1x1x136x32xf32> to vector<136x32xf32>
    %dot_general3A_301 = arith.constant dense<0.000000e+00> : vector<100x136xf32>
    %dot_general3A_302 = tpu.matmul %get3A_3, %get3A_300, %dot_general3A_301 {dimension_numbers = #tpu.dot_dimension_numbers<[1], [1], [0], [0], [0, 0, 1, 0], [], []>, transpose_lhs_hint = false} : vector<100x32xf32>, vector<136x32xf32>, vector<100x136xf32> -> vector<100x136xf32>
    %mul3A_303 = arith.constant 8 : i32
    %mul3A_304 = arith.muli %arg1, %mul3A_303 : i32
    %add3A_305 = arith.constant 7 : i32
    %add3A_306 = arith.addi %mul3A_304, %add3A_305 : i32
    %convert_element_type3A_307 = arith.sitofp %add3A_306 : i32 to f32
    %mul3A_308 = arith.constant 1.000000e+00 : f32
    %mul3A_309 = arith.mulf %convert_element_type3A_307, %mul3A_308 : f32
    %transpose3A_310 = tpu.transpose %mul3A_18, [1, 0] : vector<1x100xf32> -> vector<100x1xf32>
    %ge3A_311 = vector.broadcast %mul3A_309 : f32 to vector<100x1xf32>
    %ge3A_312 = arith.cmpf oge, %ge3A_311, %transpose3A_310 : vector<100x1xf32>
    %transpose3A_313 = tpu.transpose %mul3A_34, [1, 0] : vector<1x100xf32> -> vector<100x1xf32>
    %lt3A_314 = vector.broadcast %mul3A_309 : f32 to vector<100x1xf32>
    %lt3A_315 = arith.cmpf olt, %lt3A_314, %transpose3A_313 : vector<100x1xf32>
    %and3A_316 = arith.andi %ge3A_312, %lt3A_315 : vector<100x1xi1>
    %gt3A_317 = arith.constant 0.000000e+00 : f32
    %gt3A_318 = vector.broadcast %gt3A_317 : f32 to vector<100x136xf32>
    %gt3A_319 = arith.cmpf ogt, %dot_general3A_302, %gt3A_318 : vector<100x136xf32>
    %and3A_320 = arith.andi %gt3A_319, %and3A : vector<100x136xi1>
    %and3A_321 = vector.broadcast %and3A_316 : vector<100x1xi1> to vector<100x136xi1>
    %and3A_322 = arith.andi %and3A_320, %and3A_321 : vector<100x136xi1>
    %convert_element_type3A_323 = arith.extui %and3A_322 : vector<100x136xi1> to vector<100x136xi32>
    %convert_element_type3A_324 = arith.sitofp %convert_element_type3A_323 : vector<100x136xi32> to vector<100x136xf32>
    %swap3A_325 = arith.constant 0 : index
    %swap3A_326 = arith.constant 0 : index
    %swap3A_327 = arith.constant 7 : index
    %swap3A_328 = arith.constant 0 : index
    %swap3A_329 = vector.load %arg5[%swap3A_325, %swap3A_326, %swap3A_327, %swap3A_328] : memref<1x100x8x136xf32, #tpu.memory_space<vmem>>, vector<1x100x1x136xf32>
    %swap3A_330 = vector.shape_cast %swap3A_329 : vector<1x100x1x136xf32> to vector<100x136xf32>
    %swap3A_331 = vector.shape_cast %convert_element_type3A_324 : vector<100x136xf32> to vector<1x100x1x136xf32>
    tpu.vector_store %arg5[%swap3A_325, %swap3A_326, %swap3A_327, %swap3A_328], %swap3A_331 {strides = array<i32>} : memref<1x100x8x136xf32, #tpu.memory_space<vmem>>, vector<1x100x1x136xf32>,
    return
  }
  func.func @transform_0(%arg0: i32, %arg1: i32) -> (i32, i32, i32, i32) {
    %c0_i32 = arith.constant 0 : i32
    %c0_i32_0 = arith.constant 0 : i32
    %c0_i32_1 = arith.constant 0 : i32
    return %arg0, %arg1, %c0_i32, %c0_i32_0 : i32, i32, i32, i32
  }
  func.func @transform_1(%arg0: i32, %arg1: i32) -> (i32, i32, i32) {
    %c0_i32 = arith.constant 0 : i32
    %c0_i32_0 = arith.constant 0 : i32
    %c0_i32_1 = arith.constant 0 : i32
    return %arg0, %c0_i32, %c0_i32_0 : i32, i32, i32
  }
  func.func @transform_2(%arg0: i32, %arg1: i32) -> (i32, i32, i32) {
    %c0_i32 = arith.constant 0 : i32
    %c0_i32_0 = arith.constant 0 : i32
    %c0_i32_1 = arith.constant 0 : i32
    return %arg0, %c0_i32, %c0_i32_0 : i32, i32, i32
  }
  func.func @transform_3(%arg0: i32, %arg1: i32) -> (i32, i32, i32, i32) {
    %c0_i32 = arith.constant 0 : i32
    %c0_i32_0 = arith.constant 0 : i32
    %c0_i32_1 = arith.constant 0 : i32
    return %arg0, %c0_i32, %arg1, %c0_i32_0 : i32, i32, i32, i32
  }
}

</mosaic_0001>

<sc_bundles>
// kernel: gather_offload_async_start
scs
__scs_entry_jumppad:
0x0: {  	(pc) =	sbr.rel $0x88, $3  }
0x1: {  	(tag) =	ssettag $0x0;
	lr =	simm.s32 $0x1  }
0x2: {  	[smem:$0x3F9C] =	sst lr;
	_ =	strace $0xD0000000  }
0x3: {  	_ = 	snop  }
0x4: {  	_ = 	snop  }
0x5: {  	_ = 	snop  }
0x6: {  	_ = 	snop  }
0x7: {  	_ = 	snop  }
__scs_overlays_trampoline_lowered:
0x8: {  	[smem:$0x3FAB] =	sst s0  }
0x9: {  	[smem:$0x3FAC] =	sst s1  }
0xa: {  	[smem:$0x3FAD] =	sst s2  }
0xb: {  	[smem:$0x3FAE] =	sst s3  }
0xc: {  	[smem:$0x3FAF] =	sst s4  }
0xd: {  	[smem:$0x3FB0] =	sst s5  }
0xe: {  	[smem:$0x3FB1] =	sst s6  }
0xf: {  	[smem:$0x3FB2] =	sst s7  }
0x10: {  	[smem:$0x3FB3] =	sst s8  }
0x11: {  	[smem:$0x3FB4] =	sst s9;
	s0 =	simm.s32 @!p0 $0x0  }
0x12: {  	s1 =	sld [smem:$0x3F9A];
	s0 =	simm.s32 @p0 $0x1  }
0x13: {  	[smem:$0x3FB5] =	sst s0;
	s0 =	simm.s32 @!p1 $0x0  }
0x14: {  	s2 =	sld [smem:$0x3F99];
	s0 =	simm.s32 @p1 $0x1  }
0x15: {  	[smem:$0x3FB6] =	sst s0;
	s0 =	simm.s32 @!p2 $0x0  }
0x16: {  	s3 =	sld [smem:$0x3FDB];
	s0 =	simm.s32 @p2 $0x1  }
0x17: {  	s4 =	simm.s32 $0x1BF5;
	[smem:$0x3FB8] =	sst s0  }
0x18: {  	s0 =	sld [smem:$0x3F9B];
	_ =	swait.ge [sflag:s4], $0x0  }
0x19: {  	s7 =	sld [smem:$0x3F9C]  }
0x1a: {  	s8 =	sadd.s32 $0xFFFFE003, lr  }
0x1b: {  	s9 =	sadd.s32 $0xFFFFFEF7, lr;
	s5 =	simm.s32 $0xFFFFFFFF;
	p2 =	slt.u32 s8, $0xFFFFF086  }
0x1c: {  	p1 =	slt.u32 s9, $0xF7A;
	s5 =	simm.s32 @!p2 $0x0  }
0x1d: {  	s5 =	simm.s32 @p1 $0x1;
	p0 =	seq.s32 s7, s2  }
0x1e: {  	s7 =	smul.u32 @!p0 $0xF7A, s2;
	p2 =	seq.s32 @!p0 s5, $0x0  }
0x1f: {  	s9 =	smul.u32 $0xF7A, s1;
	s8 =	simm.s32 @!p0 $0x1BF5;
	p2 =	por !p2, p0  }
0x20: {  	[sflag:s8] =	ssyncset.s32 @!p0 $0xFFFFF086;
	s6 =	sadd.s32 @!p0 s3, s7;
	s7 =	simm.s32 @!p0 $0x108  }
0x21: {  	s3 =	sadd.s32 s3, s9;
	s6 =	sadd.s32 @!p0 $0x88, s6;
	s7 =	simm.s32 @p2 $0x1082  }
0x22: {  	[simem:s7], [sflag:s8] =	dma.local @!p0 [hbm:s6], $0xF7A  }
0x23: {  	s9 =	sor.u32 $0xD0000000, s2;
	s6 =	simm.s32 $0x108;
	_ =	swait.ge @!p0 [sflag:s8], $0x0  }
0x24: {  	s3 =	sadd.s32 $0x88, s3;
	s6 =	simm.s32 @!p1 $0x1082;
	[sflag:s4] =	ssyncset.s32 $0xFFFFF086  }
0x25: {  	[simem:s6], [sflag:s4] =	dma.local [hbm:s3], $0xF7A  }
0x26: {  	[smem:$0x3F9C] =	sst s1;
	(tag) =	ssettag s2;
	_ =	strace s9  }
0x27: {  	s1 =	sld [smem:$0x3FAC]  }
0x28: {  	s2 =	sld [smem:$0x3FAD]  }
0x29: {  	s4 =	sld [smem:$0x3FAF]  }
0x2a: {  	p0 =	seq.s32 s5, $0x0;
	s5 =	sld [smem:$0x3FB0]  }
0x2b: {  	s6 =	sld [smem:$0x3FB1]  }
0x2c: {  	s7 =	sld [smem:$0x3FB2]  }
0x2d: {  	s3 =	simm.s32 $0x108;
	s8 =	sld [smem:$0x3FB3]  }
0x2e: {  	s3 =	simm.s32 @!p0 $0x1082;
	s9 =	sld [smem:$0x3FB4]  }
0x2f: {  	lr =	sadd.s32 s0, s3;
	s0 =	sld [smem:$0x3FAB]  }
0x30: {  	s3 =	sld [smem:$0x3FAE]  }
0x31: {  	[smem:$0x3FB7] =	sst s10  }
0x32: {  	s10 =	sld [smem:$0x3FB5];
	_ =	sdelay $0x3  }
0x33: {  	p0 =	seq.s32 s10, $0x1;
	s10 =	sld [smem:$0x3FB7];
	_ =	sdelay $0x3  }
0x34: {  	[smem:$0x3FB7] =	sst s10  }
0x35: {  	s10 =	sld [smem:$0x3FB6];
	_ =	sdelay $0x3  }
0x36: {  	p1 =	seq.s32 s10, $0x1;
	s10 =	sld [smem:$0x3FB7];
	_ =	sdelay $0x3  }
0x37: {  	[smem:$0x3FB7] =	sst s10  }
0x38: {  	s10 =	sld [smem:$0x3FB8]  }
0x39: {  	_ = 	snop;
	(pc) =	sbr.ind lr, $3  }
0x3a: {  	_ = 	snop  }
0x3b: {  	_ = 	snop  }
0x3c: {  	p2 =	seq.s32 s10, $0x1;
	s10 =	sld [smem:$0x3FB7]  }
0x3d: {  	_ =	shalt  }
0x3e: {  	_ =	shalt  }
0x3f: {  	_ =	shalt  }
0x40: {  	_ =	shalt  }
0x41: {  	_ =	shalt  }
0x42: {  	_ =	shalt  }
0x43: {  	_ =	shalt  }
0x44: {  	_ =	shalt  }
0x45: {  	_ =	shalt  }
0x46: {  	_ =	shalt  }
0x47: {  	_ =	shalt  }
0x48: {  	_ =	shalt  }
0x49: {  	_ =	shalt  }
0x4a: {  	_ =	shalt  }
0x4b: {  	_ =	shalt  }
0x4c: {  	_ =	shalt  }
0x4d: {  	_ =	shalt  }
0x4e: {  	_ =	shalt  }
0x4f: {  	_ =	shalt  }
0x50: {  	_ =	shalt  }
0x51: {  	_ =	shalt  }
0x52: {  	_ =	shalt  }
0x53: {  	_ =	shalt  }
0x54: {  	_ =	shalt  }
0x55: {  	_ =	shalt  }
0x56: {  	_ =	shalt  }
0x57: {  	_ =	shalt  }
0x58: {  	_ =	shalt  }
0x59: {  	_ =	shalt  }
0x5a: {  	_ =	shalt  }
0x5b: {  	_ =	shalt  }
0x5c: {  	_ =	shalt  }
0x5d: {  	_ =	shalt  }
0x5e: {  	_ =	shalt  }
0x5f: {  	_ =	shalt  }
0x60: {  	_ =	shalt  }
0x61: {  	_ =	shalt  }
0x62: {  	_ =	shalt  }
0x63: {  	_ =	shalt  }
0x64: {  	_ =	shalt  }
0x65: {  	_ =	shalt  }
0x66: {  	_ =	shalt  }
0x67: {  	_ =	shalt  }
0x68: {  	_ =	shalt  }
0x69: {  	_ =	shalt  }
0x6a: {  	_ =	shalt  }
0x6b: {  	_ =	shalt  }
0x6c: {  	_ =	shalt  }
0x6d: {  	_ =	shalt  }
0x6e: {  	_ =	shalt  }
0x6f: {  	_ =	shalt  }
0x70: {  	_ =	shalt  }
0x71: {  	_ =	shalt  }
0x72: {  	_ =	shalt  }
0x73: {  	_ =	shalt  }
0x74: {  	_ =	shalt  }
0x75: {  	_ =	shalt  }
0x76: {  	_ =	shalt  }
0x77: {  	_ =	shalt  }
0x78: {  	_ =	shalt  }
0x79: {  	_ =	shalt  }
0x7a: {  	_ =	shalt  }
0x7b: {  	_ =	shalt  }
0x7c: {  	_ =	shalt  }
0x7d: {  	_ =	shalt  }
0x7e: {  	_ =	shalt  }
0x7f: {  	_ =	shalt  }
0x80: {  	_ =	shalt  }
0x81: {  	_ =	shalt  }
0x82: {  	_ =	shalt  }
0x83: {  	_ =	shalt  }
0x84: {  	_ =	shalt  }
0x85: {  	_ =	shalt  }
0x86: {  	_ =	shalt  }
0x87: {  	_ =	shalt  }
.Lfunc_end0:
.L_simem_size_0:
called_computation_lowered:
.L_overlay_start_0:
0x88: {  	s2 =	sld [smem:$0x3FD9]  }
0x89: {  	s3 =	sld [smem:$0x3FFE];
	_ =	sdelay $0x1  }
0x8a: {  	s1 =	srdreg.scid  }
0x8b: {  	s0 =	sand.u32 $0x1, s1  }
0x8c: {  	s16 =	sshll.u32 s0, $0xA;
	s2 =	sadd.s32 s3, s2  }
0x8d: {  	s2 =	sadd.s32 s2, s16  }
0x8e: {  	[smem:$0x3FC3] =	sst s2  }
0x8f: {  	_ = 	snop  }
0x90: {  	(tm) =	ssettm $0x1  }
0x91: {  	s17 =	sld [smem:$0x3FFB];
	_ =	sdelay $0x3  }
0x92: {  	_ =	strace s17  }
0x93: {  	s2 =	sld [smem:$0x3FFC];
	_ =	sdelay $0x3  }
0x94: {  	_ =	strace s2  }
0x95: {  	s2 =	sld [smem:$0x3FFD];
	_ =	sdelay $0x3  }
0x96: {  	_ =	strace s2  }
0x97: {  	_ =	strace $0x8FFFFFFF  }
0x98: {  	s18 =	sld [smem:$0x3FDB];
	_ =	sdelay $0x1  }
0x99: {  	s19 =	simm.s32 $_scs_section_size  }
0x9a: {  	s4 =	simm.s32 $_size__tile_overlayer_lowered;
	s5 =	simm.s32 $_tile_overlayer_lowered  }
0x9b: {  	s22 =	simm.s32 $0x1BFF;
	s21 =	sshll.u32 s5, $0x1;
	s2 =	sadd.s32 s19, s18  }
0x9c: {  	s6 =	simm.s32 $0x0;
	s20 =	sshll.u32 s4, $0x1;
	s4 =	sadd.s32 s21, s2  }
0x9d: {  	[timem:s6], [sflag:s22] =	dma.local [hbm:s4], s20  }
0x9e: {  	_ =	swait.ge [sflag:s22], s20  }
0x9f: {  	s3 =	ssub.s32 $0x0, s20;
	[sflag:s22] =	ssyncset.done $0x0  }
0xa0: {  	[sflag:s22] =	ssyncadd.s32 s3;
	_ =	sdelay $0x1  }
0xa1: {  	s23 =	simm.s32 $0x1B8B  }
0xa2: {  	_ =	swait.ge [sflag:s23], $0x1  }
0xa3: {  	[sflag:s23] =	ssyncset.done $0x0  }
0xa4: {  	s25 =	simm.s32 $0x1B8E;
	s24 =	sld [smem:$0x3FFE];
	[sflag:s23] =	ssyncadd.s32 $0xFFFFFFFF  }
0xa5: {  	s26 =	simm.s32 $execute0_lowered;
	[smem:$0x3FD2] =	sst s25  }
0xa6: {  	s4 =	sshll.u32 s26, $0x1;
	_ =	strace $0x8000004C;
	[dreg:$0x1] =	wrdreg $0xFFFFFFFF  }
0xa7: {  	s28 =	simm.s32 $_size_execute0_lowered;
	s2 =	sadd.s32 s2, s4;
	[dreg:$0x0] =	wrdreg $0x0  }
0xa8: {  	s4 =	sshll.u32 s28, $0x1;
	[dreg:$0x2] =	wrdreg s2  }
0xa9: {  	[dreg:$0x3] =	wrdreg s4  }
0xaa: {  	[dreg:$0x4] =	wrdreg $0xC0  }
0xab: {  	_ =	task [dreg:s6], $0x5FFFF  }
0xac: {  	[dreg:$0x1] =	wrdreg $0xFFFFFFFF  }
0xad: {  	[dreg:$0x0] =	wrdreg $0x60  }
0xae: {  	[dreg:$0x2] =	wrdreg s24  }
0xaf: {  	[dreg:$0x3] =	wrdreg $0x9  }
0xb0: {  	_ =	task.clear_ibuf [dreg:s6], $0x4FFFF;
	_ =	strace $0x9000004C  }
0xb1: {  	s29 =	simm.s32 $0x9;
	_ =	strace $0x8000004E  }
0xb2: {  	_ =	swait.ge [sflag:s29], $0x1  }
0xb3: {  	[sflag:s29] =	ssyncadd.s32 $0xFFFFFFFF  }
0xb4: {  	_ =	strace $0x9000004E  }
0xb5: {  	_ =	sfence  }
0xb6: {  	s30 =	sld [smem:$0x0];
	_ =	sdelay $0x2  }
0xb7: {  	s31 =	sshll.u32 s1, $0xD;
	s1 =	sshrl.u32 s1, $0x2  }
0xb8: {  	s3 =	sand.u32 $0x4000, s31;
	s1 =	sadd.s32 s1, s30  }
0xb9: {  	s0 =	sor.u32 s3, s0;
	s1 =	sshll.u32 s1, $0x11  }
0xba: {  	s0 =	sor.u32 s1, s0  }
0xbb: {  	s0 =	sadd.s32 $0x8F2B, s0  }
0xbc: {  	[sflag:s0] =	ssyncadd.remote.s32 $0x1  }
0xbd: {  	_ =	sfence.sel $0xFFFF  }
0xbe: {  	[dreg:$0x0] =	wrdreg $0xFFFFFFFF;
	(pc) =	sbr.abs _section_cstart, $3  }
0xbf: {  	[dreg:$0x1] =	wrdreg $0xFFFFFFFF  }
0xc0: {  	_ =	task.clear_ibuf [dreg:s6], $0x2FFFF;
	_ =	strace $0x9FFFFFFF  }
0xc1: {  	(tm) =	ssettm $0x7FFFFFFF  }
tec
execute0_lowered:
.L_overlay_start_1:
0x0: {  	(tag) =	ssettag $0x1  }
0x1: {  	s0 =	srdreg.scid  }
0x2: {  	s1 =	sshll.u32 s0, $0x4  }
0x3: {  	s0 =	stileid.u32;
	s1 =	sand.u32 $0x10, s1  }
0x4: {  	s1 =	sor.u32 s0, s1  }
0x5: {  	s9 =	rddreg [dreg:$0x0];
	s6 =	simm.s32 $0x1;
	s2 =	smin.u32 s1, $0x12  }
0x6: {  	p0 =	slt.u32 s1, $0x12;
	s2 =	sadd.s32 s1, s2;
	s1 =	simm.s32 $0x40  }
0x7: {  	s7 =	simm.s32 $0x2;
	s2 =	sshll.u32 s2, $0x5;
	s1 =	simm.s32 @!p0 $0x20  }
0x8: {  	s10 =	simm.s32 $0x3;
	s13 =	simm.s32 $0x0;
	s3 =	sadd.s32 s1, s2  }
0x9: {  	s12 =	simm.s32 $0x0;
	s4 =	sadd.s32 $0x15FE00, s9;
	s3 =	smin.u32 s3, $0x640  }
.Ltmp0:
0xa: {  	s5 =	sadd.s32 $0xE00, s9;
	s8 =	ssub.s32 s3, s2;
	(pc) =	sbr.rel .LBB2_1-.Ltmp0, $4  }
0xb: {  	s1 =	rddreg [dreg:$0x1];
	_ =	strace $0x8000004D;
	p0 =	sgt.s32 s8, $0x0  }
0xc: {  	s9 =	sadd.s32 $0x1000, s9;
	[sflag:s6] =	ssyncpa.u1 $0x0;
	s8 =	simm.s32 @!p0 $0x0  }
0xd: {  	s11 =	smov.u32 s2;
	[sflag:s7] =	ssyncpa.u1 $0x0;
	s8 =	sshrl.u32 s8, $0x5  }
0xe: {  	vm0 =	vmmov $0xff;
	vm1 =	vcmask $0x3F20;
	[sflag:s10] =	ssyncpa.u1 $0x0;
	p0 =	por $0x0, $0x0;
	s10 =	sadd.s32 $0x1, s8  }
.LBB2_6:
0xf: {  	[hbm:s17] =	stream.linear.scatter [tilespmem:s14], [sflag:$0x3], $0x400, $0x38;
	[tilespmem:$0x2040] =	vst v63  }
.LBB2_7:
0x10: {  	s13 =	sadd.s32 $0x20, s11  }
0x11: {  	s15 =	smov.u32 s2;
	p2 =	slt.s32 s13, s3  }
0x12: {  	s15 =	smov.u32 @p2 s13;
	p2 =	sne.s32 s12, s10  }
.Ltmp1:
0x13: {  	p1 =	slt.u32 s12, $0x2;
	(pc) =	sbr.rel @!p2 .LBB2_8-.Ltmp1, $4  }
0x14: {  	s14 =	simm.s32 @!p1 $0x3  }
0x15: {  	s16 =	sadd.s32 $0x1, s12;
	_ =	swait.ge @!p1 [sflag:s14], $0x1000  }
0x16: {  	p0 =	por !p0, !p0;
	s13 =	smov.u32 s11;
	[sflag:s14] =	ssyncset.done @!p1 $0x0  }
0x17: {  	s12 =	smov.u32 s16;
	s11 =	smov.u32 s15;
	[sflag:s14] =	ssyncadd.s32 @!p1 $0xFFFFF000  }
.LBB2_1:
0x18: {  	p1 =	sge.u32 s12, s8  }
0x19: {  	s14 =	sxor.u32 @!p1 $0xFFFFFFFF, s12  }
0x1a: {  	s31 =	sadd.s32 $0xFFFFFFFF, s12;
	s15 =	sshrl.u32 @!p1 s11, $0x3;
	s14 =	sshll.u32 @!p1 s14, $0x5  }
0x1b: {  	s16 =	sand.u32 @!p1 $0x7, s11;
	s15 =	sadd.s32 @!p1 s5, s15;
	s14 =	sand.u32 @!p1 $0x20, s14  }
0x1c: {  	[tilespmem:s14], [sflag:$0x2] =	stream.linear.gather @!p1 [hbm4b:s15+s16], $0x20, $0x38;
	[tilespmem:$0x2040] =	vst v63  }
0x1d: {  	p1 =	sge.u32 s31, s8  }
.Ltmp2:
0x1e: {  	_ = 	snop;
	(pc) =	sbr.rel @p1 .LBB2_7-.Ltmp2, $1  }
0x1f: {  	_ =	sdelay $0x3  }
0x20: {  	s14 =	simm.s32 $0x1  }
0x21: {  	_ =	swait.ge [sflag:s7], $0x20;
	s16 =	sand.u32 $0x1, s12;
	s17 =	simm.s32 $0x0  }
0x22: {  	p1 =	por $0x1, $0x1;
	s14 =	simm.s32 @!p0 $0x0;
	[sflag:s7] =	ssyncset.done $0x0  }
0x23: {  	s15 =	sshll.u32 s16, $0x5;
	s16 =	sshll.u32 s16, $0xC;
	s14 =	sshll.u32 s14, $0xC  }
0x24: {  	[sflag:s7] =	ssyncadd.s32 $0xFFFFFFE0;
	s16 =	sor.u32 $0x40, s16;
	s14 =	sor.u32 $0x40, s14  }
.LBB2_3:
0x25: {  	s18 =	sshll.u32 s17, $0x4  }
0x26: {  	s18 =	sand.u32 $0x3FFFFFF0, s18  }
0x27: {  	s18 =	sadd.s32 s18, s15  }
0x28: {  	v0 =	vld.msk [tilespmem:s18+$0x0 ss:$0x1], $0xffff;
	_ =	sdelay $0x4  }
0x29: {  	v1 =	vshll.u32 v0, $0x7  }
0x2a: {  	vm2 =	veq.s32 v0, $0x80000000;
	v63 =	vand.u32 $0x780, v1  }
0x2b: {  	v1 =	vand.u32 $0x3FFF800, v1;
	v0 =	vsel vm2, $0xFFFFFF80, v63  }
0x2c: {  	v1 =	vsel vm2, $0xFFFFF800, v1;
	v2 =	vand.u32 $0xFFFFFC00, v0  }
0x2d: {  	v0 =	vand.u32 $0x380, v0;
	v1 =	vadd.s32 v1, v2  }
0x2e: {  	v0 =	vor.u32 v0, v1  }
0x2f: {  	v0 =	vshrl.u32 v0, $0x3;
	_ =	sdelay $0x1  }
0x30: {  	s31 =	sshll.u32 s17, $0xB  }
0x31: {  	p2 =	por p1, p1;
	s17 =	sand.u32 $0x3FFFF800, s31  }
.Ltmp3:
0x32: {  	s17 =	sadd.s32 s17, s16;
	(pc) =	sbr.rel @p2 .LBB2_3-.Ltmp3, $4  }
0x33: {  	[tilespmem:s17], [sflag:$0x1] =	stream.indirect_vreg.gather [hbm:s4], $0x80, v0, vm0, $0x38;
	[tilespmem:$0x2040] =	vst v63  }
0x34: {  	s17 =	sadd.s32 $0x400, s17  }
0x35: {  	[tilespmem:s17], [sflag:$0x1] =	stream.indirect_vreg.gather [hbm:s4], $0x80, v0, vm1, $0x38;
	[tilespmem:$0x2040] =	vst v63  }
0x36: {  	p1 =	por $0x0, $0x0;
	s17 =	simm.s32 $0x1  }
0x37: {  	_ =	swait.ge [sflag:s6], $0x1000;
	s13 =	sshll.u32 s13, $0x4  }
0x38: {  	s15 =	simm.s32 $0x80;
	[sflag:s6] =	ssyncset.done $0x0;
	s13 =	sadd.s32 s13, s9  }
0x39: {  	s16 =	sadd.s32 $0x400, s14;
	[sflag:s6] =	ssyncadd.s32 $0xFFFFF000;
	s17 =	sadd.s32 $0x0, s13  }
.LBB2_5:
0x3a: {  	[hbm:s17] =	stream.linear.scatter [tilespmem:s14], [sflag:$0x3], $0x400, $0x38;
	[tilespmem:$0x2040] =	vst v63  }
0x3b: {  	s17 =	smov.u32 s15;
	s14 =	smov.u32 s16;
	p1 =	sne.s32 s15, $0x180  }
.Ltmp4:
0x3c: {  	s15 =	sadd.s32 $0x80, s15;
	(pc) =	sbr.rel @p1 .LBB2_5-.Ltmp4, $2  }
0x3d: {  	_ =	sdelay $0x2  }
0x3e: {  	s16 =	sadd.s32 $0x400, s16;
	s17 =	sadd.s32 s17, s13  }
.Ltmp5:
0x3f: {  	_ = 	snop;
	(pc) =	sbr.rel .LBB2_6-.Ltmp5, $1  }
0x40: {  	_ =	sdelay $0x3  }
.LBB2_8:
0x41: {  	_ =	sfence.sel $0x180000  }
0x42: {  	s2 =	simm.s32 $0x2;
	[bflag:$0x0] =	sbarrier.arrive $0xFFFF  }
0x43: {  	s30 =	simm.s32 $0x3;
	[sflag:s2] =	ssyncpa.u1 $0x1  }
0x44: {  	s31 =	simm.s32 $0x1;
	[sflag:s30] =	ssyncpa.u1 $0x1  }
0x45: {  	[sflag:s31] =	ssyncpa.u1 $0x1  }
0x46: {  	p0 =	sne.s32 s0, $0x0;
	_ =	strace $0x9000004D  }
0x47: {  	s0 =	sadd.s32 @!p0 $0x100000, s1;
	[bflag:$0x2] =	sbarrier.arrive $0xFFFF  }
0x48: {  	[sflag:s0] =	ssyncadd.tile.s32 @!p0 $0x1;
	_ =	shalt  }
.Lfunc_end2:
_tile_overlayer_lowered:
.L_overlay_start_2:
0x49: {  	(tag) =	ssettag $0x2  }
0x4a: {  	s0 =	rddreg [dreg:$0x0];
	s2 =	stileid.u32  }
0x4b: {  	s1 =	rddreg [dreg:$0x1];
	p0 =	sne.s32 s2, $0x0  }
0x4c: {  	s3 =	rddreg [dreg:$0x2];
	[bflag:$0x3] =	sbarrier.arrive $0xFFFF;
	s2 =	simm.s32 @!p0 $0x1C01  }
0x4d: {  	[timem:s3], [sflag:s2] =	dma.local @!p0 [hbm:s0], s1  }
0x4e: {  	s0 =	simm.s32 @!p0 $0x1  }
0x4f: {  	_ =	swait.ge @!p0 [sflag:s0], s1  }
0x50: {  	s1 =	ssub.s32 @!p0 $0x0, s1;
	[sflag:s0] =	ssyncset.done @!p0 $0x0  }
0x51: {  	[sflag:s0] =	ssyncadd.s32 @!p0 s1  }
0x52: {  	[bflag:$0x3] =	sbarrier.arrive $0xFFFF  }
0x53: {  	_ =	shalt  }

// kernel: kernel.11.cloned.1.call-start
scs
__scs_entry_jumppad:
0x0: {  	(pc) =	sbr.rel $0x88, $3  }
0x1: {  	(tag) =	ssettag $0x0;
	lr =	simm.s32 $0x1  }
0x2: {  	[smem:$0x3F9C] =	sst lr;
	_ =	strace $0xD0000000  }
0x3: {  	_ = 	snop  }
0x4: {  	_ = 	snop  }
0x5: {  	_ = 	snop  }
0x6: {  	_ = 	snop  }
0x7: {  	_ = 	snop  }
__scs_overlays_trampoline_lowered:
0x8: {  	[smem:$0x3FAB] =	sst s0  }
0x9: {  	[smem:$0x3FAC] =	sst s1  }
0xa: {  	[smem:$0x3FAD] =	sst s2  }
0xb: {  	[smem:$0x3FAE] =	sst s3  }
0xc: {  	[smem:$0x3FAF] =	sst s4  }
0xd: {  	[smem:$0x3FB0] =	sst s5  }
0xe: {  	[smem:$0x3FB1] =	sst s6  }
0xf: {  	[smem:$0x3FB2] =	sst s7  }
0x10: {  	[smem:$0x3FB3] =	sst s8  }
0x11: {  	[smem:$0x3FB4] =	sst s9;
	s0 =	simm.s32 @!p0 $0x0  }
0x12: {  	s1 =	sld [smem:$0x3F9A];
	s0 =	simm.s32 @p0 $0x1  }
0x13: {  	[smem:$0x3FB5] =	sst s0;
	s0 =	simm.s32 @!p1 $0x0  }
0x14: {  	s2 =	sld [smem:$0x3F99];
	s0 =	simm.s32 @p1 $0x1  }
0x15: {  	[smem:$0x3FB6] =	sst s0;
	s0 =	simm.s32 @!p2 $0x0  }
0x16: {  	s3 =	sld [smem:$0x3FDB];
	s0 =	simm.s32 @p2 $0x1  }
0x17: {  	s4 =	simm.s32 $0x1BF5;
	[smem:$0x3FB8] =	sst s0  }
0x18: {  	s0 =	sld [smem:$0x3F9B];
	_ =	swait.ge [sflag:s4], $0x0  }
0x19: {  	s7 =	sld [smem:$0x3F9C]  }
0x1a: {  	s8 =	sadd.s32 $0xFFFFE003, lr  }
0x1b: {  	s9 =	sadd.s32 $0xFFFFFEF7, lr;
	s5 =	simm.s32 $0xFFFFFFFF;
	p2 =	slt.u32 s8, $0xFFFFF086  }
0x1c: {  	p1 =	slt.u32 s9, $0xF7A;
	s5 =	simm.s32 @!p2 $0x0  }
0x1d: {  	s5 =	simm.s32 @p1 $0x1;
	p0 =	seq.s32 s7, s2  }
0x1e: {  	s7 =	smul.u32 @!p0 $0xF7A, s2;
	p2 =	seq.s32 @!p0 s5, $0x0  }
0x1f: {  	s9 =	smul.u32 $0xF7A, s1;
	s8 =	simm.s32 @!p0 $0x1BF5;
	p2 =	por !p2, p0  }
0x20: {  	[sflag:s8] =	ssyncset.s32 @!p0 $0xFFFFF086;
	s6 =	sadd.s32 @!p0 s3, s7;
	s7 =	simm.s32 @!p0 $0x108  }
0x21: {  	s3 =	sadd.s32 s3, s9;
	s6 =	sadd.s32 @!p0 $0x88, s6;
	s7 =	simm.s32 @p2 $0x1082  }
0x22: {  	[simem:s7], [sflag:s8] =	dma.local @!p0 [hbm:s6], $0xF7A  }
0x23: {  	s9 =	sor.u32 $0xD0000000, s2;
	s6 =	simm.s32 $0x108;
	_ =	swait.ge @!p0 [sflag:s8], $0x0  }
0x24: {  	s3 =	sadd.s32 $0x88, s3;
	s6 =	simm.s32 @!p1 $0x1082;
	[sflag:s4] =	ssyncset.s32 $0xFFFFF086  }
0x25: {  	[simem:s6], [sflag:s4] =	dma.local [hbm:s3], $0xF7A  }
0x26: {  	[smem:$0x3F9C] =	sst s1;
	(tag) =	ssettag s2;
	_ =	strace s9  }
0x27: {  	s1 =	sld [smem:$0x3FAC]  }
0x28: {  	s2 =	sld [smem:$0x3FAD]  }
0x29: {  	s4 =	sld [smem:$0x3FAF]  }
0x2a: {  	p0 =	seq.s32 s5, $0x0;
	s5 =	sld [smem:$0x3FB0]  }
0x2b: {  	s6 =	sld [smem:$0x3FB1]  }
0x2c: {  	s7 =	sld [smem:$0x3FB2]  }
0x2d: {  	s3 =	simm.s32 $0x108;
	s8 =	sld [smem:$0x3FB3]  }
0x2e: {  	s3 =	simm.s32 @!p0 $0x1082;
	s9 =	sld [smem:$0x3FB4]  }
0x2f: {  	lr =	sadd.s32 s0, s3;
	s0 =	sld [smem:$0x3FAB]  }
0x30: {  	s3 =	sld [smem:$0x3FAE]  }
0x31: {  	[smem:$0x3FB7] =	sst s10  }
0x32: {  	s10 =	sld [smem:$0x3FB5];
	_ =	sdelay $0x3  }
0x33: {  	p0 =	seq.s32 s10, $0x1;
	s10 =	sld [smem:$0x3FB7];
	_ =	sdelay $0x3  }
0x34: {  	[smem:$0x3FB7] =	sst s10  }
0x35: {  	s10 =	sld [smem:$0x3FB6];
	_ =	sdelay $0x3  }
0x36: {  	p1 =	seq.s32 s10, $0x1;
	s10 =	sld [smem:$0x3FB7];
	_ =	sdelay $0x3  }
0x37: {  	[smem:$0x3FB7] =	sst s10  }
0x38: {  	s10 =	sld [smem:$0x3FB8]  }
0x39: {  	_ = 	snop;
	(pc) =	sbr.ind lr, $3  }
0x3a: {  	_ = 	snop  }
0x3b: {  	_ = 	snop  }
0x3c: {  	p2 =	seq.s32 s10, $0x1;
	s10 =	sld [smem:$0x3FB7]  }
0x3d: {  	_ =	shalt  }
0x3e: {  	_ =	shalt  }
0x3f: {  	_ =	shalt  }
0x40: {  	_ =	shalt  }
0x41: {  	_ =	shalt  }
0x42: {  	_ =	shalt  }
0x43: {  	_ =	shalt  }
0x44: {  	_ =	shalt  }
0x45: {  	_ =	shalt  }
0x46: {  	_ =	shalt  }
0x47: {  	_ =	shalt  }
0x48: {  	_ =	shalt  }
0x49: {  	_ =	shalt  }
0x4a: {  	_ =	shalt  }
0x4b: {  	_ =	shalt  }
0x4c: {  	_ =	shalt  }
0x4d: {  	_ =	shalt  }
0x4e: {  	_ =	shalt  }
0x4f: {  	_ =	shalt  }
0x50: {  	_ =	shalt  }
0x51: {  	_ =	shalt  }
0x52: {  	_ =	shalt  }
0x53: {  	_ =	shalt  }
0x54: {  	_ =	shalt  }
0x55: {  	_ =	shalt  }
0x56: {  	_ =	shalt  }
0x57: {  	_ =	shalt  }
0x58: {  	_ =	shalt  }
0x59: {  	_ =	shalt  }
0x5a: {  	_ =	shalt  }
0x5b: {  	_ =	shalt  }
0x5c: {  	_ =	shalt  }
0x5d: {  	_ =	shalt  }
0x5e: {  	_ =	shalt  }
0x5f: {  	_ =	shalt  }
0x60: {  	_ =	shalt  }
0x61: {  	_ =	shalt  }
0x62: {  	_ =	shalt  }
0x63: {  	_ =	shalt  }
0x64: {  	_ =	shalt  }
0x65: {  	_ =	shalt  }
0x66: {  	_ =	shalt  }
0x67: {  	_ =	shalt  }
0x68: {  	_ =	shalt  }
0x69: {  	_ =	shalt  }
0x6a: {  	_ =	shalt  }
0x6b: {  	_ =	shalt  }
0x6c: {  	_ =	shalt  }
0x6d: {  	_ =	shalt  }
0x6e: {  	_ =	shalt  }
0x6f: {  	_ =	shalt  }
0x70: {  	_ =	shalt  }
0x71: {  	_ =	shalt  }
0x72: {  	_ =	shalt  }
0x73: {  	_ =	shalt  }
0x74: {  	_ =	shalt  }
0x75: {  	_ =	shalt  }
0x76: {  	_ =	shalt  }
0x77: {  	_ =	shalt  }
0x78: {  	_ =	shalt  }
0x79: {  	_ =	shalt  }
0x7a: {  	_ =	shalt  }
0x7b: {  	_ =	shalt  }
0x7c: {  	_ =	shalt  }
0x7d: {  	_ =	shalt  }
0x7e: {  	_ =	shalt  }
0x7f: {  	_ =	shalt  }
0x80: {  	_ =	shalt  }
0x81: {  	_ =	shalt  }
0x82: {  	_ =	shalt  }
0x83: {  	_ =	shalt  }
0x84: {  	_ =	shalt  }
0x85: {  	_ =	shalt  }
0x86: {  	_ =	shalt  }
0x87: {  	_ =	shalt  }
.Lfunc_end0:
.L_simem_size_0:
called_computation.2_lowered:
.L_overlay_start_0:
0x88: {  	s2 =	sld [smem:$0x3FD9]  }
0x89: {  	s3 =	sld [smem:$0x3FFE];
	_ =	sdelay $0x1  }
0x8a: {  	s1 =	srdreg.scid  }
0x8b: {  	s0 =	sand.u32 $0x1, s1  }
0x8c: {  	s14 =	sshll.u32 s0, $0xA;
	s2 =	sadd.s32 s3, s2  }
0x8d: {  	s2 =	sadd.s32 s2, s14  }
0x8e: {  	[smem:$0x3FC3] =	sst s2  }
0x8f: {  	_ = 	snop  }
0x90: {  	s2 =	sld [smem:$0x3FD0];
	_ =	sdelay $0x2  }
0x91: {  	s15 =	simm.s32 $0xA;
	s4 =	simm.s32 $0x10  }
0x92: {  	[smem:s4], [sflag:s15] =	dma.local [hbm:s2], $0x1  }
0x93: {  	_ =	swait.eq [sflag:s15], $0x1  }
0x94: {  	[sflag:s15] =	ssyncset.done $0x0  }
0x95: {  	s16 =	sld [smem:$0x11];
	[sflag:s15] =	ssyncadd.s32 $0xFFFFFFFF  }
0x96: {  	s17 =	sld [smem:$0x12];
	(tm) =	ssettm $0x1  }
0x97: {  	s18 =	sld [smem:$0x3FFB];
	_ =	sdelay $0x3  }
0x98: {  	_ =	strace s18  }
0x99: {  	s4 =	sld [smem:$0x3FFC];
	_ =	sdelay $0x3  }
0x9a: {  	_ =	strace s4  }
0x9b: {  	s4 =	sld [smem:$0x3FFD];
	_ =	sdelay $0x3  }
0x9c: {  	_ =	strace s4  }
0x9d: {  	_ =	strace $0x8FFFFFFF  }
0x9e: {  	s19 =	sld [smem:$0x3FDB];
	_ =	sdelay $0x1  }
0x9f: {  	s5 =	simm.s32 $_scs_section_size  }
0xa0: {  	s6 =	simm.s32 $_size__tile_overlayer_lowered;
	s7 =	simm.s32 $_tile_overlayer_lowered  }
0xa1: {  	s22 =	simm.s32 $0x1BFF;
	s21 =	sshll.u32 s7, $0x1;
	s4 =	sadd.s32 s5, s19  }
0xa2: {  	s8 =	simm.s32 $0x0;
	s20 =	sshll.u32 s6, $0x1;
	s6 =	sadd.s32 s21, s4  }
0xa3: {  	[timem:s8], [sflag:s22] =	dma.local [hbm:s6], s20  }
0xa4: {  	_ =	swait.ge [sflag:s22], s20  }
0xa5: {  	s5 =	ssub.s32 $0x0, s20;
	[sflag:s22] =	ssyncset.done $0x0  }
0xa6: {  	[sflag:s22] =	ssyncadd.s32 s5;
	_ =	sdelay $0x1  }
0xa7: {  	s23 =	simm.s32 $0x1B8B  }
0xa8: {  	_ =	swait.ge [sflag:s23], $0x1  }
0xa9: {  	[sflag:s23] =	ssyncset.done $0x0  }
0xaa: {  	s25 =	simm.s32 $0x1B8E;
	s24 =	sld [smem:$0x3FFE];
	[sflag:s23] =	ssyncadd.s32 $0xFFFFFFFF  }
0xab: {  	s26 =	simm.s32 $execute0_lowered;
	[smem:$0x3FD2] =	sst s25  }
0xac: {  	s6 =	sshll.u32 s26, $0x1;
	_ =	strace $0x80000049;
	[dreg:$0x1] =	wrdreg $0xFFFFFFFF  }
0xad: {  	s28 =	simm.s32 $_size_execute0_lowered;
	s4 =	sadd.s32 s4, s6;
	[dreg:$0x0] =	wrdreg $0x0  }
0xae: {  	s6 =	sshll.u32 s28, $0x1;
	[dreg:$0x2] =	wrdreg s4  }
0xaf: {  	[dreg:$0x3] =	wrdreg s6  }
0xb0: {  	[dreg:$0x4] =	wrdreg $0xC0  }
0xb1: {  	_ =	task [dreg:s8], $0x5FFFF  }
0xb2: {  	[dreg:$0x1] =	wrdreg $0xFFFFFFFF  }
0xb3: {  	[dreg:$0x0] =	wrdreg $0x60  }
0xb4: {  	[dreg:$0x2] =	wrdreg s24  }
0xb5: {  	[dreg:$0x3] =	wrdreg s17  }
0xb6: {  	[dreg:$0x4] =	wrdreg s16  }
0xb7: {  	[dreg:$0x5] =	wrdreg $0x9  }
0xb8: {  	_ =	task.clear_ibuf [dreg:s8], $0x6FFFF;
	_ =	strace $0x90000049  }
0xb9: {  	s29 =	simm.s32 $0x9;
	_ =	strace $0x8000004B  }
0xba: {  	_ =	swait.ge [sflag:s29], $0x1  }
0xbb: {  	[sflag:s29] =	ssyncadd.s32 $0xFFFFFFFF  }
0xbc: {  	_ =	strace $0x9000004B  }
0xbd: {  	_ =	sfence  }
0xbe: {  	s30 =	sld [smem:$0x0];
	_ =	sdelay $0x2  }
0xbf: {  	s31 =	sshll.u32 s1, $0xD;
	s1 =	sshrl.u32 s1, $0x2  }
0xc0: {  	s3 =	sand.u32 $0x4000, s31;
	s1 =	sadd.s32 s1, s30  }
0xc1: {  	s0 =	sor.u32 s3, s0;
	s1 =	sshll.u32 s1, $0x11  }
0xc2: {  	s0 =	sor.u32 s1, s0  }
0xc3: {  	s0 =	sadd.s32 $0x8F2B, s0  }
0xc4: {  	[sflag:s0] =	ssyncadd.remote.s32 $0x1  }
0xc5: {  	_ =	sfence.sel $0xFFFF  }
0xc6: {  	[dreg:$0x0] =	wrdreg $0xFFFFFFFF;
	(pc) =	sbr.abs _section_cstart, $3  }
0xc7: {  	[dreg:$0x1] =	wrdreg $0xFFFFFFFF  }
0xc8: {  	_ =	task.clear_ibuf [dreg:s8], $0x2FFFF;
	_ =	strace $0x9FFFFFFF  }
0xc9: {  	(tm) =	ssettm $0x7FFFFFFF  }
tec
execute0_lowered:
.L_overlay_start_1:
0x0: {  	(tag) =	ssettag $0x1  }
0x1: {  	s4 =	stileid.u32  }
0x2: {  	p0 =	sgt.u32 s4, $0x7  }
.Ltmp0:
0x3: {  	_ = 	snop;
	(pc) =	sbr.rel @p0 .LBB2_11-.Ltmp0, $4  }
0x4: {  	s3 =	rddreg [dreg:$0x0]  }
0x5: {  	s0 =	rddreg [dreg:$0x1];
	s2 =	simm.s32 $0x0  }
0x6: {  	[smem:$0x7FF] =	sst s2  }
0x7: {  	s1 =	rddreg [dreg:$0x2];
	_ =	strace $0x8000004A  }
0x8: {  	s4 =	srdreg.scid;
	s6 =	stileid.u32  }
0x9: {  	s14 =	sadd.s32 $0x1200, s3;
	s10 =	sadd.s32 $0xE00, s3;
	s18 =	sadd.s32 $0x1000, s3  }
0xa: {  	s28 =	simm.s32 $0x1DA00;
	s29 =	simm.s32 $0x1DA80;
	s30 =	simm.s32 $0x1DB00  }
0xb: {  	s31 =	simm.s32 $0x1DB80;
	s4 =	sand.u32 $0x1, s4;
	[dreg:$0x4] =	wrdreg s10  }
0xc: {  	s5 =	sshll.u32 s6, $0x1;
	s6 =	sshrl.u32 s6, $0x2;
	[dreg:$0x5] =	wrdreg s18  }
0xd: {  	s18 =	simm.s32 $0x1;
	s5 =	sor.u32 s4, s5;
	s8 =	smul.u32 $0x28000, s6  }
0xe: {  	s9 =	smul.u32 $0x9C000, s6;
	s6 =	sshll.u32 s6, $0xA;
	s25 =	ssub.s32 $0x2, s4  }
0xf: {  	s7 =	sshll.u32 s5, $0x7;
	s19 =	sshll.u32 s5, $0x6;
	s26 =	sshrl.u32 s25, $0x1  }
0x10: {  	s7 =	sand.u32 $0x380, s7;
	s21 =	sadd.s32 s19, s3;
	s19 =	simm.s32 $0x5000  }
0x11: {  	s8 =	sor.u32 s8, s7;
	s16 =	sor.u32 s9, s7;
	s6 =	sor.u32 s6, s7  }
0x12: {  	s10 =	sadd.s32 $0x15400, s21;
	s11 =	sadd.s32 $0x15410, s21;
	s12 =	sadd.s32 $0x15420, s21  }
0x13: {  	s13 =	sadd.s32 $0x15430, s21;
	s21 =	simm.s32 $0x1DC80;
	s15 =	sshrl.u32 s8, $0x3  }
0x14: {  	s8 =	sshrl.u32 s16, $0x3;
	s6 =	sshrl.u32 s6, $0x3;
	s16 =	simm.s32 $0x80  }
0x15: {  	s17 =	sadd.s32 s15, s3;
	s8 =	sadd.s32 s8, s3;
	s20 =	sadd.s32 s6, s3  }
0x16: {  	s0 =	sadd.s32 s0, s6;
	s24 =	sadd.s32 s1, s6;
	s14 =	sadd.s32 s14, s15  }
0x17: {  	s1 =	simm.s32 $0x0;
	s22 =	sadd.s32 $0xB200, s17;
	[dreg:$0x8] =	wrdreg s0  }
0x18: {  	s23 =	sadd.s32 $0x138E00, s8;
	[dreg:$0x9] =	wrdreg s24;
	s9 =	sadd.s32 $0x15200, s20  }
0x19: {  	v0 =	vlaneseq.u32;
	s0 =	ssub.s32 s25, s26;
	s17 =	simm.s32 $0x400;
	s20 =	simm.s32 $0xA000  }
0x1a: {  	v5 =	vmul.u32 $0xFFFFFFFF, v0;
	s24 =	simm.s32 $0x1D880;
	s25 =	simm.s32 $0x1D900;
	[dreg:$0x6] =	wrdreg s22  }
0x1b: {  	v2 =	vimm.f32 $-1.000000000e+00;
	v3 =	vimm.s32 $0x5000;
	s26 =	simm.s32 $0x1D980;
	[dreg:$0x7] =	wrdreg s23;
	s15 =	smax.u32 s0, $0x1  }
0x1c: {  	v4 =	vimm.s32 $0x0;
	v1 =	vmov s5;
	v5 =	vadd.s32 $0x64, v5;
	s22 =	simm.s32 $0x1DD00;
	s23 =	simm.s32 $0x1D800;
	s0 =	simm.s32 $0x1DC00  }
.LBB2_2:
0x1d: {  	s3 =	simm.s32 $0x0  }
0x1e: {  	[tilespmem:s3], [sflag:$0x1] =	stream.strided.gather [hbm4b:s14+s16], $0x5000, s17, s16, $0x38;
	[tilespmem:$0x1DD80] =	vst v63  }
0x1f: {  	_ =	swait.ge [sflag:s18], $0x5000  }
0x20: {  	[sflag:s18] =	ssyncset.done $0x0  }
0x21: {  	s4 =	rddreg [dreg:$0x6];
	[sflag:s18] =	ssyncadd.s32 $0xFFFFB000  }
0x22: {  	[tilespmem:s19], [sflag:$0x1] =	stream.strided.gather [hbm4b:s4+s16], $0x5000, s17, s16, $0x38;
	[tilespmem:$0x1DD80] =	vst v63  }
0x23: {  	_ =	swait.ge [sflag:s18], $0x5000  }
0x24: {  	[sflag:s18] =	ssyncset.done $0x0  }
0x25: {  	s6 =	rddreg [dreg:$0x7];
	[sflag:s18] =	ssyncadd.s32 $0xFFFFB000  }
0x26: {  	[tilespmem:s20], [sflag:$0x1] =	stream.strided.gather [hbm4b:s6+s16], $0x13800, s17, s16, $0x38;
	[tilespmem:$0x1DD80] =	vst v63  }
0x27: {  	_ =	swait.ge [sflag:s18], $0x13800  }
0x28: {  	[sflag:s18] =	ssyncset.done $0x0  }
0x29: {  	s7 =	rddreg [dreg:$0x4];
	[sflag:s18] =	ssyncadd.s32 $0xFFFEC800  }
0x2a: {  	[tilespmem:s21], [sflag:$0x1] =	stream.linear.gather [hbm4b:s7+s3], $0x80, $0x38;
	[tilespmem:$0x1DD80] =	vst v63  }
0x2b: {  	_ =	swait.ge [sflag:s18], $0x80  }
0x2c: {  	[sflag:s18] =	ssyncset.done $0x0  }
0x2d: {  	s8 =	rddreg [dreg:$0x5];
	[sflag:s18] =	ssyncadd.s32 $0xFFFFFF80  }
0x2e: {  	[tilespmem:s22], [sflag:$0x1] =	stream.linear.gather [hbm4b:s8+s3], $0x80, $0x38;
	[tilespmem:$0x1DD80] =	vst v63  }
0x2f: {  	_ =	swait.ge [sflag:s18], $0x80  }
0x30: {  	[sflag:s18] =	ssyncset.done $0x0  }
0x31: {  	[sflag:s18] =	ssyncadd.s32 $0xFFFFFF80  }
0x32: {  	v6 =	vld.idx.msk [tilespmem:v1+s21+$0x0], $0xffff  }
0x33: {  	v7 =	vld.idx.msk [tilespmem:v1+s22+$0x0], $0xffff;
	[tilespmem:$0x1D800] =	vst v2  }
0x34: {  	[tilespmem:$0x1D880] =	vst v3  }
0x35: {  	[tilespmem:$0x1D810] =	vst v2  }
0x36: {  	[tilespmem:$0x1D890] =	vst v3  }
0x37: {  	[tilespmem:$0x1D820] =	vst v2  }
0x38: {  	[tilespmem:$0x1D8A0] =	vst v3  }
0x39: {  	[tilespmem:$0x1D830] =	vst v2  }
0x3a: {  	[tilespmem:$0x1D8B0] =	vst v3  }
0x3b: {  	[tilespmem:$0x1D840] =	vst v2  }
0x3c: {  	[tilespmem:$0x1D8C0] =	vst v3  }
0x3d: {  	[tilespmem:$0x1D850] =	vst v2  }
0x3e: {  	[tilespmem:$0x1D8D0] =	vst v3  }
0x3f: {  	[tilespmem:$0x1D860] =	vst v2  }
0x40: {  	[tilespmem:$0x1D8E0] =	vst v3  }
0x41: {  	[tilespmem:$0x1D870] =	vst v2  }
0x42: {  	[tilespmem:$0x1D8F0] =	vst v3  }
0x43: {  	v8 =	vld [tilespmem:s3+$0x0];
	_ =	sdelay $0x3  }
0x44: {  	v9 =	vor.u32 s3, v0  }
0x45: {  	vm1 =	vle.s32 v9, v7;
	vm0 =	veq.f32 v8, v6  }
0x46: {  	vm2 =	vgt.f32 v8, v6;
	vm0 =	vmand vm1, vm0  }
0x47: {  	vm0 =	vmor vm2, vm0  }
0x48: {  	v10 =	vsel vm0, $0x1, v4  }
0x49: {  	(xrf0) =	vadd.scan.msk.s32 $0xffff, v10;
	_ =	sdelay $0x5  }
0x4a: {  	[tilespmem:s3+$0x1D880] =	vst.msk vm0, v9;
	v9, _, _ =	vpop (xrf0)  }
0x4b: {  	(v2sf) =	vpush v9, $0xF  }
0x4c: {  	s5 =	simm.s32 $0x10;
	[tilespmem:s3+$0x1D800] =	vst.msk vm0, v8  }
0x4d: {  	s4 =	simm.s32 $0x0;
	s6 =	simm.s32 $0x20;
	s7 =	simm.s32 $0x10;
	v8 =	vld [tilespmem:s5+$0x0]  }
.LBB2_3:
0x4e: {  	p0 =	sne.s32 s6, $0x4FF0;
	_ =	sdelay $0x2  }
0x4f: {  	v9 =	vor.u32 s5, v0;
	s5 =	smov.u32 s6  }
0x50: {  	vm1 =	vle.s32 v9, v7;
	vm0 =	veq.f32 v8, v6  }
0x51: {  	vm2 =	vgt.f32 v8, v6;
	vm0 =	vmand vm1, vm0  }
0x52: {  	vm0 =	vmor vm2, vm0  }
0x53: {  	v10 =	vsel vm0, $0x1, v4  }
0x54: {  	(xrf0) =	vadd.scan.msk.s32 $0xffff, v10;
	_ =	sdelay $0x3  }
0x55: {  	s8 =	spop (v2sf)  }
.Ltmp1:
0x56: {  	s4 =	sadd.s32 s4, s8;
	(pc) =	sbr.rel @p0 .LBB2_3-.Ltmp1, $4  }
0x57: {  	[tilespmem:s4+$0x1D880] =	vst.msk vm0, v9;
	v9, _, _ =	vpop (xrf0)  }
0x58: {  	[tilespmem:s4+$0x1D800] =	vst.msk vm0, v8;
	(v2sf) =	vpush v9, $0xF  }
0x59: {  	s7 =	sadd.s32 $0x10, s7  }
0x5a: {  	s6 =	sadd.s32 $0x10, s6;
	v8 =	vld [tilespmem:s7+$0x0]  }
0x5b: {  	_ =	sdelay $0x2  }
0x5c: {  	v9 =	vor.u32 s5, v0  }
0x5d: {  	vm1 =	vle.s32 v9, v7;
	vm0 =	veq.f32 v8, v6  }
0x5e: {  	vm2 =	vgt.f32 v8, v6;
	vm0 =	vmand vm1, vm0  }
0x5f: {  	vm0 =	vmor vm2, vm0  }
0x60: {  	v6 =	vsel vm0, $0x1, v4  }
0x61: {  	(xrf0) =	vadd.scan.msk.s32 $0xffff, v6;
	_ =	sdelay $0x5  }
0x62: {  	v6, _, _ =	vpop (xrf0)  }
0x63: {  	(v2sf) =	vpush v6, $0xF;
	_ =	sdelay $0xb  }
0x64: {  	s7 =	spop (v2sf)  }
0x65: {  	s4 =	sadd.s32 s4, s7  }
0x66: {  	[tilespmem:s4+$0x1D880] =	vst.msk vm0, v9  }
0x67: {  	[tilespmem:s4+$0x1D800] =	vst.msk vm0, v8;
	s8 =	spop (v2sf)  }
.LBB2_5:
0x68: {  	s4 =	sshll.u32 s3, $0x4  }
0x69: {  	v7 =	vld [tilespmem:s4+$0x1D800]  }
0x6a: {  	v8 =	vld [tilespmem:s4+$0x1D880];
	_ =	sdelay $0x1  }
0x6b: {  	s5 =	simm.s32 $0x0;
	v6 =	vimm.s32 $0x0;
	s6 =	simm.s32 $0x0  }
.LBB2_6:
0x6c: {  	s7 =	sshll.u32 s6, $0x4  }
0x6d: {  	v9 =	vmov s7  }
0x6e: {  	v10 =	vadd.s32 s5, v0;
	v9 =	vbroadcast v9, $0x0  }
0x6f: {  	v10 =	vand.u32 $0xF, v10  }
0x70: {  	v10 =	vor.u32 v9, v10;
	_ =	sdelay $0x4  }
0x71: {  	s8 =	simm.s32 $0x1;
	v11 =	vld.idx.msk [tilespmem:v10+s23+$0x0], $0xffff  }
0x72: {  	v12 =	vadd.s32 s8, v0;
	v10 =	vld.idx.msk [tilespmem:v10+s24+$0x0], $0xffff  }
0x73: {  	v12 =	vand.u32 $0xF, v12  }
0x74: {  	v12 =	vor.u32 v9, v12;
	_ =	sdelay $0x1  }
0x75: {  	s8 =	simm.s32 $0x2  }
0x76: {  	vm1 =	vlt.s32 v10, v8;
	v10 =	vadd.s32 s8, v0  }
0x77: {  	vm0 =	veq.f32 v11, v7;
	vm2 =	vgt.f32 v11, v7;
	v11 =	vand.u32 $0xF, v10  }
0x78: {  	v10 =	vld.idx.msk [tilespmem:v12+s23+$0x0], $0xffff;
	v11 =	vor.u32 v9, v11  }
0x79: {  	vm0 =	vmand vm0, vm1;
	v12 =	vld.idx.msk [tilespmem:v12+s24+$0x0], $0xffff  }
0x7a: {  	vm0 =	vmor vm2, vm0  }
0x7b: {  	s7 =	simm.s32 $0x3;
	v13 =	vsel vm0, $0x1, v4  }
.LBB2_7:
0x7c: {  	v15 =	vadd.s32 s7, v0;
	v6 =	vadd.s32 v13, v6;
	p0 =	sne.s32 s7, $0xF  }
.Ltmp2:
0x7d: {  	s7 =	sadd.s32 $0x1, s7;
	v14 =	vmov v10;
	v13 =	vand.u32 $0xF, v15;
	v10 =	vld.idx.msk [tilespmem:v11+s23+$0x0], $0xffff;
	(pc) =	sbr.rel @p0 .LBB2_7-.Ltmp2, $4  }
0x7e: {  	vm0 =	veq.f32 v14, v7;
	vm1 =	vlt.s32 v12, v8;
	v12 =	vld.idx.msk [tilespmem:v11+s24+$0x0], $0xffff;
	v11 =	vor.u32 v9, v13  }
0x7f: {  	vm2 =	vgt.f32 v14, v7;
	vm0 =	vmand vm0, vm1  }
0x80: {  	vm0 =	vmor vm2, vm0  }
0x81: {  	v13 =	vsel vm0, $0x1, v4  }
0x82: {  	_ =	sdelay $0x3  }
0x83: {  	v9 =	vld.idx.msk [tilespmem:v11+s23+$0x0], $0xffff  }
0x84: {  	v11 =	vld.idx.msk [tilespmem:v11+s24+$0x0], $0xffff;
	_ =	sdelay $0x2  }
0x85: {  	s6 =	sadd.s32 $0x1, s6  }
0x86: {  	vm1 =	veq.f32 v10, v7;
	vm2 =	vgt.f32 v10, v7;
	vm0 =	vlt.s32 v12, v8;
	p0 =	sne.s32 s6, $0x7  }
.Ltmp3:
0x87: {  	vm0 =	vmand vm1, vm0;
	vm13 =	veq.f32 v9, v7;
	vm3 =	vlt.s32 v11, v8;
	(pc) =	sbr.rel @p0 .LBB2_6-.Ltmp3, $4  }
0x88: {  	vm0 =	vmor vm2, vm0;
	vm14 =	vgt.f32 v9, v7;
	vm1 =	vmand vm13, vm3  }
0x89: {  	v6 =	vadd.s32 v13, v6;
	v9 =	vsel vm0, $0x1, v4;
	vm15 =	vmor vm14, vm1  }
0x8a: {  	v6 =	vadd.s32 v9, v6;
	v9 =	vsel vm15, $0x1, v4  }
0x8b: {  	v6 =	vadd.s32 v9, v6  }
0x8c: {  	vm0 =	vlt.s32 v8, $0x4FFF  }
0x8d: {  	v9 =	vnsel vm0, $0x4FFF, v8;
	_ =	sdelay $0x4  }
0x8e: {  	v9 =	vld.idx.msk [tilespmem:v9+s19+$0x0], $0xffff;
	_ =	sdelay $0x2  }
0x8f: {  	v10 =	vmov s4  }
0x90: {  	vm14 =	vlt.u32 v10, v5  }
0x91: {  	v57 =	vand.u32 $0xFF, v8;
	vm1 =	vgt.s32 v9, $0x0  }
0x92: {  	v11 =	vshra.s32 v8, $0x1F;
	vm15 =	vlt.s32 v8, $0x1;
	v58 =	vnsel vm1, $0x0, v9  }
0x93: {  	vm2 =	vne.s32 v57, $0x0;
	v11 =	vshrl.u32 v11, $0x18;
	v10 =	vmin.u32 v58, $0x4DFF  }
0x94: {  	v59 =	vadd.s32 v11, v8;
	vm1 =	vmand vm15, vm2;
	v10 =	vshll.u32 v10, $0x2  }
0x95: {  	v8 =	vshra.s32 v59, $0x8;
	v60 =	vsel vm1, $0xFFFFFFFF, v4  }
0x96: {  	[tilespmem:v6+s25+$0x0] =	vst.idx.msk vm14, v7;
	v8 =	vadd.s32 v60, v8  }
0x97: {  	[tilespmem:v6+s26+$0x0] =	vst.idx.msk vm14, v8  }
0x98: {  	[tilespmem:v6+s28+$0x0] =	vst.idx.msk vm14, v9  }
0x99: {  	v7 =	vld.idx.msk [tilespmem:v10+s20+$0x0], $0xffff  }
0x9a: {  	v61 =	vor.u32 $0x1, v10;
	_ =	sdelay $0x3  }
0x9b: {  	[tilespmem:v6+s29+$0x0] =	vst.idx.msk vm14, v7  }
0x9c: {  	v7 =	vld.idx.msk [tilespmem:v61+s20+$0x0], $0xffff  }
0x9d: {  	v62 =	vor.u32 $0x2, v10;
	_ =	sdelay $0x3  }
0x9e: {  	[tilespmem:v6+s30+$0x0] =	vst.idx.msk vm14, v7  }
0x9f: {  	v7 =	vld.idx.msk [tilespmem:v62+s20+$0x0], $0xffff  }
0xa0: {  	v63 =	vor.u32 $0x3, v10;
	_ =	sdelay $0x3  }
0xa1: {  	s3 =	sadd.s32 $0x1, s3;
	[tilespmem:v6+s31+$0x0] =	vst.idx.msk vm14, v7  }
0xa2: {  	p0 =	sne.s32 s3, $0x7;
	v7 =	vld.idx.msk [tilespmem:v63+s20+$0x0], $0xffff  }
.Ltmp4:
0xa3: {  	_ = 	snop;
	(pc) =	sbr.rel @p0 .LBB2_5-.Ltmp4, $2  }
0xa4: {  	_ =	sdelay $0x2  }
0xa5: {  	[tilespmem:v6+s0+$0x0] =	vst.idx.msk vm14, v7  }
0xa6: {  	s3 =	rddreg [dreg:$0x8]  }
0xa7: {  	[hbm4b:s3+s2] =	stream.linear.scatter [tilespmem:s25], [sflag:$0x1], $0x80, $0x38;
	[tilespmem:$0x1DD80] =	vst v63  }
0xa8: {  	_ =	swait.ge [sflag:s18], $0x80  }
0xa9: {  	[sflag:s18] =	ssyncset.done $0x0  }
0xaa: {  	s8 =	rddreg [dreg:$0x9];
	[sflag:s18] =	ssyncadd.s32 $0xFFFFFF80  }
0xab: {  	[hbm4b:s8+s2] =	stream.linear.scatter [tilespmem:s26], [sflag:$0x1], $0x80, $0x38;
	[tilespmem:$0x1DD80] =	vst v63  }
0xac: {  	_ =	swait.ge [sflag:s18], $0x80  }
0xad: {  	[sflag:s18] =	ssyncset.done $0x0  }
0xae: {  	[sflag:s18] =	ssyncadd.s32 $0xFFFFFF80  }
0xaf: {  	[hbm4b:s9+s2] =	stream.linear.scatter [tilespmem:s28], [sflag:$0x1], $0x80, $0x38;
	[tilespmem:$0x1DD80] =	vst v63  }
0xb0: {  	_ =	swait.ge [sflag:s18], $0x80  }
0xb1: {  	[sflag:s18] =	ssyncset.done $0x0  }
0xb2: {  	[sflag:s18] =	ssyncadd.s32 $0xFFFFFF80  }
0xb3: {  	[hbm4b:s10+s2] =	stream.linear.scatter [tilespmem:s29], [sflag:$0x1], $0x80, $0x38;
	[tilespmem:$0x1DD80] =	vst v63  }
0xb4: {  	_ =	swait.ge [sflag:s18], $0x80  }
0xb5: {  	[sflag:s18] =	ssyncset.done $0x0  }
0xb6: {  	[sflag:s18] =	ssyncadd.s32 $0xFFFFFF80  }
0xb7: {  	[hbm4b:s11+s2] =	stream.linear.scatter [tilespmem:s30], [sflag:$0x1], $0x80, $0x38;
	[tilespmem:$0x1DD80] =	vst v63  }
0xb8: {  	_ =	swait.ge [sflag:s18], $0x80  }
0xb9: {  	[sflag:s18] =	ssyncset.done $0x0  }
0xba: {  	[sflag:s18] =	ssyncadd.s32 $0xFFFFFF80  }
0xbb: {  	[hbm4b:s12+s2] =	stream.linear.scatter [tilespmem:s31], [sflag:$0x1], $0x80, $0x38;
	[tilespmem:$0x1DD80] =	vst v63  }
0xbc: {  	s1 =	sadd.s32 $0x1, s1;
	_ =	swait.ge [sflag:s18], $0x80  }
0xbd: {  	p0 =	sne.s32 s1, s15;
	[sflag:s18] =	ssyncset.done $0x0  }
.Ltmp5:
0xbe: {  	[sflag:s18] =	ssyncadd.s32 $0xFFFFFF80;
	(pc) =	sbr.rel @p0 .LBB2_2-.Ltmp5, $4  }
0xbf: {  	[hbm4b:s13+s2] =	stream.linear.scatter [tilespmem:s0], [sflag:$0x1], $0x80, $0x38;
	[tilespmem:$0x1DD80] =	vst v63  }
0xc0: {  	_ =	swait.ge [sflag:s18], $0x80  }
0xc1: {  	[sflag:s18] =	ssyncset.done $0x0  }
0xc2: {  	[sflag:s18] =	ssyncadd.s32 $0xFFFFFF80  }
.LBB2_11:
0xc3: {  	_ =	sfence.sel $0x180000  }
0xc4: {  	[bflag:$0x0] =	sbarrier.arrive $0xFFFF  }
0xc5: {  	_ =	strace $0x9000004A  }
0xc6: {  	s0 =	stileid.u32;
	[bflag:$0x2] =	sbarrier.arrive $0xFFFF  }
0xc7: {  	p0 =	sne.s32 s0, $0x0;
	s0 =	rddreg [dreg:$0x3]  }
0xc8: {  	s0 =	sadd.s32 @!p0 $0x100000, s0  }
0xc9: {  	[sflag:s0] =	ssyncadd.tile.s32 @!p0 $0x1;
	_ =	shalt  }
.Lfunc_end2:
_tile_overlayer_lowered:
.L_overlay_start_2:
0xca: {  	(tag) =	ssettag $0x2  }
0xcb: {  	s0 =	rddreg [dreg:$0x0];
	s2 =	stileid.u32  }
0xcc: {  	s1 =	rddreg [dreg:$0x1];
	p0 =	sne.s32 s2, $0x0  }
0xcd: {  	s3 =	rddreg [dreg:$0x2];
	[bflag:$0x3] =	sbarrier.arrive $0xFFFF;
	s2 =	simm.s32 @!p0 $0x1C01  }
0xce: {  	[timem:s3], [sflag:s2] =	dma.local @!p0 [hbm:s0], s1  }
0xcf: {  	s0 =	simm.s32 @!p0 $0x1  }
0xd0: {  	_ =	swait.ge @!p0 [sflag:s0], s1  }
0xd1: {  	s1 =	ssub.s32 @!p0 $0x0, s1;
	[sflag:s0] =	ssyncset.done @!p0 $0x0  }
0xd2: {  	[sflag:s0] =	ssyncadd.s32 @!p0 s1  }
0xd3: {  	[bflag:$0x3] =	sbarrier.arrive $0xFFFF  }
0xd4: {  	_ =	shalt  }

// kernel: kernel.8.cloned.1.call-start
scs
__scs_entry_jumppad:
0x0: {  	(pc) =	sbr.rel $0x88, $3  }
0x1: {  	(tag) =	ssettag $0x0;
	lr =	simm.s32 $0x1  }
0x2: {  	[smem:$0x3F9C] =	sst lr;
	_ =	strace $0xD0000000  }
0x3: {  	_ = 	snop  }
0x4: {  	_ = 	snop  }
0x5: {  	_ = 	snop  }
0x6: {  	_ = 	snop  }
0x7: {  	_ = 	snop  }
__scs_overlays_trampoline_lowered:
0x8: {  	[smem:$0x3FAB] =	sst s0  }
0x9: {  	[smem:$0x3FAC] =	sst s1  }
0xa: {  	[smem:$0x3FAD] =	sst s2  }
0xb: {  	[smem:$0x3FAE] =	sst s3  }
0xc: {  	[smem:$0x3FAF] =	sst s4  }
0xd: {  	[smem:$0x3FB0] =	sst s5  }
0xe: {  	[smem:$0x3FB1] =	sst s6  }
0xf: {  	[smem:$0x3FB2] =	sst s7  }
0x10: {  	[smem:$0x3FB3] =	sst s8  }
0x11: {  	[smem:$0x3FB4] =	sst s9;
	s0 =	simm.s32 @!p0 $0x0  }
0x12: {  	s1 =	sld [smem:$0x3F9A];
	s0 =	simm.s32 @p0 $0x1  }
0x13: {  	[smem:$0x3FB5] =	sst s0;
	s0 =	simm.s32 @!p1 $0x0  }
0x14: {  	s2 =	sld [smem:$0x3F99];
	s0 =	simm.s32 @p1 $0x1  }
0x15: {  	[smem:$0x3FB6] =	sst s0;
	s0 =	simm.s32 @!p2 $0x0  }
0x16: {  	s3 =	sld [smem:$0x3FDB];
	s0 =	simm.s32 @p2 $0x1  }
0x17: {  	s4 =	simm.s32 $0x1BF5;
	[smem:$0x3FB8] =	sst s0  }
0x18: {  	s0 =	sld [smem:$0x3F9B];
	_ =	swait.ge [sflag:s4], $0x0  }
0x19: {  	s7 =	sld [smem:$0x3F9C]  }
0x1a: {  	s8 =	sadd.s32 $0xFFFFE003, lr  }
0x1b: {  	s9 =	sadd.s32 $0xFFFFFEF7, lr;
	s5 =	simm.s32 $0xFFFFFFFF;
	p2 =	slt.u32 s8, $0xFFFFF086  }
0x1c: {  	p1 =	slt.u32 s9, $0xF7A;
	s5 =	simm.s32 @!p2 $0x0  }
0x1d: {  	s5 =	simm.s32 @p1 $0x1;
	p0 =	seq.s32 s7, s2  }
0x1e: {  	s7 =	smul.u32 @!p0 $0xF7A, s2;
	p2 =	seq.s32 @!p0 s5, $0x0  }
0x1f: {  	s9 =	smul.u32 $0xF7A, s1;
	s8 =	simm.s32 @!p0 $0x1BF5;
	p2 =	por !p2, p0  }
0x20: {  	[sflag:s8] =	ssyncset.s32 @!p0 $0xFFFFF086;
	s6 =	sadd.s32 @!p0 s3, s7;
	s7 =	simm.s32 @!p0 $0x108  }
0x21: {  	s3 =	sadd.s32 s3, s9;
	s6 =	sadd.s32 @!p0 $0x88, s6;
	s7 =	simm.s32 @p2 $0x1082  }
0x22: {  	[simem:s7], [sflag:s8] =	dma.local @!p0 [hbm:s6], $0xF7A  }
0x23: {  	s9 =	sor.u32 $0xD0000000, s2;
	s6 =	simm.s32 $0x108;
	_ =	swait.ge @!p0 [sflag:s8], $0x0  }
0x24: {  	s3 =	sadd.s32 $0x88, s3;
	s6 =	simm.s32 @!p1 $0x1082;
	[sflag:s4] =	ssyncset.s32 $0xFFFFF086  }
0x25: {  	[simem:s6], [sflag:s4] =	dma.local [hbm:s3], $0xF7A  }
0x26: {  	[smem:$0x3F9C] =	sst s1;
	(tag) =	ssettag s2;
	_ =	strace s9  }
0x27: {  	s1 =	sld [smem:$0x3FAC]  }
0x28: {  	s2 =	sld [smem:$0x3FAD]  }
0x29: {  	s4 =	sld [smem:$0x3FAF]  }
0x2a: {  	p0 =	seq.s32 s5, $0x0;
	s5 =	sld [smem:$0x3FB0]  }
0x2b: {  	s6 =	sld [smem:$0x3FB1]  }
0x2c: {  	s7 =	sld [smem:$0x3FB2]  }
0x2d: {  	s3 =	simm.s32 $0x108;
	s8 =	sld [smem:$0x3FB3]  }
0x2e: {  	s3 =	simm.s32 @!p0 $0x1082;
	s9 =	sld [smem:$0x3FB4]  }
0x2f: {  	lr =	sadd.s32 s0, s3;
	s0 =	sld [smem:$0x3FAB]  }
0x30: {  	s3 =	sld [smem:$0x3FAE]  }
0x31: {  	[smem:$0x3FB7] =	sst s10  }
0x32: {  	s10 =	sld [smem:$0x3FB5];
	_ =	sdelay $0x3  }
0x33: {  	p0 =	seq.s32 s10, $0x1;
	s10 =	sld [smem:$0x3FB7];
	_ =	sdelay $0x3  }
0x34: {  	[smem:$0x3FB7] =	sst s10  }
0x35: {  	s10 =	sld [smem:$0x3FB6];
	_ =	sdelay $0x3  }
0x36: {  	p1 =	seq.s32 s10, $0x1;
	s10 =	sld [smem:$0x3FB7];
	_ =	sdelay $0x3  }
0x37: {  	[smem:$0x3FB7] =	sst s10  }
0x38: {  	s10 =	sld [smem:$0x3FB8]  }
0x39: {  	_ = 	snop;
	(pc) =	sbr.ind lr, $3  }
0x3a: {  	_ = 	snop  }
0x3b: {  	_ = 	snop  }
0x3c: {  	p2 =	seq.s32 s10, $0x1;
	s10 =	sld [smem:$0x3FB7]  }
0x3d: {  	_ =	shalt  }
0x3e: {  	_ =	shalt  }
0x3f: {  	_ =	shalt  }
0x40: {  	_ =	shalt  }
0x41: {  	_ =	shalt  }
0x42: {  	_ =	shalt  }
0x43: {  	_ =	shalt  }
0x44: {  	_ =	shalt  }
0x45: {  	_ =	shalt  }
0x46: {  	_ =	shalt  }
0x47: {  	_ =	shalt  }
0x48: {  	_ =	shalt  }
0x49: {  	_ =	shalt  }
0x4a: {  	_ =	shalt  }
0x4b: {  	_ =	shalt  }
0x4c: {  	_ =	shalt  }
0x4d: {  	_ =	shalt  }
0x4e: {  	_ =	shalt  }
0x4f: {  	_ =	shalt  }
0x50: {  	_ =	shalt  }
0x51: {  	_ =	shalt  }
0x52: {  	_ =	shalt  }
0x53: {  	_ =	shalt  }
0x54: {  	_ =	shalt  }
0x55: {  	_ =	shalt  }
0x56: {  	_ =	shalt  }
0x57: {  	_ =	shalt  }
0x58: {  	_ =	shalt  }
0x59: {  	_ =	shalt  }
0x5a: {  	_ =	shalt  }
0x5b: {  	_ =	shalt  }
0x5c: {  	_ =	shalt  }
0x5d: {  	_ =	shalt  }
0x5e: {  	_ =	shalt  }
0x5f: {  	_ =	shalt  }
0x60: {  	_ =	shalt  }
0x61: {  	_ =	shalt  }
0x62: {  	_ =	shalt  }
0x63: {  	_ =	shalt  }
0x64: {  	_ =	shalt  }
0x65: {  	_ =	shalt  }
0x66: {  	_ =	shalt  }
0x67: {  	_ =	shalt  }
0x68: {  	_ =	shalt  }
0x69: {  	_ =	shalt  }
0x6a: {  	_ =	shalt  }
0x6b: {  	_ =	shalt  }
0x6c: {  	_ =	shalt  }
0x6d: {  	_ =	shalt  }
0x6e: {  	_ =	shalt  }
0x6f: {  	_ =	shalt  }
0x70: {  	_ =	shalt  }
0x71: {  	_ =	shalt  }
0x72: {  	_ =	shalt  }
0x73: {  	_ =	shalt  }
0x74: {  	_ =	shalt  }
0x75: {  	_ =	shalt  }
0x76: {  	_ =	shalt  }
0x77: {  	_ =	shalt  }
0x78: {  	_ =	shalt  }
0x79: {  	_ =	shalt  }
0x7a: {  	_ =	shalt  }
0x7b: {  	_ =	shalt  }
0x7c: {  	_ =	shalt  }
0x7d: {  	_ =	shalt  }
0x7e: {  	_ =	shalt  }
0x7f: {  	_ =	shalt  }
0x80: {  	_ =	shalt  }
0x81: {  	_ =	shalt  }
0x82: {  	_ =	shalt  }
0x83: {  	_ =	shalt  }
0x84: {  	_ =	shalt  }
0x85: {  	_ =	shalt  }
0x86: {  	_ =	shalt  }
0x87: {  	_ =	shalt  }
.Lfunc_end0:
.L_simem_size_0:
called_computation.1_lowered:
.L_overlay_start_0:
0x88: {  	s2 =	sld [smem:$0x3FD9]  }
0x89: {  	s3 =	sld [smem:$0x3FFE];
	_ =	sdelay $0x1  }
0x8a: {  	s1 =	srdreg.scid  }
0x8b: {  	s0 =	sand.u32 $0x1, s1  }
0x8c: {  	s14 =	sshll.u32 s0, $0xA;
	s2 =	sadd.s32 s3, s2  }
0x8d: {  	s2 =	sadd.s32 s2, s14  }
0x8e: {  	[smem:$0x3FC3] =	sst s2  }
0x8f: {  	_ = 	snop  }
0x90: {  	s2 =	sld [smem:$0x3FD0];
	_ =	sdelay $0x2  }
0x91: {  	s15 =	simm.s32 $0xA;
	s4 =	simm.s32 $0x10  }
0x92: {  	[smem:s4], [sflag:s15] =	dma.local [hbm:s2], $0x1  }
0x93: {  	_ =	swait.eq [sflag:s15], $0x1  }
0x94: {  	s16 =	sld [smem:$0x10];
	[sflag:s15] =	ssyncset.done $0x0  }
0x95: {  	s17 =	sld [smem:$0x11];
	[sflag:s15] =	ssyncadd.s32 $0xFFFFFFFF  }
0x96: {  	s18 =	sld [smem:$0x12];
	(tm) =	ssettm $0x1  }
0x97: {  	s5 =	sld [smem:$0x3FFB];
	_ =	sdelay $0x3  }
0x98: {  	_ =	strace s5  }
0x99: {  	s5 =	sld [smem:$0x3FFC];
	_ =	sdelay $0x3  }
0x9a: {  	_ =	strace s5  }
0x9b: {  	s5 =	sld [smem:$0x3FFD];
	_ =	sdelay $0x3  }
0x9c: {  	_ =	strace s5  }
0x9d: {  	_ =	strace $0x8FFFFFFF  }
0x9e: {  	s19 =	sld [smem:$0x3FDB];
	_ =	sdelay $0x1  }
0x9f: {  	s6 =	simm.s32 $_scs_section_size  }
0xa0: {  	s7 =	simm.s32 $_size__tile_overlayer_lowered;
	s8 =	simm.s32 $_tile_overlayer_lowered  }
0xa1: {  	s22 =	simm.s32 $0x1BFF;
	s21 =	sshll.u32 s8, $0x1;
	s5 =	sadd.s32 s6, s19  }
0xa2: {  	s9 =	simm.s32 $0x0;
	s20 =	sshll.u32 s7, $0x1;
	s7 =	sadd.s32 s21, s5  }
0xa3: {  	[timem:s9], [sflag:s22] =	dma.local [hbm:s7], s20  }
0xa4: {  	_ =	swait.ge [sflag:s22], s20  }
0xa5: {  	s6 =	ssub.s32 $0x0, s20;
	[sflag:s22] =	ssyncset.done $0x0  }
0xa6: {  	[sflag:s22] =	ssyncadd.s32 s6;
	_ =	sdelay $0x1  }
0xa7: {  	s23 =	simm.s32 $0x1B8B  }
0xa8: {  	_ =	swait.ge [sflag:s23], $0x1  }
0xa9: {  	[sflag:s23] =	ssyncset.done $0x0  }
0xaa: {  	s25 =	simm.s32 $0x1B8E;
	s24 =	sld [smem:$0x3FFE];
	[sflag:s23] =	ssyncadd.s32 $0xFFFFFFFF  }
0xab: {  	s26 =	simm.s32 $execute0_lowered;
	[smem:$0x3FD2] =	sst s25  }
0xac: {  	s7 =	sshll.u32 s26, $0x1;
	_ =	strace $0x80000046;
	[dreg:$0x1] =	wrdreg $0xFFFFFFFF  }
0xad: {  	s28 =	simm.s32 $_size_execute0_lowered;
	s5 =	sadd.s32 s5, s7;
	[dreg:$0x0] =	wrdreg $0x0  }
0xae: {  	s7 =	sshll.u32 s28, $0x1;
	[dreg:$0x2] =	wrdreg s5  }
0xaf: {  	[dreg:$0x3] =	wrdreg s7  }
0xb0: {  	[dreg:$0x4] =	wrdreg $0xC0  }
0xb1: {  	_ =	task [dreg:s9], $0x5FFFF  }
0xb2: {  	[dreg:$0x1] =	wrdreg $0xFFFFFFFF  }
0xb3: {  	[dreg:$0x0] =	wrdreg $0x60  }
0xb4: {  	[dreg:$0x2] =	wrdreg s16  }
0xb5: {  	[dreg:$0x3] =	wrdreg s17  }
0xb6: {  	[dreg:$0x4] =	wrdreg s18  }
0xb7: {  	[dreg:$0x5] =	wrdreg s24  }
0xb8: {  	[dreg:$0x6] =	wrdreg $0x9  }
0xb9: {  	_ =	task.clear_ibuf [dreg:s9], $0x7FFFF;
	_ =	strace $0x90000046  }
0xba: {  	s29 =	simm.s32 $0x9;
	_ =	strace $0x80000048  }
0xbb: {  	_ =	swait.ge [sflag:s29], $0x1  }
0xbc: {  	[sflag:s29] =	ssyncadd.s32 $0xFFFFFFFF  }
0xbd: {  	_ =	strace $0x90000048  }
0xbe: {  	_ =	sfence  }
0xbf: {  	s30 =	sld [smem:$0x0];
	_ =	sdelay $0x2  }
0xc0: {  	s31 =	sshll.u32 s1, $0xD;
	s1 =	sshrl.u32 s1, $0x2  }
0xc1: {  	s3 =	sand.u32 $0x4000, s31;
	s1 =	sadd.s32 s1, s30  }
0xc2: {  	s0 =	sor.u32 s3, s0;
	s1 =	sshll.u32 s1, $0x11  }
0xc3: {  	s0 =	sor.u32 s1, s0  }
0xc4: {  	s0 =	sadd.s32 $0x8F2B, s0  }
0xc5: {  	[sflag:s0] =	ssyncadd.remote.s32 $0x1  }
0xc6: {  	_ =	sfence.sel $0xFFFF  }
0xc7: {  	[dreg:$0x0] =	wrdreg $0xFFFFFFFF;
	(pc) =	sbr.abs _section_cstart, $3  }
0xc8: {  	[dreg:$0x1] =	wrdreg $0xFFFFFFFF  }
0xc9: {  	_ =	task.clear_ibuf [dreg:s9], $0x2FFFF;
	_ =	strace $0x9FFFFFFF  }
0xca: {  	(tm) =	ssettm $0x7FFFFFFF  }
0xcb: {  	_ =	shalt  }
tec
execute0_lowered:
.L_overlay_start_1:
0x0: {  	(tag) =	ssettag $0x1  }
0x1: {  	s0 =	srdreg.scid  }
0x2: {  	s2 =	stileid.u32;
	s4 =	rddreg [dreg:$0x3]  }
0x3: {  	s5 =	simm.s32 $0x0;
	s6 =	simm.s32 $0x1;
	s11 =	simm.s32 $0x28  }
0x4: {  	s20 =	simm.s32 $0x18C00;
	s21 =	simm.s32 $0x19180;
	s22 =	simm.s32 $0x80  }
0x5: {  	s23 =	simm.s32 $0x400;
	s24 =	simm.s32 $0x4E00;
	s0 =	sand.u32 $0x1, s0  }
0x6: {  	s28 =	simm.s32 $0x200;
	s29 =	simm.s32 $0x18800;
	s1 =	sor.u32 s0, s2  }
0x7: {  	s30 =	simm.s32 $0x18900;
	p0 =	seq.s32 s0, $0x1;
	p1 =	seq.s32 s1, $0x0  }
0x8: {  	s31 =	simm.s32 $0x18A00;
	[smem:$0x7FF] =	sst s5;
	p1 =	por !p1, !p0  }
0x9: {  	s7 =	sadd.s32 $0x32E00, s4;
	s1 =	simm.s32 $0x1;
	p1 =	por !p1, !p1  }
0xa: {  	s8 =	sadd.s32 $0x28E00, s4;
	s9 =	sadd.s32 $0xE00, s4;
	s1 =	simm.s32 @!p1 $0x0  }
0xb: {  	s16 =	sadd.s32 $0xE10, s4;
	s17 =	sadd.s32 $0xE20, s4;
	s1 =	ssub.s32 s2, s1  }
0xc: {  	s18 =	sadd.s32 $0xE30, s4;
	_ =	strace $0x80000047;
	s2 =	sshrl.u32 s1, $0x3  }
0xd: {  	s0 =	ssub.s32 $0x2, s0;
	s3 =	sshll.u32 s1, $0x7;
	s2 =	smul.u32 $0x9C000, s2  }
0xe: {  	s26 =	sshrl.u32 s0, $0x1;
	s11 =	simm.s32 @!p0 $0x0;
	s3 =	sand.u32 $0x380, s3  }
0xf: {  	s0 =	ssub.s32 s0, s26;
	s10 =	smul.u32 $0x1AD000, s1;
	s2 =	sor.u32 s3, s2  }
0x10: {  	s26 =	simm.s32 $0x18700;
	s12 =	smul.u32 $0x51, s1;
	s2 =	sshrl.u32 s2, $0x3  }
0x11: {  	s0 =	smax.u32 s0, $0x1;
	s14 =	smul.u32 $0x5000, s1;
	s2 =	sadd.s32 s2, s4  }
0x12: {  	[dreg:$0x6] =	wrdreg s0;
	s15 =	smul.u32 $0x14000, s1;
	s2 =	sadd.s32 $0x138E00, s2  }
0x13: {  	v0 =	vlaneseq.u32;
	v1 =	vimm.s32 $0x0;
	s1 =	simm.s32 $0x0;
	s3 =	simm.s32 $0x18B00;
	[dreg:$0x5] =	wrdreg s2  }
.LBB2_1:
0x14: {  	[dreg:$0x7] =	wrdreg s1  }
0x15: {  	s0 =	rddreg [dreg:$0x1];
	s13 =	simm.s32 $0x0  }
0x16: {  	[tilespmem:s20], [sflag:$0x1] =	stream.linear.gather [hbm4b:s0+s13], $0x580, $0x38;
	[tilespmem:$0x19700] =	vst v63  }
0x17: {  	_ =	swait.ge [sflag:s6], $0x580  }
0x18: {  	[sflag:s6] =	ssyncset.done $0x0  }
0x19: {  	[sflag:s6] =	ssyncadd.s32 $0xFFFFFA80  }
0x1a: {  	s19 =	rddreg [dreg:$0x2]  }
0x1b: {  	[tilespmem:s21], [sflag:$0x1] =	stream.linear.gather [hbm4b:s19+s13], $0x580, $0x38;
	[tilespmem:$0x19700] =	vst v63  }
0x1c: {  	_ =	swait.ge [sflag:s6], $0x580  }
0x1d: {  	[sflag:s6] =	ssyncset.done $0x0  }
0x1e: {  	s25 =	rddreg [dreg:$0x5];
	[sflag:s6] =	ssyncadd.s32 $0xFFFFFA80  }
0x1f: {  	[tilespmem:s24], [sflag:$0x1] =	stream.strided.gather [hbm4b:s25+s22], $0x13800, s23, s22, $0x38;
	[tilespmem:$0x19700] =	vst v63  }
0x20: {  	_ =	swait.ge [sflag:s6], $0x13800  }
0x21: {  	[sflag:s6] =	ssyncset.done $0x0  }
0x22: {  	s2 =	simm.s32 $0x0;
	[sflag:s6] =	ssyncadd.s32 $0xFFFEC800  }
.LBB2_2:
0x23: {  	s4 =	sadd.s32 s11, s2  }
0x24: {  	s0 =	sadd.s32 $0x1, s4  }
0x25: {  	s1 =	sshrl.u32 s0, $0x3  }
0x26: {  	s1 =	smul.u32 $0x27000, s1  }
0x27: {  	s5 =	sshll.u32 s0, $0x7  }
0x28: {  	s5 =	sand.u32 $0x380, s5;
	s1 =	sadd.s32 s10, s1  }
0x29: {  	s1 =	sor.u32 s5, s1  }
0x2a: {  	s19 =	rddreg [dreg:$0x0];
	s0 =	sadd.s32 s12, s0;
	s1 =	sshrl.u32 s1, $0x3  }
0x2b: {  	v3 =	vmov s0;
	s5 =	simm.s32 $0x0;
	s1 =	sadd.s32 s19, s1  }
0x2c: {  	[tilespmem:s5], [sflag:$0x1] =	stream.strided.gather [hbm4b:s1+s22], $0x4E00, s23, s22, $0x38;
	[tilespmem:$0x19700] =	vst v63  }
0x2d: {  	_ =	swait.ge [sflag:s6], $0x4E00  }
0x2e: {  	[sflag:s6] =	ssyncset.done $0x0  }
0x2f: {  	[sflag:s6] =	ssyncadd.s32 $0xFFFFB200  }
0x30: {  	v2 =	vld.idx.msk [tilespmem:v3+s20+$0x0], $0xffff  }
0x31: {  	v4 =	vld [tilespmem:s5+$0x0];
	_ =	sdelay $0x4  }
0x32: {  	vm0 =	veq.f32 v4, v2  }
0x33: {  	v5 =	vsel vm0, $0x1, v1  }
0x34: {  	(xrf0) =	vadd.scan.msk.s32 $0xffff, v5;
	_ =	sdelay $0x2  }
0x35: {  	v3 =	vld.idx.msk [tilespmem:v3+s21+$0x0], $0xffff;
	_ =	sdelay $0x2  }
0x36: {  	s25 =	simm.s32 $0xFFFFFFFF;
	v5, _, _ =	vpop (xrf0)  }
0x37: {  	v6 =	vadd.s32 s25, v5;
	(v2sf) =	vpush v5, $0xF  }
0x38: {  	vm1 =	vlt.s32 v6, v3  }
0x39: {  	vm2 =	vgt.f32 v4, v2;
	vm0 =	vmand vm0, vm1  }
0x3a: {  	v6 =	vor.u32 s5, v0;
	vm0 =	vmor vm2, vm0  }
0x3b: {  	[tilespmem:s5+$0x18600] =	vst.msk vm0, v6;
	v6 =	vsel vm0, $0x1, v1  }
0x3c: {  	(xrf0) =	vadd.scan.msk.s32 $0xffff, v6;
	_ =	sdelay $0x2  }
0x3d: {  	s13 =	simm.s32 $0x10;
	[tilespmem:s5+$0x18700] =	vst.msk vm0, v4  }
0x3e: {  	s0 =	simm.s32 $0x20;
	s19 =	simm.s32 $0x0;
	s1 =	simm.s32 $0x10;
	v4 =	vld [tilespmem:s13+$0x0]  }
.LBB2_3:
0x3f: {  	p0 =	sne.s32 s0, $0x4DF0  }
0x40: {  	v5, _, _ =	vpop (xrf0)  }
0x41: {  	(v2sf) =	vpush v5, $0xF;
	_ =	sdelay $0x1  }
0x42: {  	vm0 =	vgt.f32 v4, v2;
	vm1 =	veq.f32 v4, v2  }
0x43: {  	v5 =	vsel vm1, $0x1, v1;
	s25 =	spop (v2sf)  }
0x44: {  	(xrf0) =	vadd.scan.msk.s32 $0xffff, v5;
	s5 =	sadd.s32 s5, s25;
	_ =	sdelay $0x5  }
0x45: {  	s25 =	sadd.s32 $0xFFFFFFFF, s5;
	v5, _, _ =	vpop (xrf0)  }
0x46: {  	v6 =	vadd.s32 s25, v5;
	(v2sf) =	vpush v5, $0xF  }
0x47: {  	vm2 =	vlt.s32 v6, v3  }
0x48: {  	vm1 =	vmand vm1, vm2  }
0x49: {  	vm0 =	vmor vm0, vm1  }
0x4a: {  	v5 =	vsel vm0, $0x1, v1;
	s25 =	spop (v2sf)  }
.Ltmp0:
0x4b: {  	v6 =	vor.u32 s13, v0;
	s13 =	smov.u32 s0;
	(xrf0) =	vadd.scan.msk.s32 $0xffff, v5;
	s19 =	sadd.s32 s19, s25;
	(pc) =	sbr.rel @p0 .LBB2_3-.Ltmp0, $4  }
0x4c: {  	[tilespmem:s19+$0x18600] =	vst.msk vm0, v6  }
0x4d: {  	[tilespmem:s19+$0x18700] =	vst.msk vm0, v4  }
0x4e: {  	s1 =	sadd.s32 $0x10, s1  }
0x4f: {  	s0 =	sadd.s32 $0x10, s0;
	v4 =	vld [tilespmem:s1+$0x0]  }
0x50: {  	_ = 	snop  }
0x51: {  	v5, _, _ =	vpop (xrf0)  }
0x52: {  	(v2sf) =	vpush v5, $0xF;
	_ =	sdelay $0x3  }
0x53: {  	vm0 =	veq.f32 v4, v2  }
0x54: {  	v5 =	vsel vm0, $0x1, v1  }
0x55: {  	(xrf0) =	vadd.scan.msk.s32 $0xffff, v5;
	_ =	sdelay $0x3  }
0x56: {  	s0 =	spop (v2sf)  }
0x57: {  	s0 =	sadd.s32 s5, s0  }
0x58: {  	s0 =	sadd.s32 $0xFFFFFFFF, s0;
	v5, _, _ =	vpop (xrf0)  }
0x59: {  	v6 =	vadd.s32 s0, v5  }
0x5a: {  	vm1 =	vlt.s32 v6, v3  }
0x5b: {  	vm2 =	vgt.f32 v4, v2;
	vm0 =	vmand vm0, vm1;
	s5 =	spop (v2sf)  }
0x5c: {  	v2 =	vor.u32 s13, v0;
	vm0 =	vmor vm2, vm0;
	s0 =	sadd.s32 s19, s5  }
0x5d: {  	[tilespmem:s0+$0x18600] =	vst.msk vm0, v2  }
0x5e: {  	s5 =	simm.s32 $0x0;
	[tilespmem:s0+$0x18700] =	vst.msk vm0, v4  }
0x5f: {  	v2 =	vld [tilespmem:s5+$0x18600];
	_ =	sdelay $0x1  }
0x60: {  	v3 =	vsel vm0, $0x1, v1  }
0x61: {  	(xrf0) =	vadd.scan.msk.s32 $0xffff, v3;
	_ =	sdelay $0x1  }
0x62: {  	vm15 =	vgt.s32 v2, $0x0  }
0x63: {  	v2 =	vnsel vm15, $0x0, v2  }
0x64: {  	v2 =	vmin.u32 v2, $0x4DFF  }
0x65: {  	v2 =	vshll.u32 v2, $0x2  }
0x66: {  	(v2sf) =	vpush v5, $0xF;
	v3, _, _ =	vpop (xrf0)  }
0x67: {  	(v2sf) =	vpush v3, $0xF;
	_ =	sdelay $0x2  }
0x68: {  	v3 =	vld.idx.msk [tilespmem:v2+s24+$0x0], $0xffff  }
0x69: {  	v4 =	vor.u32 $0x1, v2;
	_ =	sdelay $0x3  }
0x6a: {  	[tilespmem:s5+$0x18800] =	vst v3  }
0x6b: {  	v3 =	vld.idx.msk [tilespmem:v4+s24+$0x0], $0xffff  }
0x6c: {  	v4 =	vor.u32 $0x2, v2;
	_ =	sdelay $0x3  }
0x6d: {  	s19 =	spop (v2sf);
	[tilespmem:s5+$0x18900] =	vst v3  }
0x6e: {  	s13 =	simm.s32 $0x10;
	s0 =	simm.s32 $0x80;
	s25 =	spop (v2sf);
	v3 =	vld.idx.msk [tilespmem:v4+s24+$0x0], $0xffff  }
.LBB2_5:
0x6f: {  	p0 =	sne.s32 s0, $0x300;
	v4 =	vld [tilespmem:s13+$0x18600]  }
0x70: {  	v2 =	vor.u32 $0x3, v2;
	_ =	sdelay $0x3  }
0x71: {  	vm0 =	vgt.s32 v4, $0x0;
	[tilespmem:s5+$0x18A00] =	vst v3  }
0x72: {  	v3 =	vnsel vm0, $0x0, v4;
	v4 =	vld.idx.msk [tilespmem:v2+s24+$0x0], $0xffff  }
0x73: {  	v2 =	vmin.u32 v3, $0x4DFF  }
0x74: {  	v2 =	vshll.u32 v2, $0x2;
	_ =	sdelay $0x3  }
0x75: {  	[tilespmem:s5+$0x18B00] =	vst v4;
	s5 =	smov.u32 s13  }
0x76: {  	v3 =	vld.idx.msk [tilespmem:v2+s24+$0x0], $0xffff;
	_ =	sdelay $0x1  }
0x77: {  	v4 =	vor.u32 $0x1, v2;
	_ =	sdelay $0x3  }
0x78: {  	[tilespmem:s5+$0x18800] =	vst v3  }
0x79: {  	v3 =	vld.idx.msk [tilespmem:v4+s24+$0x0], $0xffff;
	_ =	sdelay $0x1  }
0x7a: {  	v4 =	vor.u32 $0x2, v2  }
.Ltmp1:
0x7b: {  	(pc) =	sbr.rel @p0 .LBB2_5-.Ltmp1, $3  }
0x7c: {  	_ =	sdelay $0x1  }
0x7d: {  	[tilespmem:s5+$0x18900] =	vst v3  }
0x7e: {  	s13 =	sshra.s32 s0, $0x2;
	s0 =	sadd.s32 $0x40, s0;
	v3 =	vld.idx.msk [tilespmem:v4+s24+$0x0], $0xffff  }
0x7f: {  	v4 =	vld [tilespmem:s13+$0x18600];
	_ =	sdelay $0x1  }
0x80: {  	v2 =	vor.u32 $0x3, v2;
	_ =	sdelay $0x2  }
0x81: {  	vm0 =	vgt.s32 v4, $0x0  }
0x82: {  	[tilespmem:s5+$0x18A00] =	vst v3;
	v3 =	vnsel vm0, $0x0, v4  }
0x83: {  	v2 =	vld.idx.msk [tilespmem:v2+s24+$0x0], $0xffff;
	v3 =	vmin.u32 v3, $0x4DFF  }
0x84: {  	v3 =	vshll.u32 v3, $0x2;
	_ =	sdelay $0x3  }
0x85: {  	[tilespmem:s5+$0x18B00] =	vst v2  }
0x86: {  	v2 =	vld.idx.msk [tilespmem:v3+s24+$0x0], $0xffff  }
0x87: {  	v62 =	vor.u32 $0x1, v3;
	_ =	sdelay $0x3  }
0x88: {  	[tilespmem:s13+$0x18800] =	vst v2  }
0x89: {  	v2 =	vld.idx.msk [tilespmem:v62+s24+$0x0], $0xffff  }
0x8a: {  	v63 =	vor.u32 $0x2, v3;
	_ =	sdelay $0x3  }
0x8b: {  	[tilespmem:s13+$0x18900] =	vst v2  }
0x8c: {  	v2 =	vld.idx.msk [tilespmem:v63+s24+$0x0], $0xffff  }
0x8d: {  	v3 =	vor.u32 $0x3, v3;
	_ =	sdelay $0x3  }
0x8e: {  	[tilespmem:s13+$0x18A00] =	vst v2  }
0x8f: {  	s0 =	sshll.u32 s4, $0x8;
	v2 =	vld.idx.msk [tilespmem:v3+s24+$0x0], $0xffff  }
0x90: {  	s1 =	sshll.u32 s2, $0x7;
	s0 =	sand.u32 $0x7800, s0  }
0x91: {  	s1 =	sand.u32 $0x380, s1;
	s0 =	sadd.s32 s14, s0  }
0x92: {  	s0 =	sor.u32 s1, s0  }
0x93: {  	s0 =	sshrl.u32 s0, $0x3  }
0x94: {  	s25 =	simm.s32 $0x18600;
	s19 =	sadd.s32 s7, s0;
	[tilespmem:s13+$0x18B00] =	vst v2  }
0x95: {  	[hbm4b:s19+s22] =	stream.strided.scatter [tilespmem:s25], [sflag:$0x1], $0x100, s23, s22, $0x38;
	[tilespmem:$0x19700] =	vst v63  }
0x96: {  	_ =	swait.ge [sflag:s6], $0x100  }
0x97: {  	[sflag:s6] =	ssyncset.done $0x0  }
0x98: {  	s0 =	sadd.s32 s8, s0;
	s5 =	sshll.u32 s4, $0xA;
	[sflag:s6] =	ssyncadd.s32 $0xFFFFFF00  }
0x99: {  	[hbm4b:s0+s22] =	stream.strided.scatter [tilespmem:s26], [sflag:$0x1], $0x100, s23, s22, $0x38;
	[tilespmem:$0x19700] =	vst v63  }
0x9a: {  	s0 =	sadd.s32 s15, s5;
	_ =	swait.ge [sflag:s6], $0x100  }
0x9b: {  	s0 =	sshrl.u32 s0, $0x3;
	[sflag:s6] =	ssyncset.done $0x0  }
0x9c: {  	s13 =	sadd.s32 s9, s0;
	[sflag:s6] =	ssyncadd.s32 $0xFFFFFF00  }
0x9d: {  	[hbm4b:s13+s22] =	stream.strided.scatter [tilespmem:s29], [sflag:$0x1], $0x100, s28, s22, $0x38;
	[tilespmem:$0x19700] =	vst v63  }
0x9e: {  	_ =	swait.ge [sflag:s6], $0x100  }
0x9f: {  	[sflag:s6] =	ssyncset.done $0x0  }
0xa0: {  	s19 =	sadd.s32 s0, s16;
	[sflag:s6] =	ssyncadd.s32 $0xFFFFFF00  }
0xa1: {  	[hbm4b:s19+s22] =	stream.strided.scatter [tilespmem:s30], [sflag:$0x1], $0x100, s28, s22, $0x38;
	[tilespmem:$0x19700] =	vst v63  }
0xa2: {  	_ =	swait.ge [sflag:s6], $0x100  }
0xa3: {  	[sflag:s6] =	ssyncset.done $0x0  }
0xa4: {  	s25 =	sadd.s32 s0, s17;
	[sflag:s6] =	ssyncadd.s32 $0xFFFFFF00  }
0xa5: {  	[hbm4b:s25+s22] =	stream.strided.scatter [tilespmem:s31], [sflag:$0x1], $0x100, s28, s22, $0x38;
	[tilespmem:$0x19700] =	vst v63  }
0xa6: {  	s2 =	sadd.s32 $0x1, s2;
	_ =	swait.ge [sflag:s6], $0x100  }
0xa7: {  	p0 =	sne.s32 s2, $0x28;
	[sflag:s6] =	ssyncset.done $0x0  }
.Ltmp2:
0xa8: {  	s0 =	sadd.s32 s0, s18;
	[sflag:s6] =	ssyncadd.s32 $0xFFFFFF00;
	(pc) =	sbr.rel @p0 .LBB2_2-.Ltmp2, $4  }
0xa9: {  	[hbm4b:s0+s22] =	stream.strided.scatter [tilespmem:s3], [sflag:$0x1], $0x100, s28, s22, $0x38;
	[tilespmem:$0x19700] =	vst v63  }
0xaa: {  	_ =	swait.ge [sflag:s6], $0x100  }
0xab: {  	[sflag:s6] =	ssyncset.done $0x0  }
0xac: {  	[sflag:s6] =	ssyncadd.s32 $0xFFFFFF00  }
0xad: {  	s1 =	rddreg [dreg:$0x7]  }
0xae: {  	s0 =	rddreg [dreg:$0x6];
	s1 =	sadd.s32 $0x1, s1  }
0xaf: {  	p0 =	sne.s32 s1, s0  }
.Ltmp3:
0xb0: {  	_ = 	snop;
	(pc) =	sbr.rel @p0 .LBB2_1-.Ltmp3, $1  }
0xb1: {  	_ =	sdelay $0x3  }
0xb2: {  	_ =	sfence.sel $0x180000  }
0xb3: {  	[bflag:$0x0] =	sbarrier.arrive $0xFFFF  }
0xb4: {  	_ =	strace $0x90000047  }
0xb5: {  	s0 =	stileid.u32;
	[bflag:$0x2] =	sbarrier.arrive $0xFFFF  }
0xb6: {  	p0 =	sne.s32 s0, $0x0;
	s0 =	rddreg [dreg:$0x4]  }
0xb7: {  	s0 =	sadd.s32 @!p0 $0x100000, s0  }
0xb8: {  	[sflag:s0] =	ssyncadd.tile.s32 @!p0 $0x1;
	_ =	shalt  }
.Lfunc_end2:
_tile_overlayer_lowered:
.L_overlay_start_2:
0xb9: {  	(tag) =	ssettag $0x2  }
0xba: {  	s0 =	rddreg [dreg:$0x0];
	s2 =	stileid.u32  }
0xbb: {  	s1 =	rddreg [dreg:$0x1];
	p0 =	sne.s32 s2, $0x0  }
0xbc: {  	s3 =	rddreg [dreg:$0x2];
	[bflag:$0x3] =	sbarrier.arrive $0xFFFF;
	s2 =	simm.s32 @!p0 $0x1C01  }
0xbd: {  	[timem:s3], [sflag:s2] =	dma.local @!p0 [hbm:s0], s1  }
0xbe: {  	s0 =	simm.s32 @!p0 $0x1  }
0xbf: {  	_ =	swait.ge @!p0 [sflag:s0], s1  }
0xc0: {  	s1 =	ssub.s32 @!p0 $0x0, s1;
	[sflag:s0] =	ssyncset.done @!p0 $0x0  }
0xc1: {  	[sflag:s0] =	ssyncadd.s32 @!p0 s1  }
0xc2: {  	[bflag:$0x3] =	sbarrier.arrive $0xFFFF  }
0xc3: {  	_ =	shalt  }

</sc_bundles>
